<compile_context>
chip_gen: v7x
topology: tpu7x:2x2x1
jax: 0.10.2.dev20260603
libtpu: 0.0.44.dev20260713+nightly
codegen_flags: <defaults>
</compile_context>

<pallas_src>
import jax
import jax.numpy as jnp
from jax import lax
from jax.experimental import pallas as pl
from jax.experimental.pallas import tpu as pltpu
from jax.experimental.pallas import tpu_sc as plsc

_VOCAB = 100000
_EMB = 32
_MAXW = 7
_B = 1024
_L = 200
_NCORES = 2
_NSUB = 16
_NW = _NCORES * _NSUB
_ROWS_PER_W = _B // _NW
_CHUNKS = ((0, 128), (128, 72))
_L3 = _L - 2
_L5 = _L - 4
_L7 = _L - 6
_VB = 6400


def _pack_body(kt_ref, wt_ref, a_ref, b_ref):
    t = jnp.transpose(kt_ref[...], (1, 0))
    w = jnp.transpose(wt_ref[...], (1, 0))
    a_ref[...] = t[:, :128]
    b_ref[...] = jnp.concatenate([t[:, 128:], w], axis=1)


def _sc_body(seq_hbm, a_hbm, b_hbm, o3_hbm, o5_hbm, o7_hbm,
             idx0, idx1, da0, da1, db0, db1, o3_v, o5_v, o7_v, gsem, ssem):
    cid = lax.axis_index("c")
    sid = lax.axis_index("s")
    wid = sid * _NCORES + cid
    bufs = ((idx0, da0, db0), (idx1, da1, db1))

    def gather_copies(p):
        idx_v, da, db = bufs[p]
        cps = []
        for off, n in _CHUNKS:
            sl = pl.ds(off, n)
            cps.append(pltpu.make_async_copy(
                a_hbm.at[idx_v.at[sl]], da.at[sl], gsem))
            cps.append(pltpu.make_async_copy(
                b_hbm.at[idx_v.at[sl]], db.at[sl], gsem))
        return cps

    def issue_g(ri, p):
        idx_v, da, db = bufs[p]
        b = wid * _ROWS_PER_W + ri
        pltpu.sync_copy(seq_hbm.at[b], idx_v)
        for cp in gather_copies(p):
            cp.start()

    def wait_g(p):
        for cp in gather_copies(p):
            cp.wait()

    def scatter_copies(ri):
        b = wid * _ROWS_PER_W + ri
        return [pltpu.make_async_copy(o3_v, o3_hbm.at[b], ssem),
                pltpu.make_async_copy(o5_v, o5_hbm.at[b], ssem),
                pltpu.make_async_copy(o7_v, o7_hbm.at[b], ssem)]

    def issue_s(ri):
        for cp in scatter_copies(ri):
            cp.start()

    def wait_s():
        for cp in scatter_copies(0):
            cp.wait()

    def compute(p):
        idx_v, da, db = bufs[p]

        def wrow(c, h):
            return db[c, pl.ds(96 + h * 16, 16)]

        def kv(c, d, h):
            off = (3 + d) * _EMB + h * 16
            if off < 128:
                return da[c, pl.ds(off, 16)]
            return db[c, pl.ds(off - 128, 16)]

        def _p(c, d, h):
            return wrow(c + d, h) * kv(c, d, h)

        init = tuple(wrow(c, h) for c in range(6) for h in range(2))

        @plsc.parallel_loop(3, _L - 3, carry=init, unroll=2)
        def c_body(c, win):
            new = (wrow(c + 3, 0), wrow(c + 3, 1))
            rows = tuple(win[2 * i:2 * i + 2] for i in range(6)) + (new,)
            for h in range(2):
                hs = pl.ds(h * 16, 16)
                pr = [rows[3 + d][h] * kv(c, d, h) for d in range(-3, 4)]
                m3 = jnp.maximum(jnp.maximum(pr[2], pr[3]), pr[4])
                m5 = jnp.maximum(m3, jnp.maximum(pr[1], pr[5]))
                m7 = jnp.maximum(m5, jnp.maximum(pr[0], pr[6]))
                o3_v[c - 1, hs] = m3
                o5_v[c - 2, hs] = m5
                o7_v[c - 3, hs] = m7
            return win[2:] + new

        for c in (1, 2, _L - 3, _L - 2):
            for h in range(2):
                hs = pl.ds(h * 16, 16)
                p0 = _p(c, 0, h)
                m3 = jnp.maximum(jnp.maximum(_p(c, -1, h), p0), _p(c, 1, h))
                o3_v[c - 1, hs] = m3
                if 2 <= c <= _L - 3:
                    m5 = jnp.maximum(
                        m3, jnp.maximum(_p(c, -2, h), _p(c, 2, h)))
                    o5_v[c - 2, hs] = m5

    issue_g(0, 0)
    wait_g(0)
    issue_g(1, 1)
    compute(0)
    issue_s(0)

    def pair_body(i, carry):
        ri = 1 + 2 * i
        for step in range(2):
            p = (1 + step) % 2
            wait_g(p)
            issue_g(ri + step + 1, 1 - p)
            wait_s()
            compute(p)
            issue_s(ri + step)
        return carry

    lax.fori_loop(0, (_ROWS_PER_W - 2) // 2, pair_body, None)

    wait_g(1)
    wait_s()
    compute(1)
    issue_s(_ROWS_PER_W - 1)
    wait_s()


@jax.jit
def _impl(seq, W, K):
    seq2 = seq.astype(jnp.int32)
    kt = jnp.transpose(K, (1, 2, 0)).reshape(_MAXW * _EMB, _VOCAB)
    wt = jnp.transpose(W, (1, 0))
    grid = (_VOCAB + _VB - 1) // _VB
    table_a, table_b = pl.pallas_call(
        _pack_body,
        grid=(grid,),
        in_specs=[
            pl.BlockSpec((_MAXW * _EMB, _VB), lambda i: (0, i)),
            pl.BlockSpec((_EMB, _VB), lambda i: (0, i)),
        ],
        out_specs=[
            pl.BlockSpec((_VB, 128), lambda i: (i, 0)),
            pl.BlockSpec((_VB, 128), lambda i: (i, 0)),
        ],
        out_shape=[
            jax.ShapeDtypeStruct((_VOCAB, 128), jnp.float32),
            jax.ShapeDtypeStruct((_VOCAB, 128), jnp.float32),
        ],
    )(kt, wt)

    mesh = plsc.VectorSubcoreMesh(core_axis_name="c", subcore_axis_name="s")
    run = pl.kernel(
        _sc_body,
        mesh=mesh,
        compiler_params=pltpu.CompilerParams(use_tc_tiling_on_sc=False),
        out_type=(
            jax.ShapeDtypeStruct((_B, _L3, _EMB), jnp.float32),
            jax.ShapeDtypeStruct((_B, _L5, _EMB), jnp.float32),
            jax.ShapeDtypeStruct((_B, _L7, _EMB), jnp.float32),
        ),
        scratch_types=[
            pltpu.VMEM((_L,), jnp.int32),
            pltpu.VMEM((_L,), jnp.int32),
            pltpu.VMEM((_L, 128), jnp.float32),
            pltpu.VMEM((_L, 128), jnp.float32),
            pltpu.VMEM((_L, 128), jnp.float32),
            pltpu.VMEM((_L, 128), jnp.float32),
            pltpu.VMEM((_L3, _EMB), jnp.float32),
            pltpu.VMEM((_L5, _EMB), jnp.float32),
            pltpu.VMEM((_L7, _EMB), jnp.float32),
            pltpu.SemaphoreType.DMA,
            pltpu.SemaphoreType.DMA,
        ],
    )
    return run(seq2, table_a, table_b)


def kernel(seq, W, K):
    return _impl(seq, W, K)

# --- scband reference (transcript-rebuilt; emitter-appended) ---
"""Pipeline reference for scband-multi-region-embedding-layer-51024211476773 (READ-ONLY COPY).

The authoritative reference and input builder live on the scoring server;
editing this copy changes nothing except your own understanding.
"""

import jax, jax.numpy as jnp
import numpy as np

VOCAB = 100000
EMB = 32
WIN_SIZES = [3, 5, 7]
B = 1024
L = 200


def setup_inputs(seed: int = 0) -> dict:
    key = jax.random.key(seed)
    k_seq, k_w, k_k = jax.random.split(key, 3)
    seq = jax.random.randint(k_seq, (B, L), 0, VOCAB, dtype=jnp.int64 if jax.config.read('jax_enable_x64') else jnp.int32)
    # word embedding table (from EmbeddingLayer base class)
    W = jax.random.normal(k_w, (VOCAB, EMB), dtype=jnp.float32) * 0.05
    # context-unit kernel for the largest window; smaller windows are center slices of it
    K = jax.random.normal(k_k, (VOCAB, WIN_SIZES[-1], EMB), dtype=jnp.float32) * 0.05
    return {"seq": seq, "W": W, "K": K}


def reference(seq, W, K):
    max_w = WIN_SIZES[-1]
    outs = []
    Lseq = seq.shape[1]
    for w in WIN_SIZES:
        r = w // 2
        # slice of the shared kernel corresponding to this window size
        st = max_w // 2 - w // 2
        Kw = K[:, st:st + w, :]                       # [vocab, w, E]
        Lp = Lseq - 2 * r                             # trimmed length
        # WindowAlignmentLayer: gather the w-token window around each center position
        win_idx = jnp.arange(Lp)[:, None] + jnp.arange(w)[None, :]   # [L', w]
        win_aligned_seq = seq[:, win_idx]             # [B, L', w]
        win_aligned_emb = jnp.take(W, win_aligned_seq, axis=0)       # [B, L', w, E]
        trimed_seq = seq[:, r:Lseq - r]               # [B, L']
        context_unit = jnp.take(Kw, trimed_seq, axis=0)              # [B, L', w, E]
        projected_emb = win_aligned_emb * context_unit
        region_emb = jnp.max(projected_emb, axis=2)   # win_merge_fn = max over axis=2
        outs.append(region_emb)
    return tuple(outs)

if __name__ == "__main__":
    import jax
    _d = setup_inputs()
    print(jax.jit(kernel)(*tuple(_d.values())))

</pallas_src>

<mosaic_0001>
#map = affine_map<(d0, d1) -> (0, 0)>
#map1 = affine_map<(d0, d1) -> (0, 0, 0)>
module attributes {stable_mosaic.version = 14 : i64} {
  func.func @_sc_body(%arg0: i32, %arg1: i32, %arg2: memref<1024x200xi32, #tpu.memory_space<hbm>>, %arg3: memref<100000x128xf32, #tpu.memory_space<hbm>>, %arg4: memref<100000x128xf32, #tpu.memory_space<hbm>>, %arg5: memref<1024x198x32xf32, #tpu.memory_space<hbm>>, %arg6: memref<1024x196x32xf32, #tpu.memory_space<hbm>>, %arg7: memref<1024x194x32xf32, #tpu.memory_space<hbm>>, %arg8: memref<200xi32, #tpu.memory_space<vmem>>, %arg9: memref<200xi32, #tpu.memory_space<vmem>>, %arg10: memref<200x128xf32, #tpu.memory_space<vmem>>, %arg11: memref<200x128xf32, #tpu.memory_space<vmem>>, %arg12: memref<200x128xf32, #tpu.memory_space<vmem>>, %arg13: memref<200x128xf32, #tpu.memory_space<vmem>>, %arg14: memref<198x32xf32, #tpu.memory_space<vmem>>, %arg15: memref<196x32xf32, #tpu.memory_space<vmem>>, %arg16: memref<194x32xf32, #tpu.memory_space<vmem>>, %arg17: memref<!tpu.dma_semaphore, #tpu.memory_space<semaphore_mem>>, %arg18: memref<!tpu.dma_semaphore, #tpu.memory_space<semaphore_mem>>) attributes {dimension_semantics = [#tpu.dimension_semantics<core_parallel>, #tpu.dimension_semantics<subcore_parallel>], iteration_bounds = array<i64: 2, 16>, scalar_prefetch = 0 : i64, scratch_operands = 11 : i64, tpu.core_type = #tpu.core_type<sc_vector_subcore>, window_params = [{transform_indices = #map}, {transform_indices = #map}, {transform_indices = #map}, {transform_indices = #map1}, {transform_indices = #map1}, {transform_indices = #map1}]} {
    %mul3A = arith.constant 2 : i32
    %mul3A_0 = arith.muli %arg1, %mul3A : i32
    %add3A = arith.addi %mul3A_0, %arg0 : i32
    %mul3A_1 = arith.constant 32 : i32
    %mul3A_2 = arith.muli %add3A, %mul3A_1 : i32
    %add3A_3 = arith.constant 0 : i32
    %add3A_4 = arith.addi %mul3A_2, %add3A_3 : i32
    "tpu.region"() ({
      %run_scoped3A = tpu.sem_alloc : memref<!tpu.dma_semaphore, #tpu.memory_space<semaphore_mem>>
      %dma_start3A_1271 = arith.constant 0 : i32
      %dma_start3A_1272 = tpu.memref_slice %arg2[%add3A_4, %dma_start3A_1271] : memref<1024x200xi32, #tpu.memory_space<hbm>> -> memref<1x200xi32, #tpu.memory_space<hbm>>
      %dma_start3A_1273 = tpu.memref_squeeze %dma_start3A_1272 : memref<1x200xi32, #tpu.memory_space<hbm>> -> memref<200xi32, #tpu.memory_space<hbm>>
      %dma_start3A_1274 = arith.constant 0 : i32
      %dma_start3A_1275 = tpu.memref_slice %arg2[%add3A_4, %dma_start3A_1274] : memref<1024x200xi32, #tpu.memory_space<hbm>> -> memref<1x200xi32, #tpu.memory_space<hbm>>
      %dma_start3A_1276 = tpu.memref_squeeze %dma_start3A_1275 : memref<1x200xi32, #tpu.memory_space<hbm>> -> memref<200xi32, #tpu.memory_space<hbm>>
      tpu.enqueue_dma source(%dma_start3A_1276 : memref<200xi32, #tpu.memory_space<hbm>>) target(%arg8 : memref<200xi32, #tpu.memory_space<vmem>>) target_semaphore(%run_scoped3A : memref<!tpu.dma_semaphore, #tpu.memory_space<semaphore_mem>>)
      %dma_wait3A_1277 = arith.constant 0 : i32
      %dma_wait3A_1278 = tpu.memref_slice %arg2[%add3A_4, %dma_wait3A_1277] : memref<1024x200xi32, #tpu.memory_space<hbm>> -> memref<1x200xi32, #tpu.memory_space<hbm>>
      %dma_wait3A_1279 = tpu.memref_squeeze %dma_wait3A_1278 : memref<1x200xi32, #tpu.memory_space<hbm>> -> memref<200xi32, #tpu.memory_space<hbm>>
      %dma_wait3A_1280 = arith.constant 0 : i32
      %dma_wait3A_1281 = tpu.memref_slice %arg2[%add3A_4, %dma_wait3A_1280] : memref<1024x200xi32, #tpu.memory_space<hbm>> -> memref<1x200xi32, #tpu.memory_space<hbm>>
      %dma_wait3A_1282 = tpu.memref_squeeze %dma_wait3A_1281 : memref<1x200xi32, #tpu.memory_space<hbm>> -> memref<200xi32, #tpu.memory_space<hbm>>
      tpu.wait_dma2 semaphore(%run_scoped3A : memref<!tpu.dma_semaphore, #tpu.memory_space<semaphore_mem>>) src(%dma_wait3A_1282 : memref<200xi32, #tpu.memory_space<hbm>>) dst(%arg8 : memref<200xi32, #tpu.memory_space<vmem>>)
      tpu.yield
    }) : () -> ()
    %dma_start3A = arith.constant 0 : i32
    %dma_start3A_5 = arith.constant 0 : i32
    %dma_start3A_6 = tpu.memref_slice %arg10[%dma_start3A, %dma_start3A_5] : memref<200x128xf32, #tpu.memory_space<vmem>> -> memref<128x128xf32, #tpu.memory_space<vmem>>
    %dma_start3A_7 = arith.constant 0 : i32
    %dma_start3A_8 = tpu.memref_slice %arg8[%dma_start3A_7] : memref<200xi32, #tpu.memory_space<vmem>> -> memref<128xi32, #tpu.memory_space<vmem>>
    %dma_start3A_9 = arith.constant 0 : i32
    %dma_start3A_10 = arith.constant 0 : i32
    %dma_start3A_11 = tpu.memref_slice %arg3[%dma_start3A_9, %dma_start3A_10] : memref<100000x128xf32, #tpu.memory_space<hbm>> -> memref<100000x128xf32, #tpu.memory_space<hbm>>
    tpu.enqueue_indirect_dma source(%dma_start3A_11 : memref<100000x128xf32, #tpu.memory_space<hbm>>) target(%dma_start3A_6 : memref<128x128xf32, #tpu.memory_space<vmem>>) offsets(%dma_start3A_8 : memref<128xi32, #tpu.memory_space<vmem>>) semaphore(%arg17 : memref<!tpu.dma_semaphore, #tpu.memory_space<semaphore_mem>>)
    %dma_start3A_12 = arith.constant 0 : i32
    %dma_start3A_13 = arith.constant 0 : i32
    %dma_start3A_14 = tpu.memref_slice %arg12[%dma_start3A_12, %dma_start3A_13] : memref<200x128xf32, #tpu.memory_space<vmem>> -> memref<128x128xf32, #tpu.memory_space<vmem>>
    %dma_start3A_15 = arith.constant 0 : i32
    %dma_start3A_16 = tpu.memref_slice %arg8[%dma_start3A_15] : memref<200xi32, #tpu.memory_space<vmem>> -> memref<128xi32, #tpu.memory_space<vmem>>
    %dma_start3A_17 = arith.constant 0 : i32
    %dma_start3A_18 = arith.constant 0 : i32
    %dma_start3A_19 = tpu.memref_slice %arg4[%dma_start3A_17, %dma_start3A_18] : memref<100000x128xf32, #tpu.memory_space<hbm>> -> memref<100000x128xf32, #tpu.memory_space<hbm>>
    tpu.enqueue_indirect_dma source(%dma_start3A_19 : memref<100000x128xf32, #tpu.memory_space<hbm>>) target(%dma_start3A_14 : memref<128x128xf32, #tpu.memory_space<vmem>>) offsets(%dma_start3A_16 : memref<128xi32, #tpu.memory_space<vmem>>) semaphore(%arg17 : memref<!tpu.dma_semaphore, #tpu.memory_space<semaphore_mem>>)
    %dma_start3A_20 = arith.constant 128 : i32
    %dma_start3A_21 = arith.constant 0 : i32
    %dma_start3A_22 = tpu.memref_slice %arg10[%dma_start3A_20, %dma_start3A_21] : memref<200x128xf32, #tpu.memory_space<vmem>> -> memref<72x128xf32, #tpu.memory_space<vmem>>
    %dma_start3A_23 = arith.constant 128 : i32
    %dma_start3A_24 = tpu.memref_slice %arg8[%dma_start3A_23] : memref<200xi32, #tpu.memory_space<vmem>> -> memref<72xi32, #tpu.memory_space<vmem>>
    %dma_start3A_25 = arith.constant 0 : i32
    %dma_start3A_26 = arith.constant 0 : i32
    %dma_start3A_27 = tpu.memref_slice %arg3[%dma_start3A_25, %dma_start3A_26] : memref<100000x128xf32, #tpu.memory_space<hbm>> -> memref<100000x128xf32, #tpu.memory_space<hbm>>
    tpu.enqueue_indirect_dma source(%dma_start3A_27 : memref<100000x128xf32, #tpu.memory_space<hbm>>) target(%dma_start3A_22 : memref<72x128xf32, #tpu.memory_space<vmem>>) offsets(%dma_start3A_24 : memref<72xi32, #tpu.memory_space<vmem>>) semaphore(%arg17 : memref<!tpu.dma_semaphore, #tpu.memory_space<semaphore_mem>>)
    %dma_start3A_28 = arith.constant 128 : i32
    %dma_start3A_29 = arith.constant 0 : i32
    %dma_start3A_30 = tpu.memref_slice %arg12[%dma_start3A_28, %dma_start3A_29] : memref<200x128xf32, #tpu.memory_space<vmem>> -> memref<72x128xf32, #tpu.memory_space<vmem>>
    %dma_start3A_31 = arith.constant 128 : i32
    %dma_start3A_32 = tpu.memref_slice %arg8[%dma_start3A_31] : memref<200xi32, #tpu.memory_space<vmem>> -> memref<72xi32, #tpu.memory_space<vmem>>
    %dma_start3A_33 = arith.constant 0 : i32
    %dma_start3A_34 = arith.constant 0 : i32
    %dma_start3A_35 = tpu.memref_slice %arg4[%dma_start3A_33, %dma_start3A_34] : memref<100000x128xf32, #tpu.memory_space<hbm>> -> memref<100000x128xf32, #tpu.memory_space<hbm>>
    tpu.enqueue_indirect_dma source(%dma_start3A_35 : memref<100000x128xf32, #tpu.memory_space<hbm>>) target(%dma_start3A_30 : memref<72x128xf32, #tpu.memory_space<vmem>>) offsets(%dma_start3A_32 : memref<72xi32, #tpu.memory_space<vmem>>) semaphore(%arg17 : memref<!tpu.dma_semaphore, #tpu.memory_space<semaphore_mem>>)
    %dma_wait3A = arith.constant 0 : i32
    %dma_wait3A_36 = arith.constant 0 : i32
    %dma_wait3A_37 = tpu.memref_slice %arg10[%dma_wait3A, %dma_wait3A_36] : memref<200x128xf32, #tpu.memory_space<vmem>> -> memref<128x128xf32, #tpu.memory_space<vmem>>
    %dma_wait3A_38 = arith.constant 0 : i32
    %dma_wait3A_39 = tpu.memref_slice %arg8[%dma_wait3A_38] : memref<200xi32, #tpu.memory_space<vmem>> -> memref<128xi32, #tpu.memory_space<vmem>>
    %dma_wait3A_40 = arith.constant 0 : i32
    %dma_wait3A_41 = arith.constant 0 : i32
    %dma_wait3A_42 = tpu.memref_slice %arg3[%dma_wait3A_40, %dma_wait3A_41] : memref<100000x128xf32, #tpu.memory_space<hbm>> -> memref<100000x128xf32, #tpu.memory_space<hbm>>
    tpu.wait_indirect_dma semaphore(%arg17 : memref<!tpu.dma_semaphore, #tpu.memory_space<semaphore_mem>>) src(%dma_wait3A_42 : memref<100000x128xf32, #tpu.memory_space<hbm>>) dst(%dma_wait3A_37 : memref<128x128xf32, #tpu.memory_space<vmem>>)
    %dma_wait3A_43 = arith.constant 0 : i32
    %dma_wait3A_44 = arith.constant 0 : i32
    %dma_wait3A_45 = tpu.memref_slice %arg12[%dma_wait3A_43, %dma_wait3A_44] : memref<200x128xf32, #tpu.memory_space<vmem>> -> memref<128x128xf32, #tpu.memory_space<vmem>>
    %dma_wait3A_46 = arith.constant 0 : i32
    %dma_wait3A_47 = tpu.memref_slice %arg8[%dma_wait3A_46] : memref<200xi32, #tpu.memory_space<vmem>> -> memref<128xi32, #tpu.memory_space<vmem>>
    %dma_wait3A_48 = arith.constant 0 : i32
    %dma_wait3A_49 = arith.constant 0 : i32
    %dma_wait3A_50 = tpu.memref_slice %arg4[%dma_wait3A_48, %dma_wait3A_49] : memref<100000x128xf32, #tpu.memory_space<hbm>> -> memref<100000x128xf32, #tpu.memory_space<hbm>>
    tpu.wait_indirect_dma semaphore(%arg17 : memref<!tpu.dma_semaphore, #tpu.memory_space<semaphore_mem>>) src(%dma_wait3A_50 : memref<100000x128xf32, #tpu.memory_space<hbm>>) dst(%dma_wait3A_45 : memref<128x128xf32, #tpu.memory_space<vmem>>)
    %dma_wait3A_51 = arith.constant 128 : i32
    %dma_wait3A_52 = arith.constant 0 : i32
    %dma_wait3A_53 = tpu.memref_slice %arg10[%dma_wait3A_51, %dma_wait3A_52] : memref<200x128xf32, #tpu.memory_space<vmem>> -> memref<72x128xf32, #tpu.memory_space<vmem>>
    %dma_wait3A_54 = arith.constant 128 : i32
    %dma_wait3A_55 = tpu.memref_slice %arg8[%dma_wait3A_54] : memref<200xi32, #tpu.memory_space<vmem>> -> memref<72xi32, #tpu.memory_space<vmem>>
    %dma_wait3A_56 = arith.constant 0 : i32
    %dma_wait3A_57 = arith.constant 0 : i32
    %dma_wait3A_58 = tpu.memref_slice %arg3[%dma_wait3A_56, %dma_wait3A_57] : memref<100000x128xf32, #tpu.memory_space<hbm>> -> memref<100000x128xf32, #tpu.memory_space<hbm>>
    tpu.wait_indirect_dma semaphore(%arg17 : memref<!tpu.dma_semaphore, #tpu.memory_space<semaphore_mem>>) src(%dma_wait3A_58 : memref<100000x128xf32, #tpu.memory_space<hbm>>) dst(%dma_wait3A_53 : memref<72x128xf32, #tpu.memory_space<vmem>>)
    %dma_wait3A_59 = arith.constant 128 : i32
    %dma_wait3A_60 = arith.constant 0 : i32
    %dma_wait3A_61 = tpu.memref_slice %arg12[%dma_wait3A_59, %dma_wait3A_60] : memref<200x128xf32, #tpu.memory_space<vmem>> -> memref<72x128xf32, #tpu.memory_space<vmem>>
    %dma_wait3A_62 = arith.constant 128 : i32
    %dma_wait3A_63 = tpu.memref_slice %arg8[%dma_wait3A_62] : memref<200xi32, #tpu.memory_space<vmem>> -> memref<72xi32, #tpu.memory_space<vmem>>
    %dma_wait3A_64 = arith.constant 0 : i32
    %dma_wait3A_65 = arith.constant 0 : i32
    %dma_wait3A_66 = tpu.memref_slice %arg4[%dma_wait3A_64, %dma_wait3A_65] : memref<100000x128xf32, #tpu.memory_space<hbm>> -> memref<100000x128xf32, #tpu.memory_space<hbm>>
    tpu.wait_indirect_dma semaphore(%arg17 : memref<!tpu.dma_semaphore, #tpu.memory_space<semaphore_mem>>) src(%dma_wait3A_66 : memref<100000x128xf32, #tpu.memory_space<hbm>>) dst(%dma_wait3A_61 : memref<72x128xf32, #tpu.memory_space<vmem>>)
    %mul3A_67 = arith.constant 32 : i32
    %mul3A_68 = arith.muli %add3A, %mul3A_67 : i32
    %add3A_69 = arith.constant 1 : i32
    %add3A_70 = arith.addi %mul3A_68, %add3A_69 : i32
    "tpu.region"() ({
      %run_scoped3A = tpu.sem_alloc : memref<!tpu.dma_semaphore, #tpu.memory_space<semaphore_mem>>
      %dma_start3A_1271 = arith.constant 0 : i32
      %dma_start3A_1272 = tpu.memref_slice %arg2[%add3A_70, %dma_start3A_1271] : memref<1024x200xi32, #tpu.memory_space<hbm>> -> memref<1x200xi32, #tpu.memory_space<hbm>>
      %dma_start3A_1273 = tpu.memref_squeeze %dma_start3A_1272 : memref<1x200xi32, #tpu.memory_space<hbm>> -> memref<200xi32, #tpu.memory_space<hbm>>
      %dma_start3A_1274 = arith.constant 0 : i32
      %dma_start3A_1275 = tpu.memref_slice %arg2[%add3A_70, %dma_start3A_1274] : memref<1024x200xi32, #tpu.memory_space<hbm>> -> memref<1x200xi32, #tpu.memory_space<hbm>>
      %dma_start3A_1276 = tpu.memref_squeeze %dma_start3A_1275 : memref<1x200xi32, #tpu.memory_space<hbm>> -> memref<200xi32, #tpu.memory_space<hbm>>
      tpu.enqueue_dma source(%dma_start3A_1276 : memref<200xi32, #tpu.memory_space<hbm>>) target(%arg9 : memref<200xi32, #tpu.memory_space<vmem>>) target_semaphore(%run_scoped3A : memref<!tpu.dma_semaphore, #tpu.memory_space<semaphore_mem>>)
      %dma_wait3A_1277 = arith.constant 0 : i32
      %dma_wait3A_1278 = tpu.memref_slice %arg2[%add3A_70, %dma_wait3A_1277] : memref<1024x200xi32, #tpu.memory_space<hbm>> -> memref<1x200xi32, #tpu.memory_space<hbm>>
      %dma_wait3A_1279 = tpu.memref_squeeze %dma_wait3A_1278 : memref<1x200xi32, #tpu.memory_space<hbm>> -> memref<200xi32, #tpu.memory_space<hbm>>
      %dma_wait3A_1280 = arith.constant 0 : i32
      %dma_wait3A_1281 = tpu.memref_slice %arg2[%add3A_70, %dma_wait3A_1280] : memref<1024x200xi32, #tpu.memory_space<hbm>> -> memref<1x200xi32, #tpu.memory_space<hbm>>
      %dma_wait3A_1282 = tpu.memref_squeeze %dma_wait3A_1281 : memref<1x200xi32, #tpu.memory_space<hbm>> -> memref<200xi32, #tpu.memory_space<hbm>>
      tpu.wait_dma2 semaphore(%run_scoped3A : memref<!tpu.dma_semaphore, #tpu.memory_space<semaphore_mem>>) src(%dma_wait3A_1282 : memref<200xi32, #tpu.memory_space<hbm>>) dst(%arg9 : memref<200xi32, #tpu.memory_space<vmem>>)
      tpu.yield
    }) : () -> ()
    %dma_start3A_71 = arith.constant 0 : i32
    %dma_start3A_72 = arith.constant 0 : i32
    %dma_start3A_73 = tpu.memref_slice %arg11[%dma_start3A_71, %dma_start3A_72] : memref<200x128xf32, #tpu.memory_space<vmem>> -> memref<128x128xf32, #tpu.memory_space<vmem>>
    %dma_start3A_74 = arith.constant 0 : i32
    %dma_start3A_75 = tpu.memref_slice %arg9[%dma_start3A_74] : memref<200xi32, #tpu.memory_space<vmem>> -> memref<128xi32, #tpu.memory_space<vmem>>
    %dma_start3A_76 = arith.constant 0 : i32
    %dma_start3A_77 = arith.constant 0 : i32
    %dma_start3A_78 = tpu.memref_slice %arg3[%dma_start3A_76, %dma_start3A_77] : memref<100000x128xf32, #tpu.memory_space<hbm>> -> memref<100000x128xf32, #tpu.memory_space<hbm>>
    tpu.enqueue_indirect_dma source(%dma_start3A_78 : memref<100000x128xf32, #tpu.memory_space<hbm>>) target(%dma_start3A_73 : memref<128x128xf32, #tpu.memory_space<vmem>>) offsets(%dma_start3A_75 : memref<128xi32, #tpu.memory_space<vmem>>) semaphore(%arg17 : memref<!tpu.dma_semaphore, #tpu.memory_space<semaphore_mem>>)
    %dma_start3A_79 = arith.constant 0 : i32
    %dma_start3A_80 = arith.constant 0 : i32
    %dma_start3A_81 = tpu.memref_slice %arg13[%dma_start3A_79, %dma_start3A_80] : memref<200x128xf32, #tpu.memory_space<vmem>> -> memref<128x128xf32, #tpu.memory_space<vmem>>
    %dma_start3A_82 = arith.constant 0 : i32
    %dma_start3A_83 = tpu.memref_slice %arg9[%dma_start3A_82] : memref<200xi32, #tpu.memory_space<vmem>> -> memref<128xi32, #tpu.memory_space<vmem>>
    %dma_start3A_84 = arith.constant 0 : i32
    %dma_start3A_85 = arith.constant 0 : i32
    %dma_start3A_86 = tpu.memref_slice %arg4[%dma_start3A_84, %dma_start3A_85] : memref<100000x128xf32, #tpu.memory_space<hbm>> -> memref<100000x128xf32, #tpu.memory_space<hbm>>
    tpu.enqueue_indirect_dma source(%dma_start3A_86 : memref<100000x128xf32, #tpu.memory_space<hbm>>) target(%dma_start3A_81 : memref<128x128xf32, #tpu.memory_space<vmem>>) offsets(%dma_start3A_83 : memref<128xi32, #tpu.memory_space<vmem>>) semaphore(%arg17 : memref<!tpu.dma_semaphore, #tpu.memory_space<semaphore_mem>>)
    %dma_start3A_87 = arith.constant 128 : i32
    %dma_start3A_88 = arith.constant 0 : i32
    %dma_start3A_89 = tpu.memref_slice %arg11[%dma_start3A_87, %dma_start3A_88] : memref<200x128xf32, #tpu.memory_space<vmem>> -> memref<72x128xf32, #tpu.memory_space<vmem>>
    %dma_start3A_90 = arith.constant 128 : i32
    %dma_start3A_91 = tpu.memref_slice %arg9[%dma_start3A_90] : memref<200xi32, #tpu.memory_space<vmem>> -> memref<72xi32, #tpu.memory_space<vmem>>
    %dma_start3A_92 = arith.constant 0 : i32
    %dma_start3A_93 = arith.constant 0 : i32
    %dma_start3A_94 = tpu.memref_slice %arg3[%dma_start3A_92, %dma_start3A_93] : memref<100000x128xf32, #tpu.memory_space<hbm>> -> memref<100000x128xf32, #tpu.memory_space<hbm>>
    tpu.enqueue_indirect_dma source(%dma_start3A_94 : memref<100000x128xf32, #tpu.memory_space<hbm>>) target(%dma_start3A_89 : memref<72x128xf32, #tpu.memory_space<vmem>>) offsets(%dma_start3A_91 : memref<72xi32, #tpu.memory_space<vmem>>) semaphore(%arg17 : memref<!tpu.dma_semaphore, #tpu.memory_space<semaphore_mem>>)
    %dma_start3A_95 = arith.constant 128 : i32
    %dma_start3A_96 = arith.constant 0 : i32
    %dma_start3A_97 = tpu.memref_slice %arg13[%dma_start3A_95, %dma_start3A_96] : memref<200x128xf32, #tpu.memory_space<vmem>> -> memref<72x128xf32, #tpu.memory_space<vmem>>
    %dma_start3A_98 = arith.constant 128 : i32
    %dma_start3A_99 = tpu.memref_slice %arg9[%dma_start3A_98] : memref<200xi32, #tpu.memory_space<vmem>> -> memref<72xi32, #tpu.memory_space<vmem>>
    %dma_start3A_100 = arith.constant 0 : i32
    %dma_start3A_101 = arith.constant 0 : i32
    %dma_start3A_102 = tpu.memref_slice %arg4[%dma_start3A_100, %dma_start3A_101] : memref<100000x128xf32, #tpu.memory_space<hbm>> -> memref<100000x128xf32, #tpu.memory_space<hbm>>
    tpu.enqueue_indirect_dma source(%dma_start3A_102 : memref<100000x128xf32, #tpu.memory_space<hbm>>) target(%dma_start3A_97 : memref<72x128xf32, #tpu.memory_space<vmem>>) offsets(%dma_start3A_99 : memref<72xi32, #tpu.memory_space<vmem>>) semaphore(%arg17 : memref<!tpu.dma_semaphore, #tpu.memory_space<semaphore_mem>>)
    %get3A = arith.constant 0 : i32
    %get3A_103 = arith.index_cast %get3A : i32 to index
    %get3A_104 = arith.constant 96 : index
    %get3A_105 = tpu.vector_load %arg12[%get3A_103, %get3A_104] {strides = array<i32>} : memref<200x128xf32, #tpu.memory_space<vmem>>, vector<1x16xf32>,
    %get3A_106 = vector.shape_cast %get3A_105 : vector<1x16xf32> to vector<16xf32>
    %get3A_107 = arith.constant 0 : i32
    %get3A_108 = arith.index_cast %get3A_107 : i32 to index
    %get3A_109 = arith.constant 112 : index
    %get3A_110 = tpu.vector_load %arg12[%get3A_108, %get3A_109] {strides = array<i32>} : memref<200x128xf32, #tpu.memory_space<vmem>>, vector<1x16xf32>,
    %get3A_111 = vector.shape_cast %get3A_110 : vector<1x16xf32> to vector<16xf32>
    %get3A_112 = arith.constant 1 : i32
    %get3A_113 = arith.index_cast %get3A_112 : i32 to index
    %get3A_114 = arith.constant 96 : index
    %get3A_115 = tpu.vector_load %arg12[%get3A_113, %get3A_114] {strides = array<i32>} : memref<200x128xf32, #tpu.memory_space<vmem>>, vector<1x16xf32>,
    %get3A_116 = vector.shape_cast %get3A_115 : vector<1x16xf32> to vector<16xf32>
    %get3A_117 = arith.constant 1 : i32
    %get3A_118 = arith.index_cast %get3A_117 : i32 to index
    %get3A_119 = arith.constant 112 : index
    %get3A_120 = tpu.vector_load %arg12[%get3A_118, %get3A_119] {strides = array<i32>} : memref<200x128xf32, #tpu.memory_space<vmem>>, vector<1x16xf32>,
    %get3A_121 = vector.shape_cast %get3A_120 : vector<1x16xf32> to vector<16xf32>
    %get3A_122 = arith.constant 2 : i32
    %get3A_123 = arith.index_cast %get3A_122 : i32 to index
    %get3A_124 = arith.constant 96 : index
    %get3A_125 = tpu.vector_load %arg12[%get3A_123, %get3A_124] {strides = array<i32>} : memref<200x128xf32, #tpu.memory_space<vmem>>, vector<1x16xf32>,
    %get3A_126 = vector.shape_cast %get3A_125 : vector<1x16xf32> to vector<16xf32>
    %get3A_127 = arith.constant 2 : i32
    %get3A_128 = arith.index_cast %get3A_127 : i32 to index
    %get3A_129 = arith.constant 112 : index
    %get3A_130 = tpu.vector_load %arg12[%get3A_128, %get3A_129] {strides = array<i32>} : memref<200x128xf32, #tpu.memory_space<vmem>>, vector<1x16xf32>,
    %get3A_131 = vector.shape_cast %get3A_130 : vector<1x16xf32> to vector<16xf32>
    %get3A_132 = arith.constant 3 : i32
    %get3A_133 = arith.index_cast %get3A_132 : i32 to index
    %get3A_134 = arith.constant 96 : index
    %get3A_135 = tpu.vector_load %arg12[%get3A_133, %get3A_134] {strides = array<i32>} : memref<200x128xf32, #tpu.memory_space<vmem>>, vector<1x16xf32>,
    %get3A_136 = vector.shape_cast %get3A_135 : vector<1x16xf32> to vector<16xf32>
    %get3A_137 = arith.constant 3 : i32
    %get3A_138 = arith.index_cast %get3A_137 : i32 to index
    %get3A_139 = arith.constant 112 : index
    %get3A_140 = tpu.vector_load %arg12[%get3A_138, %get3A_139] {strides = array<i32>} : memref<200x128xf32, #tpu.memory_space<vmem>>, vector<1x16xf32>,
    %get3A_141 = vector.shape_cast %get3A_140 : vector<1x16xf32> to vector<16xf32>
    %get3A_142 = arith.constant 4 : i32
    %get3A_143 = arith.index_cast %get3A_142 : i32 to index
    %get3A_144 = arith.constant 96 : index
    %get3A_145 = tpu.vector_load %arg12[%get3A_143, %get3A_144] {strides = array<i32>} : memref<200x128xf32, #tpu.memory_space<vmem>>, vector<1x16xf32>,
    %get3A_146 = vector.shape_cast %get3A_145 : vector<1x16xf32> to vector<16xf32>
    %get3A_147 = arith.constant 4 : i32
    %get3A_148 = arith.index_cast %get3A_147 : i32 to index
    %get3A_149 = arith.constant 112 : index
    %get3A_150 = tpu.vector_load %arg12[%get3A_148, %get3A_149] {strides = array<i32>} : memref<200x128xf32, #tpu.memory_space<vmem>>, vector<1x16xf32>,
    %get3A_151 = vector.shape_cast %get3A_150 : vector<1x16xf32> to vector<16xf32>
    %get3A_152 = arith.constant 5 : i32
    %get3A_153 = arith.index_cast %get3A_152 : i32 to index
    %get3A_154 = arith.constant 96 : index
    %get3A_155 = tpu.vector_load %arg12[%get3A_153, %get3A_154] {strides = array<i32>} : memref<200x128xf32, #tpu.memory_space<vmem>>, vector<1x16xf32>,
    %get3A_156 = vector.shape_cast %get3A_155 : vector<1x16xf32> to vector<16xf32>
    %get3A_157 = arith.constant 5 : i32
    %get3A_158 = arith.index_cast %get3A_157 : i32 to index
    %get3A_159 = arith.constant 112 : index
    %get3A_160 = tpu.vector_load %arg12[%get3A_158, %get3A_159] {strides = array<i32>} : memref<200x128xf32, #tpu.memory_space<vmem>>, vector<1x16xf32>,
    %get3A_161 = vector.shape_cast %get3A_160 : vector<1x16xf32> to vector<16xf32>
    %parallel_loop3A = arith.constant 3 : i32
    %parallel_loop3A_162 = arith.constant 197 : i32
    %parallel_loop3A_163 = arith.constant 1 : i32
    %parallel_loop3A_164:12 = scf.for %parallel_loop3A_1271 = %parallel_loop3A to %parallel_loop3A_162 step %parallel_loop3A_163 iter_args(%parallel_loop3A_1272 = %get3A_106, %parallel_loop3A_1273 = %get3A_111, %parallel_loop3A_1274 = %get3A_116, %parallel_loop3A_1275 = %get3A_121, %parallel_loop3A_1276 = %get3A_126, %parallel_loop3A_1277 = %get3A_131, %parallel_loop3A_1278 = %get3A_136, %parallel_loop3A_1279 = %get3A_141, %parallel_loop3A_1280 = %get3A_146, %parallel_loop3A_1281 = %get3A_151, %parallel_loop3A_1282 = %get3A_156, %parallel_loop3A_1283 = %get3A_161) -> (vector<16xf32>, vector<16xf32>, vector<16xf32>, vector<16xf32>, vector<16xf32>, vector<16xf32>, vector<16xf32>, vector<16xf32>, vector<16xf32>, vector<16xf32>, vector<16xf32>, vector<16xf32>)  : i32 {
      %parallel_loop3A_1284 = arith.constant 3 : i32
      %parallel_loop3A_1285 = arith.addi %parallel_loop3A_1271, %parallel_loop3A_1284 : i32
      %parallel_loop3A_1286 = arith.index_cast %parallel_loop3A_1285 : i32 to index
      %parallel_loop3A_1287 = arith.constant 96 : index
      %parallel_loop3A_1288 = tpu.vector_load %arg12[%parallel_loop3A_1286, %parallel_loop3A_1287] {strides = array<i32>} : memref<200x128xf32, #tpu.memory_space<vmem>>, vector<1x16xf32>,
      %parallel_loop3A_1289 = vector.shape_cast %parallel_loop3A_1288 : vector<1x16xf32> to vector<16xf32>
      %parallel_loop3A_1290 = arith.constant 3 : i32
      %parallel_loop3A_1291 = arith.addi %parallel_loop3A_1271, %parallel_loop3A_1290 : i32
      %parallel_loop3A_1292 = arith.index_cast %parallel_loop3A_1291 : i32 to index
      %parallel_loop3A_1293 = arith.constant 112 : index
      %parallel_loop3A_1294 = tpu.vector_load %arg12[%parallel_loop3A_1292, %parallel_loop3A_1293] {strides = array<i32>} : memref<200x128xf32, #tpu.memory_space<vmem>>, vector<1x16xf32>,
      %parallel_loop3A_1295 = vector.shape_cast %parallel_loop3A_1294 : vector<1x16xf32> to vector<16xf32>
      %parallel_loop3A_1296 = arith.index_cast %parallel_loop3A_1271 : i32 to index
      %parallel_loop3A_1297 = arith.constant 0 : index
      %parallel_loop3A_1298 = tpu.vector_load %arg10[%parallel_loop3A_1296, %parallel_loop3A_1297] {strides = array<i32>} : memref<200x128xf32, #tpu.memory_space<vmem>>, vector<1x16xf32>,
      %parallel_loop3A_1299 = vector.shape_cast %parallel_loop3A_1298 : vector<1x16xf32> to vector<16xf32>
      %parallel_loop3A_1300 = arith.mulf %parallel_loop3A_1272, %parallel_loop3A_1299 : vector<16xf32>
      %parallel_loop3A_1301 = arith.index_cast %parallel_loop3A_1271 : i32 to index
      %parallel_loop3A_1302 = arith.constant 32 : index
      %parallel_loop3A_1303 = tpu.vector_load %arg10[%parallel_loop3A_1301, %parallel_loop3A_1302] {strides = array<i32>} : memref<200x128xf32, #tpu.memory_space<vmem>>, vector<1x16xf32>,
      %parallel_loop3A_1304 = vector.shape_cast %parallel_loop3A_1303 : vector<1x16xf32> to vector<16xf32>
      %parallel_loop3A_1305 = arith.mulf %parallel_loop3A_1274, %parallel_loop3A_1304 : vector<16xf32>
      %parallel_loop3A_1306 = arith.index_cast %parallel_loop3A_1271 : i32 to index
      %parallel_loop3A_1307 = arith.constant 64 : index
      %parallel_loop3A_1308 = tpu.vector_load %arg10[%parallel_loop3A_1306, %parallel_loop3A_1307] {strides = array<i32>} : memref<200x128xf32, #tpu.memory_space<vmem>>, vector<1x16xf32>,
      %parallel_loop3A_1309 = vector.shape_cast %parallel_loop3A_1308 : vector<1x16xf32> to vector<16xf32>
      %parallel_loop3A_1310 = arith.mulf %parallel_loop3A_1276, %parallel_loop3A_1309 : vector<16xf32>
      %parallel_loop3A_1311 = arith.index_cast %parallel_loop3A_1271 : i32 to index
      %parallel_loop3A_1312 = arith.constant 96 : index
      %parallel_loop3A_1313 = tpu.vector_load %arg10[%parallel_loop3A_1311, %parallel_loop3A_1312] {strides = array<i32>} : memref<200x128xf32, #tpu.memory_space<vmem>>, vector<1x16xf32>,
      %parallel_loop3A_1314 = vector.shape_cast %parallel_loop3A_1313 : vector<1x16xf32> to vector<16xf32>
      %parallel_loop3A_1315 = arith.mulf %parallel_loop3A_1278, %parallel_loop3A_1314 : vector<16xf32>
      %parallel_loop3A_1316 = arith.index_cast %parallel_loop3A_1271 : i32 to index
      %parallel_loop3A_1317 = arith.constant 0 : index
      %parallel_loop3A_1318 = tpu.vector_load %arg12[%parallel_loop3A_1316, %parallel_loop3A_1317] {strides = array<i32>} : memref<200x128xf32, #tpu.memory_space<vmem>>, vector<1x16xf32>,
      %parallel_loop3A_1319 = vector.shape_cast %parallel_loop3A_1318 : vector<1x16xf32> to vector<16xf32>
      %parallel_loop3A_1320 = arith.mulf %parallel_loop3A_1280, %parallel_loop3A_1319 : vector<16xf32>
      %parallel_loop3A_1321 = arith.index_cast %parallel_loop3A_1271 : i32 to index
      %parallel_loop3A_1322 = arith.constant 32 : index
      %parallel_loop3A_1323 = tpu.vector_load %arg12[%parallel_loop3A_1321, %parallel_loop3A_1322] {strides = array<i32>} : memref<200x128xf32, #tpu.memory_space<vmem>>, vector<1x16xf32>,
      %parallel_loop3A_1324 = vector.shape_cast %parallel_loop3A_1323 : vector<1x16xf32> to vector<16xf32>
      %parallel_loop3A_1325 = arith.mulf %parallel_loop3A_1282, %parallel_loop3A_1324 : vector<16xf32>
      %parallel_loop3A_1326 = arith.index_cast %parallel_loop3A_1271 : i32 to index
      %parallel_loop3A_1327 = arith.constant 64 : index
      %parallel_loop3A_1328 = tpu.vector_load %arg12[%parallel_loop3A_1326, %parallel_loop3A_1327] {strides = array<i32>} : memref<200x128xf32, #tpu.memory_space<vmem>>, vector<1x16xf32>,
      %parallel_loop3A_1329 = vector.shape_cast %parallel_loop3A_1328 : vector<1x16xf32> to vector<16xf32>
      %parallel_loop3A_1330 = arith.mulf %parallel_loop3A_1289, %parallel_loop3A_1329 : vector<16xf32>
      %parallel_loop3A_1331 = arith.maximumf %parallel_loop3A_1310, %parallel_loop3A_1315 : vector<16xf32>
      %parallel_loop3A_1332 = arith.maximumf %parallel_loop3A_1331, %parallel_loop3A_1320 : vector<16xf32>
      %parallel_loop3A_1333 = arith.maximumf %parallel_loop3A_1305, %parallel_loop3A_1325 : vector<16xf32>
      %parallel_loop3A_1334 = arith.maximumf %parallel_loop3A_1332, %parallel_loop3A_1333 : vector<16xf32>
      %parallel_loop3A_1335 = arith.maximumf %parallel_loop3A_1300, %parallel_loop3A_1330 : vector<16xf32>
      %parallel_loop3A_1336 = arith.maximumf %parallel_loop3A_1334, %parallel_loop3A_1335 : vector<16xf32>
      %parallel_loop3A_1337 = arith.constant 1 : i32
      %parallel_loop3A_1338 = arith.subi %parallel_loop3A_1271, %parallel_loop3A_1337 : i32
      %parallel_loop3A_1339 = arith.index_cast %parallel_loop3A_1338 : i32 to index
      %parallel_loop3A_1340 = arith.constant 0 : index
      %parallel_loop3A_1341 = tpu.vector_load %arg14[%parallel_loop3A_1339, %parallel_loop3A_1340] {strides = array<i32>} : memref<198x32xf32, #tpu.memory_space<vmem>>, vector<1x16xf32>,
      %parallel_loop3A_1342 = vector.shape_cast %parallel_loop3A_1341 : vector<1x16xf32> to vector<16xf32>
      %parallel_loop3A_1343 = vector.shape_cast %parallel_loop3A_1332 : vector<16xf32> to vector<1x16xf32>
      tpu.vector_store %arg14[%parallel_loop3A_1339, %parallel_loop3A_1340], %parallel_loop3A_1343 {strides = array<i32>} : memref<198x32xf32, #tpu.memory_space<vmem>>, vector<1x16xf32>,
      %parallel_loop3A_1344 = arith.constant 2 : i32
      %parallel_loop3A_1345 = arith.subi %parallel_loop3A_1271, %parallel_loop3A_1344 : i32
      %parallel_loop3A_1346 = arith.index_cast %parallel_loop3A_1345 : i32 to index
      %parallel_loop3A_1347 = arith.constant 0 : index
      %parallel_loop3A_1348 = tpu.vector_load %arg15[%parallel_loop3A_1346, %parallel_loop3A_1347] {strides = array<i32>} : memref<196x32xf32, #tpu.memory_space<vmem>>, vector<1x16xf32>,
      %parallel_loop3A_1349 = vector.shape_cast %parallel_loop3A_1348 : vector<1x16xf32> to vector<16xf32>
      %parallel_loop3A_1350 = vector.shape_cast %parallel_loop3A_1334 : vector<16xf32> to vector<1x16xf32>
      tpu.vector_store %arg15[%parallel_loop3A_1346, %parallel_loop3A_1347], %parallel_loop3A_1350 {strides = array<i32>} : memref<196x32xf32, #tpu.memory_space<vmem>>, vector<1x16xf32>,
      %parallel_loop3A_1351 = arith.constant 3 : i32
      %parallel_loop3A_1352 = arith.subi %parallel_loop3A_1271, %parallel_loop3A_1351 : i32
      %parallel_loop3A_1353 = arith.index_cast %parallel_loop3A_1352 : i32 to index
      %parallel_loop3A_1354 = arith.constant 0 : index
      %parallel_loop3A_1355 = tpu.vector_load %arg16[%parallel_loop3A_1353, %parallel_loop3A_1354] {strides = array<i32>} : memref<194x32xf32, #tpu.memory_space<vmem>>, vector<1x16xf32>,
      %parallel_loop3A_1356 = vector.shape_cast %parallel_loop3A_1355 : vector<1x16xf32> to vector<16xf32>
      %parallel_loop3A_1357 = vector.shape_cast %parallel_loop3A_1336 : vector<16xf32> to vector<1x16xf32>
      tpu.vector_store %arg16[%parallel_loop3A_1353, %parallel_loop3A_1354], %parallel_loop3A_1357 {strides = array<i32>} : memref<194x32xf32, #tpu.memory_space<vmem>>, vector<1x16xf32>,
      %parallel_loop3A_1358 = arith.index_cast %parallel_loop3A_1271 : i32 to index
      %parallel_loop3A_1359 = arith.constant 16 : index
      %parallel_loop3A_1360 = tpu.vector_load %arg10[%parallel_loop3A_1358, %parallel_loop3A_1359] {strides = array<i32>} : memref<200x128xf32, #tpu.memory_space<vmem>>, vector<1x16xf32>,
      %parallel_loop3A_1361 = vector.shape_cast %parallel_loop3A_1360 : vector<1x16xf32> to vector<16xf32>
      %parallel_loop3A_1362 = arith.mulf %parallel_loop3A_1273, %parallel_loop3A_1361 : vector<16xf32>
      %parallel_loop3A_1363 = arith.index_cast %parallel_loop3A_1271 : i32 to index
      %parallel_loop3A_1364 = arith.constant 48 : index
      %parallel_loop3A_1365 = tpu.vector_load %arg10[%parallel_loop3A_1363, %parallel_loop3A_1364] {strides = array<i32>} : memref<200x128xf32, #tpu.memory_space<vmem>>, vector<1x16xf32>,
      %parallel_loop3A_1366 = vector.shape_cast %parallel_loop3A_1365 : vector<1x16xf32> to vector<16xf32>
      %parallel_loop3A_1367 = arith.mulf %parallel_loop3A_1275, %parallel_loop3A_1366 : vector<16xf32>
      %parallel_loop3A_1368 = arith.index_cast %parallel_loop3A_1271 : i32 to index
      %parallel_loop3A_1369 = arith.constant 80 : index
      %parallel_loop3A_1370 = tpu.vector_load %arg10[%parallel_loop3A_1368, %parallel_loop3A_1369] {strides = array<i32>} : memref<200x128xf32, #tpu.memory_space<vmem>>, vector<1x16xf32>,
      %parallel_loop3A_1371 = vector.shape_cast %parallel_loop3A_1370 : vector<1x16xf32> to vector<16xf32>
      %parallel_loop3A_1372 = arith.mulf %parallel_loop3A_1277, %parallel_loop3A_1371 : vector<16xf32>
      %parallel_loop3A_1373 = arith.index_cast %parallel_loop3A_1271 : i32 to index
      %parallel_loop3A_1374 = arith.constant 112 : index
      %parallel_loop3A_1375 = tpu.vector_load %arg10[%parallel_loop3A_1373, %parallel_loop3A_1374] {strides = array<i32>} : memref<200x128xf32, #tpu.memory_space<vmem>>, vector<1x16xf32>,
      %parallel_loop3A_1376 = vector.shape_cast %parallel_loop3A_1375 : vector<1x16xf32> to vector<16xf32>
      %parallel_loop3A_1377 = arith.mulf %parallel_loop3A_1279, %parallel_loop3A_1376 : vector<16xf32>
      %parallel_loop3A_1378 = arith.index_cast %parallel_loop3A_1271 : i32 to index
      %parallel_loop3A_1379 = arith.constant 16 : index
      %parallel_loop3A_1380 = tpu.vector_load %arg12[%parallel_loop3A_1378, %parallel_loop3A_1379] {strides = array<i32>} : memref<200x128xf32, #tpu.memory_space<vmem>>, vector<1x16xf32>,
      %parallel_loop3A_1381 = vector.shape_cast %parallel_loop3A_1380 : vector<1x16xf32> to vector<16xf32>
      %parallel_loop3A_1382 = arith.mulf %parallel_loop3A_1281, %parallel_loop3A_1381 : vector<16xf32>
      %parallel_loop3A_1383 = arith.index_cast %parallel_loop3A_1271 : i32 to index
      %parallel_loop3A_1384 = arith.constant 48 : index
      %parallel_loop3A_1385 = tpu.vector_load %arg12[%parallel_loop3A_1383, %parallel_loop3A_1384] {strides = array<i32>} : memref<200x128xf32, #tpu.memory_space<vmem>>, vector<1x16xf32>,
      %parallel_loop3A_1386 = vector.shape_cast %parallel_loop3A_1385 : vector<1x16xf32> to vector<16xf32>
      %parallel_loop3A_1387 = arith.mulf %parallel_loop3A_1283, %parallel_loop3A_1386 : vector<16xf32>
      %parallel_loop3A_1388 = arith.index_cast %parallel_loop3A_1271 : i32 to index
      %parallel_loop3A_1389 = arith.constant 80 : index
      %parallel_loop3A_1390 = tpu.vector_load %arg12[%parallel_loop3A_1388, %parallel_loop3A_1389] {strides = array<i32>} : memref<200x128xf32, #tpu.memory_space<vmem>>, vector<1x16xf32>,
      %parallel_loop3A_1391 = vector.shape_cast %parallel_loop3A_1390 : vector<1x16xf32> to vector<16xf32>
      %parallel_loop3A_1392 = arith.mulf %parallel_loop3A_1295, %parallel_loop3A_1391 : vector<16xf32>
      %parallel_loop3A_1393 = arith.maximumf %parallel_loop3A_1372, %parallel_loop3A_1377 : vector<16xf32>
      %parallel_loop3A_1394 = arith.maximumf %parallel_loop3A_1393, %parallel_loop3A_1382 : vector<16xf32>
      %parallel_loop3A_1395 = arith.maximumf %parallel_loop3A_1367, %parallel_loop3A_1387 : vector<16xf32>
      %parallel_loop3A_1396 = arith.maximumf %parallel_loop3A_1394, %parallel_loop3A_1395 : vector<16xf32>
      %parallel_loop3A_1397 = arith.maximumf %parallel_loop3A_1362, %parallel_loop3A_1392 : vector<16xf32>
      %parallel_loop3A_1398 = arith.maximumf %parallel_loop3A_1396, %parallel_loop3A_1397 : vector<16xf32>
      %parallel_loop3A_1399 = arith.constant 1 : i32
      %parallel_loop3A_1400 = arith.subi %parallel_loop3A_1271, %parallel_loop3A_1399 : i32
      %parallel_loop3A_1401 = arith.index_cast %parallel_loop3A_1400 : i32 to index
      %parallel_loop3A_1402 = arith.constant 16 : index
      %parallel_loop3A_1403 = tpu.vector_load %arg14[%parallel_loop3A_1401, %parallel_loop3A_1402] {strides = array<i32>} : memref<198x32xf32, #tpu.memory_space<vmem>>, vector<1x16xf32>,
      %parallel_loop3A_1404 = vector.shape_cast %parallel_loop3A_1403 : vector<1x16xf32> to vector<16xf32>
      %parallel_loop3A_1405 = vector.shape_cast %parallel_loop3A_1394 : vector<16xf32> to vector<1x16xf32>
      tpu.vector_store %arg14[%parallel_loop3A_1401, %parallel_loop3A_1402], %parallel_loop3A_1405 {strides = array<i32>} : memref<198x32xf32, #tpu.memory_space<vmem>>, vector<1x16xf32>,
      %parallel_loop3A_1406 = arith.constant 2 : i32
      %parallel_loop3A_1407 = arith.subi %parallel_loop3A_1271, %parallel_loop3A_1406 : i32
      %parallel_loop3A_1408 = arith.index_cast %parallel_loop3A_1407 : i32 to index
      %parallel_loop3A_1409 = arith.constant 16 : index
      %parallel_loop3A_1410 = tpu.vector_load %arg15[%parallel_loop3A_1408, %parallel_loop3A_1409] {strides = array<i32>} : memref<196x32xf32, #tpu.memory_space<vmem>>, vector<1x16xf32>,
      %parallel_loop3A_1411 = vector.shape_cast %parallel_loop3A_1410 : vector<1x16xf32> to vector<16xf32>
      %parallel_loop3A_1412 = vector.shape_cast %parallel_loop3A_1396 : vector<16xf32> to vector<1x16xf32>
      tpu.vector_store %arg15[%parallel_loop3A_1408, %parallel_loop3A_1409], %parallel_loop3A_1412 {strides = array<i32>} : memref<196x32xf32, #tpu.memory_space<vmem>>, vector<1x16xf32>,
      %parallel_loop3A_1413 = arith.constant 3 : i32
      %parallel_loop3A_1414 = arith.subi %parallel_loop3A_1271, %parallel_loop3A_1413 : i32
      %parallel_loop3A_1415 = arith.index_cast %parallel_loop3A_1414 : i32 to index
      %parallel_loop3A_1416 = arith.constant 16 : index
      %parallel_loop3A_1417 = tpu.vector_load %arg16[%parallel_loop3A_1415, %parallel_loop3A_1416] {strides = array<i32>} : memref<194x32xf32, #tpu.memory_space<vmem>>, vector<1x16xf32>,
      %parallel_loop3A_1418 = vector.shape_cast %parallel_loop3A_1417 : vector<1x16xf32> to vector<16xf32>
      %parallel_loop3A_1419 = vector.shape_cast %parallel_loop3A_1398 : vector<16xf32> to vector<1x16xf32>
      tpu.vector_store %arg16[%parallel_loop3A_1415, %parallel_loop3A_1416], %parallel_loop3A_1419 {strides = array<i32>} : memref<194x32xf32, #tpu.memory_space<vmem>>, vector<1x16xf32>,
      scf.yield %parallel_loop3A_1274, %parallel_loop3A_1275, %parallel_loop3A_1276, %parallel_loop3A_1277, %parallel_loop3A_1278, %parallel_loop3A_1279, %parallel_loop3A_1280, %parallel_loop3A_1281, %parallel_loop3A_1282, %parallel_loop3A_1283, %parallel_loop3A_1289, %parallel_loop3A_1295 : vector<16xf32>, vector<16xf32>, vector<16xf32>, vector<16xf32>, vector<16xf32>, vector<16xf32>, vector<16xf32>, vector<16xf32>, vector<16xf32>, vector<16xf32>, vector<16xf32>, vector<16xf32>
    } {sc.loop_unroll_factor = 2 : i64, sc.parallel_access}
    %get3A_165 = arith.constant 1 : i32
    %get3A_166 = arith.index_cast %get3A_165 : i32 to index
    %get3A_167 = arith.constant 96 : index
    %get3A_168 = tpu.vector_load %arg12[%get3A_166, %get3A_167] {strides = array<i32>} : memref<200x128xf32, #tpu.memory_space<vmem>>, vector<1x16xf32>,
    %get3A_169 = vector.shape_cast %get3A_168 : vector<1x16xf32> to vector<16xf32>
    %get3A_170 = arith.constant 1 : i32
    %get3A_171 = arith.index_cast %get3A_170 : i32 to index
    %get3A_172 = arith.constant 96 : index
    %get3A_173 = tpu.vector_load %arg10[%get3A_171, %get3A_172] {strides = array<i32>} : memref<200x128xf32, #tpu.memory_space<vmem>>, vector<1x16xf32>,
    %get3A_174 = vector.shape_cast %get3A_173 : vector<1x16xf32> to vector<16xf32>
    %mul3A_175 = arith.mulf %get3A_169, %get3A_174 : vector<16xf32>
    %get3A_176 = arith.constant 0 : i32
    %get3A_177 = arith.index_cast %get3A_176 : i32 to index
    %get3A_178 = arith.constant 96 : index
    %get3A_179 = tpu.vector_load %arg12[%get3A_177, %get3A_178] {strides = array<i32>} : memref<200x128xf32, #tpu.memory_space<vmem>>, vector<1x16xf32>,
    %get3A_180 = vector.shape_cast %get3A_179 : vector<1x16xf32> to vector<16xf32>
    %get3A_181 = arith.constant 1 : i32
    %get3A_182 = arith.index_cast %get3A_181 : i32 to index
    %get3A_183 = arith.constant 64 : index
    %get3A_184 = tpu.vector_load %arg10[%get3A_182, %get3A_183] {strides = array<i32>} : memref<200x128xf32, #tpu.memory_space<vmem>>, vector<1x16xf32>,
    %get3A_185 = vector.shape_cast %get3A_184 : vector<1x16xf32> to vector<16xf32>
    %mul3A_186 = arith.mulf %get3A_180, %get3A_185 : vector<16xf32>
    %max3A = arith.maximumf %mul3A_186, %mul3A_175 : vector<16xf32>
    %get3A_187 = arith.constant 2 : i32
    %get3A_188 = arith.index_cast %get3A_187 : i32 to index
    %get3A_189 = arith.constant 96 : index
    %get3A_190 = tpu.vector_load %arg12[%get3A_188, %get3A_189] {strides = array<i32>} : memref<200x128xf32, #tpu.memory_space<vmem>>, vector<1x16xf32>,
    %get3A_191 = vector.shape_cast %get3A_190 : vector<1x16xf32> to vector<16xf32>
    %get3A_192 = arith.constant 1 : i32
    %get3A_193 = arith.index_cast %get3A_192 : i32 to index
    %get3A_194 = arith.constant 0 : index
    %get3A_195 = tpu.vector_load %arg12[%get3A_193, %get3A_194] {strides = array<i32>} : memref<200x128xf32, #tpu.memory_space<vmem>>, vector<1x16xf32>,
    %get3A_196 = vector.shape_cast %get3A_195 : vector<1x16xf32> to vector<16xf32>
    %mul3A_197 = arith.mulf %get3A_191, %get3A_196 : vector<16xf32>
    %max3A_198 = arith.maximumf %max3A, %mul3A_197 : vector<16xf32>
    %swap3A = arith.constant 0 : i32
    %swap3A_199 = arith.index_cast %swap3A : i32 to index
    %swap3A_200 = arith.constant 0 : index
    %swap3A_201 = tpu.vector_load %arg14[%swap3A_199, %swap3A_200] {strides = array<i32>} : memref<198x32xf32, #tpu.memory_space<vmem>>, vector<1x16xf32>,
    %swap3A_202 = vector.shape_cast %swap3A_201 : vector<1x16xf32> to vector<16xf32>
    %swap3A_203 = vector.shape_cast %max3A_198 : vector<16xf32> to vector<1x16xf32>
    tpu.vector_store %arg14[%swap3A_199, %swap3A_200], %swap3A_203 {strides = array<i32>} : memref<198x32xf32, #tpu.memory_space<vmem>>, vector<1x16xf32>,
    %get3A_204 = arith.constant 1 : i32
    %get3A_205 = arith.index_cast %get3A_204 : i32 to index
    %get3A_206 = arith.constant 112 : index
    %get3A_207 = tpu.vector_load %arg12[%get3A_205, %get3A_206] {strides = array<i32>} : memref<200x128xf32, #tpu.memory_space<vmem>>, vector<1x16xf32>,
    %get3A_208 = vector.shape_cast %get3A_207 : vector<1x16xf32> to vector<16xf32>
    %get3A_209 = arith.constant 1 : i32
    %get3A_210 = arith.index_cast %get3A_209 : i32 to index
    %get3A_211 = arith.constant 112 : index
    %get3A_212 = tpu.vector_load %arg10[%get3A_210, %get3A_211] {strides = array<i32>} : memref<200x128xf32, #tpu.memory_space<vmem>>, vector<1x16xf32>,
    %get3A_213 = vector.shape_cast %get3A_212 : vector<1x16xf32> to vector<16xf32>
    %mul3A_214 = arith.mulf %get3A_208, %get3A_213 : vector<16xf32>
    %get3A_215 = arith.constant 0 : i32
    %get3A_216 = arith.index_cast %get3A_215 : i32 to index
    %get3A_217 = arith.constant 112 : index
    %get3A_218 = tpu.vector_load %arg12[%get3A_216, %get3A_217] {strides = array<i32>} : memref<200x128xf32, #tpu.memory_space<vmem>>, vector<1x16xf32>,
    %get3A_219 = vector.shape_cast %get3A_218 : vector<1x16xf32> to vector<16xf32>
    %get3A_220 = arith.constant 1 : i32
    %get3A_221 = arith.index_cast %get3A_220 : i32 to index
    %get3A_222 = arith.constant 80 : index
    %get3A_223 = tpu.vector_load %arg10[%get3A_221, %get3A_222] {strides = array<i32>} : memref<200x128xf32, #tpu.memory_space<vmem>>, vector<1x16xf32>,
    %get3A_224 = vector.shape_cast %get3A_223 : vector<1x16xf32> to vector<16xf32>
    %mul3A_225 = arith.mulf %get3A_219, %get3A_224 : vector<16xf32>
    %max3A_226 = arith.maximumf %mul3A_225, %mul3A_214 : vector<16xf32>
    %get3A_227 = arith.constant 2 : i32
    %get3A_228 = arith.index_cast %get3A_227 : i32 to index
    %get3A_229 = arith.constant 112 : index
    %get3A_230 = tpu.vector_load %arg12[%get3A_228, %get3A_229] {strides = array<i32>} : memref<200x128xf32, #tpu.memory_space<vmem>>, vector<1x16xf32>,
    %get3A_231 = vector.shape_cast %get3A_230 : vector<1x16xf32> to vector<16xf32>
    %get3A_232 = arith.constant 1 : i32
    %get3A_233 = arith.index_cast %get3A_232 : i32 to index
    %get3A_234 = arith.constant 16 : index
    %get3A_235 = tpu.vector_load %arg12[%get3A_233, %get3A_234] {strides = array<i32>} : memref<200x128xf32, #tpu.memory_space<vmem>>, vector<1x16xf32>,
    %get3A_236 = vector.shape_cast %get3A_235 : vector<1x16xf32> to vector<16xf32>
    %mul3A_237 = arith.mulf %get3A_231, %get3A_236 : vector<16xf32>
    %max3A_238 = arith.maximumf %max3A_226, %mul3A_237 : vector<16xf32>
    %swap3A_239 = arith.constant 0 : i32
    %swap3A_240 = arith.index_cast %swap3A_239 : i32 to index
    %swap3A_241 = arith.constant 16 : index
    %swap3A_242 = tpu.vector_load %arg14[%swap3A_240, %swap3A_241] {strides = array<i32>} : memref<198x32xf32, #tpu.memory_space<vmem>>, vector<1x16xf32>,
    %swap3A_243 = vector.shape_cast %swap3A_242 : vector<1x16xf32> to vector<16xf32>
    %swap3A_244 = vector.shape_cast %max3A_238 : vector<16xf32> to vector<1x16xf32>
    tpu.vector_store %arg14[%swap3A_240, %swap3A_241], %swap3A_244 {strides = array<i32>} : memref<198x32xf32, #tpu.memory_space<vmem>>, vector<1x16xf32>,
    %get3A_245 = arith.constant 2 : i32
    %get3A_246 = arith.index_cast %get3A_245 : i32 to index
    %get3A_247 = arith.constant 96 : index
    %get3A_248 = tpu.vector_load %arg12[%get3A_246, %get3A_247] {strides = array<i32>} : memref<200x128xf32, #tpu.memory_space<vmem>>, vector<1x16xf32>,
    %get3A_249 = vector.shape_cast %get3A_248 : vector<1x16xf32> to vector<16xf32>
    %get3A_250 = arith.constant 2 : i32
    %get3A_251 = arith.index_cast %get3A_250 : i32 to index
    %get3A_252 = arith.constant 96 : index
    %get3A_253 = tpu.vector_load %arg10[%get3A_251, %get3A_252] {strides = array<i32>} : memref<200x128xf32, #tpu.memory_space<vmem>>, vector<1x16xf32>,
    %get3A_254 = vector.shape_cast %get3A_253 : vector<1x16xf32> to vector<16xf32>
    %mul3A_255 = arith.mulf %get3A_249, %get3A_254 : vector<16xf32>
    %get3A_256 = arith.constant 1 : i32
    %get3A_257 = arith.index_cast %get3A_256 : i32 to index
    %get3A_258 = arith.constant 96 : index
    %get3A_259 = tpu.vector_load %arg12[%get3A_257, %get3A_258] {strides = array<i32>} : memref<200x128xf32, #tpu.memory_space<vmem>>, vector<1x16xf32>,
    %get3A_260 = vector.shape_cast %get3A_259 : vector<1x16xf32> to vector<16xf32>
    %get3A_261 = arith.constant 2 : i32
    %get3A_262 = arith.index_cast %get3A_261 : i32 to index
    %get3A_263 = arith.constant 64 : index
    %get3A_264 = tpu.vector_load %arg10[%get3A_262, %get3A_263] {strides = array<i32>} : memref<200x128xf32, #tpu.memory_space<vmem>>, vector<1x16xf32>,
    %get3A_265 = vector.shape_cast %get3A_264 : vector<1x16xf32> to vector<16xf32>
    %mul3A_266 = arith.mulf %get3A_260, %get3A_265 : vector<16xf32>
    %max3A_267 = arith.maximumf %mul3A_266, %mul3A_255 : vector<16xf32>
    %get3A_268 = arith.constant 3 : i32
    %get3A_269 = arith.index_cast %get3A_268 : i32 to index
    %get3A_270 = arith.constant 96 : index
    %get3A_271 = tpu.vector_load %arg12[%get3A_269, %get3A_270] {strides = array<i32>} : memref<200x128xf32, #tpu.memory_space<vmem>>, vector<1x16xf32>,
    %get3A_272 = vector.shape_cast %get3A_271 : vector<1x16xf32> to vector<16xf32>
    %get3A_273 = arith.constant 2 : i32
    %get3A_274 = arith.index_cast %get3A_273 : i32 to index
    %get3A_275 = arith.constant 0 : index
    %get3A_276 = tpu.vector_load %arg12[%get3A_274, %get3A_275] {strides = array<i32>} : memref<200x128xf32, #tpu.memory_space<vmem>>, vector<1x16xf32>,
    %get3A_277 = vector.shape_cast %get3A_276 : vector<1x16xf32> to vector<16xf32>
    %mul3A_278 = arith.mulf %get3A_272, %get3A_277 : vector<16xf32>
    %max3A_279 = arith.maximumf %max3A_267, %mul3A_278 : vector<16xf32>
    %swap3A_280 = arith.constant 1 : i32
    %swap3A_281 = arith.index_cast %swap3A_280 : i32 to index
    %swap3A_282 = arith.constant 0 : index
    %swap3A_283 = tpu.vector_load %arg14[%swap3A_281, %swap3A_282] {strides = array<i32>} : memref<198x32xf32, #tpu.memory_space<vmem>>, vector<1x16xf32>,
    %swap3A_284 = vector.shape_cast %swap3A_283 : vector<1x16xf32> to vector<16xf32>
    %swap3A_285 = vector.shape_cast %max3A_279 : vector<16xf32> to vector<1x16xf32>
    tpu.vector_store %arg14[%swap3A_281, %swap3A_282], %swap3A_285 {strides = array<i32>} : memref<198x32xf32, #tpu.memory_space<vmem>>, vector<1x16xf32>,
    %get3A_286 = arith.constant 0 : i32
    %get3A_287 = arith.index_cast %get3A_286 : i32 to index
    %get3A_288 = arith.constant 96 : index
    %get3A_289 = tpu.vector_load %arg12[%get3A_287, %get3A_288] {strides = array<i32>} : memref<200x128xf32, #tpu.memory_space<vmem>>, vector<1x16xf32>,
    %get3A_290 = vector.shape_cast %get3A_289 : vector<1x16xf32> to vector<16xf32>
    %get3A_291 = arith.constant 2 : i32
    %get3A_292 = arith.index_cast %get3A_291 : i32 to index
    %get3A_293 = arith.constant 32 : index
    %get3A_294 = tpu.vector_load %arg10[%get3A_292, %get3A_293] {strides = array<i32>} : memref<200x128xf32, #tpu.memory_space<vmem>>, vector<1x16xf32>,
    %get3A_295 = vector.shape_cast %get3A_294 : vector<1x16xf32> to vector<16xf32>
    %mul3A_296 = arith.mulf %get3A_290, %get3A_295 : vector<16xf32>
    %get3A_297 = arith.constant 4 : i32
    %get3A_298 = arith.index_cast %get3A_297 : i32 to index
    %get3A_299 = arith.constant 96 : index
    %get3A_300 = tpu.vector_load %arg12[%get3A_298, %get3A_299] {strides = array<i32>} : memref<200x128xf32, #tpu.memory_space<vmem>>, vector<1x16xf32>,
    %get3A_301 = vector.shape_cast %get3A_300 : vector<1x16xf32> to vector<16xf32>
    %get3A_302 = arith.constant 2 : i32
    %get3A_303 = arith.index_cast %get3A_302 : i32 to index
    %get3A_304 = arith.constant 32 : index
    %get3A_305 = tpu.vector_load %arg12[%get3A_303, %get3A_304] {strides = array<i32>} : memref<200x128xf32, #tpu.memory_space<vmem>>, vector<1x16xf32>,
    %get3A_306 = vector.shape_cast %get3A_305 : vector<1x16xf32> to vector<16xf32>
    %mul3A_307 = arith.mulf %get3A_301, %get3A_306 : vector<16xf32>
    %max3A_308 = arith.maximumf %mul3A_296, %mul3A_307 : vector<16xf32>
    %max3A_309 = arith.maximumf %max3A_279, %max3A_308 : vector<16xf32>
    %swap3A_310 = arith.constant 0 : i32
    %swap3A_311 = arith.index_cast %swap3A_310 : i32 to index
    %swap3A_312 = arith.constant 0 : index
    %swap3A_313 = tpu.vector_load %arg15[%swap3A_311, %swap3A_312] {strides = array<i32>} : memref<196x32xf32, #tpu.memory_space<vmem>>, vector<1x16xf32>,
    %swap3A_314 = vector.shape_cast %swap3A_313 : vector<1x16xf32> to vector<16xf32>
    %swap3A_315 = vector.shape_cast %max3A_309 : vector<16xf32> to vector<1x16xf32>
    tpu.vector_store %arg15[%swap3A_311, %swap3A_312], %swap3A_315 {strides = array<i32>} : memref<196x32xf32, #tpu.memory_space<vmem>>, vector<1x16xf32>,
    %get3A_316 = arith.constant 2 : i32
    %get3A_317 = arith.index_cast %get3A_316 : i32 to index
    %get3A_318 = arith.constant 112 : index
    %get3A_319 = tpu.vector_load %arg12[%get3A_317, %get3A_318] {strides = array<i32>} : memref<200x128xf32, #tpu.memory_space<vmem>>, vector<1x16xf32>,
    %get3A_320 = vector.shape_cast %get3A_319 : vector<1x16xf32> to vector<16xf32>
    %get3A_321 = arith.constant 2 : i32
    %get3A_322 = arith.index_cast %get3A_321 : i32 to index
    %get3A_323 = arith.constant 112 : index
    %get3A_324 = tpu.vector_load %arg10[%get3A_322, %get3A_323] {strides = array<i32>} : memref<200x128xf32, #tpu.memory_space<vmem>>, vector<1x16xf32>,
    %get3A_325 = vector.shape_cast %get3A_324 : vector<1x16xf32> to vector<16xf32>
    %mul3A_326 = arith.mulf %get3A_320, %get3A_325 : vector<16xf32>
    %get3A_327 = arith.constant 1 : i32
    %get3A_328 = arith.index_cast %get3A_327 : i32 to index
    %get3A_329 = arith.constant 112 : index
    %get3A_330 = tpu.vector_load %arg12[%get3A_328, %get3A_329] {strides = array<i32>} : memref<200x128xf32, #tpu.memory_space<vmem>>, vector<1x16xf32>,
    %get3A_331 = vector.shape_cast %get3A_330 : vector<1x16xf32> to vector<16xf32>
    %get3A_332 = arith.constant 2 : i32
    %get3A_333 = arith.index_cast %get3A_332 : i32 to index
    %get3A_334 = arith.constant 80 : index
    %get3A_335 = tpu.vector_load %arg10[%get3A_333, %get3A_334] {strides = array<i32>} : memref<200x128xf32, #tpu.memory_space<vmem>>, vector<1x16xf32>,
    %get3A_336 = vector.shape_cast %get3A_335 : vector<1x16xf32> to vector<16xf32>
    %mul3A_337 = arith.mulf %get3A_331, %get3A_336 : vector<16xf32>
    %max3A_338 = arith.maximumf %mul3A_337, %mul3A_326 : vector<16xf32>
    %get3A_339 = arith.constant 3 : i32
    %get3A_340 = arith.index_cast %get3A_339 : i32 to index
    %get3A_341 = arith.constant 112 : index
    %get3A_342 = tpu.vector_load %arg12[%get3A_340, %get3A_341] {strides = array<i32>} : memref<200x128xf32, #tpu.memory_space<vmem>>, vector<1x16xf32>,
    %get3A_343 = vector.shape_cast %get3A_342 : vector<1x16xf32> to vector<16xf32>
    %get3A_344 = arith.constant 2 : i32
    %get3A_345 = arith.index_cast %get3A_344 : i32 to index
    %get3A_346 = arith.constant 16 : index
    %get3A_347 = tpu.vector_load %arg12[%get3A_345, %get3A_346] {strides = array<i32>} : memref<200x128xf32, #tpu.memory_space<vmem>>, vector<1x16xf32>,
    %get3A_348 = vector.shape_cast %get3A_347 : vector<1x16xf32> to vector<16xf32>
    %mul3A_349 = arith.mulf %get3A_343, %get3A_348 : vector<16xf32>
    %max3A_350 = arith.maximumf %max3A_338, %mul3A_349 : vector<16xf32>
    %swap3A_351 = arith.constant 1 : i32
    %swap3A_352 = arith.index_cast %swap3A_351 : i32 to index
    %swap3A_353 = arith.constant 16 : index
    %swap3A_354 = tpu.vector_load %arg14[%swap3A_352, %swap3A_353] {strides = array<i32>} : memref<198x32xf32, #tpu.memory_space<vmem>>, vector<1x16xf32>,
    %swap3A_355 = vector.shape_cast %swap3A_354 : vector<1x16xf32> to vector<16xf32>
    %swap3A_356 = vector.shape_cast %max3A_350 : vector<16xf32> to vector<1x16xf32>
    tpu.vector_store %arg14[%swap3A_352, %swap3A_353], %swap3A_356 {strides = array<i32>} : memref<198x32xf32, #tpu.memory_space<vmem>>, vector<1x16xf32>,
    %get3A_357 = arith.constant 0 : i32
    %get3A_358 = arith.index_cast %get3A_357 : i32 to index
    %get3A_359 = arith.constant 112 : index
    %get3A_360 = tpu.vector_load %arg12[%get3A_358, %get3A_359] {strides = array<i32>} : memref<200x128xf32, #tpu.memory_space<vmem>>, vector<1x16xf32>,
    %get3A_361 = vector.shape_cast %get3A_360 : vector<1x16xf32> to vector<16xf32>
    %get3A_362 = arith.constant 2 : i32
    %get3A_363 = arith.index_cast %get3A_362 : i32 to index
    %get3A_364 = arith.constant 48 : index
    %get3A_365 = tpu.vector_load %arg10[%get3A_363, %get3A_364] {strides = array<i32>} : memref<200x128xf32, #tpu.memory_space<vmem>>, vector<1x16xf32>,
    %get3A_366 = vector.shape_cast %get3A_365 : vector<1x16xf32> to vector<16xf32>
    %mul3A_367 = arith.mulf %get3A_361, %get3A_366 : vector<16xf32>
    %get3A_368 = arith.constant 4 : i32
    %get3A_369 = arith.index_cast %get3A_368 : i32 to index
    %get3A_370 = arith.constant 112 : index
    %get3A_371 = tpu.vector_load %arg12[%get3A_369, %get3A_370] {strides = array<i32>} : memref<200x128xf32, #tpu.memory_space<vmem>>, vector<1x16xf32>,
    %get3A_372 = vector.shape_cast %get3A_371 : vector<1x16xf32> to vector<16xf32>
    %get3A_373 = arith.constant 2 : i32
    %get3A_374 = arith.index_cast %get3A_373 : i32 to index
    %get3A_375 = arith.constant 48 : index
    %get3A_376 = tpu.vector_load %arg12[%get3A_374, %get3A_375] {strides = array<i32>} : memref<200x128xf32, #tpu.memory_space<vmem>>, vector<1x16xf32>,
    %get3A_377 = vector.shape_cast %get3A_376 : vector<1x16xf32> to vector<16xf32>
    %mul3A_378 = arith.mulf %get3A_372, %get3A_377 : vector<16xf32>
    %max3A_379 = arith.maximumf %mul3A_367, %mul3A_378 : vector<16xf32>
    %max3A_380 = arith.maximumf %max3A_350, %max3A_379 : vector<16xf32>
    %swap3A_381 = arith.constant 0 : i32
    %swap3A_382 = arith.index_cast %swap3A_381 : i32 to index
    %swap3A_383 = arith.constant 16 : index
    %swap3A_384 = tpu.vector_load %arg15[%swap3A_382, %swap3A_383] {strides = array<i32>} : memref<196x32xf32, #tpu.memory_space<vmem>>, vector<1x16xf32>,
    %swap3A_385 = vector.shape_cast %swap3A_384 : vector<1x16xf32> to vector<16xf32>
    %swap3A_386 = vector.shape_cast %max3A_380 : vector<16xf32> to vector<1x16xf32>
    tpu.vector_store %arg15[%swap3A_382, %swap3A_383], %swap3A_386 {strides = array<i32>} : memref<196x32xf32, #tpu.memory_space<vmem>>, vector<1x16xf32>,
    %get3A_387 = arith.constant 197 : i32
    %get3A_388 = arith.index_cast %get3A_387 : i32 to index
    %get3A_389 = arith.constant 96 : index
    %get3A_390 = tpu.vector_load %arg12[%get3A_388, %get3A_389] {strides = array<i32>} : memref<200x128xf32, #tpu.memory_space<vmem>>, vector<1x16xf32>,
    %get3A_391 = vector.shape_cast %get3A_390 : vector<1x16xf32> to vector<16xf32>
    %get3A_392 = arith.constant 197 : i32
    %get3A_393 = arith.index_cast %get3A_392 : i32 to index
    %get3A_394 = arith.constant 96 : index
    %get3A_395 = tpu.vector_load %arg10[%get3A_393, %get3A_394] {strides = array<i32>} : memref<200x128xf32, #tpu.memory_space<vmem>>, vector<1x16xf32>,
    %get3A_396 = vector.shape_cast %get3A_395 : vector<1x16xf32> to vector<16xf32>
    %mul3A_397 = arith.mulf %get3A_391, %get3A_396 : vector<16xf32>
    %get3A_398 = arith.constant 196 : i32
    %get3A_399 = arith.index_cast %get3A_398 : i32 to index
    %get3A_400 = arith.constant 96 : index
    %get3A_401 = tpu.vector_load %arg12[%get3A_399, %get3A_400] {strides = array<i32>} : memref<200x128xf32, #tpu.memory_space<vmem>>, vector<1x16xf32>,
    %get3A_402 = vector.shape_cast %get3A_401 : vector<1x16xf32> to vector<16xf32>
    %get3A_403 = arith.constant 197 : i32
    %get3A_404 = arith.index_cast %get3A_403 : i32 to index
    %get3A_405 = arith.constant 64 : index
    %get3A_406 = tpu.vector_load %arg10[%get3A_404, %get3A_405] {strides = array<i32>} : memref<200x128xf32, #tpu.memory_space<vmem>>, vector<1x16xf32>,
    %get3A_407 = vector.shape_cast %get3A_406 : vector<1x16xf32> to vector<16xf32>
    %mul3A_408 = arith.mulf %get3A_402, %get3A_407 : vector<16xf32>
    %max3A_409 = arith.maximumf %mul3A_408, %mul3A_397 : vector<16xf32>
    %get3A_410 = arith.constant 198 : i32
    %get3A_411 = arith.index_cast %get3A_410 : i32 to index
    %get3A_412 = arith.constant 96 : index
    %get3A_413 = tpu.vector_load %arg12[%get3A_411, %get3A_412] {strides = array<i32>} : memref<200x128xf32, #tpu.memory_space<vmem>>, vector<1x16xf32>,
    %get3A_414 = vector.shape_cast %get3A_413 : vector<1x16xf32> to vector<16xf32>
    %get3A_415 = arith.constant 197 : i32
    %get3A_416 = arith.index_cast %get3A_415 : i32 to index
    %get3A_417 = arith.constant 0 : index
    %get3A_418 = tpu.vector_load %arg12[%get3A_416, %get3A_417] {strides = array<i32>} : memref<200x128xf32, #tpu.memory_space<vmem>>, vector<1x16xf32>,
    %get3A_419 = vector.shape_cast %get3A_418 : vector<1x16xf32> to vector<16xf32>
    %mul3A_420 = arith.mulf %get3A_414, %get3A_419 : vector<16xf32>
    %max3A_421 = arith.maximumf %max3A_409, %mul3A_420 : vector<16xf32>
    %swap3A_422 = arith.constant 196 : i32
    %swap3A_423 = arith.index_cast %swap3A_422 : i32 to index
    %swap3A_424 = arith.constant 0 : index
    %swap3A_425 = tpu.vector_load %arg14[%swap3A_423, %swap3A_424] {strides = array<i32>} : memref<198x32xf32, #tpu.memory_space<vmem>>, vector<1x16xf32>,
    %swap3A_426 = vector.shape_cast %swap3A_425 : vector<1x16xf32> to vector<16xf32>
    %swap3A_427 = vector.shape_cast %max3A_421 : vector<16xf32> to vector<1x16xf32>
    tpu.vector_store %arg14[%swap3A_423, %swap3A_424], %swap3A_427 {strides = array<i32>} : memref<198x32xf32, #tpu.memory_space<vmem>>, vector<1x16xf32>,
    %get3A_428 = arith.constant 195 : i32
    %get3A_429 = arith.index_cast %get3A_428 : i32 to index
    %get3A_430 = arith.constant 96 : index
    %get3A_431 = tpu.vector_load %arg12[%get3A_429, %get3A_430] {strides = array<i32>} : memref<200x128xf32, #tpu.memory_space<vmem>>, vector<1x16xf32>,
    %get3A_432 = vector.shape_cast %get3A_431 : vector<1x16xf32> to vector<16xf32>
    %get3A_433 = arith.constant 197 : i32
    %get3A_434 = arith.index_cast %get3A_433 : i32 to index
    %get3A_435 = arith.constant 32 : index
    %get3A_436 = tpu.vector_load %arg10[%get3A_434, %get3A_435] {strides = array<i32>} : memref<200x128xf32, #tpu.memory_space<vmem>>, vector<1x16xf32>,
    %get3A_437 = vector.shape_cast %get3A_436 : vector<1x16xf32> to vector<16xf32>
    %mul3A_438 = arith.mulf %get3A_432, %get3A_437 : vector<16xf32>
    %get3A_439 = arith.constant 199 : i32
    %get3A_440 = arith.index_cast %get3A_439 : i32 to index
    %get3A_441 = arith.constant 96 : index
    %get3A_442 = tpu.vector_load %arg12[%get3A_440, %get3A_441] {strides = array<i32>} : memref<200x128xf32, #tpu.memory_space<vmem>>, vector<1x16xf32>,
    %get3A_443 = vector.shape_cast %get3A_442 : vector<1x16xf32> to vector<16xf32>
    %get3A_444 = arith.constant 197 : i32
    %get3A_445 = arith.index_cast %get3A_444 : i32 to index
    %get3A_446 = arith.constant 32 : index
    %get3A_447 = tpu.vector_load %arg12[%get3A_445, %get3A_446] {strides = array<i32>} : memref<200x128xf32, #tpu.memory_space<vmem>>, vector<1x16xf32>,
    %get3A_448 = vector.shape_cast %get3A_447 : vector<1x16xf32> to vector<16xf32>
    %mul3A_449 = arith.mulf %get3A_443, %get3A_448 : vector<16xf32>
    %max3A_450 = arith.maximumf %mul3A_438, %mul3A_449 : vector<16xf32>
    %max3A_451 = arith.maximumf %max3A_421, %max3A_450 : vector<16xf32>
    %swap3A_452 = arith.constant 195 : i32
    %swap3A_453 = arith.index_cast %swap3A_452 : i32 to index
    %swap3A_454 = arith.constant 0 : index
    %swap3A_455 = tpu.vector_load %arg15[%swap3A_453, %swap3A_454] {strides = array<i32>} : memref<196x32xf32, #tpu.memory_space<vmem>>, vector<1x16xf32>,
    %swap3A_456 = vector.shape_cast %swap3A_455 : vector<1x16xf32> to vector<16xf32>
    %swap3A_457 = vector.shape_cast %max3A_451 : vector<16xf32> to vector<1x16xf32>
    tpu.vector_store %arg15[%swap3A_453, %swap3A_454], %swap3A_457 {strides = array<i32>} : memref<196x32xf32, #tpu.memory_space<vmem>>, vector<1x16xf32>,
    %get3A_458 = arith.constant 197 : i32
    %get3A_459 = arith.index_cast %get3A_458 : i32 to index
    %get3A_460 = arith.constant 112 : index
    %get3A_461 = tpu.vector_load %arg12[%get3A_459, %get3A_460] {strides = array<i32>} : memref<200x128xf32, #tpu.memory_space<vmem>>, vector<1x16xf32>,
    %get3A_462 = vector.shape_cast %get3A_461 : vector<1x16xf32> to vector<16xf32>
    %get3A_463 = arith.constant 197 : i32
    %get3A_464 = arith.index_cast %get3A_463 : i32 to index
    %get3A_465 = arith.constant 112 : index
    %get3A_466 = tpu.vector_load %arg10[%get3A_464, %get3A_465] {strides = array<i32>} : memref<200x128xf32, #tpu.memory_space<vmem>>, vector<1x16xf32>,
    %get3A_467 = vector.shape_cast %get3A_466 : vector<1x16xf32> to vector<16xf32>
    %mul3A_468 = arith.mulf %get3A_462, %get3A_467 : vector<16xf32>
    %get3A_469 = arith.constant 196 : i32
    %get3A_470 = arith.index_cast %get3A_469 : i32 to index
    %get3A_471 = arith.constant 112 : index
    %get3A_472 = tpu.vector_load %arg12[%get3A_470, %get3A_471] {strides = array<i32>} : memref<200x128xf32, #tpu.memory_space<vmem>>, vector<1x16xf32>,
    %get3A_473 = vector.shape_cast %get3A_472 : vector<1x16xf32> to vector<16xf32>
    %get3A_474 = arith.constant 197 : i32
    %get3A_475 = arith.index_cast %get3A_474 : i32 to index
    %get3A_476 = arith.constant 80 : index
    %get3A_477 = tpu.vector_load %arg10[%get3A_475, %get3A_476] {strides = array<i32>} : memref<200x128xf32, #tpu.memory_space<vmem>>, vector<1x16xf32>,
    %get3A_478 = vector.shape_cast %get3A_477 : vector<1x16xf32> to vector<16xf32>
    %mul3A_479 = arith.mulf %get3A_473, %get3A_478 : vector<16xf32>
    %max3A_480 = arith.maximumf %mul3A_479, %mul3A_468 : vector<16xf32>
    %get3A_481 = arith.constant 198 : i32
    %get3A_482 = arith.index_cast %get3A_481 : i32 to index
    %get3A_483 = arith.constant 112 : index
    %get3A_484 = tpu.vector_load %arg12[%get3A_482, %get3A_483] {strides = array<i32>} : memref<200x128xf32, #tpu.memory_space<vmem>>, vector<1x16xf32>,
    %get3A_485 = vector.shape_cast %get3A_484 : vector<1x16xf32> to vector<16xf32>
    %get3A_486 = arith.constant 197 : i32
    %get3A_487 = arith.index_cast %get3A_486 : i32 to index
    %get3A_488 = arith.constant 16 : index
    %get3A_489 = tpu.vector_load %arg12[%get3A_487, %get3A_488] {strides = array<i32>} : memref<200x128xf32, #tpu.memory_space<vmem>>, vector<1x16xf32>,
    %get3A_490 = vector.shape_cast %get3A_489 : vector<1x16xf32> to vector<16xf32>
    %mul3A_491 = arith.mulf %get3A_485, %get3A_490 : vector<16xf32>
    %max3A_492 = arith.maximumf %max3A_480, %mul3A_491 : vector<16xf32>
    %swap3A_493 = arith.constant 196 : i32
    %swap3A_494 = arith.index_cast %swap3A_493 : i32 to index
    %swap3A_495 = arith.constant 16 : index
    %swap3A_496 = tpu.vector_load %arg14[%swap3A_494, %swap3A_495] {strides = array<i32>} : memref<198x32xf32, #tpu.memory_space<vmem>>, vector<1x16xf32>,
    %swap3A_497 = vector.shape_cast %swap3A_496 : vector<1x16xf32> to vector<16xf32>
    %swap3A_498 = vector.shape_cast %max3A_492 : vector<16xf32> to vector<1x16xf32>
    tpu.vector_store %arg14[%swap3A_494, %swap3A_495], %swap3A_498 {strides = array<i32>} : memref<198x32xf32, #tpu.memory_space<vmem>>, vector<1x16xf32>,
    %get3A_499 = arith.constant 195 : i32
    %get3A_500 = arith.index_cast %get3A_499 : i32 to index
    %get3A_501 = arith.constant 112 : index
    %get3A_502 = tpu.vector_load %arg12[%get3A_500, %get3A_501] {strides = array<i32>} : memref<200x128xf32, #tpu.memory_space<vmem>>, vector<1x16xf32>,
    %get3A_503 = vector.shape_cast %get3A_502 : vector<1x16xf32> to vector<16xf32>
    %get3A_504 = arith.constant 197 : i32
    %get3A_505 = arith.index_cast %get3A_504 : i32 to index
    %get3A_506 = arith.constant 48 : index
    %get3A_507 = tpu.vector_load %arg10[%get3A_505, %get3A_506] {strides = array<i32>} : memref<200x128xf32, #tpu.memory_space<vmem>>, vector<1x16xf32>,
    %get3A_508 = vector.shape_cast %get3A_507 : vector<1x16xf32> to vector<16xf32>
    %mul3A_509 = arith.mulf %get3A_503, %get3A_508 : vector<16xf32>
    %get3A_510 = arith.constant 199 : i32
    %get3A_511 = arith.index_cast %get3A_510 : i32 to index
    %get3A_512 = arith.constant 112 : index
    %get3A_513 = tpu.vector_load %arg12[%get3A_511, %get3A_512] {strides = array<i32>} : memref<200x128xf32, #tpu.memory_space<vmem>>, vector<1x16xf32>,
    %get3A_514 = vector.shape_cast %get3A_513 : vector<1x16xf32> to vector<16xf32>
    %get3A_515 = arith.constant 197 : i32
    %get3A_516 = arith.index_cast %get3A_515 : i32 to index
    %get3A_517 = arith.constant 48 : index
    %get3A_518 = tpu.vector_load %arg12[%get3A_516, %get3A_517] {strides = array<i32>} : memref<200x128xf32, #tpu.memory_space<vmem>>, vector<1x16xf32>,
    %get3A_519 = vector.shape_cast %get3A_518 : vector<1x16xf32> to vector<16xf32>
    %mul3A_520 = arith.mulf %get3A_514, %get3A_519 : vector<16xf32>
    %max3A_521 = arith.maximumf %mul3A_509, %mul3A_520 : vector<16xf32>
    %max3A_522 = arith.maximumf %max3A_492, %max3A_521 : vector<16xf32>
    %swap3A_523 = arith.constant 195 : i32
    %swap3A_524 = arith.index_cast %swap3A_523 : i32 to index
    %swap3A_525 = arith.constant 16 : index
    %swap3A_526 = tpu.vector_load %arg15[%swap3A_524, %swap3A_525] {strides = array<i32>} : memref<196x32xf32, #tpu.memory_space<vmem>>, vector<1x16xf32>,
    %swap3A_527 = vector.shape_cast %swap3A_526 : vector<1x16xf32> to vector<16xf32>
    %swap3A_528 = vector.shape_cast %max3A_522 : vector<16xf32> to vector<1x16xf32>
    tpu.vector_store %arg15[%swap3A_524, %swap3A_525], %swap3A_528 {strides = array<i32>} : memref<196x32xf32, #tpu.memory_space<vmem>>, vector<1x16xf32>,
    %get3A_529 = arith.constant 198 : i32
    %get3A_530 = arith.index_cast %get3A_529 : i32 to index
    %get3A_531 = arith.constant 96 : index
    %get3A_532 = tpu.vector_load %arg12[%get3A_530, %get3A_531] {strides = array<i32>} : memref<200x128xf32, #tpu.memory_space<vmem>>, vector<1x16xf32>,
    %get3A_533 = vector.shape_cast %get3A_532 : vector<1x16xf32> to vector<16xf32>
    %get3A_534 = arith.constant 198 : i32
    %get3A_535 = arith.index_cast %get3A_534 : i32 to index
    %get3A_536 = arith.constant 96 : index
    %get3A_537 = tpu.vector_load %arg10[%get3A_535, %get3A_536] {strides = array<i32>} : memref<200x128xf32, #tpu.memory_space<vmem>>, vector<1x16xf32>,
    %get3A_538 = vector.shape_cast %get3A_537 : vector<1x16xf32> to vector<16xf32>
    %mul3A_539 = arith.mulf %get3A_533, %get3A_538 : vector<16xf32>
    %get3A_540 = arith.constant 197 : i32
    %get3A_541 = arith.index_cast %get3A_540 : i32 to index
    %get3A_542 = arith.constant 96 : index
    %get3A_543 = tpu.vector_load %arg12[%get3A_541, %get3A_542] {strides = array<i32>} : memref<200x128xf32, #tpu.memory_space<vmem>>, vector<1x16xf32>,
    %get3A_544 = vector.shape_cast %get3A_543 : vector<1x16xf32> to vector<16xf32>
    %get3A_545 = arith.constant 198 : i32
    %get3A_546 = arith.index_cast %get3A_545 : i32 to index
    %get3A_547 = arith.constant 64 : index
    %get3A_548 = tpu.vector_load %arg10[%get3A_546, %get3A_547] {strides = array<i32>} : memref<200x128xf32, #tpu.memory_space<vmem>>, vector<1x16xf32>,
    %get3A_549 = vector.shape_cast %get3A_548 : vector<1x16xf32> to vector<16xf32>
    %mul3A_550 = arith.mulf %get3A_544, %get3A_549 : vector<16xf32>
    %max3A_551 = arith.maximumf %mul3A_550, %mul3A_539 : vector<16xf32>
    %get3A_552 = arith.constant 199 : i32
    %get3A_553 = arith.index_cast %get3A_552 : i32 to index
    %get3A_554 = arith.constant 96 : index
    %get3A_555 = tpu.vector_load %arg12[%get3A_553, %get3A_554] {strides = array<i32>} : memref<200x128xf32, #tpu.memory_space<vmem>>, vector<1x16xf32>,
    %get3A_556 = vector.shape_cast %get3A_555 : vector<1x16xf32> to vector<16xf32>
    %get3A_557 = arith.constant 198 : i32
    %get3A_558 = arith.index_cast %get3A_557 : i32 to index
    %get3A_559 = arith.constant 0 : index
    %get3A_560 = tpu.vector_load %arg12[%get3A_558, %get3A_559] {strides = array<i32>} : memref<200x128xf32, #tpu.memory_space<vmem>>, vector<1x16xf32>,
    %get3A_561 = vector.shape_cast %get3A_560 : vector<1x16xf32> to vector<16xf32>
    %mul3A_562 = arith.mulf %get3A_556, %get3A_561 : vector<16xf32>
    %max3A_563 = arith.maximumf %max3A_551, %mul3A_562 : vector<16xf32>
    %swap3A_564 = arith.constant 197 : i32
    %swap3A_565 = arith.index_cast %swap3A_564 : i32 to index
    %swap3A_566 = arith.constant 0 : index
    %swap3A_567 = tpu.vector_load %arg14[%swap3A_565, %swap3A_566] {strides = array<i32>} : memref<198x32xf32, #tpu.memory_space<vmem>>, vector<1x16xf32>,
    %swap3A_568 = vector.shape_cast %swap3A_567 : vector<1x16xf32> to vector<16xf32>
    %swap3A_569 = vector.shape_cast %max3A_563 : vector<16xf32> to vector<1x16xf32>
    tpu.vector_store %arg14[%swap3A_565, %swap3A_566], %swap3A_569 {strides = array<i32>} : memref<198x32xf32, #tpu.memory_space<vmem>>, vector<1x16xf32>,
    %get3A_570 = arith.constant 198 : i32
    %get3A_571 = arith.index_cast %get3A_570 : i32 to index
    %get3A_572 = arith.constant 112 : index
    %get3A_573 = tpu.vector_load %arg12[%get3A_571, %get3A_572] {strides = array<i32>} : memref<200x128xf32, #tpu.memory_space<vmem>>, vector<1x16xf32>,
    %get3A_574 = vector.shape_cast %get3A_573 : vector<1x16xf32> to vector<16xf32>
    %get3A_575 = arith.constant 198 : i32
    %get3A_576 = arith.index_cast %get3A_575 : i32 to index
    %get3A_577 = arith.constant 112 : index
    %get3A_578 = tpu.vector_load %arg10[%get3A_576, %get3A_577] {strides = array<i32>} : memref<200x128xf32, #tpu.memory_space<vmem>>, vector<1x16xf32>,
    %get3A_579 = vector.shape_cast %get3A_578 : vector<1x16xf32> to vector<16xf32>
    %mul3A_580 = arith.mulf %get3A_574, %get3A_579 : vector<16xf32>
    %get3A_581 = arith.constant 197 : i32
    %get3A_582 = arith.index_cast %get3A_581 : i32 to index
    %get3A_583 = arith.constant 112 : index
    %get3A_584 = tpu.vector_load %arg12[%get3A_582, %get3A_583] {strides = array<i32>} : memref<200x128xf32, #tpu.memory_space<vmem>>, vector<1x16xf32>,
    %get3A_585 = vector.shape_cast %get3A_584 : vector<1x16xf32> to vector<16xf32>
    %get3A_586 = arith.constant 198 : i32
    %get3A_587 = arith.index_cast %get3A_586 : i32 to index
    %get3A_588 = arith.constant 80 : index
    %get3A_589 = tpu.vector_load %arg10[%get3A_587, %get3A_588] {strides = array<i32>} : memref<200x128xf32, #tpu.memory_space<vmem>>, vector<1x16xf32>,
    %get3A_590 = vector.shape_cast %get3A_589 : vector<1x16xf32> to vector<16xf32>
    %mul3A_591 = arith.mulf %get3A_585, %get3A_590 : vector<16xf32>
    %max3A_592 = arith.maximumf %mul3A_591, %mul3A_580 : vector<16xf32>
    %get3A_593 = arith.constant 199 : i32
    %get3A_594 = arith.index_cast %get3A_593 : i32 to index
    %get3A_595 = arith.constant 112 : index
    %get3A_596 = tpu.vector_load %arg12[%get3A_594, %get3A_595] {strides = array<i32>} : memref<200x128xf32, #tpu.memory_space<vmem>>, vector<1x16xf32>,
    %get3A_597 = vector.shape_cast %get3A_596 : vector<1x16xf32> to vector<16xf32>
    %get3A_598 = arith.constant 198 : i32
    %get3A_599 = arith.index_cast %get3A_598 : i32 to index
    %get3A_600 = arith.constant 16 : index
    %get3A_601 = tpu.vector_load %arg12[%get3A_599, %get3A_600] {strides = array<i32>} : memref<200x128xf32, #tpu.memory_space<vmem>>, vector<1x16xf32>,
    %get3A_602 = vector.shape_cast %get3A_601 : vector<1x16xf32> to vector<16xf32>
    %mul3A_603 = arith.mulf %get3A_597, %get3A_602 : vector<16xf32>
    %max3A_604 = arith.maximumf %max3A_592, %mul3A_603 : vector<16xf32>
    %swap3A_605 = arith.constant 197 : i32
    %swap3A_606 = arith.index_cast %swap3A_605 : i32 to index
    %swap3A_607 = arith.constant 16 : index
    %swap3A_608 = tpu.vector_load %arg14[%swap3A_606, %swap3A_607] {strides = array<i32>} : memref<198x32xf32, #tpu.memory_space<vmem>>, vector<1x16xf32>,
    %swap3A_609 = vector.shape_cast %swap3A_608 : vector<1x16xf32> to vector<16xf32>
    %swap3A_610 = vector.shape_cast %max3A_604 : vector<16xf32> to vector<1x16xf32>
    tpu.vector_store %arg14[%swap3A_606, %swap3A_607], %swap3A_610 {strides = array<i32>} : memref<198x32xf32, #tpu.memory_space<vmem>>, vector<1x16xf32>,
    %mul3A_611 = arith.constant 32 : i32
    %mul3A_612 = arith.muli %add3A, %mul3A_611 : i32
    %add3A_613 = arith.constant 0 : i32
    %add3A_614 = arith.addi %mul3A_612, %add3A_613 : i32
    %dma_start3A_615 = arith.constant 0 : i32
    %dma_start3A_616 = arith.constant 0 : i32
    %dma_start3A_617 = tpu.memref_slice %arg5[%add3A_614, %dma_start3A_615, %dma_start3A_616] : memref<1024x198x32xf32, #tpu.memory_space<hbm>> -> memref<1x198x32xf32, #tpu.memory_space<hbm>>
    %dma_start3A_618 = tpu.memref_squeeze %dma_start3A_617 : memref<1x198x32xf32, #tpu.memory_space<hbm>> -> memref<198x32xf32, #tpu.memory_space<hbm>>
    %dma_start3A_619 = arith.constant 0 : i32
    %dma_start3A_620 = arith.constant 0 : i32
    %dma_start3A_621 = tpu.memref_slice %arg5[%add3A_614, %dma_start3A_619, %dma_start3A_620] : memref<1024x198x32xf32, #tpu.memory_space<hbm>> -> memref<1x198x32xf32, #tpu.memory_space<hbm>>
    %dma_start3A_622 = tpu.memref_squeeze %dma_start3A_621 : memref<1x198x32xf32, #tpu.memory_space<hbm>> -> memref<198x32xf32, #tpu.memory_space<hbm>>
    tpu.enqueue_dma source(%arg14 : memref<198x32xf32, #tpu.memory_space<vmem>>) target(%dma_start3A_622 : memref<198x32xf32, #tpu.memory_space<hbm>>) target_semaphore(%arg18 : memref<!tpu.dma_semaphore, #tpu.memory_space<semaphore_mem>>)
    %dma_start3A_623 = arith.constant 0 : i32
    %dma_start3A_624 = arith.constant 0 : i32
    %dma_start3A_625 = tpu.memref_slice %arg6[%add3A_614, %dma_start3A_623, %dma_start3A_624] : memref<1024x196x32xf32, #tpu.memory_space<hbm>> -> memref<1x196x32xf32, #tpu.memory_space<hbm>>
    %dma_start3A_626 = tpu.memref_squeeze %dma_start3A_625 : memref<1x196x32xf32, #tpu.memory_space<hbm>> -> memref<196x32xf32, #tpu.memory_space<hbm>>
    %dma_start3A_627 = arith.constant 0 : i32
    %dma_start3A_628 = arith.constant 0 : i32
    %dma_start3A_629 = tpu.memref_slice %arg6[%add3A_614, %dma_start3A_627, %dma_start3A_628] : memref<1024x196x32xf32, #tpu.memory_space<hbm>> -> memref<1x196x32xf32, #tpu.memory_space<hbm>>
    %dma_start3A_630 = tpu.memref_squeeze %dma_start3A_629 : memref<1x196x32xf32, #tpu.memory_space<hbm>> -> memref<196x32xf32, #tpu.memory_space<hbm>>
    tpu.enqueue_dma source(%arg15 : memref<196x32xf32, #tpu.memory_space<vmem>>) target(%dma_start3A_630 : memref<196x32xf32, #tpu.memory_space<hbm>>) target_semaphore(%arg18 : memref<!tpu.dma_semaphore, #tpu.memory_space<semaphore_mem>>)
    %dma_start3A_631 = arith.constant 0 : i32
    %dma_start3A_632 = arith.constant 0 : i32
    %dma_start3A_633 = tpu.memref_slice %arg7[%add3A_614, %dma_start3A_631, %dma_start3A_632] : memref<1024x194x32xf32, #tpu.memory_space<hbm>> -> memref<1x194x32xf32, #tpu.memory_space<hbm>>
    %dma_start3A_634 = tpu.memref_squeeze %dma_start3A_633 : memref<1x194x32xf32, #tpu.memory_space<hbm>> -> memref<194x32xf32, #tpu.memory_space<hbm>>
    %dma_start3A_635 = arith.constant 0 : i32
    %dma_start3A_636 = arith.constant 0 : i32
    %dma_start3A_637 = tpu.memref_slice %arg7[%add3A_614, %dma_start3A_635, %dma_start3A_636] : memref<1024x194x32xf32, #tpu.memory_space<hbm>> -> memref<1x194x32xf32, #tpu.memory_space<hbm>>
    %dma_start3A_638 = tpu.memref_squeeze %dma_start3A_637 : memref<1x194x32xf32, #tpu.memory_space<hbm>> -> memref<194x32xf32, #tpu.memory_space<hbm>>
    tpu.enqueue_dma source(%arg16 : memref<194x32xf32, #tpu.memory_space<vmem>>) target(%dma_start3A_638 : memref<194x32xf32, #tpu.memory_space<hbm>>) target_semaphore(%arg18 : memref<!tpu.dma_semaphore, #tpu.memory_space<semaphore_mem>>)
    %scan3A = arith.constant 0 : i32
    %scan3A_639 = arith.constant 15 : i32
    %scan3A_640 = arith.addi %scan3A, %scan3A_639 : i32
    %scan3A_641 = arith.constant 1 : i32
    scf.for %scan3A_1271 = %scan3A to %scan3A_640 step %scan3A_641  : i32 {
      %mul3A_1272 = arith.constant 2 : i32
      %mul3A_1273 = arith.muli %mul3A_1272, %scan3A_1271 : i32
      %add3A_1274 = arith.constant 1 : i32
      %add3A_1275 = arith.addi %add3A_1274, %mul3A_1273 : i32
      %dma_wait3A_1276 = arith.constant 0 : i32
      %dma_wait3A_1277 = arith.constant 0 : i32
      %dma_wait3A_1278 = tpu.memref_slice %arg11[%dma_wait3A_1276, %dma_wait3A_1277] : memref<200x128xf32, #tpu.memory_space<vmem>> -> memref<128x128xf32, #tpu.memory_space<vmem>>
      %dma_wait3A_1279 = arith.constant 0 : i32
      %dma_wait3A_1280 = tpu.memref_slice %arg9[%dma_wait3A_1279] : memref<200xi32, #tpu.memory_space<vmem>> -> memref<128xi32, #tpu.memory_space<vmem>>
      %dma_wait3A_1281 = arith.constant 0 : i32
      %dma_wait3A_1282 = arith.constant 0 : i32
      %dma_wait3A_1283 = tpu.memref_slice %arg3[%dma_wait3A_1281, %dma_wait3A_1282] : memref<100000x128xf32, #tpu.memory_space<hbm>> -> memref<100000x128xf32, #tpu.memory_space<hbm>>
      tpu.wait_indirect_dma semaphore(%arg17 : memref<!tpu.dma_semaphore, #tpu.memory_space<semaphore_mem>>) src(%dma_wait3A_1283 : memref<100000x128xf32, #tpu.memory_space<hbm>>) dst(%dma_wait3A_1278 : memref<128x128xf32, #tpu.memory_space<vmem>>)
      %dma_wait3A_1284 = arith.constant 0 : i32
      %dma_wait3A_1285 = arith.constant 0 : i32
      %dma_wait3A_1286 = tpu.memref_slice %arg13[%dma_wait3A_1284, %dma_wait3A_1285] : memref<200x128xf32, #tpu.memory_space<vmem>> -> memref<128x128xf32, #tpu.memory_space<vmem>>
      %dma_wait3A_1287 = arith.constant 0 : i32
      %dma_wait3A_1288 = tpu.memref_slice %arg9[%dma_wait3A_1287] : memref<200xi32, #tpu.memory_space<vmem>> -> memref<128xi32, #tpu.memory_space<vmem>>
      %dma_wait3A_1289 = arith.constant 0 : i32
      %dma_wait3A_1290 = arith.constant 0 : i32
      %dma_wait3A_1291 = tpu.memref_slice %arg4[%dma_wait3A_1289, %dma_wait3A_1290] : memref<100000x128xf32, #tpu.memory_space<hbm>> -> memref<100000x128xf32, #tpu.memory_space<hbm>>
      tpu.wait_indirect_dma semaphore(%arg17 : memref<!tpu.dma_semaphore, #tpu.memory_space<semaphore_mem>>) src(%dma_wait3A_1291 : memref<100000x128xf32, #tpu.memory_space<hbm>>) dst(%dma_wait3A_1286 : memref<128x128xf32, #tpu.memory_space<vmem>>)
      %dma_wait3A_1292 = arith.constant 128 : i32
      %dma_wait3A_1293 = arith.constant 0 : i32
      %dma_wait3A_1294 = tpu.memref_slice %arg11[%dma_wait3A_1292, %dma_wait3A_1293] : memref<200x128xf32, #tpu.memory_space<vmem>> -> memref<72x128xf32, #tpu.memory_space<vmem>>
      %dma_wait3A_1295 = arith.constant 128 : i32
      %dma_wait3A_1296 = tpu.memref_slice %arg9[%dma_wait3A_1295] : memref<200xi32, #tpu.memory_space<vmem>> -> memref<72xi32, #tpu.memory_space<vmem>>
      %dma_wait3A_1297 = arith.constant 0 : i32
      %dma_wait3A_1298 = arith.constant 0 : i32
      %dma_wait3A_1299 = tpu.memref_slice %arg3[%dma_wait3A_1297, %dma_wait3A_1298] : memref<100000x128xf32, #tpu.memory_space<hbm>> -> memref<100000x128xf32, #tpu.memory_space<hbm>>
      tpu.wait_indirect_dma semaphore(%arg17 : memref<!tpu.dma_semaphore, #tpu.memory_space<semaphore_mem>>) src(%dma_wait3A_1299 : memref<100000x128xf32, #tpu.memory_space<hbm>>) dst(%dma_wait3A_1294 : memref<72x128xf32, #tpu.memory_space<vmem>>)
      %dma_wait3A_1300 = arith.constant 128 : i32
      %dma_wait3A_1301 = arith.constant 0 : i32
      %dma_wait3A_1302 = tpu.memref_slice %arg13[%dma_wait3A_1300, %dma_wait3A_1301] : memref<200x128xf32, #tpu.memory_space<vmem>> -> memref<72x128xf32, #tpu.memory_space<vmem>>
      %dma_wait3A_1303 = arith.constant 128 : i32
      %dma_wait3A_1304 = tpu.memref_slice %arg9[%dma_wait3A_1303] : memref<200xi32, #tpu.memory_space<vmem>> -> memref<72xi32, #tpu.memory_space<vmem>>
      %dma_wait3A_1305 = arith.constant 0 : i32
      %dma_wait3A_1306 = arith.constant 0 : i32
      %dma_wait3A_1307 = tpu.memref_slice %arg4[%dma_wait3A_1305, %dma_wait3A_1306] : memref<100000x128xf32, #tpu.memory_space<hbm>> -> memref<100000x128xf32, #tpu.memory_space<hbm>>
      tpu.wait_indirect_dma semaphore(%arg17 : memref<!tpu.dma_semaphore, #tpu.memory_space<semaphore_mem>>) src(%dma_wait3A_1307 : memref<100000x128xf32, #tpu.memory_space<hbm>>) dst(%dma_wait3A_1302 : memref<72x128xf32, #tpu.memory_space<vmem>>)
      %add3A_1308 = arith.constant 0 : i32
      %add3A_1309 = arith.addi %add3A_1275, %add3A_1308 : i32
      %add3A_1310 = arith.constant 1 : i32
      %add3A_1311 = arith.addi %add3A_1309, %add3A_1310 : i32
      %mul3A_1312 = arith.constant 32 : i32
      %mul3A_1313 = arith.muli %add3A, %mul3A_1312 : i32
      %add3A_1314 = arith.addi %mul3A_1313, %add3A_1311 : i32
      "tpu.region"() ({
        %run_scoped3A = tpu.sem_alloc : memref<!tpu.dma_semaphore, #tpu.memory_space<semaphore_mem>>
        %dma_start3A_2556 = arith.constant 0 : i32
        %dma_start3A_2557 = tpu.memref_slice %arg2[%add3A_1314, %dma_start3A_2556] : memref<1024x200xi32, #tpu.memory_space<hbm>> -> memref<1x200xi32, #tpu.memory_space<hbm>>
        %dma_start3A_2558 = tpu.memref_squeeze %dma_start3A_2557 : memref<1x200xi32, #tpu.memory_space<hbm>> -> memref<200xi32, #tpu.memory_space<hbm>>
        %dma_start3A_2559 = arith.constant 0 : i32
        %dma_start3A_2560 = tpu.memref_slice %arg2[%add3A_1314, %dma_start3A_2559] : memref<1024x200xi32, #tpu.memory_space<hbm>> -> memref<1x200xi32, #tpu.memory_space<hbm>>
        %dma_start3A_2561 = tpu.memref_squeeze %dma_start3A_2560 : memref<1x200xi32, #tpu.memory_space<hbm>> -> memref<200xi32, #tpu.memory_space<hbm>>
        tpu.enqueue_dma source(%dma_start3A_2561 : memref<200xi32, #tpu.memory_space<hbm>>) target(%arg8 : memref<200xi32, #tpu.memory_space<vmem>>) target_semaphore(%run_scoped3A : memref<!tpu.dma_semaphore, #tpu.memory_space<semaphore_mem>>)
        %dma_wait3A_2562 = arith.constant 0 : i32
        %dma_wait3A_2563 = tpu.memref_slice %arg2[%add3A_1314, %dma_wait3A_2562] : memref<1024x200xi32, #tpu.memory_space<hbm>> -> memref<1x200xi32, #tpu.memory_space<hbm>>
        %dma_wait3A_2564 = tpu.memref_squeeze %dma_wait3A_2563 : memref<1x200xi32, #tpu.memory_space<hbm>> -> memref<200xi32, #tpu.memory_space<hbm>>
        %dma_wait3A_2565 = arith.constant 0 : i32
        %dma_wait3A_2566 = tpu.memref_slice %arg2[%add3A_1314, %dma_wait3A_2565] : memref<1024x200xi32, #tpu.memory_space<hbm>> -> memref<1x200xi32, #tpu.memory_space<hbm>>
        %dma_wait3A_2567 = tpu.memref_squeeze %dma_wait3A_2566 : memref<1x200xi32, #tpu.memory_space<hbm>> -> memref<200xi32, #tpu.memory_space<hbm>>
        tpu.wait_dma2 semaphore(%run_scoped3A : memref<!tpu.dma_semaphore, #tpu.memory_space<semaphore_mem>>) src(%dma_wait3A_2567 : memref<200xi32, #tpu.memory_space<hbm>>) dst(%arg8 : memref<200xi32, #tpu.memory_space<vmem>>)
        tpu.yield
      }) : () -> ()
      %dma_start3A_1315 = arith.constant 0 : i32
      %dma_start3A_1316 = arith.constant 0 : i32
      %dma_start3A_1317 = tpu.memref_slice %arg10[%dma_start3A_1315, %dma_start3A_1316] : memref<200x128xf32, #tpu.memory_space<vmem>> -> memref<128x128xf32, #tpu.memory_space<vmem>>
      %dma_start3A_1318 = arith.constant 0 : i32
      %dma_start3A_1319 = tpu.memref_slice %arg8[%dma_start3A_1318] : memref<200xi32, #tpu.memory_space<vmem>> -> memref<128xi32, #tpu.memory_space<vmem>>
      %dma_start3A_1320 = arith.constant 0 : i32
      %dma_start3A_1321 = arith.constant 0 : i32
      %dma_start3A_1322 = tpu.memref_slice %arg3[%dma_start3A_1320, %dma_start3A_1321] : memref<100000x128xf32, #tpu.memory_space<hbm>> -> memref<100000x128xf32, #tpu.memory_space<hbm>>
      tpu.enqueue_indirect_dma source(%dma_start3A_1322 : memref<100000x128xf32, #tpu.memory_space<hbm>>) target(%dma_start3A_1317 : memref<128x128xf32, #tpu.memory_space<vmem>>) offsets(%dma_start3A_1319 : memref<128xi32, #tpu.memory_space<vmem>>) semaphore(%arg17 : memref<!tpu.dma_semaphore, #tpu.memory_space<semaphore_mem>>)
      %dma_start3A_1323 = arith.constant 0 : i32
      %dma_start3A_1324 = arith.constant 0 : i32
      %dma_start3A_1325 = tpu.memref_slice %arg12[%dma_start3A_1323, %dma_start3A_1324] : memref<200x128xf32, #tpu.memory_space<vmem>> -> memref<128x128xf32, #tpu.memory_space<vmem>>
      %dma_start3A_1326 = arith.constant 0 : i32
      %dma_start3A_1327 = tpu.memref_slice %arg8[%dma_start3A_1326] : memref<200xi32, #tpu.memory_space<vmem>> -> memref<128xi32, #tpu.memory_space<vmem>>
      %dma_start3A_1328 = arith.constant 0 : i32
      %dma_start3A_1329 = arith.constant 0 : i32
      %dma_start3A_1330 = tpu.memref_slice %arg4[%dma_start3A_1328, %dma_start3A_1329] : memref<100000x128xf32, #tpu.memory_space<hbm>> -> memref<100000x128xf32, #tpu.memory_space<hbm>>
      tpu.enqueue_indirect_dma source(%dma_start3A_1330 : memref<100000x128xf32, #tpu.memory_space<hbm>>) target(%dma_start3A_1325 : memref<128x128xf32, #tpu.memory_space<vmem>>) offsets(%dma_start3A_1327 : memref<128xi32, #tpu.memory_space<vmem>>) semaphore(%arg17 : memref<!tpu.dma_semaphore, #tpu.memory_space<semaphore_mem>>)
      %dma_start3A_1331 = arith.constant 128 : i32
      %dma_start3A_1332 = arith.constant 0 : i32
      %dma_start3A_1333 = tpu.memref_slice %arg10[%dma_start3A_1331, %dma_start3A_1332] : memref<200x128xf32, #tpu.memory_space<vmem>> -> memref<72x128xf32, #tpu.memory_space<vmem>>
      %dma_start3A_1334 = arith.constant 128 : i32
      %dma_start3A_1335 = tpu.memref_slice %arg8[%dma_start3A_1334] : memref<200xi32, #tpu.memory_space<vmem>> -> memref<72xi32, #tpu.memory_space<vmem>>
      %dma_start3A_1336 = arith.constant 0 : i32
      %dma_start3A_1337 = arith.constant 0 : i32
      %dma_start3A_1338 = tpu.memref_slice %arg3[%dma_start3A_1336, %dma_start3A_1337] : memref<100000x128xf32, #tpu.memory_space<hbm>> -> memref<100000x128xf32, #tpu.memory_space<hbm>>
      tpu.enqueue_indirect_dma source(%dma_start3A_1338 : memref<100000x128xf32, #tpu.memory_space<hbm>>) target(%dma_start3A_1333 : memref<72x128xf32, #tpu.memory_space<vmem>>) offsets(%dma_start3A_1335 : memref<72xi32, #tpu.memory_space<vmem>>) semaphore(%arg17 : memref<!tpu.dma_semaphore, #tpu.memory_space<semaphore_mem>>)
      %dma_start3A_1339 = arith.constant 128 : i32
      %dma_start3A_1340 = arith.constant 0 : i32
      %dma_start3A_1341 = tpu.memref_slice %arg12[%dma_start3A_1339, %dma_start3A_1340] : memref<200x128xf32, #tpu.memory_space<vmem>> -> memref<72x128xf32, #tpu.memory_space<vmem>>
      %dma_start3A_1342 = arith.constant 128 : i32
      %dma_start3A_1343 = tpu.memref_slice %arg8[%dma_start3A_1342] : memref<200xi32, #tpu.memory_space<vmem>> -> memref<72xi32, #tpu.memory_space<vmem>>
      %dma_start3A_1344 = arith.constant 0 : i32
      %dma_start3A_1345 = arith.constant 0 : i32
      %dma_start3A_1346 = tpu.memref_slice %arg4[%dma_start3A_1344, %dma_start3A_1345] : memref<100000x128xf32, #tpu.memory_space<hbm>> -> memref<100000x128xf32, #tpu.memory_space<hbm>>
      tpu.enqueue_indirect_dma source(%dma_start3A_1346 : memref<100000x128xf32, #tpu.memory_space<hbm>>) target(%dma_start3A_1341 : memref<72x128xf32, #tpu.memory_space<vmem>>) offsets(%dma_start3A_1343 : memref<72xi32, #tpu.memory_space<vmem>>) semaphore(%arg17 : memref<!tpu.dma_semaphore, #tpu.memory_space<semaphore_mem>>)
      %mul3A_1347 = arith.constant 32 : i32
      %mul3A_1348 = arith.muli %add3A, %mul3A_1347 : i32
      %add3A_1349 = arith.constant 0 : i32
      %add3A_1350 = arith.addi %mul3A_1348, %add3A_1349 : i32
      %dma_wait3A_1351 = arith.constant 0 : i32
      %dma_wait3A_1352 = arith.constant 0 : i32
      %dma_wait3A_1353 = tpu.memref_slice %arg5[%add3A_1350, %dma_wait3A_1351, %dma_wait3A_1352] : memref<1024x198x32xf32, #tpu.memory_space<hbm>> -> memref<1x198x32xf32, #tpu.memory_space<hbm>>
      %dma_wait3A_1354 = tpu.memref_squeeze %dma_wait3A_1353 : memref<1x198x32xf32, #tpu.memory_space<hbm>> -> memref<198x32xf32, #tpu.memory_space<hbm>>
      %dma_wait3A_1355 = arith.constant 0 : i32
      %dma_wait3A_1356 = arith.constant 0 : i32
      %dma_wait3A_1357 = tpu.memref_slice %arg5[%add3A_1350, %dma_wait3A_1355, %dma_wait3A_1356] : memref<1024x198x32xf32, #tpu.memory_space<hbm>> -> memref<1x198x32xf32, #tpu.memory_space<hbm>>
      %dma_wait3A_1358 = tpu.memref_squeeze %dma_wait3A_1357 : memref<1x198x32xf32, #tpu.memory_space<hbm>> -> memref<198x32xf32, #tpu.memory_space<hbm>>
      tpu.wait_dma2 semaphore(%arg18 : memref<!tpu.dma_semaphore, #tpu.memory_space<semaphore_mem>>) src(%arg14 : memref<198x32xf32, #tpu.memory_space<vmem>>) dst(%dma_wait3A_1358 : memref<198x32xf32, #tpu.memory_space<hbm>>)
      %dma_wait3A_1359 = arith.constant 0 : i32
      %dma_wait3A_1360 = arith.constant 0 : i32
      %dma_wait3A_1361 = tpu.memref_slice %arg6[%add3A_1350, %dma_wait3A_1359, %dma_wait3A_1360] : memref<1024x196x32xf32, #tpu.memory_space<hbm>> -> memref<1x196x32xf32, #tpu.memory_space<hbm>>
      %dma_wait3A_1362 = tpu.memref_squeeze %dma_wait3A_1361 : memref<1x196x32xf32, #tpu.memory_space<hbm>> -> memref<196x32xf32, #tpu.memory_space<hbm>>
      %dma_wait3A_1363 = arith.constant 0 : i32
      %dma_wait3A_1364 = arith.constant 0 : i32
      %dma_wait3A_1365 = tpu.memref_slice %arg6[%add3A_1350, %dma_wait3A_1363, %dma_wait3A_1364] : memref<1024x196x32xf32, #tpu.memory_space<hbm>> -> memref<1x196x32xf32, #tpu.memory_space<hbm>>
      %dma_wait3A_1366 = tpu.memref_squeeze %dma_wait3A_1365 : memref<1x196x32xf32, #tpu.memory_space<hbm>> -> memref<196x32xf32, #tpu.memory_space<hbm>>
      tpu.wait_dma2 semaphore(%arg18 : memref<!tpu.dma_semaphore, #tpu.memory_space<semaphore_mem>>) src(%arg15 : memref<196x32xf32, #tpu.memory_space<vmem>>) dst(%dma_wait3A_1366 : memref<196x32xf32, #tpu.memory_space<hbm>>)
      %dma_wait3A_1367 = arith.constant 0 : i32
      %dma_wait3A_1368 = arith.constant 0 : i32
      %dma_wait3A_1369 = tpu.memref_slice %arg7[%add3A_1350, %dma_wait3A_1367, %dma_wait3A_1368] : memref<1024x194x32xf32, #tpu.memory_space<hbm>> -> memref<1x194x32xf32, #tpu.memory_space<hbm>>
      %dma_wait3A_1370 = tpu.memref_squeeze %dma_wait3A_1369 : memref<1x194x32xf32, #tpu.memory_space<hbm>> -> memref<194x32xf32, #tpu.memory_space<hbm>>
      %dma_wait3A_1371 = arith.constant 0 : i32
      %dma_wait3A_1372 = arith.constant 0 : i32
      %dma_wait3A_1373 = tpu.memref_slice %arg7[%add3A_1350, %dma_wait3A_1371, %dma_wait3A_1372] : memref<1024x194x32xf32, #tpu.memory_space<hbm>> -> memref<1x194x32xf32, #tpu.memory_space<hbm>>
      %dma_wait3A_1374 = tpu.memref_squeeze %dma_wait3A_1373 : memref<1x194x32xf32, #tpu.memory_space<hbm>> -> memref<194x32xf32, #tpu.memory_space<hbm>>
      tpu.wait_dma2 semaphore(%arg18 : memref<!tpu.dma_semaphore, #tpu.memory_space<semaphore_mem>>) src(%arg16 : memref<194x32xf32, #tpu.memory_space<vmem>>) dst(%dma_wait3A_1374 : memref<194x32xf32, #tpu.memory_space<hbm>>)
      %get3A_1375 = arith.constant 0 : i32
      %get3A_1376 = arith.index_cast %get3A_1375 : i32 to index
      %get3A_1377 = arith.constant 96 : index
      %get3A_1378 = tpu.vector_load %arg13[%get3A_1376, %get3A_1377] {strides = array<i32>} : memref<200x128xf32, #tpu.memory_space<vmem>>, vector<1x16xf32>,
      %get3A_1379 = vector.shape_cast %get3A_1378 : vector<1x16xf32> to vector<16xf32>
      %get3A_1380 = arith.constant 0 : i32
      %get3A_1381 = arith.index_cast %get3A_1380 : i32 to index
      %get3A_1382 = arith.constant 112 : index
      %get3A_1383 = tpu.vector_load %arg13[%get3A_1381, %get3A_1382] {strides = array<i32>} : memref<200x128xf32, #tpu.memory_space<vmem>>, vector<1x16xf32>,
      %get3A_1384 = vector.shape_cast %get3A_1383 : vector<1x16xf32> to vector<16xf32>
      %get3A_1385 = arith.constant 1 : i32
      %get3A_1386 = arith.index_cast %get3A_1385 : i32 to index
      %get3A_1387 = arith.constant 96 : index
      %get3A_1388 = tpu.vector_load %arg13[%get3A_1386, %get3A_1387] {strides = array<i32>} : memref<200x128xf32, #tpu.memory_space<vmem>>, vector<1x16xf32>,
      %get3A_1389 = vector.shape_cast %get3A_1388 : vector<1x16xf32> to vector<16xf32>
      %get3A_1390 = arith.constant 1 : i32
      %get3A_1391 = arith.index_cast %get3A_1390 : i32 to index
      %get3A_1392 = arith.constant 112 : index
      %get3A_1393 = tpu.vector_load %arg13[%get3A_1391, %get3A_1392] {strides = array<i32>} : memref<200x128xf32, #tpu.memory_space<vmem>>, vector<1x16xf32>,
      %get3A_1394 = vector.shape_cast %get3A_1393 : vector<1x16xf32> to vector<16xf32>
      %get3A_1395 = arith.constant 2 : i32
      %get3A_1396 = arith.index_cast %get3A_1395 : i32 to index
      %get3A_1397 = arith.constant 96 : index
      %get3A_1398 = tpu.vector_load %arg13[%get3A_1396, %get3A_1397] {strides = array<i32>} : memref<200x128xf32, #tpu.memory_space<vmem>>, vector<1x16xf32>,
      %get3A_1399 = vector.shape_cast %get3A_1398 : vector<1x16xf32> to vector<16xf32>
      %get3A_1400 = arith.constant 2 : i32
      %get3A_1401 = arith.index_cast %get3A_1400 : i32 to index
      %get3A_1402 = arith.constant 112 : index
      %get3A_1403 = tpu.vector_load %arg13[%get3A_1401, %get3A_1402] {strides = array<i32>} : memref<200x128xf32, #tpu.memory_space<vmem>>, vector<1x16xf32>,
      %get3A_1404 = vector.shape_cast %get3A_1403 : vector<1x16xf32> to vector<16xf32>
      %get3A_1405 = arith.constant 3 : i32
      %get3A_1406 = arith.index_cast %get3A_1405 : i32 to index
      %get3A_1407 = arith.constant 96 : index
      %get3A_1408 = tpu.vector_load %arg13[%get3A_1406, %get3A_1407] {strides = array<i32>} : memref<200x128xf32, #tpu.memory_space<vmem>>, vector<1x16xf32>,
      %get3A_1409 = vector.shape_cast %get3A_1408 : vector<1x16xf32> to vector<16xf32>
      %get3A_1410 = arith.constant 3 : i32
      %get3A_1411 = arith.index_cast %get3A_1410 : i32 to index
      %get3A_1412 = arith.constant 112 : index
      %get3A_1413 = tpu.vector_load %arg13[%get3A_1411, %get3A_1412] {strides = array<i32>} : memref<200x128xf32, #tpu.memory_space<vmem>>, vector<1x16xf32>,
      %get3A_1414 = vector.shape_cast %get3A_1413 : vector<1x16xf32> to vector<16xf32>
      %get3A_1415 = arith.constant 4 : i32
      %get3A_1416 = arith.index_cast %get3A_1415 : i32 to index
      %get3A_1417 = arith.constant 96 : index
      %get3A_1418 = tpu.vector_load %arg13[%get3A_1416, %get3A_1417] {strides = array<i32>} : memref<200x128xf32, #tpu.memory_space<vmem>>, vector<1x16xf32>,
      %get3A_1419 = vector.shape_cast %get3A_1418 : vector<1x16xf32> to vector<16xf32>
      %get3A_1420 = arith.constant 4 : i32
      %get3A_1421 = arith.index_cast %get3A_1420 : i32 to index
      %get3A_1422 = arith.constant 112 : index
      %get3A_1423 = tpu.vector_load %arg13[%get3A_1421, %get3A_1422] {strides = array<i32>} : memref<200x128xf32, #tpu.memory_space<vmem>>, vector<1x16xf32>,
      %get3A_1424 = vector.shape_cast %get3A_1423 : vector<1x16xf32> to vector<16xf32>
      %get3A_1425 = arith.constant 5 : i32
      %get3A_1426 = arith.index_cast %get3A_1425 : i32 to index
      %get3A_1427 = arith.constant 96 : index
      %get3A_1428 = tpu.vector_load %arg13[%get3A_1426, %get3A_1427] {strides = array<i32>} : memref<200x128xf32, #tpu.memory_space<vmem>>, vector<1x16xf32>,
      %get3A_1429 = vector.shape_cast %get3A_1428 : vector<1x16xf32> to vector<16xf32>
      %get3A_1430 = arith.constant 5 : i32
      %get3A_1431 = arith.index_cast %get3A_1430 : i32 to index
      %get3A_1432 = arith.constant 112 : index
      %get3A_1433 = tpu.vector_load %arg13[%get3A_1431, %get3A_1432] {strides = array<i32>} : memref<200x128xf32, #tpu.memory_space<vmem>>, vector<1x16xf32>,
      %get3A_1434 = vector.shape_cast %get3A_1433 : vector<1x16xf32> to vector<16xf32>
      %parallel_loop3A_1435 = arith.constant 3 : i32
      %parallel_loop3A_1436 = arith.constant 197 : i32
      %parallel_loop3A_1437 = arith.constant 1 : i32
      %parallel_loop3A_1438:12 = scf.for %parallel_loop3A_2556 = %parallel_loop3A_1435 to %parallel_loop3A_1436 step %parallel_loop3A_1437 iter_args(%parallel_loop3A_2557 = %get3A_1379, %parallel_loop3A_2558 = %get3A_1384, %parallel_loop3A_2559 = %get3A_1389, %parallel_loop3A_2560 = %get3A_1394, %parallel_loop3A_2561 = %get3A_1399, %parallel_loop3A_2562 = %get3A_1404, %parallel_loop3A_2563 = %get3A_1409, %parallel_loop3A_2564 = %get3A_1414, %parallel_loop3A_2565 = %get3A_1419, %parallel_loop3A_2566 = %get3A_1424, %parallel_loop3A_2567 = %get3A_1429, %parallel_loop3A_2568 = %get3A_1434) -> (vector<16xf32>, vector<16xf32>, vector<16xf32>, vector<16xf32>, vector<16xf32>, vector<16xf32>, vector<16xf32>, vector<16xf32>, vector<16xf32>, vector<16xf32>, vector<16xf32>, vector<16xf32>)  : i32 {
        %parallel_loop3A_2569 = arith.constant 3 : i32
        %parallel_loop3A_2570 = arith.addi %parallel_loop3A_2556, %parallel_loop3A_2569 : i32
        %parallel_loop3A_2571 = arith.index_cast %parallel_loop3A_2570 : i32 to index
        %parallel_loop3A_2572 = arith.constant 96 : index
        %parallel_loop3A_2573 = tpu.vector_load %arg13[%parallel_loop3A_2571, %parallel_loop3A_2572] {strides = array<i32>} : memref<200x128xf32, #tpu.memory_space<vmem>>, vector<1x16xf32>,
        %parallel_loop3A_2574 = vector.shape_cast %parallel_loop3A_2573 : vector<1x16xf32> to vector<16xf32>
        %parallel_loop3A_2575 = arith.constant 3 : i32
        %parallel_loop3A_2576 = arith.addi %parallel_loop3A_2556, %parallel_loop3A_2575 : i32
        %parallel_loop3A_2577 = arith.index_cast %parallel_loop3A_2576 : i32 to index
        %parallel_loop3A_2578 = arith.constant 112 : index
        %parallel_loop3A_2579 = tpu.vector_load %arg13[%parallel_loop3A_2577, %parallel_loop3A_2578] {strides = array<i32>} : memref<200x128xf32, #tpu.memory_space<vmem>>, vector<1x16xf32>,
        %parallel_loop3A_2580 = vector.shape_cast %parallel_loop3A_2579 : vector<1x16xf32> to vector<16xf32>
        %parallel_loop3A_2581 = arith.index_cast %parallel_loop3A_2556 : i32 to index
        %parallel_loop3A_2582 = arith.constant 0 : index
        %parallel_loop3A_2583 = tpu.vector_load %arg11[%parallel_loop3A_2581, %parallel_loop3A_2582] {strides = array<i32>} : memref<200x128xf32, #tpu.memory_space<vmem>>, vector<1x16xf32>,
        %parallel_loop3A_2584 = vector.shape_cast %parallel_loop3A_2583 : vector<1x16xf32> to vector<16xf32>
        %parallel_loop3A_2585 = arith.mulf %parallel_loop3A_2557, %parallel_loop3A_2584 : vector<16xf32>
        %parallel_loop3A_2586 = arith.index_cast %parallel_loop3A_2556 : i32 to index
        %parallel_loop3A_2587 = arith.constant 32 : index
        %parallel_loop3A_2588 = tpu.vector_load %arg11[%parallel_loop3A_2586, %parallel_loop3A_2587] {strides = array<i32>} : memref<200x128xf32, #tpu.memory_space<vmem>>, vector<1x16xf32>,
        %parallel_loop3A_2589 = vector.shape_cast %parallel_loop3A_2588 : vector<1x16xf32> to vector<16xf32>
        %parallel_loop3A_2590 = arith.mulf %parallel_loop3A_2559, %parallel_loop3A_2589 : vector<16xf32>
        %parallel_loop3A_2591 = arith.index_cast %parallel_loop3A_2556 : i32 to index
        %parallel_loop3A_2592 = arith.constant 64 : index
        %parallel_loop3A_2593 = tpu.vector_load %arg11[%parallel_loop3A_2591, %parallel_loop3A_2592] {strides = array<i32>} : memref<200x128xf32, #tpu.memory_space<vmem>>, vector<1x16xf32>,
        %parallel_loop3A_2594 = vector.shape_cast %parallel_loop3A_2593 : vector<1x16xf32> to vector<16xf32>
        %parallel_loop3A_2595 = arith.mulf %parallel_loop3A_2561, %parallel_loop3A_2594 : vector<16xf32>
        %parallel_loop3A_2596 = arith.index_cast %parallel_loop3A_2556 : i32 to index
        %parallel_loop3A_2597 = arith.constant 96 : index
        %parallel_loop3A_2598 = tpu.vector_load %arg11[%parallel_loop3A_2596, %parallel_loop3A_2597] {strides = array<i32>} : memref<200x128xf32, #tpu.memory_space<vmem>>, vector<1x16xf32>,
        %parallel_loop3A_2599 = vector.shape_cast %parallel_loop3A_2598 : vector<1x16xf32> to vector<16xf32>
        %parallel_loop3A_2600 = arith.mulf %parallel_loop3A_2563, %parallel_loop3A_2599 : vector<16xf32>
        %parallel_loop3A_2601 = arith.index_cast %parallel_loop3A_2556 : i32 to index
        %parallel_loop3A_2602 = arith.constant 0 : index
        %parallel_loop3A_2603 = tpu.vector_load %arg13[%parallel_loop3A_2601, %parallel_loop3A_2602] {strides = array<i32>} : memref<200x128xf32, #tpu.memory_space<vmem>>, vector<1x16xf32>,
        %parallel_loop3A_2604 = vector.shape_cast %parallel_loop3A_2603 : vector<1x16xf32> to vector<16xf32>
        %parallel_loop3A_2605 = arith.mulf %parallel_loop3A_2565, %parallel_loop3A_2604 : vector<16xf32>
        %parallel_loop3A_2606 = arith.index_cast %parallel_loop3A_2556 : i32 to index
        %parallel_loop3A_2607 = arith.constant 32 : index
        %parallel_loop3A_2608 = tpu.vector_load %arg13[%parallel_loop3A_2606, %parallel_loop3A_2607] {strides = array<i32>} : memref<200x128xf32, #tpu.memory_space<vmem>>, vector<1x16xf32>,
        %parallel_loop3A_2609 = vector.shape_cast %parallel_loop3A_2608 : vector<1x16xf32> to vector<16xf32>
        %parallel_loop3A_2610 = arith.mulf %parallel_loop3A_2567, %parallel_loop3A_2609 : vector<16xf32>
        %parallel_loop3A_2611 = arith.index_cast %parallel_loop3A_2556 : i32 to index
        %parallel_loop3A_2612 = arith.constant 64 : index
        %parallel_loop3A_2613 = tpu.vector_load %arg13[%parallel_loop3A_2611, %parallel_loop3A_2612] {strides = array<i32>} : memref<200x128xf32, #tpu.memory_space<vmem>>, vector<1x16xf32>,
        %parallel_loop3A_2614 = vector.shape_cast %parallel_loop3A_2613 : vector<1x16xf32> to vector<16xf32>
        %parallel_loop3A_2615 = arith.mulf %parallel_loop3A_2574, %parallel_loop3A_2614 : vector<16xf32>
        %parallel_loop3A_2616 = arith.maximumf %parallel_loop3A_2595, %parallel_loop3A_2600 : vector<16xf32>
        %parallel_loop3A_2617 = arith.maximumf %parallel_loop3A_2616, %parallel_loop3A_2605 : vector<16xf32>
        %parallel_loop3A_2618 = arith.maximumf %parallel_loop3A_2590, %parallel_loop3A_2610 : vector<16xf32>
        %parallel_loop3A_2619 = arith.maximumf %parallel_loop3A_2617, %parallel_loop3A_2618 : vector<16xf32>
        %parallel_loop3A_2620 = arith.maximumf %parallel_loop3A_2585, %parallel_loop3A_2615 : vector<16xf32>
        %parallel_loop3A_2621 = arith.maximumf %parallel_loop3A_2619, %parallel_loop3A_2620 : vector<16xf32>
        %parallel_loop3A_2622 = arith.constant 1 : i32
        %parallel_loop3A_2623 = arith.subi %parallel_loop3A_2556, %parallel_loop3A_2622 : i32
        %parallel_loop3A_2624 = arith.index_cast %parallel_loop3A_2623 : i32 to index
        %parallel_loop3A_2625 = arith.constant 0 : index
        %parallel_loop3A_2626 = tpu.vector_load %arg14[%parallel_loop3A_2624, %parallel_loop3A_2625] {strides = array<i32>} : memref<198x32xf32, #tpu.memory_space<vmem>>, vector<1x16xf32>,
        %parallel_loop3A_2627 = vector.shape_cast %parallel_loop3A_2626 : vector<1x16xf32> to vector<16xf32>
        %parallel_loop3A_2628 = vector.shape_cast %parallel_loop3A_2617 : vector<16xf32> to vector<1x16xf32>
        tpu.vector_store %arg14[%parallel_loop3A_2624, %parallel_loop3A_2625], %parallel_loop3A_2628 {strides = array<i32>} : memref<198x32xf32, #tpu.memory_space<vmem>>, vector<1x16xf32>,
        %parallel_loop3A_2629 = arith.constant 2 : i32
        %parallel_loop3A_2630 = arith.subi %parallel_loop3A_2556, %parallel_loop3A_2629 : i32
        %parallel_loop3A_2631 = arith.index_cast %parallel_loop3A_2630 : i32 to index
        %parallel_loop3A_2632 = arith.constant 0 : index
        %parallel_loop3A_2633 = tpu.vector_load %arg15[%parallel_loop3A_2631, %parallel_loop3A_2632] {strides = array<i32>} : memref<196x32xf32, #tpu.memory_space<vmem>>, vector<1x16xf32>,
        %parallel_loop3A_2634 = vector.shape_cast %parallel_loop3A_2633 : vector<1x16xf32> to vector<16xf32>
        %parallel_loop3A_2635 = vector.shape_cast %parallel_loop3A_2619 : vector<16xf32> to vector<1x16xf32>
        tpu.vector_store %arg15[%parallel_loop3A_2631, %parallel_loop3A_2632], %parallel_loop3A_2635 {strides = array<i32>} : memref<196x32xf32, #tpu.memory_space<vmem>>, vector<1x16xf32>,
        %parallel_loop3A_2636 = arith.constant 3 : i32
        %parallel_loop3A_2637 = arith.subi %parallel_loop3A_2556, %parallel_loop3A_2636 : i32
        %parallel_loop3A_2638 = arith.index_cast %parallel_loop3A_2637 : i32 to index
        %parallel_loop3A_2639 = arith.constant 0 : index
        %parallel_loop3A_2640 = tpu.vector_load %arg16[%parallel_loop3A_2638, %parallel_loop3A_2639] {strides = array<i32>} : memref<194x32xf32, #tpu.memory_space<vmem>>, vector<1x16xf32>,
        %parallel_loop3A_2641 = vector.shape_cast %parallel_loop3A_2640 : vector<1x16xf32> to vector<16xf32>
        %parallel_loop3A_2642 = vector.shape_cast %parallel_loop3A_2621 : vector<16xf32> to vector<1x16xf32>
        tpu.vector_store %arg16[%parallel_loop3A_2638, %parallel_loop3A_2639], %parallel_loop3A_2642 {strides = array<i32>} : memref<194x32xf32, #tpu.memory_space<vmem>>, vector<1x16xf32>,
        %parallel_loop3A_2643 = arith.index_cast %parallel_loop3A_2556 : i32 to index
        %parallel_loop3A_2644 = arith.constant 16 : index
        %parallel_loop3A_2645 = tpu.vector_load %arg11[%parallel_loop3A_2643, %parallel_loop3A_2644] {strides = array<i32>} : memref<200x128xf32, #tpu.memory_space<vmem>>, vector<1x16xf32>,
        %parallel_loop3A_2646 = vector.shape_cast %parallel_loop3A_2645 : vector<1x16xf32> to vector<16xf32>
        %parallel_loop3A_2647 = arith.mulf %parallel_loop3A_2558, %parallel_loop3A_2646 : vector<16xf32>
        %parallel_loop3A_2648 = arith.index_cast %parallel_loop3A_2556 : i32 to index
        %parallel_loop3A_2649 = arith.constant 48 : index
        %parallel_loop3A_2650 = tpu.vector_load %arg11[%parallel_loop3A_2648, %parallel_loop3A_2649] {strides = array<i32>} : memref<200x128xf32, #tpu.memory_space<vmem>>, vector<1x16xf32>,
        %parallel_loop3A_2651 = vector.shape_cast %parallel_loop3A_2650 : vector<1x16xf32> to vector<16xf32>
        %parallel_loop3A_2652 = arith.mulf %parallel_loop3A_2560, %parallel_loop3A_2651 : vector<16xf32>
        %parallel_loop3A_2653 = arith.index_cast %parallel_loop3A_2556 : i32 to index
        %parallel_loop3A_2654 = arith.constant 80 : index
        %parallel_loop3A_2655 = tpu.vector_load %arg11[%parallel_loop3A_2653, %parallel_loop3A_2654] {strides = array<i32>} : memref<200x128xf32, #tpu.memory_space<vmem>>, vector<1x16xf32>,
        %parallel_loop3A_2656 = vector.shape_cast %parallel_loop3A_2655 : vector<1x16xf32> to vector<16xf32>
        %parallel_loop3A_2657 = arith.mulf %parallel_loop3A_2562, %parallel_loop3A_2656 : vector<16xf32>
        %parallel_loop3A_2658 = arith.index_cast %parallel_loop3A_2556 : i32 to index
        %parallel_loop3A_2659 = arith.constant 112 : index
        %parallel_loop3A_2660 = tpu.vector_load %arg11[%parallel_loop3A_2658, %parallel_loop3A_2659] {strides = array<i32>} : memref<200x128xf32, #tpu.memory_space<vmem>>, vector<1x16xf32>,
        %parallel_loop3A_2661 = vector.shape_cast %parallel_loop3A_2660 : vector<1x16xf32> to vector<16xf32>
        %parallel_loop3A_2662 = arith.mulf %parallel_loop3A_2564, %parallel_loop3A_2661 : vector<16xf32>
        %parallel_loop3A_2663 = arith.index_cast %parallel_loop3A_2556 : i32 to index
        %parallel_loop3A_2664 = arith.constant 16 : index
        %parallel_loop3A_2665 = tpu.vector_load %arg13[%parallel_loop3A_2663, %parallel_loop3A_2664] {strides = array<i32>} : memref<200x128xf32, #tpu.memory_space<vmem>>, vector<1x16xf32>,
        %parallel_loop3A_2666 = vector.shape_cast %parallel_loop3A_2665 : vector<1x16xf32> to vector<16xf32>
        %parallel_loop3A_2667 = arith.mulf %parallel_loop3A_2566, %parallel_loop3A_2666 : vector<16xf32>
        %parallel_loop3A_2668 = arith.index_cast %parallel_loop3A_2556 : i32 to index
        %parallel_loop3A_2669 = arith.constant 48 : index
        %parallel_loop3A_2670 = tpu.vector_load %arg13[%parallel_loop3A_2668, %parallel_loop3A_2669] {strides = array<i32>} : memref<200x128xf32, #tpu.memory_space<vmem>>, vector<1x16xf32>,
        %parallel_loop3A_2671 = vector.shape_cast %parallel_loop3A_2670 : vector<1x16xf32> to vector<16xf32>
        %parallel_loop3A_2672 = arith.mulf %parallel_loop3A_2568, %parallel_loop3A_2671 : vector<16xf32>
        %parallel_loop3A_2673 = arith.index_cast %parallel_loop3A_2556 : i32 to index
        %parallel_loop3A_2674 = arith.constant 80 : index
        %parallel_loop3A_2675 = tpu.vector_load %arg13[%parallel_loop3A_2673, %parallel_loop3A_2674] {strides = array<i32>} : memref<200x128xf32, #tpu.memory_space<vmem>>, vector<1x16xf32>,
        %parallel_loop3A_2676 = vector.shape_cast %parallel_loop3A_2675 : vector<1x16xf32> to vector<16xf32>
        %parallel_loop3A_2677 = arith.mulf %parallel_loop3A_2580, %parallel_loop3A_2676 : vector<16xf32>
        %parallel_loop3A_2678 = arith.maximumf %parallel_loop3A_2657, %parallel_loop3A_2662 : vector<16xf32>
        %parallel_loop3A_2679 = arith.maximumf %parallel_loop3A_2678, %parallel_loop3A_2667 : vector<16xf32>
        %parallel_loop3A_2680 = arith.maximumf %parallel_loop3A_2652, %parallel_loop3A_2672 : vector<16xf32>
        %parallel_loop3A_2681 = arith.maximumf %parallel_loop3A_2679, %parallel_loop3A_2680 : vector<16xf32>
        %parallel_loop3A_2682 = arith.maximumf %parallel_loop3A_2647, %parallel_loop3A_2677 : vector<16xf32>
        %parallel_loop3A_2683 = arith.maximumf %parallel_loop3A_2681, %parallel_loop3A_2682 : vector<16xf32>
        %parallel_loop3A_2684 = arith.constant 1 : i32
        %parallel_loop3A_2685 = arith.subi %parallel_loop3A_2556, %parallel_loop3A_2684 : i32
        %parallel_loop3A_2686 = arith.index_cast %parallel_loop3A_2685 : i32 to index
        %parallel_loop3A_2687 = arith.constant 16 : index
        %parallel_loop3A_2688 = tpu.vector_load %arg14[%parallel_loop3A_2686, %parallel_loop3A_2687] {strides = array<i32>} : memref<198x32xf32, #tpu.memory_space<vmem>>, vector<1x16xf32>,
        %parallel_loop3A_2689 = vector.shape_cast %parallel_loop3A_2688 : vector<1x16xf32> to vector<16xf32>
        %parallel_loop3A_2690 = vector.shape_cast %parallel_loop3A_2679 : vector<16xf32> to vector<1x16xf32>
        tpu.vector_store %arg14[%parallel_loop3A_2686, %parallel_loop3A_2687], %parallel_loop3A_2690 {strides = array<i32>} : memref<198x32xf32, #tpu.memory_space<vmem>>, vector<1x16xf32>,
        %parallel_loop3A_2691 = arith.constant 2 : i32
        %parallel_loop3A_2692 = arith.subi %parallel_loop3A_2556, %parallel_loop3A_2691 : i32
        %parallel_loop3A_2693 = arith.index_cast %parallel_loop3A_2692 : i32 to index
        %parallel_loop3A_2694 = arith.constant 16 : index
        %parallel_loop3A_2695 = tpu.vector_load %arg15[%parallel_loop3A_2693, %parallel_loop3A_2694] {strides = array<i32>} : memref<196x32xf32, #tpu.memory_space<vmem>>, vector<1x16xf32>,
        %parallel_loop3A_2696 = vector.shape_cast %parallel_loop3A_2695 : vector<1x16xf32> to vector<16xf32>
        %parallel_loop3A_2697 = vector.shape_cast %parallel_loop3A_2681 : vector<16xf32> to vector<1x16xf32>
        tpu.vector_store %arg15[%parallel_loop3A_2693, %parallel_loop3A_2694], %parallel_loop3A_2697 {strides = array<i32>} : memref<196x32xf32, #tpu.memory_space<vmem>>, vector<1x16xf32>,
        %parallel_loop3A_2698 = arith.constant 3 : i32
        %parallel_loop3A_2699 = arith.subi %parallel_loop3A_2556, %parallel_loop3A_2698 : i32
        %parallel_loop3A_2700 = arith.index_cast %parallel_loop3A_2699 : i32 to index
        %parallel_loop3A_2701 = arith.constant 16 : index
        %parallel_loop3A_2702 = tpu.vector_load %arg16[%parallel_loop3A_2700, %parallel_loop3A_2701] {strides = array<i32>} : memref<194x32xf32, #tpu.memory_space<vmem>>, vector<1x16xf32>,
        %parallel_loop3A_2703 = vector.shape_cast %parallel_loop3A_2702 : vector<1x16xf32> to vector<16xf32>
        %parallel_loop3A_2704 = vector.shape_cast %parallel_loop3A_2683 : vector<16xf32> to vector<1x16xf32>
        tpu.vector_store %arg16[%parallel_loop3A_2700, %parallel_loop3A_2701], %parallel_loop3A_2704 {strides = array<i32>} : memref<194x32xf32, #tpu.memory_space<vmem>>, vector<1x16xf32>,
        scf.yield %parallel_loop3A_2559, %parallel_loop3A_2560, %parallel_loop3A_2561, %parallel_loop3A_2562, %parallel_loop3A_2563, %parallel_loop3A_2564, %parallel_loop3A_2565, %parallel_loop3A_2566, %parallel_loop3A_2567, %parallel_loop3A_2568, %parallel_loop3A_2574, %parallel_loop3A_2580 : vector<16xf32>, vector<16xf32>, vector<16xf32>, vector<16xf32>, vector<16xf32>, vector<16xf32>, vector<16xf32>, vector<16xf32>, vector<16xf32>, vector<16xf32>, vector<16xf32>, vector<16xf32>
      } {sc.loop_unroll_factor = 2 : i64, sc.parallel_access}
      %get3A_1439 = arith.constant 1 : i32
      %get3A_1440 = arith.index_cast %get3A_1439 : i32 to index
      %get3A_1441 = arith.constant 96 : index
      %get3A_1442 = tpu.vector_load %arg13[%get3A_1440, %get3A_1441] {strides = array<i32>} : memref<200x128xf32, #tpu.memory_space<vmem>>, vector<1x16xf32>,
      %get3A_1443 = vector.shape_cast %get3A_1442 : vector<1x16xf32> to vector<16xf32>
      %get3A_1444 = arith.constant 1 : i32
      %get3A_1445 = arith.index_cast %get3A_1444 : i32 to index
      %get3A_1446 = arith.constant 96 : index
      %get3A_1447 = tpu.vector_load %arg11[%get3A_1445, %get3A_1446] {strides = array<i32>} : memref<200x128xf32, #tpu.memory_space<vmem>>, vector<1x16xf32>,
      %get3A_1448 = vector.shape_cast %get3A_1447 : vector<1x16xf32> to vector<16xf32>
      %mul3A_1449 = arith.mulf %get3A_1443, %get3A_1448 : vector<16xf32>
      %get3A_1450 = arith.constant 0 : i32
      %get3A_1451 = arith.index_cast %get3A_1450 : i32 to index
      %get3A_1452 = arith.constant 96 : index
      %get3A_1453 = tpu.vector_load %arg13[%get3A_1451, %get3A_1452] {strides = array<i32>} : memref<200x128xf32, #tpu.memory_space<vmem>>, vector<1x16xf32>,
      %get3A_1454 = vector.shape_cast %get3A_1453 : vector<1x16xf32> to vector<16xf32>
      %get3A_1455 = arith.constant 1 : i32
      %get3A_1456 = arith.index_cast %get3A_1455 : i32 to index
      %get3A_1457 = arith.constant 64 : index
      %get3A_1458 = tpu.vector_load %arg11[%get3A_1456, %get3A_1457] {strides = array<i32>} : memref<200x128xf32, #tpu.memory_space<vmem>>, vector<1x16xf32>,
      %get3A_1459 = vector.shape_cast %get3A_1458 : vector<1x16xf32> to vector<16xf32>
      %mul3A_1460 = arith.mulf %get3A_1454, %get3A_1459 : vector<16xf32>
      %max3A_1461 = arith.maximumf %mul3A_1460, %mul3A_1449 : vector<16xf32>
      %get3A_1462 = arith.constant 2 : i32
      %get3A_1463 = arith.index_cast %get3A_1462 : i32 to index
      %get3A_1464 = arith.constant 96 : index
      %get3A_1465 = tpu.vector_load %arg13[%get3A_1463, %get3A_1464] {strides = array<i32>} : memref<200x128xf32, #tpu.memory_space<vmem>>, vector<1x16xf32>,
      %get3A_1466 = vector.shape_cast %get3A_1465 : vector<1x16xf32> to vector<16xf32>
      %get3A_1467 = arith.constant 1 : i32
      %get3A_1468 = arith.index_cast %get3A_1467 : i32 to index
      %get3A_1469 = arith.constant 0 : index
      %get3A_1470 = tpu.vector_load %arg13[%get3A_1468, %get3A_1469] {strides = array<i32>} : memref<200x128xf32, #tpu.memory_space<vmem>>, vector<1x16xf32>,
      %get3A_1471 = vector.shape_cast %get3A_1470 : vector<1x16xf32> to vector<16xf32>
      %mul3A_1472 = arith.mulf %get3A_1466, %get3A_1471 : vector<16xf32>
      %max3A_1473 = arith.maximumf %max3A_1461, %mul3A_1472 : vector<16xf32>
      %swap3A_1474 = arith.constant 0 : i32
      %swap3A_1475 = arith.index_cast %swap3A_1474 : i32 to index
      %swap3A_1476 = arith.constant 0 : index
      %swap3A_1477 = tpu.vector_load %arg14[%swap3A_1475, %swap3A_1476] {strides = array<i32>} : memref<198x32xf32, #tpu.memory_space<vmem>>, vector<1x16xf32>,
      %swap3A_1478 = vector.shape_cast %swap3A_1477 : vector<1x16xf32> to vector<16xf32>
      %swap3A_1479 = vector.shape_cast %max3A_1473 : vector<16xf32> to vector<1x16xf32>
      tpu.vector_store %arg14[%swap3A_1475, %swap3A_1476], %swap3A_1479 {strides = array<i32>} : memref<198x32xf32, #tpu.memory_space<vmem>>, vector<1x16xf32>,
      %get3A_1480 = arith.constant 1 : i32
      %get3A_1481 = arith.index_cast %get3A_1480 : i32 to index
      %get3A_1482 = arith.constant 112 : index
      %get3A_1483 = tpu.vector_load %arg13[%get3A_1481, %get3A_1482] {strides = array<i32>} : memref<200x128xf32, #tpu.memory_space<vmem>>, vector<1x16xf32>,
      %get3A_1484 = vector.shape_cast %get3A_1483 : vector<1x16xf32> to vector<16xf32>
      %get3A_1485 = arith.constant 1 : i32
      %get3A_1486 = arith.index_cast %get3A_1485 : i32 to index
      %get3A_1487 = arith.constant 112 : index
      %get3A_1488 = tpu.vector_load %arg11[%get3A_1486, %get3A_1487] {strides = array<i32>} : memref<200x128xf32, #tpu.memory_space<vmem>>, vector<1x16xf32>,
      %get3A_1489 = vector.shape_cast %get3A_1488 : vector<1x16xf32> to vector<16xf32>
      %mul3A_1490 = arith.mulf %get3A_1484, %get3A_1489 : vector<16xf32>
      %get3A_1491 = arith.constant 0 : i32
      %get3A_1492 = arith.index_cast %get3A_1491 : i32 to index
      %get3A_1493 = arith.constant 112 : index
      %get3A_1494 = tpu.vector_load %arg13[%get3A_1492, %get3A_1493] {strides = array<i32>} : memref<200x128xf32, #tpu.memory_space<vmem>>, vector<1x16xf32>,
      %get3A_1495 = vector.shape_cast %get3A_1494 : vector<1x16xf32> to vector<16xf32>
      %get3A_1496 = arith.constant 1 : i32
      %get3A_1497 = arith.index_cast %get3A_1496 : i32 to index
      %get3A_1498 = arith.constant 80 : index
      %get3A_1499 = tpu.vector_load %arg11[%get3A_1497, %get3A_1498] {strides = array<i32>} : memref<200x128xf32, #tpu.memory_space<vmem>>, vector<1x16xf32>,
      %get3A_1500 = vector.shape_cast %get3A_1499 : vector<1x16xf32> to vector<16xf32>
      %mul3A_1501 = arith.mulf %get3A_1495, %get3A_1500 : vector<16xf32>
      %max3A_1502 = arith.maximumf %mul3A_1501, %mul3A_1490 : vector<16xf32>
      %get3A_1503 = arith.constant 2 : i32
      %get3A_1504 = arith.index_cast %get3A_1503 : i32 to index
      %get3A_1505 = arith.constant 112 : index
      %get3A_1506 = tpu.vector_load %arg13[%get3A_1504, %get3A_1505] {strides = array<i32>} : memref<200x128xf32, #tpu.memory_space<vmem>>, vector<1x16xf32>,
      %get3A_1507 = vector.shape_cast %get3A_1506 : vector<1x16xf32> to vector<16xf32>
      %get3A_1508 = arith.constant 1 : i32
      %get3A_1509 = arith.index_cast %get3A_1508 : i32 to index
      %get3A_1510 = arith.constant 16 : index
      %get3A_1511 = tpu.vector_load %arg13[%get3A_1509, %get3A_1510] {strides = array<i32>} : memref<200x128xf32, #tpu.memory_space<vmem>>, vector<1x16xf32>,
      %get3A_1512 = vector.shape_cast %get3A_1511 : vector<1x16xf32> to vector<16xf32>
      %mul3A_1513 = arith.mulf %get3A_1507, %get3A_1512 : vector<16xf32>
      %max3A_1514 = arith.maximumf %max3A_1502, %mul3A_1513 : vector<16xf32>
      %swap3A_1515 = arith.constant 0 : i32
      %swap3A_1516 = arith.index_cast %swap3A_1515 : i32 to index
      %swap3A_1517 = arith.constant 16 : index
      %swap3A_1518 = tpu.vector_load %arg14[%swap3A_1516, %swap3A_1517] {strides = array<i32>} : memref<198x32xf32, #tpu.memory_space<vmem>>, vector<1x16xf32>,
      %swap3A_1519 = vector.shape_cast %swap3A_1518 : vector<1x16xf32> to vector<16xf32>
      %swap3A_1520 = vector.shape_cast %max3A_1514 : vector<16xf32> to vector<1x16xf32>
      tpu.vector_store %arg14[%swap3A_1516, %swap3A_1517], %swap3A_1520 {strides = array<i32>} : memref<198x32xf32, #tpu.memory_space<vmem>>, vector<1x16xf32>,
      %get3A_1521 = arith.constant 2 : i32
      %get3A_1522 = arith.index_cast %get3A_1521 : i32 to index
      %get3A_1523 = arith.constant 96 : index
      %get3A_1524 = tpu.vector_load %arg13[%get3A_1522, %get3A_1523] {strides = array<i32>} : memref<200x128xf32, #tpu.memory_space<vmem>>, vector<1x16xf32>,
      %get3A_1525 = vector.shape_cast %get3A_1524 : vector<1x16xf32> to vector<16xf32>
      %get3A_1526 = arith.constant 2 : i32
      %get3A_1527 = arith.index_cast %get3A_1526 : i32 to index
      %get3A_1528 = arith.constant 96 : index
      %get3A_1529 = tpu.vector_load %arg11[%get3A_1527, %get3A_1528] {strides = array<i32>} : memref<200x128xf32, #tpu.memory_space<vmem>>, vector<1x16xf32>,
      %get3A_1530 = vector.shape_cast %get3A_1529 : vector<1x16xf32> to vector<16xf32>
      %mul3A_1531 = arith.mulf %get3A_1525, %get3A_1530 : vector<16xf32>
      %get3A_1532 = arith.constant 1 : i32
      %get3A_1533 = arith.index_cast %get3A_1532 : i32 to index
      %get3A_1534 = arith.constant 96 : index
      %get3A_1535 = tpu.vector_load %arg13[%get3A_1533, %get3A_1534] {strides = array<i32>} : memref<200x128xf32, #tpu.memory_space<vmem>>, vector<1x16xf32>,
      %get3A_1536 = vector.shape_cast %get3A_1535 : vector<1x16xf32> to vector<16xf32>
      %get3A_1537 = arith.constant 2 : i32
      %get3A_1538 = arith.index_cast %get3A_1537 : i32 to index
      %get3A_1539 = arith.constant 64 : index
      %get3A_1540 = tpu.vector_load %arg11[%get3A_1538, %get3A_1539] {strides = array<i32>} : memref<200x128xf32, #tpu.memory_space<vmem>>, vector<1x16xf32>,
      %get3A_1541 = vector.shape_cast %get3A_1540 : vector<1x16xf32> to vector<16xf32>
      %mul3A_1542 = arith.mulf %get3A_1536, %get3A_1541 : vector<16xf32>
      %max3A_1543 = arith.maximumf %mul3A_1542, %mul3A_1531 : vector<16xf32>
      %get3A_1544 = arith.constant 3 : i32
      %get3A_1545 = arith.index_cast %get3A_1544 : i32 to index
      %get3A_1546 = arith.constant 96 : index
      %get3A_1547 = tpu.vector_load %arg13[%get3A_1545, %get3A_1546] {strides = array<i32>} : memref<200x128xf32, #tpu.memory_space<vmem>>, vector<1x16xf32>,
      %get3A_1548 = vector.shape_cast %get3A_1547 : vector<1x16xf32> to vector<16xf32>
      %get3A_1549 = arith.constant 2 : i32
      %get3A_1550 = arith.index_cast %get3A_1549 : i32 to index
      %get3A_1551 = arith.constant 0 : index
      %get3A_1552 = tpu.vector_load %arg13[%get3A_1550, %get3A_1551] {strides = array<i32>} : memref<200x128xf32, #tpu.memory_space<vmem>>, vector<1x16xf32>,
      %get3A_1553 = vector.shape_cast %get3A_1552 : vector<1x16xf32> to vector<16xf32>
      %mul3A_1554 = arith.mulf %get3A_1548, %get3A_1553 : vector<16xf32>
      %max3A_1555 = arith.maximumf %max3A_1543, %mul3A_1554 : vector<16xf32>
      %swap3A_1556 = arith.constant 1 : i32
      %swap3A_1557 = arith.index_cast %swap3A_1556 : i32 to index
      %swap3A_1558 = arith.constant 0 : index
      %swap3A_1559 = tpu.vector_load %arg14[%swap3A_1557, %swap3A_1558] {strides = array<i32>} : memref<198x32xf32, #tpu.memory_space<vmem>>, vector<1x16xf32>,
      %swap3A_1560 = vector.shape_cast %swap3A_1559 : vector<1x16xf32> to vector<16xf32>
      %swap3A_1561 = vector.shape_cast %max3A_1555 : vector<16xf32> to vector<1x16xf32>
      tpu.vector_store %arg14[%swap3A_1557, %swap3A_1558], %swap3A_1561 {strides = array<i32>} : memref<198x32xf32, #tpu.memory_space<vmem>>, vector<1x16xf32>,
      %get3A_1562 = arith.constant 0 : i32
      %get3A_1563 = arith.index_cast %get3A_1562 : i32 to index
      %get3A_1564 = arith.constant 96 : index
      %get3A_1565 = tpu.vector_load %arg13[%get3A_1563, %get3A_1564] {strides = array<i32>} : memref<200x128xf32, #tpu.memory_space<vmem>>, vector<1x16xf32>,
      %get3A_1566 = vector.shape_cast %get3A_1565 : vector<1x16xf32> to vector<16xf32>
      %get3A_1567 = arith.constant 2 : i32
      %get3A_1568 = arith.index_cast %get3A_1567 : i32 to index
      %get3A_1569 = arith.constant 32 : index
      %get3A_1570 = tpu.vector_load %arg11[%get3A_1568, %get3A_1569] {strides = array<i32>} : memref<200x128xf32, #tpu.memory_space<vmem>>, vector<1x16xf32>,
      %get3A_1571 = vector.shape_cast %get3A_1570 : vector<1x16xf32> to vector<16xf32>
      %mul3A_1572 = arith.mulf %get3A_1566, %get3A_1571 : vector<16xf32>
      %get3A_1573 = arith.constant 4 : i32
      %get3A_1574 = arith.index_cast %get3A_1573 : i32 to index
      %get3A_1575 = arith.constant 96 : index
      %get3A_1576 = tpu.vector_load %arg13[%get3A_1574, %get3A_1575] {strides = array<i32>} : memref<200x128xf32, #tpu.memory_space<vmem>>, vector<1x16xf32>,
      %get3A_1577 = vector.shape_cast %get3A_1576 : vector<1x16xf32> to vector<16xf32>
      %get3A_1578 = arith.constant 2 : i32
      %get3A_1579 = arith.index_cast %get3A_1578 : i32 to index
      %get3A_1580 = arith.constant 32 : index
      %get3A_1581 = tpu.vector_load %arg13[%get3A_1579, %get3A_1580] {strides = array<i32>} : memref<200x128xf32, #tpu.memory_space<vmem>>, vector<1x16xf32>,
      %get3A_1582 = vector.shape_cast %get3A_1581 : vector<1x16xf32> to vector<16xf32>
      %mul3A_1583 = arith.mulf %get3A_1577, %get3A_1582 : vector<16xf32>
      %max3A_1584 = arith.maximumf %mul3A_1572, %mul3A_1583 : vector<16xf32>
      %max3A_1585 = arith.maximumf %max3A_1555, %max3A_1584 : vector<16xf32>
      %swap3A_1586 = arith.constant 0 : i32
      %swap3A_1587 = arith.index_cast %swap3A_1586 : i32 to index
      %swap3A_1588 = arith.constant 0 : index
      %swap3A_1589 = tpu.vector_load %arg15[%swap3A_1587, %swap3A_1588] {strides = array<i32>} : memref<196x32xf32, #tpu.memory_space<vmem>>, vector<1x16xf32>,
      %swap3A_1590 = vector.shape_cast %swap3A_1589 : vector<1x16xf32> to vector<16xf32>
      %swap3A_1591 = vector.shape_cast %max3A_1585 : vector<16xf32> to vector<1x16xf32>
      tpu.vector_store %arg15[%swap3A_1587, %swap3A_1588], %swap3A_1591 {strides = array<i32>} : memref<196x32xf32, #tpu.memory_space<vmem>>, vector<1x16xf32>,
      %get3A_1592 = arith.constant 2 : i32
      %get3A_1593 = arith.index_cast %get3A_1592 : i32 to index
      %get3A_1594 = arith.constant 112 : index
      %get3A_1595 = tpu.vector_load %arg13[%get3A_1593, %get3A_1594] {strides = array<i32>} : memref<200x128xf32, #tpu.memory_space<vmem>>, vector<1x16xf32>,
      %get3A_1596 = vector.shape_cast %get3A_1595 : vector<1x16xf32> to vector<16xf32>
      %get3A_1597 = arith.constant 2 : i32
      %get3A_1598 = arith.index_cast %get3A_1597 : i32 to index
      %get3A_1599 = arith.constant 112 : index
      %get3A_1600 = tpu.vector_load %arg11[%get3A_1598, %get3A_1599] {strides = array<i32>} : memref<200x128xf32, #tpu.memory_space<vmem>>, vector<1x16xf32>,
      %get3A_1601 = vector.shape_cast %get3A_1600 : vector<1x16xf32> to vector<16xf32>
      %mul3A_1602 = arith.mulf %get3A_1596, %get3A_1601 : vector<16xf32>
      %get3A_1603 = arith.constant 1 : i32
      %get3A_1604 = arith.index_cast %get3A_1603 : i32 to index
      %get3A_1605 = arith.constant 112 : index
      %get3A_1606 = tpu.vector_load %arg13[%get3A_1604, %get3A_1605] {strides = array<i32>} : memref<200x128xf32, #tpu.memory_space<vmem>>, vector<1x16xf32>,
      %get3A_1607 = vector.shape_cast %get3A_1606 : vector<1x16xf32> to vector<16xf32>
      %get3A_1608 = arith.constant 2 : i32
      %get3A_1609 = arith.index_cast %get3A_1608 : i32 to index
      %get3A_1610 = arith.constant 80 : index
      %get3A_1611 = tpu.vector_load %arg11[%get3A_1609, %get3A_1610] {strides = array<i32>} : memref<200x128xf32, #tpu.memory_space<vmem>>, vector<1x16xf32>,
      %get3A_1612 = vector.shape_cast %get3A_1611 : vector<1x16xf32> to vector<16xf32>
      %mul3A_1613 = arith.mulf %get3A_1607, %get3A_1612 : vector<16xf32>
      %max3A_1614 = arith.maximumf %mul3A_1613, %mul3A_1602 : vector<16xf32>
      %get3A_1615 = arith.constant 3 : i32
      %get3A_1616 = arith.index_cast %get3A_1615 : i32 to index
      %get3A_1617 = arith.constant 112 : index
      %get3A_1618 = tpu.vector_load %arg13[%get3A_1616, %get3A_1617] {strides = array<i32>} : memref<200x128xf32, #tpu.memory_space<vmem>>, vector<1x16xf32>,
      %get3A_1619 = vector.shape_cast %get3A_1618 : vector<1x16xf32> to vector<16xf32>
      %get3A_1620 = arith.constant 2 : i32
      %get3A_1621 = arith.index_cast %get3A_1620 : i32 to index
      %get3A_1622 = arith.constant 16 : index
      %get3A_1623 = tpu.vector_load %arg13[%get3A_1621, %get3A_1622] {strides = array<i32>} : memref<200x128xf32, #tpu.memory_space<vmem>>, vector<1x16xf32>,
      %get3A_1624 = vector.shape_cast %get3A_1623 : vector<1x16xf32> to vector<16xf32>
      %mul3A_1625 = arith.mulf %get3A_1619, %get3A_1624 : vector<16xf32>
      %max3A_1626 = arith.maximumf %max3A_1614, %mul3A_1625 : vector<16xf32>
      %swap3A_1627 = arith.constant 1 : i32
      %swap3A_1628 = arith.index_cast %swap3A_1627 : i32 to index
      %swap3A_1629 = arith.constant 16 : index
      %swap3A_1630 = tpu.vector_load %arg14[%swap3A_1628, %swap3A_1629] {strides = array<i32>} : memref<198x32xf32, #tpu.memory_space<vmem>>, vector<1x16xf32>,
      %swap3A_1631 = vector.shape_cast %swap3A_1630 : vector<1x16xf32> to vector<16xf32>
      %swap3A_1632 = vector.shape_cast %max3A_1626 : vector<16xf32> to vector<1x16xf32>
      tpu.vector_store %arg14[%swap3A_1628, %swap3A_1629], %swap3A_1632 {strides = array<i32>} : memref<198x32xf32, #tpu.memory_space<vmem>>, vector<1x16xf32>,
      %get3A_1633 = arith.constant 0 : i32
      %get3A_1634 = arith.index_cast %get3A_1633 : i32 to index
      %get3A_1635 = arith.constant 112 : index
      %get3A_1636 = tpu.vector_load %arg13[%get3A_1634, %get3A_1635] {strides = array<i32>} : memref<200x128xf32, #tpu.memory_space<vmem>>, vector<1x16xf32>,
      %get3A_1637 = vector.shape_cast %get3A_1636 : vector<1x16xf32> to vector<16xf32>
      %get3A_1638 = arith.constant 2 : i32
      %get3A_1639 = arith.index_cast %get3A_1638 : i32 to index
      %get3A_1640 = arith.constant 48 : index
      %get3A_1641 = tpu.vector_load %arg11[%get3A_1639, %get3A_1640] {strides = array<i32>} : memref<200x128xf32, #tpu.memory_space<vmem>>, vector<1x16xf32>,
      %get3A_1642 = vector.shape_cast %get3A_1641 : vector<1x16xf32> to vector<16xf32>
      %mul3A_1643 = arith.mulf %get3A_1637, %get3A_1642 : vector<16xf32>
      %get3A_1644 = arith.constant 4 : i32
      %get3A_1645 = arith.index_cast %get3A_1644 : i32 to index
      %get3A_1646 = arith.constant 112 : index
      %get3A_1647 = tpu.vector_load %arg13[%get3A_1645, %get3A_1646] {strides = array<i32>} : memref<200x128xf32, #tpu.memory_space<vmem>>, vector<1x16xf32>,
      %get3A_1648 = vector.shape_cast %get3A_1647 : vector<1x16xf32> to vector<16xf32>
      %get3A_1649 = arith.constant 2 : i32
      %get3A_1650 = arith.index_cast %get3A_1649 : i32 to index
      %get3A_1651 = arith.constant 48 : index
      %get3A_1652 = tpu.vector_load %arg13[%get3A_1650, %get3A_1651] {strides = array<i32>} : memref<200x128xf32, #tpu.memory_space<vmem>>, vector<1x16xf32>,
      %get3A_1653 = vector.shape_cast %get3A_1652 : vector<1x16xf32> to vector<16xf32>
      %mul3A_1654 = arith.mulf %get3A_1648, %get3A_1653 : vector<16xf32>
      %max3A_1655 = arith.maximumf %mul3A_1643, %mul3A_1654 : vector<16xf32>
      %max3A_1656 = arith.maximumf %max3A_1626, %max3A_1655 : vector<16xf32>
      %swap3A_1657 = arith.constant 0 : i32
      %swap3A_1658 = arith.index_cast %swap3A_1657 : i32 to index
      %swap3A_1659 = arith.constant 16 : index
      %swap3A_1660 = tpu.vector_load %arg15[%swap3A_1658, %swap3A_1659] {strides = array<i32>} : memref<196x32xf32, #tpu.memory_space<vmem>>, vector<1x16xf32>,
      %swap3A_1661 = vector.shape_cast %swap3A_1660 : vector<1x16xf32> to vector<16xf32>
      %swap3A_1662 = vector.shape_cast %max3A_1656 : vector<16xf32> to vector<1x16xf32>
      tpu.vector_store %arg15[%swap3A_1658, %swap3A_1659], %swap3A_1662 {strides = array<i32>} : memref<196x32xf32, #tpu.memory_space<vmem>>, vector<1x16xf32>,
      %get3A_1663 = arith.constant 197 : i32
      %get3A_1664 = arith.index_cast %get3A_1663 : i32 to index
      %get3A_1665 = arith.constant 96 : index
      %get3A_1666 = tpu.vector_load %arg13[%get3A_1664, %get3A_1665] {strides = array<i32>} : memref<200x128xf32, #tpu.memory_space<vmem>>, vector<1x16xf32>,
      %get3A_1667 = vector.shape_cast %get3A_1666 : vector<1x16xf32> to vector<16xf32>
      %get3A_1668 = arith.constant 197 : i32
      %get3A_1669 = arith.index_cast %get3A_1668 : i32 to index
      %get3A_1670 = arith.constant 96 : index
      %get3A_1671 = tpu.vector_load %arg11[%get3A_1669, %get3A_1670] {strides = array<i32>} : memref<200x128xf32, #tpu.memory_space<vmem>>, vector<1x16xf32>,
      %get3A_1672 = vector.shape_cast %get3A_1671 : vector<1x16xf32> to vector<16xf32>
      %mul3A_1673 = arith.mulf %get3A_1667, %get3A_1672 : vector<16xf32>
      %get3A_1674 = arith.constant 196 : i32
      %get3A_1675 = arith.index_cast %get3A_1674 : i32 to index
      %get3A_1676 = arith.constant 96 : index
      %get3A_1677 = tpu.vector_load %arg13[%get3A_1675, %get3A_1676] {strides = array<i32>} : memref<200x128xf32, #tpu.memory_space<vmem>>, vector<1x16xf32>,
      %get3A_1678 = vector.shape_cast %get3A_1677 : vector<1x16xf32> to vector<16xf32>
      %get3A_1679 = arith.constant 197 : i32
      %get3A_1680 = arith.index_cast %get3A_1679 : i32 to index
      %get3A_1681 = arith.constant 64 : index
      %get3A_1682 = tpu.vector_load %arg11[%get3A_1680, %get3A_1681] {strides = array<i32>} : memref<200x128xf32, #tpu.memory_space<vmem>>, vector<1x16xf32>,
      %get3A_1683 = vector.shape_cast %get3A_1682 : vector<1x16xf32> to vector<16xf32>
      %mul3A_1684 = arith.mulf %get3A_1678, %get3A_1683 : vector<16xf32>
      %max3A_1685 = arith.maximumf %mul3A_1684, %mul3A_1673 : vector<16xf32>
      %get3A_1686 = arith.constant 198 : i32
      %get3A_1687 = arith.index_cast %get3A_1686 : i32 to index
      %get3A_1688 = arith.constant 96 : index
      %get3A_1689 = tpu.vector_load %arg13[%get3A_1687, %get3A_1688] {strides = array<i32>} : memref<200x128xf32, #tpu.memory_space<vmem>>, vector<1x16xf32>,
      %get3A_1690 = vector.shape_cast %get3A_1689 : vector<1x16xf32> to vector<16xf32>
      %get3A_1691 = arith.constant 197 : i32
      %get3A_1692 = arith.index_cast %get3A_1691 : i32 to index
      %get3A_1693 = arith.constant 0 : index
      %get3A_1694 = tpu.vector_load %arg13[%get3A_1692, %get3A_1693] {strides = array<i32>} : memref<200x128xf32, #tpu.memory_space<vmem>>, vector<1x16xf32>,
      %get3A_1695 = vector.shape_cast %get3A_1694 : vector<1x16xf32> to vector<16xf32>
      %mul3A_1696 = arith.mulf %get3A_1690, %get3A_1695 : vector<16xf32>
      %max3A_1697 = arith.maximumf %max3A_1685, %mul3A_1696 : vector<16xf32>
      %swap3A_1698 = arith.constant 196 : i32
      %swap3A_1699 = arith.index_cast %swap3A_1698 : i32 to index
      %swap3A_1700 = arith.constant 0 : index
      %swap3A_1701 = tpu.vector_load %arg14[%swap3A_1699, %swap3A_1700] {strides = array<i32>} : memref<198x32xf32, #tpu.memory_space<vmem>>, vector<1x16xf32>,
      %swap3A_1702 = vector.shape_cast %swap3A_1701 : vector<1x16xf32> to vector<16xf32>
      %swap3A_1703 = vector.shape_cast %max3A_1697 : vector<16xf32> to vector<1x16xf32>
      tpu.vector_store %arg14[%swap3A_1699, %swap3A_1700], %swap3A_1703 {strides = array<i32>} : memref<198x32xf32, #tpu.memory_space<vmem>>, vector<1x16xf32>,
      %get3A_1704 = arith.constant 195 : i32
      %get3A_1705 = arith.index_cast %get3A_1704 : i32 to index
      %get3A_1706 = arith.constant 96 : index
      %get3A_1707 = tpu.vector_load %arg13[%get3A_1705, %get3A_1706] {strides = array<i32>} : memref<200x128xf32, #tpu.memory_space<vmem>>, vector<1x16xf32>,
      %get3A_1708 = vector.shape_cast %get3A_1707 : vector<1x16xf32> to vector<16xf32>
      %get3A_1709 = arith.constant 197 : i32
      %get3A_1710 = arith.index_cast %get3A_1709 : i32 to index
      %get3A_1711 = arith.constant 32 : index
      %get3A_1712 = tpu.vector_load %arg11[%get3A_1710, %get3A_1711] {strides = array<i32>} : memref<200x128xf32, #tpu.memory_space<vmem>>, vector<1x16xf32>,
      %get3A_1713 = vector.shape_cast %get3A_1712 : vector<1x16xf32> to vector<16xf32>
      %mul3A_1714 = arith.mulf %get3A_1708, %get3A_1713 : vector<16xf32>
      %get3A_1715 = arith.constant 199 : i32
      %get3A_1716 = arith.index_cast %get3A_1715 : i32 to index
      %get3A_1717 = arith.constant 96 : index
      %get3A_1718 = tpu.vector_load %arg13[%get3A_1716, %get3A_1717] {strides = array<i32>} : memref<200x128xf32, #tpu.memory_space<vmem>>, vector<1x16xf32>,
      %get3A_1719 = vector.shape_cast %get3A_1718 : vector<1x16xf32> to vector<16xf32>
      %get3A_1720 = arith.constant 197 : i32
      %get3A_1721 = arith.index_cast %get3A_1720 : i32 to index
      %get3A_1722 = arith.constant 32 : index
      %get3A_1723 = tpu.vector_load %arg13[%get3A_1721, %get3A_1722] {strides = array<i32>} : memref<200x128xf32, #tpu.memory_space<vmem>>, vector<1x16xf32>,
      %get3A_1724 = vector.shape_cast %get3A_1723 : vector<1x16xf32> to vector<16xf32>
      %mul3A_1725 = arith.mulf %get3A_1719, %get3A_1724 : vector<16xf32>
      %max3A_1726 = arith.maximumf %mul3A_1714, %mul3A_1725 : vector<16xf32>
      %max3A_1727 = arith.maximumf %max3A_1697, %max3A_1726 : vector<16xf32>
      %swap3A_1728 = arith.constant 195 : i32
      %swap3A_1729 = arith.index_cast %swap3A_1728 : i32 to index
      %swap3A_1730 = arith.constant 0 : index
      %swap3A_1731 = tpu.vector_load %arg15[%swap3A_1729, %swap3A_1730] {strides = array<i32>} : memref<196x32xf32, #tpu.memory_space<vmem>>, vector<1x16xf32>,
      %swap3A_1732 = vector.shape_cast %swap3A_1731 : vector<1x16xf32> to vector<16xf32>
      %swap3A_1733 = vector.shape_cast %max3A_1727 : vector<16xf32> to vector<1x16xf32>
      tpu.vector_store %arg15[%swap3A_1729, %swap3A_1730], %swap3A_1733 {strides = array<i32>} : memref<196x32xf32, #tpu.memory_space<vmem>>, vector<1x16xf32>,
      %get3A_1734 = arith.constant 197 : i32
      %get3A_1735 = arith.index_cast %get3A_1734 : i32 to index
      %get3A_1736 = arith.constant 112 : index
      %get3A_1737 = tpu.vector_load %arg13[%get3A_1735, %get3A_1736] {strides = array<i32>} : memref<200x128xf32, #tpu.memory_space<vmem>>, vector<1x16xf32>,
      %get3A_1738 = vector.shape_cast %get3A_1737 : vector<1x16xf32> to vector<16xf32>
      %get3A_1739 = arith.constant 197 : i32
      %get3A_1740 = arith.index_cast %get3A_1739 : i32 to index
      %get3A_1741 = arith.constant 112 : index
      %get3A_1742 = tpu.vector_load %arg11[%get3A_1740, %get3A_1741] {strides = array<i32>} : memref<200x128xf32, #tpu.memory_space<vmem>>, vector<1x16xf32>,
      %get3A_1743 = vector.shape_cast %get3A_1742 : vector<1x16xf32> to vector<16xf32>
      %mul3A_1744 = arith.mulf %get3A_1738, %get3A_1743 : vector<16xf32>
      %get3A_1745 = arith.constant 196 : i32
      %get3A_1746 = arith.index_cast %get3A_1745 : i32 to index
      %get3A_1747 = arith.constant 112 : index
      %get3A_1748 = tpu.vector_load %arg13[%get3A_1746, %get3A_1747] {strides = array<i32>} : memref<200x128xf32, #tpu.memory_space<vmem>>, vector<1x16xf32>,
      %get3A_1749 = vector.shape_cast %get3A_1748 : vector<1x16xf32> to vector<16xf32>
      %get3A_1750 = arith.constant 197 : i32
      %get3A_1751 = arith.index_cast %get3A_1750 : i32 to index
      %get3A_1752 = arith.constant 80 : index
      %get3A_1753 = tpu.vector_load %arg11[%get3A_1751, %get3A_1752] {strides = array<i32>} : memref<200x128xf32, #tpu.memory_space<vmem>>, vector<1x16xf32>,
      %get3A_1754 = vector.shape_cast %get3A_1753 : vector<1x16xf32> to vector<16xf32>
      %mul3A_1755 = arith.mulf %get3A_1749, %get3A_1754 : vector<16xf32>
      %max3A_1756 = arith.maximumf %mul3A_1755, %mul3A_1744 : vector<16xf32>
      %get3A_1757 = arith.constant 198 : i32
      %get3A_1758 = arith.index_cast %get3A_1757 : i32 to index
      %get3A_1759 = arith.constant 112 : index
      %get3A_1760 = tpu.vector_load %arg13[%get3A_1758, %get3A_1759] {strides = array<i32>} : memref<200x128xf32, #tpu.memory_space<vmem>>, vector<1x16xf32>,
      %get3A_1761 = vector.shape_cast %get3A_1760 : vector<1x16xf32> to vector<16xf32>
      %get3A_1762 = arith.constant 197 : i32
      %get3A_1763 = arith.index_cast %get3A_1762 : i32 to index
      %get3A_1764 = arith.constant 16 : index
      %get3A_1765 = tpu.vector_load %arg13[%get3A_1763, %get3A_1764] {strides = array<i32>} : memref<200x128xf32, #tpu.memory_space<vmem>>, vector<1x16xf32>,
      %get3A_1766 = vector.shape_cast %get3A_1765 : vector<1x16xf32> to vector<16xf32>
      %mul3A_1767 = arith.mulf %get3A_1761, %get3A_1766 : vector<16xf32>
      %max3A_1768 = arith.maximumf %max3A_1756, %mul3A_1767 : vector<16xf32>
      %swap3A_1769 = arith.constant 196 : i32
      %swap3A_1770 = arith.index_cast %swap3A_1769 : i32 to index
      %swap3A_1771 = arith.constant 16 : index
      %swap3A_1772 = tpu.vector_load %arg14[%swap3A_1770, %swap3A_1771] {strides = array<i32>} : memref<198x32xf32, #tpu.memory_space<vmem>>, vector<1x16xf32>,
      %swap3A_1773 = vector.shape_cast %swap3A_1772 : vector<1x16xf32> to vector<16xf32>
      %swap3A_1774 = vector.shape_cast %max3A_1768 : vector<16xf32> to vector<1x16xf32>
      tpu.vector_store %arg14[%swap3A_1770, %swap3A_1771], %swap3A_1774 {strides = array<i32>} : memref<198x32xf32, #tpu.memory_space<vmem>>, vector<1x16xf32>,
      %get3A_1775 = arith.constant 195 : i32
      %get3A_1776 = arith.index_cast %get3A_1775 : i32 to index
      %get3A_1777 = arith.constant 112 : index
      %get3A_1778 = tpu.vector_load %arg13[%get3A_1776, %get3A_1777] {strides = array<i32>} : memref<200x128xf32, #tpu.memory_space<vmem>>, vector<1x16xf32>,
      %get3A_1779 = vector.shape_cast %get3A_1778 : vector<1x16xf32> to vector<16xf32>
      %get3A_1780 = arith.constant 197 : i32
      %get3A_1781 = arith.index_cast %get3A_1780 : i32 to index
      %get3A_1782 = arith.constant 48 : index
      %get3A_1783 = tpu.vector_load %arg11[%get3A_1781, %get3A_1782] {strides = array<i32>} : memref<200x128xf32, #tpu.memory_space<vmem>>, vector<1x16xf32>,
      %get3A_1784 = vector.shape_cast %get3A_1783 : vector<1x16xf32> to vector<16xf32>
      %mul3A_1785 = arith.mulf %get3A_1779, %get3A_1784 : vector<16xf32>
      %get3A_1786 = arith.constant 199 : i32
      %get3A_1787 = arith.index_cast %get3A_1786 : i32 to index
      %get3A_1788 = arith.constant 112 : index
      %get3A_1789 = tpu.vector_load %arg13[%get3A_1787, %get3A_1788] {strides = array<i32>} : memref<200x128xf32, #tpu.memory_space<vmem>>, vector<1x16xf32>,
      %get3A_1790 = vector.shape_cast %get3A_1789 : vector<1x16xf32> to vector<16xf32>
      %get3A_1791 = arith.constant 197 : i32
      %get3A_1792 = arith.index_cast %get3A_1791 : i32 to index
      %get3A_1793 = arith.constant 48 : index
      %get3A_1794 = tpu.vector_load %arg13[%get3A_1792, %get3A_1793] {strides = array<i32>} : memref<200x128xf32, #tpu.memory_space<vmem>>, vector<1x16xf32>,
      %get3A_1795 = vector.shape_cast %get3A_1794 : vector<1x16xf32> to vector<16xf32>
      %mul3A_1796 = arith.mulf %get3A_1790, %get3A_1795 : vector<16xf32>
      %max3A_1797 = arith.maximumf %mul3A_1785, %mul3A_1796 : vector<16xf32>
      %max3A_1798 = arith.maximumf %max3A_1768, %max3A_1797 : vector<16xf32>
      %swap3A_1799 = arith.constant 195 : i32
      %swap3A_1800 = arith.index_cast %swap3A_1799 : i32 to index
      %swap3A_1801 = arith.constant 16 : index
      %swap3A_1802 = tpu.vector_load %arg15[%swap3A_1800, %swap3A_1801] {strides = array<i32>} : memref<196x32xf32, #tpu.memory_space<vmem>>, vector<1x16xf32>,
      %swap3A_1803 = vector.shape_cast %swap3A_1802 : vector<1x16xf32> to vector<16xf32>
      %swap3A_1804 = vector.shape_cast %max3A_1798 : vector<16xf32> to vector<1x16xf32>
      tpu.vector_store %arg15[%swap3A_1800, %swap3A_1801], %swap3A_1804 {strides = array<i32>} : memref<196x32xf32, #tpu.memory_space<vmem>>, vector<1x16xf32>,
      %get3A_1805 = arith.constant 198 : i32
      %get3A_1806 = arith.index_cast %get3A_1805 : i32 to index
      %get3A_1807 = arith.constant 96 : index
      %get3A_1808 = tpu.vector_load %arg13[%get3A_1806, %get3A_1807] {strides = array<i32>} : memref<200x128xf32, #tpu.memory_space<vmem>>, vector<1x16xf32>,
      %get3A_1809 = vector.shape_cast %get3A_1808 : vector<1x16xf32> to vector<16xf32>
      %get3A_1810 = arith.constant 198 : i32
      %get3A_1811 = arith.index_cast %get3A_1810 : i32 to index
      %get3A_1812 = arith.constant 96 : index
      %get3A_1813 = tpu.vector_load %arg11[%get3A_1811, %get3A_1812] {strides = array<i32>} : memref<200x128xf32, #tpu.memory_space<vmem>>, vector<1x16xf32>,
      %get3A_1814 = vector.shape_cast %get3A_1813 : vector<1x16xf32> to vector<16xf32>
      %mul3A_1815 = arith.mulf %get3A_1809, %get3A_1814 : vector<16xf32>
      %get3A_1816 = arith.constant 197 : i32
      %get3A_1817 = arith.index_cast %get3A_1816 : i32 to index
      %get3A_1818 = arith.constant 96 : index
      %get3A_1819 = tpu.vector_load %arg13[%get3A_1817, %get3A_1818] {strides = array<i32>} : memref<200x128xf32, #tpu.memory_space<vmem>>, vector<1x16xf32>,
      %get3A_1820 = vector.shape_cast %get3A_1819 : vector<1x16xf32> to vector<16xf32>
      %get3A_1821 = arith.constant 198 : i32
      %get3A_1822 = arith.index_cast %get3A_1821 : i32 to index
      %get3A_1823 = arith.constant 64 : index
      %get3A_1824 = tpu.vector_load %arg11[%get3A_1822, %get3A_1823] {strides = array<i32>} : memref<200x128xf32, #tpu.memory_space<vmem>>, vector<1x16xf32>,
      %get3A_1825 = vector.shape_cast %get3A_1824 : vector<1x16xf32> to vector<16xf32>
      %mul3A_1826 = arith.mulf %get3A_1820, %get3A_1825 : vector<16xf32>
      %max3A_1827 = arith.maximumf %mul3A_1826, %mul3A_1815 : vector<16xf32>
      %get3A_1828 = arith.constant 199 : i32
      %get3A_1829 = arith.index_cast %get3A_1828 : i32 to index
      %get3A_1830 = arith.constant 96 : index
      %get3A_1831 = tpu.vector_load %arg13[%get3A_1829, %get3A_1830] {strides = array<i32>} : memref<200x128xf32, #tpu.memory_space<vmem>>, vector<1x16xf32>,
      %get3A_1832 = vector.shape_cast %get3A_1831 : vector<1x16xf32> to vector<16xf32>
      %get3A_1833 = arith.constant 198 : i32
      %get3A_1834 = arith.index_cast %get3A_1833 : i32 to index
      %get3A_1835 = arith.constant 0 : index
      %get3A_1836 = tpu.vector_load %arg13[%get3A_1834, %get3A_1835] {strides = array<i32>} : memref<200x128xf32, #tpu.memory_space<vmem>>, vector<1x16xf32>,
      %get3A_1837 = vector.shape_cast %get3A_1836 : vector<1x16xf32> to vector<16xf32>
      %mul3A_1838 = arith.mulf %get3A_1832, %get3A_1837 : vector<16xf32>
      %max3A_1839 = arith.maximumf %max3A_1827, %mul3A_1838 : vector<16xf32>
      %swap3A_1840 = arith.constant 197 : i32
      %swap3A_1841 = arith.index_cast %swap3A_1840 : i32 to index
      %swap3A_1842 = arith.constant 0 : index
      %swap3A_1843 = tpu.vector_load %arg14[%swap3A_1841, %swap3A_1842] {strides = array<i32>} : memref<198x32xf32, #tpu.memory_space<vmem>>, vector<1x16xf32>,
      %swap3A_1844 = vector.shape_cast %swap3A_1843 : vector<1x16xf32> to vector<16xf32>
      %swap3A_1845 = vector.shape_cast %max3A_1839 : vector<16xf32> to vector<1x16xf32>
      tpu.vector_store %arg14[%swap3A_1841, %swap3A_1842], %swap3A_1845 {strides = array<i32>} : memref<198x32xf32, #tpu.memory_space<vmem>>, vector<1x16xf32>,
      %get3A_1846 = arith.constant 198 : i32
      %get3A_1847 = arith.index_cast %get3A_1846 : i32 to index
      %get3A_1848 = arith.constant 112 : index
      %get3A_1849 = tpu.vector_load %arg13[%get3A_1847, %get3A_1848] {strides = array<i32>} : memref<200x128xf32, #tpu.memory_space<vmem>>, vector<1x16xf32>,
      %get3A_1850 = vector.shape_cast %get3A_1849 : vector<1x16xf32> to vector<16xf32>
      %get3A_1851 = arith.constant 198 : i32
      %get3A_1852 = arith.index_cast %get3A_1851 : i32 to index
      %get3A_1853 = arith.constant 112 : index
      %get3A_1854 = tpu.vector_load %arg11[%get3A_1852, %get3A_1853] {strides = array<i32>} : memref<200x128xf32, #tpu.memory_space<vmem>>, vector<1x16xf32>,
      %get3A_1855 = vector.shape_cast %get3A_1854 : vector<1x16xf32> to vector<16xf32>
      %mul3A_1856 = arith.mulf %get3A_1850, %get3A_1855 : vector<16xf32>
      %get3A_1857 = arith.constant 197 : i32
      %get3A_1858 = arith.index_cast %get3A_1857 : i32 to index
      %get3A_1859 = arith.constant 112 : index
      %get3A_1860 = tpu.vector_load %arg13[%get3A_1858, %get3A_1859] {strides = array<i32>} : memref<200x128xf32, #tpu.memory_space<vmem>>, vector<1x16xf32>,
      %get3A_1861 = vector.shape_cast %get3A_1860 : vector<1x16xf32> to vector<16xf32>
      %get3A_1862 = arith.constant 198 : i32
      %get3A_1863 = arith.index_cast %get3A_1862 : i32 to index
      %get3A_1864 = arith.constant 80 : index
      %get3A_1865 = tpu.vector_load %arg11[%get3A_1863, %get3A_1864] {strides = array<i32>} : memref<200x128xf32, #tpu.memory_space<vmem>>, vector<1x16xf32>,
      %get3A_1866 = vector.shape_cast %get3A_1865 : vector<1x16xf32> to vector<16xf32>
      %mul3A_1867 = arith.mulf %get3A_1861, %get3A_1866 : vector<16xf32>
      %max3A_1868 = arith.maximumf %mul3A_1867, %mul3A_1856 : vector<16xf32>
      %get3A_1869 = arith.constant 199 : i32
      %get3A_1870 = arith.index_cast %get3A_1869 : i32 to index
      %get3A_1871 = arith.constant 112 : index
      %get3A_1872 = tpu.vector_load %arg13[%get3A_1870, %get3A_1871] {strides = array<i32>} : memref<200x128xf32, #tpu.memory_space<vmem>>, vector<1x16xf32>,
      %get3A_1873 = vector.shape_cast %get3A_1872 : vector<1x16xf32> to vector<16xf32>
      %get3A_1874 = arith.constant 198 : i32
      %get3A_1875 = arith.index_cast %get3A_1874 : i32 to index
      %get3A_1876 = arith.constant 16 : index
      %get3A_1877 = tpu.vector_load %arg13[%get3A_1875, %get3A_1876] {strides = array<i32>} : memref<200x128xf32, #tpu.memory_space<vmem>>, vector<1x16xf32>,
      %get3A_1878 = vector.shape_cast %get3A_1877 : vector<1x16xf32> to vector<16xf32>
      %mul3A_1879 = arith.mulf %get3A_1873, %get3A_1878 : vector<16xf32>
      %max3A_1880 = arith.maximumf %max3A_1868, %mul3A_1879 : vector<16xf32>
      %swap3A_1881 = arith.constant 197 : i32
      %swap3A_1882 = arith.index_cast %swap3A_1881 : i32 to index
      %swap3A_1883 = arith.constant 16 : index
      %swap3A_1884 = tpu.vector_load %arg14[%swap3A_1882, %swap3A_1883] {strides = array<i32>} : memref<198x32xf32, #tpu.memory_space<vmem>>, vector<1x16xf32>,
      %swap3A_1885 = vector.shape_cast %swap3A_1884 : vector<1x16xf32> to vector<16xf32>
      %swap3A_1886 = vector.shape_cast %max3A_1880 : vector<16xf32> to vector<1x16xf32>
      tpu.vector_store %arg14[%swap3A_1882, %swap3A_1883], %swap3A_1886 {strides = array<i32>} : memref<198x32xf32, #tpu.memory_space<vmem>>, vector<1x16xf32>,
      %add3A_1887 = arith.constant 0 : i32
      %add3A_1888 = arith.addi %add3A_1275, %add3A_1887 : i32
      %mul3A_1889 = arith.constant 32 : i32
      %mul3A_1890 = arith.muli %add3A, %mul3A_1889 : i32
      %add3A_1891 = arith.addi %mul3A_1890, %add3A_1888 : i32
      %dma_start3A_1892 = arith.constant 0 : i32
      %dma_start3A_1893 = arith.constant 0 : i32
      %dma_start3A_1894 = tpu.memref_slice %arg5[%add3A_1891, %dma_start3A_1892, %dma_start3A_1893] : memref<1024x198x32xf32, #tpu.memory_space<hbm>> -> memref<1x198x32xf32, #tpu.memory_space<hbm>>
      %dma_start3A_1895 = tpu.memref_squeeze %dma_start3A_1894 : memref<1x198x32xf32, #tpu.memory_space<hbm>> -> memref<198x32xf32, #tpu.memory_space<hbm>>
      %dma_start3A_1896 = arith.constant 0 : i32
      %dma_start3A_1897 = arith.constant 0 : i32
      %dma_start3A_1898 = tpu.memref_slice %arg5[%add3A_1891, %dma_start3A_1896, %dma_start3A_1897] : memref<1024x198x32xf32, #tpu.memory_space<hbm>> -> memref<1x198x32xf32, #tpu.memory_space<hbm>>
      %dma_start3A_1899 = tpu.memref_squeeze %dma_start3A_1898 : memref<1x198x32xf32, #tpu.memory_space<hbm>> -> memref<198x32xf32, #tpu.memory_space<hbm>>
      tpu.enqueue_dma source(%arg14 : memref<198x32xf32, #tpu.memory_space<vmem>>) target(%dma_start3A_1899 : memref<198x32xf32, #tpu.memory_space<hbm>>) target_semaphore(%arg18 : memref<!tpu.dma_semaphore, #tpu.memory_space<semaphore_mem>>)
      %dma_start3A_1900 = arith.constant 0 : i32
      %dma_start3A_1901 = arith.constant 0 : i32
      %dma_start3A_1902 = tpu.memref_slice %arg6[%add3A_1891, %dma_start3A_1900, %dma_start3A_1901] : memref<1024x196x32xf32, #tpu.memory_space<hbm>> -> memref<1x196x32xf32, #tpu.memory_space<hbm>>
      %dma_start3A_1903 = tpu.memref_squeeze %dma_start3A_1902 : memref<1x196x32xf32, #tpu.memory_space<hbm>> -> memref<196x32xf32, #tpu.memory_space<hbm>>
      %dma_start3A_1904 = arith.constant 0 : i32
      %dma_start3A_1905 = arith.constant 0 : i32
      %dma_start3A_1906 = tpu.memref_slice %arg6[%add3A_1891, %dma_start3A_1904, %dma_start3A_1905] : memref<1024x196x32xf32, #tpu.memory_space<hbm>> -> memref<1x196x32xf32, #tpu.memory_space<hbm>>
      %dma_start3A_1907 = tpu.memref_squeeze %dma_start3A_1906 : memref<1x196x32xf32, #tpu.memory_space<hbm>> -> memref<196x32xf32, #tpu.memory_space<hbm>>
      tpu.enqueue_dma source(%arg15 : memref<196x32xf32, #tpu.memory_space<vmem>>) target(%dma_start3A_1907 : memref<196x32xf32, #tpu.memory_space<hbm>>) target_semaphore(%arg18 : memref<!tpu.dma_semaphore, #tpu.memory_space<semaphore_mem>>)
      %dma_start3A_1908 = arith.constant 0 : i32
      %dma_start3A_1909 = arith.constant 0 : i32
      %dma_start3A_1910 = tpu.memref_slice %arg7[%add3A_1891, %dma_start3A_1908, %dma_start3A_1909] : memref<1024x194x32xf32, #tpu.memory_space<hbm>> -> memref<1x194x32xf32, #tpu.memory_space<hbm>>
      %dma_start3A_1911 = tpu.memref_squeeze %dma_start3A_1910 : memref<1x194x32xf32, #tpu.memory_space<hbm>> -> memref<194x32xf32, #tpu.memory_space<hbm>>
      %dma_start3A_1912 = arith.constant 0 : i32
      %dma_start3A_1913 = arith.constant 0 : i32
      %dma_start3A_1914 = tpu.memref_slice %arg7[%add3A_1891, %dma_start3A_1912, %dma_start3A_1913] : memref<1024x194x32xf32, #tpu.memory_space<hbm>> -> memref<1x194x32xf32, #tpu.memory_space<hbm>>
      %dma_start3A_1915 = tpu.memref_squeeze %dma_start3A_1914 : memref<1x194x32xf32, #tpu.memory_space<hbm>> -> memref<194x32xf32, #tpu.memory_space<hbm>>
      tpu.enqueue_dma source(%arg16 : memref<194x32xf32, #tpu.memory_space<vmem>>) target(%dma_start3A_1915 : memref<194x32xf32, #tpu.memory_space<hbm>>) target_semaphore(%arg18 : memref<!tpu.dma_semaphore, #tpu.memory_space<semaphore_mem>>)
      %dma_wait3A_1916 = arith.constant 0 : i32
      %dma_wait3A_1917 = arith.constant 0 : i32
      %dma_wait3A_1918 = tpu.memref_slice %arg10[%dma_wait3A_1916, %dma_wait3A_1917] : memref<200x128xf32, #tpu.memory_space<vmem>> -> memref<128x128xf32, #tpu.memory_space<vmem>>
      %dma_wait3A_1919 = arith.constant 0 : i32
      %dma_wait3A_1920 = tpu.memref_slice %arg8[%dma_wait3A_1919] : memref<200xi32, #tpu.memory_space<vmem>> -> memref<128xi32, #tpu.memory_space<vmem>>
      %dma_wait3A_1921 = arith.constant 0 : i32
      %dma_wait3A_1922 = arith.constant 0 : i32
      %dma_wait3A_1923 = tpu.memref_slice %arg3[%dma_wait3A_1921, %dma_wait3A_1922] : memref<100000x128xf32, #tpu.memory_space<hbm>> -> memref<100000x128xf32, #tpu.memory_space<hbm>>
      tpu.wait_indirect_dma semaphore(%arg17 : memref<!tpu.dma_semaphore, #tpu.memory_space<semaphore_mem>>) src(%dma_wait3A_1923 : memref<100000x128xf32, #tpu.memory_space<hbm>>) dst(%dma_wait3A_1918 : memref<128x128xf32, #tpu.memory_space<vmem>>)
      %dma_wait3A_1924 = arith.constant 0 : i32
      %dma_wait3A_1925 = arith.constant 0 : i32
      %dma_wait3A_1926 = tpu.memref_slice %arg12[%dma_wait3A_1924, %dma_wait3A_1925] : memref<200x128xf32, #tpu.memory_space<vmem>> -> memref<128x128xf32, #tpu.memory_space<vmem>>
      %dma_wait3A_1927 = arith.constant 0 : i32
      %dma_wait3A_1928 = tpu.memref_slice %arg8[%dma_wait3A_1927] : memref<200xi32, #tpu.memory_space<vmem>> -> memref<128xi32, #tpu.memory_space<vmem>>
      %dma_wait3A_1929 = arith.constant 0 : i32
      %dma_wait3A_1930 = arith.constant 0 : i32
      %dma_wait3A_1931 = tpu.memref_slice %arg4[%dma_wait3A_1929, %dma_wait3A_1930] : memref<100000x128xf32, #tpu.memory_space<hbm>> -> memref<100000x128xf32, #tpu.memory_space<hbm>>
      tpu.wait_indirect_dma semaphore(%arg17 : memref<!tpu.dma_semaphore, #tpu.memory_space<semaphore_mem>>) src(%dma_wait3A_1931 : memref<100000x128xf32, #tpu.memory_space<hbm>>) dst(%dma_wait3A_1926 : memref<128x128xf32, #tpu.memory_space<vmem>>)
      %dma_wait3A_1932 = arith.constant 128 : i32
      %dma_wait3A_1933 = arith.constant 0 : i32
      %dma_wait3A_1934 = tpu.memref_slice %arg10[%dma_wait3A_1932, %dma_wait3A_1933] : memref<200x128xf32, #tpu.memory_space<vmem>> -> memref<72x128xf32, #tpu.memory_space<vmem>>
      %dma_wait3A_1935 = arith.constant 128 : i32
      %dma_wait3A_1936 = tpu.memref_slice %arg8[%dma_wait3A_1935] : memref<200xi32, #tpu.memory_space<vmem>> -> memref<72xi32, #tpu.memory_space<vmem>>
      %dma_wait3A_1937 = arith.constant 0 : i32
      %dma_wait3A_1938 = arith.constant 0 : i32
      %dma_wait3A_1939 = tpu.memref_slice %arg3[%dma_wait3A_1937, %dma_wait3A_1938] : memref<100000x128xf32, #tpu.memory_space<hbm>> -> memref<100000x128xf32, #tpu.memory_space<hbm>>
      tpu.wait_indirect_dma semaphore(%arg17 : memref<!tpu.dma_semaphore, #tpu.memory_space<semaphore_mem>>) src(%dma_wait3A_1939 : memref<100000x128xf32, #tpu.memory_space<hbm>>) dst(%dma_wait3A_1934 : memref<72x128xf32, #tpu.memory_space<vmem>>)
      %dma_wait3A_1940 = arith.constant 128 : i32
      %dma_wait3A_1941 = arith.constant 0 : i32
      %dma_wait3A_1942 = tpu.memref_slice %arg12[%dma_wait3A_1940, %dma_wait3A_1941] : memref<200x128xf32, #tpu.memory_space<vmem>> -> memref<72x128xf32, #tpu.memory_space<vmem>>
      %dma_wait3A_1943 = arith.constant 128 : i32
      %dma_wait3A_1944 = tpu.memref_slice %arg8[%dma_wait3A_1943] : memref<200xi32, #tpu.memory_space<vmem>> -> memref<72xi32, #tpu.memory_space<vmem>>
      %dma_wait3A_1945 = arith.constant 0 : i32
      %dma_wait3A_1946 = arith.constant 0 : i32
      %dma_wait3A_1947 = tpu.memref_slice %arg4[%dma_wait3A_1945, %dma_wait3A_1946] : memref<100000x128xf32, #tpu.memory_space<hbm>> -> memref<100000x128xf32, #tpu.memory_space<hbm>>
      tpu.wait_indirect_dma semaphore(%arg17 : memref<!tpu.dma_semaphore, #tpu.memory_space<semaphore_mem>>) src(%dma_wait3A_1947 : memref<100000x128xf32, #tpu.memory_space<hbm>>) dst(%dma_wait3A_1942 : memref<72x128xf32, #tpu.memory_space<vmem>>)
      %add3A_1948 = arith.constant 1 : i32
      %add3A_1949 = arith.addi %add3A_1275, %add3A_1948 : i32
      %add3A_1950 = arith.constant 1 : i32
      %add3A_1951 = arith.addi %add3A_1949, %add3A_1950 : i32
      %mul3A_1952 = arith.constant 32 : i32
      %mul3A_1953 = arith.muli %add3A, %mul3A_1952 : i32
      %add3A_1954 = arith.addi %mul3A_1953, %add3A_1951 : i32
      "tpu.region"() ({
        %run_scoped3A = tpu.sem_alloc : memref<!tpu.dma_semaphore, #tpu.memory_space<semaphore_mem>>
        %dma_start3A_2556 = arith.constant 0 : i32
        %dma_start3A_2557 = tpu.memref_slice %arg2[%add3A_1954, %dma_start3A_2556] : memref<1024x200xi32, #tpu.memory_space<hbm>> -> memref<1x200xi32, #tpu.memory_space<hbm>>
        %dma_start3A_2558 = tpu.memref_squeeze %dma_start3A_2557 : memref<1x200xi32, #tpu.memory_space<hbm>> -> memref<200xi32, #tpu.memory_space<hbm>>
        %dma_start3A_2559 = arith.constant 0 : i32
        %dma_start3A_2560 = tpu.memref_slice %arg2[%add3A_1954, %dma_start3A_2559] : memref<1024x200xi32, #tpu.memory_space<hbm>> -> memref<1x200xi32, #tpu.memory_space<hbm>>
        %dma_start3A_2561 = tpu.memref_squeeze %dma_start3A_2560 : memref<1x200xi32, #tpu.memory_space<hbm>> -> memref<200xi32, #tpu.memory_space<hbm>>
        tpu.enqueue_dma source(%dma_start3A_2561 : memref<200xi32, #tpu.memory_space<hbm>>) target(%arg9 : memref<200xi32, #tpu.memory_space<vmem>>) target_semaphore(%run_scoped3A : memref<!tpu.dma_semaphore, #tpu.memory_space<semaphore_mem>>)
        %dma_wait3A_2562 = arith.constant 0 : i32
        %dma_wait3A_2563 = tpu.memref_slice %arg2[%add3A_1954, %dma_wait3A_2562] : memref<1024x200xi32, #tpu.memory_space<hbm>> -> memref<1x200xi32, #tpu.memory_space<hbm>>
        %dma_wait3A_2564 = tpu.memref_squeeze %dma_wait3A_2563 : memref<1x200xi32, #tpu.memory_space<hbm>> -> memref<200xi32, #tpu.memory_space<hbm>>
        %dma_wait3A_2565 = arith.constant 0 : i32
        %dma_wait3A_2566 = tpu.memref_slice %arg2[%add3A_1954, %dma_wait3A_2565] : memref<1024x200xi32, #tpu.memory_space<hbm>> -> memref<1x200xi32, #tpu.memory_space<hbm>>
        %dma_wait3A_2567 = tpu.memref_squeeze %dma_wait3A_2566 : memref<1x200xi32, #tpu.memory_space<hbm>> -> memref<200xi32, #tpu.memory_space<hbm>>
        tpu.wait_dma2 semaphore(%run_scoped3A : memref<!tpu.dma_semaphore, #tpu.memory_space<semaphore_mem>>) src(%dma_wait3A_2567 : memref<200xi32, #tpu.memory_space<hbm>>) dst(%arg9 : memref<200xi32, #tpu.memory_space<vmem>>)
        tpu.yield
      }) : () -> ()
      %dma_start3A_1955 = arith.constant 0 : i32
      %dma_start3A_1956 = arith.constant 0 : i32
      %dma_start3A_1957 = tpu.memref_slice %arg11[%dma_start3A_1955, %dma_start3A_1956] : memref<200x128xf32, #tpu.memory_space<vmem>> -> memref<128x128xf32, #tpu.memory_space<vmem>>
      %dma_start3A_1958 = arith.constant 0 : i32
      %dma_start3A_1959 = tpu.memref_slice %arg9[%dma_start3A_1958] : memref<200xi32, #tpu.memory_space<vmem>> -> memref<128xi32, #tpu.memory_space<vmem>>
      %dma_start3A_1960 = arith.constant 0 : i32
      %dma_start3A_1961 = arith.constant 0 : i32
      %dma_start3A_1962 = tpu.memref_slice %arg3[%dma_start3A_1960, %dma_start3A_1961] : memref<100000x128xf32, #tpu.memory_space<hbm>> -> memref<100000x128xf32, #tpu.memory_space<hbm>>
      tpu.enqueue_indirect_dma source(%dma_start3A_1962 : memref<100000x128xf32, #tpu.memory_space<hbm>>) target(%dma_start3A_1957 : memref<128x128xf32, #tpu.memory_space<vmem>>) offsets(%dma_start3A_1959 : memref<128xi32, #tpu.memory_space<vmem>>) semaphore(%arg17 : memref<!tpu.dma_semaphore, #tpu.memory_space<semaphore_mem>>)
      %dma_start3A_1963 = arith.constant 0 : i32
      %dma_start3A_1964 = arith.constant 0 : i32
      %dma_start3A_1965 = tpu.memref_slice %arg13[%dma_start3A_1963, %dma_start3A_1964] : memref<200x128xf32, #tpu.memory_space<vmem>> -> memref<128x128xf32, #tpu.memory_space<vmem>>
      %dma_start3A_1966 = arith.constant 0 : i32
      %dma_start3A_1967 = tpu.memref_slice %arg9[%dma_start3A_1966] : memref<200xi32, #tpu.memory_space<vmem>> -> memref<128xi32, #tpu.memory_space<vmem>>
      %dma_start3A_1968 = arith.constant 0 : i32
      %dma_start3A_1969 = arith.constant 0 : i32
      %dma_start3A_1970 = tpu.memref_slice %arg4[%dma_start3A_1968, %dma_start3A_1969] : memref<100000x128xf32, #tpu.memory_space<hbm>> -> memref<100000x128xf32, #tpu.memory_space<hbm>>
      tpu.enqueue_indirect_dma source(%dma_start3A_1970 : memref<100000x128xf32, #tpu.memory_space<hbm>>) target(%dma_start3A_1965 : memref<128x128xf32, #tpu.memory_space<vmem>>) offsets(%dma_start3A_1967 : memref<128xi32, #tpu.memory_space<vmem>>) semaphore(%arg17 : memref<!tpu.dma_semaphore, #tpu.memory_space<semaphore_mem>>)
      %dma_start3A_1971 = arith.constant 128 : i32
      %dma_start3A_1972 = arith.constant 0 : i32
      %dma_start3A_1973 = tpu.memref_slice %arg11[%dma_start3A_1971, %dma_start3A_1972] : memref<200x128xf32, #tpu.memory_space<vmem>> -> memref<72x128xf32, #tpu.memory_space<vmem>>
      %dma_start3A_1974 = arith.constant 128 : i32
      %dma_start3A_1975 = tpu.memref_slice %arg9[%dma_start3A_1974] : memref<200xi32, #tpu.memory_space<vmem>> -> memref<72xi32, #tpu.memory_space<vmem>>
      %dma_start3A_1976 = arith.constant 0 : i32
      %dma_start3A_1977 = arith.constant 0 : i32
      %dma_start3A_1978 = tpu.memref_slice %arg3[%dma_start3A_1976, %dma_start3A_1977] : memref<100000x128xf32, #tpu.memory_space<hbm>> -> memref<100000x128xf32, #tpu.memory_space<hbm>>
      tpu.enqueue_indirect_dma source(%dma_start3A_1978 : memref<100000x128xf32, #tpu.memory_space<hbm>>) target(%dma_start3A_1973 : memref<72x128xf32, #tpu.memory_space<vmem>>) offsets(%dma_start3A_1975 : memref<72xi32, #tpu.memory_space<vmem>>) semaphore(%arg17 : memref<!tpu.dma_semaphore, #tpu.memory_space<semaphore_mem>>)
      %dma_start3A_1979 = arith.constant 128 : i32
      %dma_start3A_1980 = arith.constant 0 : i32
      %dma_start3A_1981 = tpu.memref_slice %arg13[%dma_start3A_1979, %dma_start3A_1980] : memref<200x128xf32, #tpu.memory_space<vmem>> -> memref<72x128xf32, #tpu.memory_space<vmem>>
      %dma_start3A_1982 = arith.constant 128 : i32
      %dma_start3A_1983 = tpu.memref_slice %arg9[%dma_start3A_1982] : memref<200xi32, #tpu.memory_space<vmem>> -> memref<72xi32, #tpu.memory_space<vmem>>
      %dma_start3A_1984 = arith.constant 0 : i32
      %dma_start3A_1985 = arith.constant 0 : i32
      %dma_start3A_1986 = tpu.memref_slice %arg4[%dma_start3A_1984, %dma_start3A_1985] : memref<100000x128xf32, #tpu.memory_space<hbm>> -> memref<100000x128xf32, #tpu.memory_space<hbm>>
      tpu.enqueue_indirect_dma source(%dma_start3A_1986 : memref<100000x128xf32, #tpu.memory_space<hbm>>) target(%dma_start3A_1981 : memref<72x128xf32, #tpu.memory_space<vmem>>) offsets(%dma_start3A_1983 : memref<72xi32, #tpu.memory_space<vmem>>) semaphore(%arg17 : memref<!tpu.dma_semaphore, #tpu.memory_space<semaphore_mem>>)
      %mul3A_1987 = arith.constant 32 : i32
      %mul3A_1988 = arith.muli %add3A, %mul3A_1987 : i32
      %add3A_1989 = arith.constant 0 : i32
      %add3A_1990 = arith.addi %mul3A_1988, %add3A_1989 : i32
      %dma_wait3A_1991 = arith.constant 0 : i32
      %dma_wait3A_1992 = arith.constant 0 : i32
      %dma_wait3A_1993 = tpu.memref_slice %arg5[%add3A_1990, %dma_wait3A_1991, %dma_wait3A_1992] : memref<1024x198x32xf32, #tpu.memory_space<hbm>> -> memref<1x198x32xf32, #tpu.memory_space<hbm>>
      %dma_wait3A_1994 = tpu.memref_squeeze %dma_wait3A_1993 : memref<1x198x32xf32, #tpu.memory_space<hbm>> -> memref<198x32xf32, #tpu.memory_space<hbm>>
      %dma_wait3A_1995 = arith.constant 0 : i32
      %dma_wait3A_1996 = arith.constant 0 : i32
      %dma_wait3A_1997 = tpu.memref_slice %arg5[%add3A_1990, %dma_wait3A_1995, %dma_wait3A_1996] : memref<1024x198x32xf32, #tpu.memory_space<hbm>> -> memref<1x198x32xf32, #tpu.memory_space<hbm>>
      %dma_wait3A_1998 = tpu.memref_squeeze %dma_wait3A_1997 : memref<1x198x32xf32, #tpu.memory_space<hbm>> -> memref<198x32xf32, #tpu.memory_space<hbm>>
      tpu.wait_dma2 semaphore(%arg18 : memref<!tpu.dma_semaphore, #tpu.memory_space<semaphore_mem>>) src(%arg14 : memref<198x32xf32, #tpu.memory_space<vmem>>) dst(%dma_wait3A_1998 : memref<198x32xf32, #tpu.memory_space<hbm>>)
      %dma_wait3A_1999 = arith.constant 0 : i32
      %dma_wait3A_2000 = arith.constant 0 : i32
      %dma_wait3A_2001 = tpu.memref_slice %arg6[%add3A_1990, %dma_wait3A_1999, %dma_wait3A_2000] : memref<1024x196x32xf32, #tpu.memory_space<hbm>> -> memref<1x196x32xf32, #tpu.memory_space<hbm>>
      %dma_wait3A_2002 = tpu.memref_squeeze %dma_wait3A_2001 : memref<1x196x32xf32, #tpu.memory_space<hbm>> -> memref<196x32xf32, #tpu.memory_space<hbm>>
      %dma_wait3A_2003 = arith.constant 0 : i32
      %dma_wait3A_2004 = arith.constant 0 : i32
      %dma_wait3A_2005 = tpu.memref_slice %arg6[%add3A_1990, %dma_wait3A_2003, %dma_wait3A_2004] : memref<1024x196x32xf32, #tpu.memory_space<hbm>> -> memref<1x196x32xf32, #tpu.memory_space<hbm>>
      %dma_wait3A_2006 = tpu.memref_squeeze %dma_wait3A_2005 : memref<1x196x32xf32, #tpu.memory_space<hbm>> -> memref<196x32xf32, #tpu.memory_space<hbm>>
      tpu.wait_dma2 semaphore(%arg18 : memref<!tpu.dma_semaphore, #tpu.memory_space<semaphore_mem>>) src(%arg15 : memref<196x32xf32, #tpu.memory_space<vmem>>) dst(%dma_wait3A_2006 : memref<196x32xf32, #tpu.memory_space<hbm>>)
      %dma_wait3A_2007 = arith.constant 0 : i32
      %dma_wait3A_2008 = arith.constant 0 : i32
      %dma_wait3A_2009 = tpu.memref_slice %arg7[%add3A_1990, %dma_wait3A_2007, %dma_wait3A_2008] : memref<1024x194x32xf32, #tpu.memory_space<hbm>> -> memref<1x194x32xf32, #tpu.memory_space<hbm>>
      %dma_wait3A_2010 = tpu.memref_squeeze %dma_wait3A_2009 : memref<1x194x32xf32, #tpu.memory_space<hbm>> -> memref<194x32xf32, #tpu.memory_space<hbm>>
      %dma_wait3A_2011 = arith.constant 0 : i32
      %dma_wait3A_2012 = arith.constant 0 : i32
      %dma_wait3A_2013 = tpu.memref_slice %arg7[%add3A_1990, %dma_wait3A_2011, %dma_wait3A_2012] : memref<1024x194x32xf32, #tpu.memory_space<hbm>> -> memref<1x194x32xf32, #tpu.memory_space<hbm>>
      %dma_wait3A_2014 = tpu.memref_squeeze %dma_wait3A_2013 : memref<1x194x32xf32, #tpu.memory_space<hbm>> -> memref<194x32xf32, #tpu.memory_space<hbm>>
      tpu.wait_dma2 semaphore(%arg18 : memref<!tpu.dma_semaphore, #tpu.memory_space<semaphore_mem>>) src(%arg16 : memref<194x32xf32, #tpu.memory_space<vmem>>) dst(%dma_wait3A_2014 : memref<194x32xf32, #tpu.memory_space<hbm>>)
      %get3A_2015 = arith.constant 0 : i32
      %get3A_2016 = arith.index_cast %get3A_2015 : i32 to index
      %get3A_2017 = arith.constant 96 : index
      %get3A_2018 = tpu.vector_load %arg12[%get3A_2016, %get3A_2017] {strides = array<i32>} : memref<200x128xf32, #tpu.memory_space<vmem>>, vector<1x16xf32>,
      %get3A_2019 = vector.shape_cast %get3A_2018 : vector<1x16xf32> to vector<16xf32>
      %get3A_2020 = arith.constant 0 : i32
      %get3A_2021 = arith.index_cast %get3A_2020 : i32 to index
      %get3A_2022 = arith.constant 112 : index
      %get3A_2023 = tpu.vector_load %arg12[%get3A_2021, %get3A_2022] {strides = array<i32>} : memref<200x128xf32, #tpu.memory_space<vmem>>, vector<1x16xf32>,
      %get3A_2024 = vector.shape_cast %get3A_2023 : vector<1x16xf32> to vector<16xf32>
      %get3A_2025 = arith.constant 1 : i32
      %get3A_2026 = arith.index_cast %get3A_2025 : i32 to index
      %get3A_2027 = arith.constant 96 : index
      %get3A_2028 = tpu.vector_load %arg12[%get3A_2026, %get3A_2027] {strides = array<i32>} : memref<200x128xf32, #tpu.memory_space<vmem>>, vector<1x16xf32>,
      %get3A_2029 = vector.shape_cast %get3A_2028 : vector<1x16xf32> to vector<16xf32>
      %get3A_2030 = arith.constant 1 : i32
      %get3A_2031 = arith.index_cast %get3A_2030 : i32 to index
      %get3A_2032 = arith.constant 112 : index
      %get3A_2033 = tpu.vector_load %arg12[%get3A_2031, %get3A_2032] {strides = array<i32>} : memref<200x128xf32, #tpu.memory_space<vmem>>, vector<1x16xf32>,
      %get3A_2034 = vector.shape_cast %get3A_2033 : vector<1x16xf32> to vector<16xf32>
      %get3A_2035 = arith.constant 2 : i32
      %get3A_2036 = arith.index_cast %get3A_2035 : i32 to index
      %get3A_2037 = arith.constant 96 : index
      %get3A_2038 = tpu.vector_load %arg12[%get3A_2036, %get3A_2037] {strides = array<i32>} : memref<200x128xf32, #tpu.memory_space<vmem>>, vector<1x16xf32>,
      %get3A_2039 = vector.shape_cast %get3A_2038 : vector<1x16xf32> to vector<16xf32>
      %get3A_2040 = arith.constant 2 : i32
      %get3A_2041 = arith.index_cast %get3A_2040 : i32 to index
      %get3A_2042 = arith.constant 112 : index
      %get3A_2043 = tpu.vector_load %arg12[%get3A_2041, %get3A_2042] {strides = array<i32>} : memref<200x128xf32, #tpu.memory_space<vmem>>, vector<1x16xf32>,
      %get3A_2044 = vector.shape_cast %get3A_2043 : vector<1x16xf32> to vector<16xf32>
      %get3A_2045 = arith.constant 3 : i32
      %get3A_2046 = arith.index_cast %get3A_2045 : i32 to index
      %get3A_2047 = arith.constant 96 : index
      %get3A_2048 = tpu.vector_load %arg12[%get3A_2046, %get3A_2047] {strides = array<i32>} : memref<200x128xf32, #tpu.memory_space<vmem>>, vector<1x16xf32>,
      %get3A_2049 = vector.shape_cast %get3A_2048 : vector<1x16xf32> to vector<16xf32>
      %get3A_2050 = arith.constant 3 : i32
      %get3A_2051 = arith.index_cast %get3A_2050 : i32 to index
      %get3A_2052 = arith.constant 112 : index
      %get3A_2053 = tpu.vector_load %arg12[%get3A_2051, %get3A_2052] {strides = array<i32>} : memref<200x128xf32, #tpu.memory_space<vmem>>, vector<1x16xf32>,
      %get3A_2054 = vector.shape_cast %get3A_2053 : vector<1x16xf32> to vector<16xf32>
      %get3A_2055 = arith.constant 4 : i32
      %get3A_2056 = arith.index_cast %get3A_2055 : i32 to index
      %get3A_2057 = arith.constant 96 : index
      %get3A_2058 = tpu.vector_load %arg12[%get3A_2056, %get3A_2057] {strides = array<i32>} : memref<200x128xf32, #tpu.memory_space<vmem>>, vector<1x16xf32>,
      %get3A_2059 = vector.shape_cast %get3A_2058 : vector<1x16xf32> to vector<16xf32>
      %get3A_2060 = arith.constant 4 : i32
      %get3A_2061 = arith.index_cast %get3A_2060 : i32 to index
      %get3A_2062 = arith.constant 112 : index
      %get3A_2063 = tpu.vector_load %arg12[%get3A_2061, %get3A_2062] {strides = array<i32>} : memref<200x128xf32, #tpu.memory_space<vmem>>, vector<1x16xf32>,
      %get3A_2064 = vector.shape_cast %get3A_2063 : vector<1x16xf32> to vector<16xf32>
      %get3A_2065 = arith.constant 5 : i32
      %get3A_2066 = arith.index_cast %get3A_2065 : i32 to index
      %get3A_2067 = arith.constant 96 : index
      %get3A_2068 = tpu.vector_load %arg12[%get3A_2066, %get3A_2067] {strides = array<i32>} : memref<200x128xf32, #tpu.memory_space<vmem>>, vector<1x16xf32>,
      %get3A_2069 = vector.shape_cast %get3A_2068 : vector<1x16xf32> to vector<16xf32>
      %get3A_2070 = arith.constant 5 : i32
      %get3A_2071 = arith.index_cast %get3A_2070 : i32 to index
      %get3A_2072 = arith.constant 112 : index
      %get3A_2073 = tpu.vector_load %arg12[%get3A_2071, %get3A_2072] {strides = array<i32>} : memref<200x128xf32, #tpu.memory_space<vmem>>, vector<1x16xf32>,
      %get3A_2074 = vector.shape_cast %get3A_2073 : vector<1x16xf32> to vector<16xf32>
      %parallel_loop3A_2075 = arith.constant 3 : i32
      %parallel_loop3A_2076 = arith.constant 197 : i32
      %parallel_loop3A_2077 = arith.constant 1 : i32
      %parallel_loop3A_2078:12 = scf.for %parallel_loop3A_2556 = %parallel_loop3A_2075 to %parallel_loop3A_2076 step %parallel_loop3A_2077 iter_args(%parallel_loop3A_2557 = %get3A_2019, %parallel_loop3A_2558 = %get3A_2024, %parallel_loop3A_2559 = %get3A_2029, %parallel_loop3A_2560 = %get3A_2034, %parallel_loop3A_2561 = %get3A_2039, %parallel_loop3A_2562 = %get3A_2044, %parallel_loop3A_2563 = %get3A_2049, %parallel_loop3A_2564 = %get3A_2054, %parallel_loop3A_2565 = %get3A_2059, %parallel_loop3A_2566 = %get3A_2064, %parallel_loop3A_2567 = %get3A_2069, %parallel_loop3A_2568 = %get3A_2074) -> (vector<16xf32>, vector<16xf32>, vector<16xf32>, vector<16xf32>, vector<16xf32>, vector<16xf32>, vector<16xf32>, vector<16xf32>, vector<16xf32>, vector<16xf32>, vector<16xf32>, vector<16xf32>)  : i32 {
        %parallel_loop3A_2569 = arith.constant 3 : i32
        %parallel_loop3A_2570 = arith.addi %parallel_loop3A_2556, %parallel_loop3A_2569 : i32
        %parallel_loop3A_2571 = arith.index_cast %parallel_loop3A_2570 : i32 to index
        %parallel_loop3A_2572 = arith.constant 96 : index
        %parallel_loop3A_2573 = tpu.vector_load %arg12[%parallel_loop3A_2571, %parallel_loop3A_2572] {strides = array<i32>} : memref<200x128xf32, #tpu.memory_space<vmem>>, vector<1x16xf32>,
        %parallel_loop3A_2574 = vector.shape_cast %parallel_loop3A_2573 : vector<1x16xf32> to vector<16xf32>
        %parallel_loop3A_2575 = arith.constant 3 : i32
        %parallel_loop3A_2576 = arith.addi %parallel_loop3A_2556, %parallel_loop3A_2575 : i32
        %parallel_loop3A_2577 = arith.index_cast %parallel_loop3A_2576 : i32 to index
        %parallel_loop3A_2578 = arith.constant 112 : index
        %parallel_loop3A_2579 = tpu.vector_load %arg12[%parallel_loop3A_2577, %parallel_loop3A_2578] {strides = array<i32>} : memref<200x128xf32, #tpu.memory_space<vmem>>, vector<1x16xf32>,
        %parallel_loop3A_2580 = vector.shape_cast %parallel_loop3A_2579 : vector<1x16xf32> to vector<16xf32>
        %parallel_loop3A_2581 = arith.index_cast %parallel_loop3A_2556 : i32 to index
        %parallel_loop3A_2582 = arith.constant 0 : index
        %parallel_loop3A_2583 = tpu.vector_load %arg10[%parallel_loop3A_2581, %parallel_loop3A_2582] {strides = array<i32>} : memref<200x128xf32, #tpu.memory_space<vmem>>, vector<1x16xf32>,
        %parallel_loop3A_2584 = vector.shape_cast %parallel_loop3A_2583 : vector<1x16xf32> to vector<16xf32>
        %parallel_loop3A_2585 = arith.mulf %parallel_loop3A_2557, %parallel_loop3A_2584 : vector<16xf32>
        %parallel_loop3A_2586 = arith.index_cast %parallel_loop3A_2556 : i32 to index
        %parallel_loop3A_2587 = arith.constant 32 : index
        %parallel_loop3A_2588 = tpu.vector_load %arg10[%parallel_loop3A_2586, %parallel_loop3A_2587] {strides = array<i32>} : memref<200x128xf32, #tpu.memory_space<vmem>>, vector<1x16xf32>,
        %parallel_loop3A_2589 = vector.shape_cast %parallel_loop3A_2588 : vector<1x16xf32> to vector<16xf32>
        %parallel_loop3A_2590 = arith.mulf %parallel_loop3A_2559, %parallel_loop3A_2589 : vector<16xf32>
        %parallel_loop3A_2591 = arith.index_cast %parallel_loop3A_2556 : i32 to index
        %parallel_loop3A_2592 = arith.constant 64 : index
        %parallel_loop3A_2593 = tpu.vector_load %arg10[%parallel_loop3A_2591, %parallel_loop3A_2592] {strides = array<i32>} : memref<200x128xf32, #tpu.memory_space<vmem>>, vector<1x16xf32>,
        %parallel_loop3A_2594 = vector.shape_cast %parallel_loop3A_2593 : vector<1x16xf32> to vector<16xf32>
        %parallel_loop3A_2595 = arith.mulf %parallel_loop3A_2561, %parallel_loop3A_2594 : vector<16xf32>
        %parallel_loop3A_2596 = arith.index_cast %parallel_loop3A_2556 : i32 to index
        %parallel_loop3A_2597 = arith.constant 96 : index
        %parallel_loop3A_2598 = tpu.vector_load %arg10[%parallel_loop3A_2596, %parallel_loop3A_2597] {strides = array<i32>} : memref<200x128xf32, #tpu.memory_space<vmem>>, vector<1x16xf32>,
        %parallel_loop3A_2599 = vector.shape_cast %parallel_loop3A_2598 : vector<1x16xf32> to vector<16xf32>
        %parallel_loop3A_2600 = arith.mulf %parallel_loop3A_2563, %parallel_loop3A_2599 : vector<16xf32>
        %parallel_loop3A_2601 = arith.index_cast %parallel_loop3A_2556 : i32 to index
        %parallel_loop3A_2602 = arith.constant 0 : index
        %parallel_loop3A_2603 = tpu.vector_load %arg12[%parallel_loop3A_2601, %parallel_loop3A_2602] {strides = array<i32>} : memref<200x128xf32, #tpu.memory_space<vmem>>, vector<1x16xf32>,
        %parallel_loop3A_2604 = vector.shape_cast %parallel_loop3A_2603 : vector<1x16xf32> to vector<16xf32>
        %parallel_loop3A_2605 = arith.mulf %parallel_loop3A_2565, %parallel_loop3A_2604 : vector<16xf32>
        %parallel_loop3A_2606 = arith.index_cast %parallel_loop3A_2556 : i32 to index
        %parallel_loop3A_2607 = arith.constant 32 : index
        %parallel_loop3A_2608 = tpu.vector_load %arg12[%parallel_loop3A_2606, %parallel_loop3A_2607] {strides = array<i32>} : memref<200x128xf32, #tpu.memory_space<vmem>>, vector<1x16xf32>,
        %parallel_loop3A_2609 = vector.shape_cast %parallel_loop3A_2608 : vector<1x16xf32> to vector<16xf32>
        %parallel_loop3A_2610 = arith.mulf %parallel_loop3A_2567, %parallel_loop3A_2609 : vector<16xf32>
        %parallel_loop3A_2611 = arith.index_cast %parallel_loop3A_2556 : i32 to index
        %parallel_loop3A_2612 = arith.constant 64 : index
        %parallel_loop3A_2613 = tpu.vector_load %arg12[%parallel_loop3A_2611, %parallel_loop3A_2612] {strides = array<i32>} : memref<200x128xf32, #tpu.memory_space<vmem>>, vector<1x16xf32>,
        %parallel_loop3A_2614 = vector.shape_cast %parallel_loop3A_2613 : vector<1x16xf32> to vector<16xf32>
        %parallel_loop3A_2615 = arith.mulf %parallel_loop3A_2574, %parallel_loop3A_2614 : vector<16xf32>
        %parallel_loop3A_2616 = arith.maximumf %parallel_loop3A_2595, %parallel_loop3A_2600 : vector<16xf32>
        %parallel_loop3A_2617 = arith.maximumf %parallel_loop3A_2616, %parallel_loop3A_2605 : vector<16xf32>
        %parallel_loop3A_2618 = arith.maximumf %parallel_loop3A_2590, %parallel_loop3A_2610 : vector<16xf32>
        %parallel_loop3A_2619 = arith.maximumf %parallel_loop3A_2617, %parallel_loop3A_2618 : vector<16xf32>
        %parallel_loop3A_2620 = arith.maximumf %parallel_loop3A_2585, %parallel_loop3A_2615 : vector<16xf32>
        %parallel_loop3A_2621 = arith.maximumf %parallel_loop3A_2619, %parallel_loop3A_2620 : vector<16xf32>
        %parallel_loop3A_2622 = arith.constant 1 : i32
        %parallel_loop3A_2623 = arith.subi %parallel_loop3A_2556, %parallel_loop3A_2622 : i32
        %parallel_loop3A_2624 = arith.index_cast %parallel_loop3A_2623 : i32 to index
        %parallel_loop3A_2625 = arith.constant 0 : index
        %parallel_loop3A_2626 = tpu.vector_load %arg14[%parallel_loop3A_2624, %parallel_loop3A_2625] {strides = array<i32>} : memref<198x32xf32, #tpu.memory_space<vmem>>, vector<1x16xf32>,
        %parallel_loop3A_2627 = vector.shape_cast %parallel_loop3A_2626 : vector<1x16xf32> to vector<16xf32>
        %parallel_loop3A_2628 = vector.shape_cast %parallel_loop3A_2617 : vector<16xf32> to vector<1x16xf32>
        tpu.vector_store %arg14[%parallel_loop3A_2624, %parallel_loop3A_2625], %parallel_loop3A_2628 {strides = array<i32>} : memref<198x32xf32, #tpu.memory_space<vmem>>, vector<1x16xf32>,
        %parallel_loop3A_2629 = arith.constant 2 : i32
        %parallel_loop3A_2630 = arith.subi %parallel_loop3A_2556, %parallel_loop3A_2629 : i32
        %parallel_loop3A_2631 = arith.index_cast %parallel_loop3A_2630 : i32 to index
        %parallel_loop3A_2632 = arith.constant 0 : index
        %parallel_loop3A_2633 = tpu.vector_load %arg15[%parallel_loop3A_2631, %parallel_loop3A_2632] {strides = array<i32>} : memref<196x32xf32, #tpu.memory_space<vmem>>, vector<1x16xf32>,
        %parallel_loop3A_2634 = vector.shape_cast %parallel_loop3A_2633 : vector<1x16xf32> to vector<16xf32>
        %parallel_loop3A_2635 = vector.shape_cast %parallel_loop3A_2619 : vector<16xf32> to vector<1x16xf32>
        tpu.vector_store %arg15[%parallel_loop3A_2631, %parallel_loop3A_2632], %parallel_loop3A_2635 {strides = array<i32>} : memref<196x32xf32, #tpu.memory_space<vmem>>, vector<1x16xf32>,
        %parallel_loop3A_2636 = arith.constant 3 : i32
        %parallel_loop3A_2637 = arith.subi %parallel_loop3A_2556, %parallel_loop3A_2636 : i32
        %parallel_loop3A_2638 = arith.index_cast %parallel_loop3A_2637 : i32 to index
        %parallel_loop3A_2639 = arith.constant 0 : index
        %parallel_loop3A_2640 = tpu.vector_load %arg16[%parallel_loop3A_2638, %parallel_loop3A_2639] {strides = array<i32>} : memref<194x32xf32, #tpu.memory_space<vmem>>, vector<1x16xf32>,
        %parallel_loop3A_2641 = vector.shape_cast %parallel_loop3A_2640 : vector<1x16xf32> to vector<16xf32>
        %parallel_loop3A_2642 = vector.shape_cast %parallel_loop3A_2621 : vector<16xf32> to vector<1x16xf32>
        tpu.vector_store %arg16[%parallel_loop3A_2638, %parallel_loop3A_2639], %parallel_loop3A_2642 {strides = array<i32>} : memref<194x32xf32, #tpu.memory_space<vmem>>, vector<1x16xf32>,
        %parallel_loop3A_2643 = arith.index_cast %parallel_loop3A_2556 : i32 to index
        %parallel_loop3A_2644 = arith.constant 16 : index
        %parallel_loop3A_2645 = tpu.vector_load %arg10[%parallel_loop3A_2643, %parallel_loop3A_2644] {strides = array<i32>} : memref<200x128xf32, #tpu.memory_space<vmem>>, vector<1x16xf32>,
        %parallel_loop3A_2646 = vector.shape_cast %parallel_loop3A_2645 : vector<1x16xf32> to vector<16xf32>
        %parallel_loop3A_2647 = arith.mulf %parallel_loop3A_2558, %parallel_loop3A_2646 : vector<16xf32>
        %parallel_loop3A_2648 = arith.index_cast %parallel_loop3A_2556 : i32 to index
        %parallel_loop3A_2649 = arith.constant 48 : index
        %parallel_loop3A_2650 = tpu.vector_load %arg10[%parallel_loop3A_2648, %parallel_loop3A_2649] {strides = array<i32>} : memref<200x128xf32, #tpu.memory_space<vmem>>, vector<1x16xf32>,
        %parallel_loop3A_2651 = vector.shape_cast %parallel_loop3A_2650 : vector<1x16xf32> to vector<16xf32>
        %parallel_loop3A_2652 = arith.mulf %parallel_loop3A_2560, %parallel_loop3A_2651 : vector<16xf32>
        %parallel_loop3A_2653 = arith.index_cast %parallel_loop3A_2556 : i32 to index
        %parallel_loop3A_2654 = arith.constant 80 : index
        %parallel_loop3A_2655 = tpu.vector_load %arg10[%parallel_loop3A_2653, %parallel_loop3A_2654] {strides = array<i32>} : memref<200x128xf32, #tpu.memory_space<vmem>>, vector<1x16xf32>,
        %parallel_loop3A_2656 = vector.shape_cast %parallel_loop3A_2655 : vector<1x16xf32> to vector<16xf32>
        %parallel_loop3A_2657 = arith.mulf %parallel_loop3A_2562, %parallel_loop3A_2656 : vector<16xf32>
        %parallel_loop3A_2658 = arith.index_cast %parallel_loop3A_2556 : i32 to index
        %parallel_loop3A_2659 = arith.constant 112 : index
        %parallel_loop3A_2660 = tpu.vector_load %arg10[%parallel_loop3A_2658, %parallel_loop3A_2659] {strides = array<i32>} : memref<200x128xf32, #tpu.memory_space<vmem>>, vector<1x16xf32>,
        %parallel_loop3A_2661 = vector.shape_cast %parallel_loop3A_2660 : vector<1x16xf32> to vector<16xf32>
        %parallel_loop3A_2662 = arith.mulf %parallel_loop3A_2564, %parallel_loop3A_2661 : vector<16xf32>
        %parallel_loop3A_2663 = arith.index_cast %parallel_loop3A_2556 : i32 to index
        %parallel_loop3A_2664 = arith.constant 16 : index
        %parallel_loop3A_2665 = tpu.vector_load %arg12[%parallel_loop3A_2663, %parallel_loop3A_2664] {strides = array<i32>} : memref<200x128xf32, #tpu.memory_space<vmem>>, vector<1x16xf32>,
        %parallel_loop3A_2666 = vector.shape_cast %parallel_loop3A_2665 : vector<1x16xf32> to vector<16xf32>
        %parallel_loop3A_2667 = arith.mulf %parallel_loop3A_2566, %parallel_loop3A_2666 : vector<16xf32>
        %parallel_loop3A_2668 = arith.index_cast %parallel_loop3A_2556 : i32 to index
        %parallel_loop3A_2669 = arith.constant 48 : index
        %parallel_loop3A_2670 = tpu.vector_load %arg12[%parallel_loop3A_2668, %parallel_loop3A_2669] {strides = array<i32>} : memref<200x128xf32, #tpu.memory_space<vmem>>, vector<1x16xf32>,
        %parallel_loop3A_2671 = vector.shape_cast %parallel_loop3A_2670 : vector<1x16xf32> to vector<16xf32>
        %parallel_loop3A_2672 = arith.mulf %parallel_loop3A_2568, %parallel_loop3A_2671 : vector<16xf32>
        %parallel_loop3A_2673 = arith.index_cast %parallel_loop3A_2556 : i32 to index
        %parallel_loop3A_2674 = arith.constant 80 : index
        %parallel_loop3A_2675 = tpu.vector_load %arg12[%parallel_loop3A_2673, %parallel_loop3A_2674] {strides = array<i32>} : memref<200x128xf32, #tpu.memory_space<vmem>>, vector<1x16xf32>,
        %parallel_loop3A_2676 = vector.shape_cast %parallel_loop3A_2675 : vector<1x16xf32> to vector<16xf32>
        %parallel_loop3A_2677 = arith.mulf %parallel_loop3A_2580, %parallel_loop3A_2676 : vector<16xf32>
        %parallel_loop3A_2678 = arith.maximumf %parallel_loop3A_2657, %parallel_loop3A_2662 : vector<16xf32>
        %parallel_loop3A_2679 = arith.maximumf %parallel_loop3A_2678, %parallel_loop3A_2667 : vector<16xf32>
        %parallel_loop3A_2680 = arith.maximumf %parallel_loop3A_2652, %parallel_loop3A_2672 : vector<16xf32>
        %parallel_loop3A_2681 = arith.maximumf %parallel_loop3A_2679, %parallel_loop3A_2680 : vector<16xf32>
        %parallel_loop3A_2682 = arith.maximumf %parallel_loop3A_2647, %parallel_loop3A_2677 : vector<16xf32>
        %parallel_loop3A_2683 = arith.maximumf %parallel_loop3A_2681, %parallel_loop3A_2682 : vector<16xf32>
        %parallel_loop3A_2684 = arith.constant 1 : i32
        %parallel_loop3A_2685 = arith.subi %parallel_loop3A_2556, %parallel_loop3A_2684 : i32
        %parallel_loop3A_2686 = arith.index_cast %parallel_loop3A_2685 : i32 to index
        %parallel_loop3A_2687 = arith.constant 16 : index
        %parallel_loop3A_2688 = tpu.vector_load %arg14[%parallel_loop3A_2686, %parallel_loop3A_2687] {strides = array<i32>} : memref<198x32xf32, #tpu.memory_space<vmem>>, vector<1x16xf32>,
        %parallel_loop3A_2689 = vector.shape_cast %parallel_loop3A_2688 : vector<1x16xf32> to vector<16xf32>
        %parallel_loop3A_2690 = vector.shape_cast %parallel_loop3A_2679 : vector<16xf32> to vector<1x16xf32>
        tpu.vector_store %arg14[%parallel_loop3A_2686, %parallel_loop3A_2687], %parallel_loop3A_2690 {strides = array<i32>} : memref<198x32xf32, #tpu.memory_space<vmem>>, vector<1x16xf32>,
        %parallel_loop3A_2691 = arith.constant 2 : i32
        %parallel_loop3A_2692 = arith.subi %parallel_loop3A_2556, %parallel_loop3A_2691 : i32
        %parallel_loop3A_2693 = arith.index_cast %parallel_loop3A_2692 : i32 to index
        %parallel_loop3A_2694 = arith.constant 16 : index
        %parallel_loop3A_2695 = tpu.vector_load %arg15[%parallel_loop3A_2693, %parallel_loop3A_2694] {strides = array<i32>} : memref<196x32xf32, #tpu.memory_space<vmem>>, vector<1x16xf32>,
        %parallel_loop3A_2696 = vector.shape_cast %parallel_loop3A_2695 : vector<1x16xf32> to vector<16xf32>
        %parallel_loop3A_2697 = vector.shape_cast %parallel_loop3A_2681 : vector<16xf32> to vector<1x16xf32>
        tpu.vector_store %arg15[%parallel_loop3A_2693, %parallel_loop3A_2694], %parallel_loop3A_2697 {strides = array<i32>} : memref<196x32xf32, #tpu.memory_space<vmem>>, vector<1x16xf32>,
        %parallel_loop3A_2698 = arith.constant 3 : i32
        %parallel_loop3A_2699 = arith.subi %parallel_loop3A_2556, %parallel_loop3A_2698 : i32
        %parallel_loop3A_2700 = arith.index_cast %parallel_loop3A_2699 : i32 to index
        %parallel_loop3A_2701 = arith.constant 16 : index
        %parallel_loop3A_2702 = tpu.vector_load %arg16[%parallel_loop3A_2700, %parallel_loop3A_2701] {strides = array<i32>} : memref<194x32xf32, #tpu.memory_space<vmem>>, vector<1x16xf32>,
        %parallel_loop3A_2703 = vector.shape_cast %parallel_loop3A_2702 : vector<1x16xf32> to vector<16xf32>
        %parallel_loop3A_2704 = vector.shape_cast %parallel_loop3A_2683 : vector<16xf32> to vector<1x16xf32>
        tpu.vector_store %arg16[%parallel_loop3A_2700, %parallel_loop3A_2701], %parallel_loop3A_2704 {strides = array<i32>} : memref<194x32xf32, #tpu.memory_space<vmem>>, vector<1x16xf32>,
        scf.yield %parallel_loop3A_2559, %parallel_loop3A_2560, %parallel_loop3A_2561, %parallel_loop3A_2562, %parallel_loop3A_2563, %parallel_loop3A_2564, %parallel_loop3A_2565, %parallel_loop3A_2566, %parallel_loop3A_2567, %parallel_loop3A_2568, %parallel_loop3A_2574, %parallel_loop3A_2580 : vector<16xf32>, vector<16xf32>, vector<16xf32>, vector<16xf32>, vector<16xf32>, vector<16xf32>, vector<16xf32>, vector<16xf32>, vector<16xf32>, vector<16xf32>, vector<16xf32>, vector<16xf32>
      } {sc.loop_unroll_factor = 2 : i64, sc.parallel_access}
      %get3A_2079 = arith.constant 1 : i32
      %get3A_2080 = arith.index_cast %get3A_2079 : i32 to index
      %get3A_2081 = arith.constant 96 : index
      %get3A_2082 = tpu.vector_load %arg12[%get3A_2080, %get3A_2081] {strides = array<i32>} : memref<200x128xf32, #tpu.memory_space<vmem>>, vector<1x16xf32>,
      %get3A_2083 = vector.shape_cast %get3A_2082 : vector<1x16xf32> to vector<16xf32>
      %get3A_2084 = arith.constant 1 : i32
      %get3A_2085 = arith.index_cast %get3A_2084 : i32 to index
      %get3A_2086 = arith.constant 96 : index
      %get3A_2087 = tpu.vector_load %arg10[%get3A_2085, %get3A_2086] {strides = array<i32>} : memref<200x128xf32, #tpu.memory_space<vmem>>, vector<1x16xf32>,
      %get3A_2088 = vector.shape_cast %get3A_2087 : vector<1x16xf32> to vector<16xf32>
      %mul3A_2089 = arith.mulf %get3A_2083, %get3A_2088 : vector<16xf32>
      %get3A_2090 = arith.constant 0 : i32
      %get3A_2091 = arith.index_cast %get3A_2090 : i32 to index
      %get3A_2092 = arith.constant 96 : index
      %get3A_2093 = tpu.vector_load %arg12[%get3A_2091, %get3A_2092] {strides = array<i32>} : memref<200x128xf32, #tpu.memory_space<vmem>>, vector<1x16xf32>,
      %get3A_2094 = vector.shape_cast %get3A_2093 : vector<1x16xf32> to vector<16xf32>
      %get3A_2095 = arith.constant 1 : i32
      %get3A_2096 = arith.index_cast %get3A_2095 : i32 to index
      %get3A_2097 = arith.constant 64 : index
      %get3A_2098 = tpu.vector_load %arg10[%get3A_2096, %get3A_2097] {strides = array<i32>} : memref<200x128xf32, #tpu.memory_space<vmem>>, vector<1x16xf32>,
      %get3A_2099 = vector.shape_cast %get3A_2098 : vector<1x16xf32> to vector<16xf32>
      %mul3A_2100 = arith.mulf %get3A_2094, %get3A_2099 : vector<16xf32>
      %max3A_2101 = arith.maximumf %mul3A_2100, %mul3A_2089 : vector<16xf32>
      %get3A_2102 = arith.constant 2 : i32
      %get3A_2103 = arith.index_cast %get3A_2102 : i32 to index
      %get3A_2104 = arith.constant 96 : index
      %get3A_2105 = tpu.vector_load %arg12[%get3A_2103, %get3A_2104] {strides = array<i32>} : memref<200x128xf32, #tpu.memory_space<vmem>>, vector<1x16xf32>,
      %get3A_2106 = vector.shape_cast %get3A_2105 : vector<1x16xf32> to vector<16xf32>
      %get3A_2107 = arith.constant 1 : i32
      %get3A_2108 = arith.index_cast %get3A_2107 : i32 to index
      %get3A_2109 = arith.constant 0 : index
      %get3A_2110 = tpu.vector_load %arg12[%get3A_2108, %get3A_2109] {strides = array<i32>} : memref<200x128xf32, #tpu.memory_space<vmem>>, vector<1x16xf32>,
      %get3A_2111 = vector.shape_cast %get3A_2110 : vector<1x16xf32> to vector<16xf32>
      %mul3A_2112 = arith.mulf %get3A_2106, %get3A_2111 : vector<16xf32>
      %max3A_2113 = arith.maximumf %max3A_2101, %mul3A_2112 : vector<16xf32>
      %swap3A_2114 = arith.constant 0 : i32
      %swap3A_2115 = arith.index_cast %swap3A_2114 : i32 to index
      %swap3A_2116 = arith.constant 0 : index
      %swap3A_2117 = tpu.vector_load %arg14[%swap3A_2115, %swap3A_2116] {strides = array<i32>} : memref<198x32xf32, #tpu.memory_space<vmem>>, vector<1x16xf32>,
      %swap3A_2118 = vector.shape_cast %swap3A_2117 : vector<1x16xf32> to vector<16xf32>
      %swap3A_2119 = vector.shape_cast %max3A_2113 : vector<16xf32> to vector<1x16xf32>
      tpu.vector_store %arg14[%swap3A_2115, %swap3A_2116], %swap3A_2119 {strides = array<i32>} : memref<198x32xf32, #tpu.memory_space<vmem>>, vector<1x16xf32>,
      %get3A_2120 = arith.constant 1 : i32
      %get3A_2121 = arith.index_cast %get3A_2120 : i32 to index
      %get3A_2122 = arith.constant 112 : index
      %get3A_2123 = tpu.vector_load %arg12[%get3A_2121, %get3A_2122] {strides = array<i32>} : memref<200x128xf32, #tpu.memory_space<vmem>>, vector<1x16xf32>,
      %get3A_2124 = vector.shape_cast %get3A_2123 : vector<1x16xf32> to vector<16xf32>
      %get3A_2125 = arith.constant 1 : i32
      %get3A_2126 = arith.index_cast %get3A_2125 : i32 to index
      %get3A_2127 = arith.constant 112 : index
      %get3A_2128 = tpu.vector_load %arg10[%get3A_2126, %get3A_2127] {strides = array<i32>} : memref<200x128xf32, #tpu.memory_space<vmem>>, vector<1x16xf32>,
      %get3A_2129 = vector.shape_cast %get3A_2128 : vector<1x16xf32> to vector<16xf32>
      %mul3A_2130 = arith.mulf %get3A_2124, %get3A_2129 : vector<16xf32>
      %get3A_2131 = arith.constant 0 : i32
      %get3A_2132 = arith.index_cast %get3A_2131 : i32 to index
      %get3A_2133 = arith.constant 112 : index
      %get3A_2134 = tpu.vector_load %arg12[%get3A_2132, %get3A_2133] {strides = array<i32>} : memref<200x128xf32, #tpu.memory_space<vmem>>, vector<1x16xf32>,
      %get3A_2135 = vector.shape_cast %get3A_2134 : vector<1x16xf32> to vector<16xf32>
      %get3A_2136 = arith.constant 1 : i32
      %get3A_2137 = arith.index_cast %get3A_2136 : i32 to index
      %get3A_2138 = arith.constant 80 : index
      %get3A_2139 = tpu.vector_load %arg10[%get3A_2137, %get3A_2138] {strides = array<i32>} : memref<200x128xf32, #tpu.memory_space<vmem>>, vector<1x16xf32>,
      %get3A_2140 = vector.shape_cast %get3A_2139 : vector<1x16xf32> to vector<16xf32>
      %mul3A_2141 = arith.mulf %get3A_2135, %get3A_2140 : vector<16xf32>
      %max3A_2142 = arith.maximumf %mul3A_2141, %mul3A_2130 : vector<16xf32>
      %get3A_2143 = arith.constant 2 : i32
      %get3A_2144 = arith.index_cast %get3A_2143 : i32 to index
      %get3A_2145 = arith.constant 112 : index
      %get3A_2146 = tpu.vector_load %arg12[%get3A_2144, %get3A_2145] {strides = array<i32>} : memref<200x128xf32, #tpu.memory_space<vmem>>, vector<1x16xf32>,
      %get3A_2147 = vector.shape_cast %get3A_2146 : vector<1x16xf32> to vector<16xf32>
      %get3A_2148 = arith.constant 1 : i32
      %get3A_2149 = arith.index_cast %get3A_2148 : i32 to index
      %get3A_2150 = arith.constant 16 : index
      %get3A_2151 = tpu.vector_load %arg12[%get3A_2149, %get3A_2150] {strides = array<i32>} : memref<200x128xf32, #tpu.memory_space<vmem>>, vector<1x16xf32>,
      %get3A_2152 = vector.shape_cast %get3A_2151 : vector<1x16xf32> to vector<16xf32>
      %mul3A_2153 = arith.mulf %get3A_2147, %get3A_2152 : vector<16xf32>
      %max3A_2154 = arith.maximumf %max3A_2142, %mul3A_2153 : vector<16xf32>
      %swap3A_2155 = arith.constant 0 : i32
      %swap3A_2156 = arith.index_cast %swap3A_2155 : i32 to index
      %swap3A_2157 = arith.constant 16 : index
      %swap3A_2158 = tpu.vector_load %arg14[%swap3A_2156, %swap3A_2157] {strides = array<i32>} : memref<198x32xf32, #tpu.memory_space<vmem>>, vector<1x16xf32>,
      %swap3A_2159 = vector.shape_cast %swap3A_2158 : vector<1x16xf32> to vector<16xf32>
      %swap3A_2160 = vector.shape_cast %max3A_2154 : vector<16xf32> to vector<1x16xf32>
      tpu.vector_store %arg14[%swap3A_2156, %swap3A_2157], %swap3A_2160 {strides = array<i32>} : memref<198x32xf32, #tpu.memory_space<vmem>>, vector<1x16xf32>,
      %get3A_2161 = arith.constant 2 : i32
      %get3A_2162 = arith.index_cast %get3A_2161 : i32 to index
      %get3A_2163 = arith.constant 96 : index
      %get3A_2164 = tpu.vector_load %arg12[%get3A_2162, %get3A_2163] {strides = array<i32>} : memref<200x128xf32, #tpu.memory_space<vmem>>, vector<1x16xf32>,
      %get3A_2165 = vector.shape_cast %get3A_2164 : vector<1x16xf32> to vector<16xf32>
      %get3A_2166 = arith.constant 2 : i32
      %get3A_2167 = arith.index_cast %get3A_2166 : i32 to index
      %get3A_2168 = arith.constant 96 : index
      %get3A_2169 = tpu.vector_load %arg10[%get3A_2167, %get3A_2168] {strides = array<i32>} : memref<200x128xf32, #tpu.memory_space<vmem>>, vector<1x16xf32>,
      %get3A_2170 = vector.shape_cast %get3A_2169 : vector<1x16xf32> to vector<16xf32>
      %mul3A_2171 = arith.mulf %get3A_2165, %get3A_2170 : vector<16xf32>
      %get3A_2172 = arith.constant 1 : i32
      %get3A_2173 = arith.index_cast %get3A_2172 : i32 to index
      %get3A_2174 = arith.constant 96 : index
      %get3A_2175 = tpu.vector_load %arg12[%get3A_2173, %get3A_2174] {strides = array<i32>} : memref<200x128xf32, #tpu.memory_space<vmem>>, vector<1x16xf32>,
      %get3A_2176 = vector.shape_cast %get3A_2175 : vector<1x16xf32> to vector<16xf32>
      %get3A_2177 = arith.constant 2 : i32
      %get3A_2178 = arith.index_cast %get3A_2177 : i32 to index
      %get3A_2179 = arith.constant 64 : index
      %get3A_2180 = tpu.vector_load %arg10[%get3A_2178, %get3A_2179] {strides = array<i32>} : memref<200x128xf32, #tpu.memory_space<vmem>>, vector<1x16xf32>,
      %get3A_2181 = vector.shape_cast %get3A_2180 : vector<1x16xf32> to vector<16xf32>
      %mul3A_2182 = arith.mulf %get3A_2176, %get3A_2181 : vector<16xf32>
      %max3A_2183 = arith.maximumf %mul3A_2182, %mul3A_2171 : vector<16xf32>
      %get3A_2184 = arith.constant 3 : i32
      %get3A_2185 = arith.index_cast %get3A_2184 : i32 to index
      %get3A_2186 = arith.constant 96 : index
      %get3A_2187 = tpu.vector_load %arg12[%get3A_2185, %get3A_2186] {strides = array<i32>} : memref<200x128xf32, #tpu.memory_space<vmem>>, vector<1x16xf32>,
      %get3A_2188 = vector.shape_cast %get3A_2187 : vector<1x16xf32> to vector<16xf32>
      %get3A_2189 = arith.constant 2 : i32
      %get3A_2190 = arith.index_cast %get3A_2189 : i32 to index
      %get3A_2191 = arith.constant 0 : index
      %get3A_2192 = tpu.vector_load %arg12[%get3A_2190, %get3A_2191] {strides = array<i32>} : memref<200x128xf32, #tpu.memory_space<vmem>>, vector<1x16xf32>,
      %get3A_2193 = vector.shape_cast %get3A_2192 : vector<1x16xf32> to vector<16xf32>
      %mul3A_2194 = arith.mulf %get3A_2188, %get3A_2193 : vector<16xf32>
      %max3A_2195 = arith.maximumf %max3A_2183, %mul3A_2194 : vector<16xf32>
      %swap3A_2196 = arith.constant 1 : i32
      %swap3A_2197 = arith.index_cast %swap3A_2196 : i32 to index
      %swap3A_2198 = arith.constant 0 : index
      %swap3A_2199 = tpu.vector_load %arg14[%swap3A_2197, %swap3A_2198] {strides = array<i32>} : memref<198x32xf32, #tpu.memory_space<vmem>>, vector<1x16xf32>,
      %swap3A_2200 = vector.shape_cast %swap3A_2199 : vector<1x16xf32> to vector<16xf32>
      %swap3A_2201 = vector.shape_cast %max3A_2195 : vector<16xf32> to vector<1x16xf32>
      tpu.vector_store %arg14[%swap3A_2197, %swap3A_2198], %swap3A_2201 {strides = array<i32>} : memref<198x32xf32, #tpu.memory_space<vmem>>, vector<1x16xf32>,
      %get3A_2202 = arith.constant 0 : i32
      %get3A_2203 = arith.index_cast %get3A_2202 : i32 to index
      %get3A_2204 = arith.constant 96 : index
      %get3A_2205 = tpu.vector_load %arg12[%get3A_2203, %get3A_2204] {strides = array<i32>} : memref<200x128xf32, #tpu.memory_space<vmem>>, vector<1x16xf32>,
      %get3A_2206 = vector.shape_cast %get3A_2205 : vector<1x16xf32> to vector<16xf32>
      %get3A_2207 = arith.constant 2 : i32
      %get3A_2208 = arith.index_cast %get3A_2207 : i32 to index
      %get3A_2209 = arith.constant 32 : index
      %get3A_2210 = tpu.vector_load %arg10[%get3A_2208, %get3A_2209] {strides = array<i32>} : memref<200x128xf32, #tpu.memory_space<vmem>>, vector<1x16xf32>,
      %get3A_2211 = vector.shape_cast %get3A_2210 : vector<1x16xf32> to vector<16xf32>
      %mul3A_2212 = arith.mulf %get3A_2206, %get3A_2211 : vector<16xf32>
      %get3A_2213 = arith.constant 4 : i32
      %get3A_2214 = arith.index_cast %get3A_2213 : i32 to index
      %get3A_2215 = arith.constant 96 : index
      %get3A_2216 = tpu.vector_load %arg12[%get3A_2214, %get3A_2215] {strides = array<i32>} : memref<200x128xf32, #tpu.memory_space<vmem>>, vector<1x16xf32>,
      %get3A_2217 = vector.shape_cast %get3A_2216 : vector<1x16xf32> to vector<16xf32>
      %get3A_2218 = arith.constant 2 : i32
      %get3A_2219 = arith.index_cast %get3A_2218 : i32 to index
      %get3A_2220 = arith.constant 32 : index
      %get3A_2221 = tpu.vector_load %arg12[%get3A_2219, %get3A_2220] {strides = array<i32>} : memref<200x128xf32, #tpu.memory_space<vmem>>, vector<1x16xf32>,
      %get3A_2222 = vector.shape_cast %get3A_2221 : vector<1x16xf32> to vector<16xf32>
      %mul3A_2223 = arith.mulf %get3A_2217, %get3A_2222 : vector<16xf32>
      %max3A_2224 = arith.maximumf %mul3A_2212, %mul3A_2223 : vector<16xf32>
      %max3A_2225 = arith.maximumf %max3A_2195, %max3A_2224 : vector<16xf32>
      %swap3A_2226 = arith.constant 0 : i32
      %swap3A_2227 = arith.index_cast %swap3A_2226 : i32 to index
      %swap3A_2228 = arith.constant 0 : index
      %swap3A_2229 = tpu.vector_load %arg15[%swap3A_2227, %swap3A_2228] {strides = array<i32>} : memref<196x32xf32, #tpu.memory_space<vmem>>, vector<1x16xf32>,
      %swap3A_2230 = vector.shape_cast %swap3A_2229 : vector<1x16xf32> to vector<16xf32>
      %swap3A_2231 = vector.shape_cast %max3A_2225 : vector<16xf32> to vector<1x16xf32>
      tpu.vector_store %arg15[%swap3A_2227, %swap3A_2228], %swap3A_2231 {strides = array<i32>} : memref<196x32xf32, #tpu.memory_space<vmem>>, vector<1x16xf32>,
      %get3A_2232 = arith.constant 2 : i32
      %get3A_2233 = arith.index_cast %get3A_2232 : i32 to index
      %get3A_2234 = arith.constant 112 : index
      %get3A_2235 = tpu.vector_load %arg12[%get3A_2233, %get3A_2234] {strides = array<i32>} : memref<200x128xf32, #tpu.memory_space<vmem>>, vector<1x16xf32>,
      %get3A_2236 = vector.shape_cast %get3A_2235 : vector<1x16xf32> to vector<16xf32>
      %get3A_2237 = arith.constant 2 : i32
      %get3A_2238 = arith.index_cast %get3A_2237 : i32 to index
      %get3A_2239 = arith.constant 112 : index
      %get3A_2240 = tpu.vector_load %arg10[%get3A_2238, %get3A_2239] {strides = array<i32>} : memref<200x128xf32, #tpu.memory_space<vmem>>, vector<1x16xf32>,
      %get3A_2241 = vector.shape_cast %get3A_2240 : vector<1x16xf32> to vector<16xf32>
      %mul3A_2242 = arith.mulf %get3A_2236, %get3A_2241 : vector<16xf32>
      %get3A_2243 = arith.constant 1 : i32
      %get3A_2244 = arith.index_cast %get3A_2243 : i32 to index
      %get3A_2245 = arith.constant 112 : index
      %get3A_2246 = tpu.vector_load %arg12[%get3A_2244, %get3A_2245] {strides = array<i32>} : memref<200x128xf32, #tpu.memory_space<vmem>>, vector<1x16xf32>,
      %get3A_2247 = vector.shape_cast %get3A_2246 : vector<1x16xf32> to vector<16xf32>
      %get3A_2248 = arith.constant 2 : i32
      %get3A_2249 = arith.index_cast %get3A_2248 : i32 to index
      %get3A_2250 = arith.constant 80 : index
      %get3A_2251 = tpu.vector_load %arg10[%get3A_2249, %get3A_2250] {strides = array<i32>} : memref<200x128xf32, #tpu.memory_space<vmem>>, vector<1x16xf32>,
      %get3A_2252 = vector.shape_cast %get3A_2251 : vector<1x16xf32> to vector<16xf32>
      %mul3A_2253 = arith.mulf %get3A_2247, %get3A_2252 : vector<16xf32>
      %max3A_2254 = arith.maximumf %mul3A_2253, %mul3A_2242 : vector<16xf32>
      %get3A_2255 = arith.constant 3 : i32
      %get3A_2256 = arith.index_cast %get3A_2255 : i32 to index
      %get3A_2257 = arith.constant 112 : index
      %get3A_2258 = tpu.vector_load %arg12[%get3A_2256, %get3A_2257] {strides = array<i32>} : memref<200x128xf32, #tpu.memory_space<vmem>>, vector<1x16xf32>,
      %get3A_2259 = vector.shape_cast %get3A_2258 : vector<1x16xf32> to vector<16xf32>
      %get3A_2260 = arith.constant 2 : i32
      %get3A_2261 = arith.index_cast %get3A_2260 : i32 to index
      %get3A_2262 = arith.constant 16 : index
      %get3A_2263 = tpu.vector_load %arg12[%get3A_2261, %get3A_2262] {strides = array<i32>} : memref<200x128xf32, #tpu.memory_space<vmem>>, vector<1x16xf32>,
      %get3A_2264 = vector.shape_cast %get3A_2263 : vector<1x16xf32> to vector<16xf32>
      %mul3A_2265 = arith.mulf %get3A_2259, %get3A_2264 : vector<16xf32>
      %max3A_2266 = arith.maximumf %max3A_2254, %mul3A_2265 : vector<16xf32>
      %swap3A_2267 = arith.constant 1 : i32
      %swap3A_2268 = arith.index_cast %swap3A_2267 : i32 to index
      %swap3A_2269 = arith.constant 16 : index
      %swap3A_2270 = tpu.vector_load %arg14[%swap3A_2268, %swap3A_2269] {strides = array<i32>} : memref<198x32xf32, #tpu.memory_space<vmem>>, vector<1x16xf32>,
      %swap3A_2271 = vector.shape_cast %swap3A_2270 : vector<1x16xf32> to vector<16xf32>
      %swap3A_2272 = vector.shape_cast %max3A_2266 : vector<16xf32> to vector<1x16xf32>
      tpu.vector_store %arg14[%swap3A_2268, %swap3A_2269], %swap3A_2272 {strides = array<i32>} : memref<198x32xf32, #tpu.memory_space<vmem>>, vector<1x16xf32>,
      %get3A_2273 = arith.constant 0 : i32
      %get3A_2274 = arith.index_cast %get3A_2273 : i32 to index
      %get3A_2275 = arith.constant 112 : index
      %get3A_2276 = tpu.vector_load %arg12[%get3A_2274, %get3A_2275] {strides = array<i32>} : memref<200x128xf32, #tpu.memory_space<vmem>>, vector<1x16xf32>,
      %get3A_2277 = vector.shape_cast %get3A_2276 : vector<1x16xf32> to vector<16xf32>
      %get3A_2278 = arith.constant 2 : i32
      %get3A_2279 = arith.index_cast %get3A_2278 : i32 to index
      %get3A_2280 = arith.constant 48 : index
      %get3A_2281 = tpu.vector_load %arg10[%get3A_2279, %get3A_2280] {strides = array<i32>} : memref<200x128xf32, #tpu.memory_space<vmem>>, vector<1x16xf32>,
      %get3A_2282 = vector.shape_cast %get3A_2281 : vector<1x16xf32> to vector<16xf32>
      %mul3A_2283 = arith.mulf %get3A_2277, %get3A_2282 : vector<16xf32>
      %get3A_2284 = arith.constant 4 : i32
      %get3A_2285 = arith.index_cast %get3A_2284 : i32 to index
      %get3A_2286 = arith.constant 112 : index
      %get3A_2287 = tpu.vector_load %arg12[%get3A_2285, %get3A_2286] {strides = array<i32>} : memref<200x128xf32, #tpu.memory_space<vmem>>, vector<1x16xf32>,
      %get3A_2288 = vector.shape_cast %get3A_2287 : vector<1x16xf32> to vector<16xf32>
      %get3A_2289 = arith.constant 2 : i32
      %get3A_2290 = arith.index_cast %get3A_2289 : i32 to index
      %get3A_2291 = arith.constant 48 : index
      %get3A_2292 = tpu.vector_load %arg12[%get3A_2290, %get3A_2291] {strides = array<i32>} : memref<200x128xf32, #tpu.memory_space<vmem>>, vector<1x16xf32>,
      %get3A_2293 = vector.shape_cast %get3A_2292 : vector<1x16xf32> to vector<16xf32>
      %mul3A_2294 = arith.mulf %get3A_2288, %get3A_2293 : vector<16xf32>
      %max3A_2295 = arith.maximumf %mul3A_2283, %mul3A_2294 : vector<16xf32>
      %max3A_2296 = arith.maximumf %max3A_2266, %max3A_2295 : vector<16xf32>
      %swap3A_2297 = arith.constant 0 : i32
      %swap3A_2298 = arith.index_cast %swap3A_2297 : i32 to index
      %swap3A_2299 = arith.constant 16 : index
      %swap3A_2300 = tpu.vector_load %arg15[%swap3A_2298, %swap3A_2299] {strides = array<i32>} : memref<196x32xf32, #tpu.memory_space<vmem>>, vector<1x16xf32>,
      %swap3A_2301 = vector.shape_cast %swap3A_2300 : vector<1x16xf32> to vector<16xf32>
      %swap3A_2302 = vector.shape_cast %max3A_2296 : vector<16xf32> to vector<1x16xf32>
      tpu.vector_store %arg15[%swap3A_2298, %swap3A_2299], %swap3A_2302 {strides = array<i32>} : memref<196x32xf32, #tpu.memory_space<vmem>>, vector<1x16xf32>,
      %get3A_2303 = arith.constant 197 : i32
      %get3A_2304 = arith.index_cast %get3A_2303 : i32 to index
      %get3A_2305 = arith.constant 96 : index
      %get3A_2306 = tpu.vector_load %arg12[%get3A_2304, %get3A_2305] {strides = array<i32>} : memref<200x128xf32, #tpu.memory_space<vmem>>, vector<1x16xf32>,
      %get3A_2307 = vector.shape_cast %get3A_2306 : vector<1x16xf32> to vector<16xf32>
      %get3A_2308 = arith.constant 197 : i32
      %get3A_2309 = arith.index_cast %get3A_2308 : i32 to index
      %get3A_2310 = arith.constant 96 : index
      %get3A_2311 = tpu.vector_load %arg10[%get3A_2309, %get3A_2310] {strides = array<i32>} : memref<200x128xf32, #tpu.memory_space<vmem>>, vector<1x16xf32>,
      %get3A_2312 = vector.shape_cast %get3A_2311 : vector<1x16xf32> to vector<16xf32>
      %mul3A_2313 = arith.mulf %get3A_2307, %get3A_2312 : vector<16xf32>
      %get3A_2314 = arith.constant 196 : i32
      %get3A_2315 = arith.index_cast %get3A_2314 : i32 to index
      %get3A_2316 = arith.constant 96 : index
      %get3A_2317 = tpu.vector_load %arg12[%get3A_2315, %get3A_2316] {strides = array<i32>} : memref<200x128xf32, #tpu.memory_space<vmem>>, vector<1x16xf32>,
      %get3A_2318 = vector.shape_cast %get3A_2317 : vector<1x16xf32> to vector<16xf32>
      %get3A_2319 = arith.constant 197 : i32
      %get3A_2320 = arith.index_cast %get3A_2319 : i32 to index
      %get3A_2321 = arith.constant 64 : index
      %get3A_2322 = tpu.vector_load %arg10[%get3A_2320, %get3A_2321] {strides = array<i32>} : memref<200x128xf32, #tpu.memory_space<vmem>>, vector<1x16xf32>,
      %get3A_2323 = vector.shape_cast %get3A_2322 : vector<1x16xf32> to vector<16xf32>
      %mul3A_2324 = arith.mulf %get3A_2318, %get3A_2323 : vector<16xf32>
      %max3A_2325 = arith.maximumf %mul3A_2324, %mul3A_2313 : vector<16xf32>
      %get3A_2326 = arith.constant 198 : i32
      %get3A_2327 = arith.index_cast %get3A_2326 : i32 to index
      %get3A_2328 = arith.constant 96 : index
      %get3A_2329 = tpu.vector_load %arg12[%get3A_2327, %get3A_2328] {strides = array<i32>} : memref<200x128xf32, #tpu.memory_space<vmem>>, vector<1x16xf32>,
      %get3A_2330 = vector.shape_cast %get3A_2329 : vector<1x16xf32> to vector<16xf32>
      %get3A_2331 = arith.constant 197 : i32
      %get3A_2332 = arith.index_cast %get3A_2331 : i32 to index
      %get3A_2333 = arith.constant 0 : index
      %get3A_2334 = tpu.vector_load %arg12[%get3A_2332, %get3A_2333] {strides = array<i32>} : memref<200x128xf32, #tpu.memory_space<vmem>>, vector<1x16xf32>,
      %get3A_2335 = vector.shape_cast %get3A_2334 : vector<1x16xf32> to vector<16xf32>
      %mul3A_2336 = arith.mulf %get3A_2330, %get3A_2335 : vector<16xf32>
      %max3A_2337 = arith.maximumf %max3A_2325, %mul3A_2336 : vector<16xf32>
      %swap3A_2338 = arith.constant 196 : i32
      %swap3A_2339 = arith.index_cast %swap3A_2338 : i32 to index
      %swap3A_2340 = arith.constant 0 : index
      %swap3A_2341 = tpu.vector_load %arg14[%swap3A_2339, %swap3A_2340] {strides = array<i32>} : memref<198x32xf32, #tpu.memory_space<vmem>>, vector<1x16xf32>,
      %swap3A_2342 = vector.shape_cast %swap3A_2341 : vector<1x16xf32> to vector<16xf32>
      %swap3A_2343 = vector.shape_cast %max3A_2337 : vector<16xf32> to vector<1x16xf32>
      tpu.vector_store %arg14[%swap3A_2339, %swap3A_2340], %swap3A_2343 {strides = array<i32>} : memref<198x32xf32, #tpu.memory_space<vmem>>, vector<1x16xf32>,
      %get3A_2344 = arith.constant 195 : i32
      %get3A_2345 = arith.index_cast %get3A_2344 : i32 to index
      %get3A_2346 = arith.constant 96 : index
      %get3A_2347 = tpu.vector_load %arg12[%get3A_2345, %get3A_2346] {strides = array<i32>} : memref<200x128xf32, #tpu.memory_space<vmem>>, vector<1x16xf32>,
      %get3A_2348 = vector.shape_cast %get3A_2347 : vector<1x16xf32> to vector<16xf32>
      %get3A_2349 = arith.constant 197 : i32
      %get3A_2350 = arith.index_cast %get3A_2349 : i32 to index
      %get3A_2351 = arith.constant 32 : index
      %get3A_2352 = tpu.vector_load %arg10[%get3A_2350, %get3A_2351] {strides = array<i32>} : memref<200x128xf32, #tpu.memory_space<vmem>>, vector<1x16xf32>,
      %get3A_2353 = vector.shape_cast %get3A_2352 : vector<1x16xf32> to vector<16xf32>
      %mul3A_2354 = arith.mulf %get3A_2348, %get3A_2353 : vector<16xf32>
      %get3A_2355 = arith.constant 199 : i32
      %get3A_2356 = arith.index_cast %get3A_2355 : i32 to index
      %get3A_2357 = arith.constant 96 : index
      %get3A_2358 = tpu.vector_load %arg12[%get3A_2356, %get3A_2357] {strides = array<i32>} : memref<200x128xf32, #tpu.memory_space<vmem>>, vector<1x16xf32>,
      %get3A_2359 = vector.shape_cast %get3A_2358 : vector<1x16xf32> to vector<16xf32>
      %get3A_2360 = arith.constant 197 : i32
      %get3A_2361 = arith.index_cast %get3A_2360 : i32 to index
      %get3A_2362 = arith.constant 32 : index
      %get3A_2363 = tpu.vector_load %arg12[%get3A_2361, %get3A_2362] {strides = array<i32>} : memref<200x128xf32, #tpu.memory_space<vmem>>, vector<1x16xf32>,
      %get3A_2364 = vector.shape_cast %get3A_2363 : vector<1x16xf32> to vector<16xf32>
      %mul3A_2365 = arith.mulf %get3A_2359, %get3A_2364 : vector<16xf32>
      %max3A_2366 = arith.maximumf %mul3A_2354, %mul3A_2365 : vector<16xf32>
      %max3A_2367 = arith.maximumf %max3A_2337, %max3A_2366 : vector<16xf32>
      %swap3A_2368 = arith.constant 195 : i32
      %swap3A_2369 = arith.index_cast %swap3A_2368 : i32 to index
      %swap3A_2370 = arith.constant 0 : index
      %swap3A_2371 = tpu.vector_load %arg15[%swap3A_2369, %swap3A_2370] {strides = array<i32>} : memref<196x32xf32, #tpu.memory_space<vmem>>, vector<1x16xf32>,
      %swap3A_2372 = vector.shape_cast %swap3A_2371 : vector<1x16xf32> to vector<16xf32>
      %swap3A_2373 = vector.shape_cast %max3A_2367 : vector<16xf32> to vector<1x16xf32>
      tpu.vector_store %arg15[%swap3A_2369, %swap3A_2370], %swap3A_2373 {strides = array<i32>} : memref<196x32xf32, #tpu.memory_space<vmem>>, vector<1x16xf32>,
      %get3A_2374 = arith.constant 197 : i32
      %get3A_2375 = arith.index_cast %get3A_2374 : i32 to index
      %get3A_2376 = arith.constant 112 : index
      %get3A_2377 = tpu.vector_load %arg12[%get3A_2375, %get3A_2376] {strides = array<i32>} : memref<200x128xf32, #tpu.memory_space<vmem>>, vector<1x16xf32>,
      %get3A_2378 = vector.shape_cast %get3A_2377 : vector<1x16xf32> to vector<16xf32>
      %get3A_2379 = arith.constant 197 : i32
      %get3A_2380 = arith.index_cast %get3A_2379 : i32 to index
      %get3A_2381 = arith.constant 112 : index
      %get3A_2382 = tpu.vector_load %arg10[%get3A_2380, %get3A_2381] {strides = array<i32>} : memref<200x128xf32, #tpu.memory_space<vmem>>, vector<1x16xf32>,
      %get3A_2383 = vector.shape_cast %get3A_2382 : vector<1x16xf32> to vector<16xf32>
      %mul3A_2384 = arith.mulf %get3A_2378, %get3A_2383 : vector<16xf32>
      %get3A_2385 = arith.constant 196 : i32
      %get3A_2386 = arith.index_cast %get3A_2385 : i32 to index
      %get3A_2387 = arith.constant 112 : index
      %get3A_2388 = tpu.vector_load %arg12[%get3A_2386, %get3A_2387] {strides = array<i32>} : memref<200x128xf32, #tpu.memory_space<vmem>>, vector<1x16xf32>,
      %get3A_2389 = vector.shape_cast %get3A_2388 : vector<1x16xf32> to vector<16xf32>
      %get3A_2390 = arith.constant 197 : i32
      %get3A_2391 = arith.index_cast %get3A_2390 : i32 to index
      %get3A_2392 = arith.constant 80 : index
      %get3A_2393 = tpu.vector_load %arg10[%get3A_2391, %get3A_2392] {strides = array<i32>} : memref<200x128xf32, #tpu.memory_space<vmem>>, vector<1x16xf32>,
      %get3A_2394 = vector.shape_cast %get3A_2393 : vector<1x16xf32> to vector<16xf32>
      %mul3A_2395 = arith.mulf %get3A_2389, %get3A_2394 : vector<16xf32>
      %max3A_2396 = arith.maximumf %mul3A_2395, %mul3A_2384 : vector<16xf32>
      %get3A_2397 = arith.constant 198 : i32
      %get3A_2398 = arith.index_cast %get3A_2397 : i32 to index
      %get3A_2399 = arith.constant 112 : index
      %get3A_2400 = tpu.vector_load %arg12[%get3A_2398, %get3A_2399] {strides = array<i32>} : memref<200x128xf32, #tpu.memory_space<vmem>>, vector<1x16xf32>,
      %get3A_2401 = vector.shape_cast %get3A_2400 : vector<1x16xf32> to vector<16xf32>
      %get3A_2402 = arith.constant 197 : i32
      %get3A_2403 = arith.index_cast %get3A_2402 : i32 to index
      %get3A_2404 = arith.constant 16 : index
      %get3A_2405 = tpu.vector_load %arg12[%get3A_2403, %get3A_2404] {strides = array<i32>} : memref<200x128xf32, #tpu.memory_space<vmem>>, vector<1x16xf32>,
      %get3A_2406 = vector.shape_cast %get3A_2405 : vector<1x16xf32> to vector<16xf32>
      %mul3A_2407 = arith.mulf %get3A_2401, %get3A_2406 : vector<16xf32>
      %max3A_2408 = arith.maximumf %max3A_2396, %mul3A_2407 : vector<16xf32>
      %swap3A_2409 = arith.constant 196 : i32
      %swap3A_2410 = arith.index_cast %swap3A_2409 : i32 to index
      %swap3A_2411 = arith.constant 16 : index
      %swap3A_2412 = tpu.vector_load %arg14[%swap3A_2410, %swap3A_2411] {strides = array<i32>} : memref<198x32xf32, #tpu.memory_space<vmem>>, vector<1x16xf32>,
      %swap3A_2413 = vector.shape_cast %swap3A_2412 : vector<1x16xf32> to vector<16xf32>
      %swap3A_2414 = vector.shape_cast %max3A_2408 : vector<16xf32> to vector<1x16xf32>
      tpu.vector_store %arg14[%swap3A_2410, %swap3A_2411], %swap3A_2414 {strides = array<i32>} : memref<198x32xf32, #tpu.memory_space<vmem>>, vector<1x16xf32>,
      %get3A_2415 = arith.constant 195 : i32
      %get3A_2416 = arith.index_cast %get3A_2415 : i32 to index
      %get3A_2417 = arith.constant 112 : index
      %get3A_2418 = tpu.vector_load %arg12[%get3A_2416, %get3A_2417] {strides = array<i32>} : memref<200x128xf32, #tpu.memory_space<vmem>>, vector<1x16xf32>,
      %get3A_2419 = vector.shape_cast %get3A_2418 : vector<1x16xf32> to vector<16xf32>
      %get3A_2420 = arith.constant 197 : i32
      %get3A_2421 = arith.index_cast %get3A_2420 : i32 to index
      %get3A_2422 = arith.constant 48 : index
      %get3A_2423 = tpu.vector_load %arg10[%get3A_2421, %get3A_2422] {strides = array<i32>} : memref<200x128xf32, #tpu.memory_space<vmem>>, vector<1x16xf32>,
      %get3A_2424 = vector.shape_cast %get3A_2423 : vector<1x16xf32> to vector<16xf32>
      %mul3A_2425 = arith.mulf %get3A_2419, %get3A_2424 : vector<16xf32>
      %get3A_2426 = arith.constant 199 : i32
      %get3A_2427 = arith.index_cast %get3A_2426 : i32 to index
      %get3A_2428 = arith.constant 112 : index
      %get3A_2429 = tpu.vector_load %arg12[%get3A_2427, %get3A_2428] {strides = array<i32>} : memref<200x128xf32, #tpu.memory_space<vmem>>, vector<1x16xf32>,
      %get3A_2430 = vector.shape_cast %get3A_2429 : vector<1x16xf32> to vector<16xf32>
      %get3A_2431 = arith.constant 197 : i32
      %get3A_2432 = arith.index_cast %get3A_2431 : i32 to index
      %get3A_2433 = arith.constant 48 : index
      %get3A_2434 = tpu.vector_load %arg12[%get3A_2432, %get3A_2433] {strides = array<i32>} : memref<200x128xf32, #tpu.memory_space<vmem>>, vector<1x16xf32>,
      %get3A_2435 = vector.shape_cast %get3A_2434 : vector<1x16xf32> to vector<16xf32>
      %mul3A_2436 = arith.mulf %get3A_2430, %get3A_2435 : vector<16xf32>
      %max3A_2437 = arith.maximumf %mul3A_2425, %mul3A_2436 : vector<16xf32>
      %max3A_2438 = arith.maximumf %max3A_2408, %max3A_2437 : vector<16xf32>
      %swap3A_2439 = arith.constant 195 : i32
      %swap3A_2440 = arith.index_cast %swap3A_2439 : i32 to index
      %swap3A_2441 = arith.constant 16 : index
      %swap3A_2442 = tpu.vector_load %arg15[%swap3A_2440, %swap3A_2441] {strides = array<i32>} : memref<196x32xf32, #tpu.memory_space<vmem>>, vector<1x16xf32>,
      %swap3A_2443 = vector.shape_cast %swap3A_2442 : vector<1x16xf32> to vector<16xf32>
      %swap3A_2444 = vector.shape_cast %max3A_2438 : vector<16xf32> to vector<1x16xf32>
      tpu.vector_store %arg15[%swap3A_2440, %swap3A_2441], %swap3A_2444 {strides = array<i32>} : memref<196x32xf32, #tpu.memory_space<vmem>>, vector<1x16xf32>,
      %get3A_2445 = arith.constant 198 : i32
      %get3A_2446 = arith.index_cast %get3A_2445 : i32 to index
      %get3A_2447 = arith.constant 96 : index
      %get3A_2448 = tpu.vector_load %arg12[%get3A_2446, %get3A_2447] {strides = array<i32>} : memref<200x128xf32, #tpu.memory_space<vmem>>, vector<1x16xf32>,
      %get3A_2449 = vector.shape_cast %get3A_2448 : vector<1x16xf32> to vector<16xf32>
      %get3A_2450 = arith.constant 198 : i32
      %get3A_2451 = arith.index_cast %get3A_2450 : i32 to index
      %get3A_2452 = arith.constant 96 : index
      %get3A_2453 = tpu.vector_load %arg10[%get3A_2451, %get3A_2452] {strides = array<i32>} : memref<200x128xf32, #tpu.memory_space<vmem>>, vector<1x16xf32>,
      %get3A_2454 = vector.shape_cast %get3A_2453 : vector<1x16xf32> to vector<16xf32>
      %mul3A_2455 = arith.mulf %get3A_2449, %get3A_2454 : vector<16xf32>
      %get3A_2456 = arith.constant 197 : i32
      %get3A_2457 = arith.index_cast %get3A_2456 : i32 to index
      %get3A_2458 = arith.constant 96 : index
      %get3A_2459 = tpu.vector_load %arg12[%get3A_2457, %get3A_2458] {strides = array<i32>} : memref<200x128xf32, #tpu.memory_space<vmem>>, vector<1x16xf32>,
      %get3A_2460 = vector.shape_cast %get3A_2459 : vector<1x16xf32> to vector<16xf32>
      %get3A_2461 = arith.constant 198 : i32
      %get3A_2462 = arith.index_cast %get3A_2461 : i32 to index
      %get3A_2463 = arith.constant 64 : index
      %get3A_2464 = tpu.vector_load %arg10[%get3A_2462, %get3A_2463] {strides = array<i32>} : memref<200x128xf32, #tpu.memory_space<vmem>>, vector<1x16xf32>,
      %get3A_2465 = vector.shape_cast %get3A_2464 : vector<1x16xf32> to vector<16xf32>
      %mul3A_2466 = arith.mulf %get3A_2460, %get3A_2465 : vector<16xf32>
      %max3A_2467 = arith.maximumf %mul3A_2466, %mul3A_2455 : vector<16xf32>
      %get3A_2468 = arith.constant 199 : i32
      %get3A_2469 = arith.index_cast %get3A_2468 : i32 to index
      %get3A_2470 = arith.constant 96 : index
      %get3A_2471 = tpu.vector_load %arg12[%get3A_2469, %get3A_2470] {strides = array<i32>} : memref<200x128xf32, #tpu.memory_space<vmem>>, vector<1x16xf32>,
      %get3A_2472 = vector.shape_cast %get3A_2471 : vector<1x16xf32> to vector<16xf32>
      %get3A_2473 = arith.constant 198 : i32
      %get3A_2474 = arith.index_cast %get3A_2473 : i32 to index
      %get3A_2475 = arith.constant 0 : index
      %get3A_2476 = tpu.vector_load %arg12[%get3A_2474, %get3A_2475] {strides = array<i32>} : memref<200x128xf32, #tpu.memory_space<vmem>>, vector<1x16xf32>,
      %get3A_2477 = vector.shape_cast %get3A_2476 : vector<1x16xf32> to vector<16xf32>
      %mul3A_2478 = arith.mulf %get3A_2472, %get3A_2477 : vector<16xf32>
      %max3A_2479 = arith.maximumf %max3A_2467, %mul3A_2478 : vector<16xf32>
      %swap3A_2480 = arith.constant 197 : i32
      %swap3A_2481 = arith.index_cast %swap3A_2480 : i32 to index
      %swap3A_2482 = arith.constant 0 : index
      %swap3A_2483 = tpu.vector_load %arg14[%swap3A_2481, %swap3A_2482] {strides = array<i32>} : memref<198x32xf32, #tpu.memory_space<vmem>>, vector<1x16xf32>,
      %swap3A_2484 = vector.shape_cast %swap3A_2483 : vector<1x16xf32> to vector<16xf32>
      %swap3A_2485 = vector.shape_cast %max3A_2479 : vector<16xf32> to vector<1x16xf32>
      tpu.vector_store %arg14[%swap3A_2481, %swap3A_2482], %swap3A_2485 {strides = array<i32>} : memref<198x32xf32, #tpu.memory_space<vmem>>, vector<1x16xf32>,
      %get3A_2486 = arith.constant 198 : i32
      %get3A_2487 = arith.index_cast %get3A_2486 : i32 to index
      %get3A_2488 = arith.constant 112 : index
      %get3A_2489 = tpu.vector_load %arg12[%get3A_2487, %get3A_2488] {strides = array<i32>} : memref<200x128xf32, #tpu.memory_space<vmem>>, vector<1x16xf32>,
      %get3A_2490 = vector.shape_cast %get3A_2489 : vector<1x16xf32> to vector<16xf32>
      %get3A_2491 = arith.constant 198 : i32
      %get3A_2492 = arith.index_cast %get3A_2491 : i32 to index
      %get3A_2493 = arith.constant 112 : index
      %get3A_2494 = tpu.vector_load %arg10[%get3A_2492, %get3A_2493] {strides = array<i32>} : memref<200x128xf32, #tpu.memory_space<vmem>>, vector<1x16xf32>,
      %get3A_2495 = vector.shape_cast %get3A_2494 : vector<1x16xf32> to vector<16xf32>
      %mul3A_2496 = arith.mulf %get3A_2490, %get3A_2495 : vector<16xf32>
      %get3A_2497 = arith.constant 197 : i32
      %get3A_2498 = arith.index_cast %get3A_2497 : i32 to index
      %get3A_2499 = arith.constant 112 : index
      %get3A_2500 = tpu.vector_load %arg12[%get3A_2498, %get3A_2499] {strides = array<i32>} : memref<200x128xf32, #tpu.memory_space<vmem>>, vector<1x16xf32>,
      %get3A_2501 = vector.shape_cast %get3A_2500 : vector<1x16xf32> to vector<16xf32>
      %get3A_2502 = arith.constant 198 : i32
      %get3A_2503 = arith.index_cast %get3A_2502 : i32 to index
      %get3A_2504 = arith.constant 80 : index
      %get3A_2505 = tpu.vector_load %arg10[%get3A_2503, %get3A_2504] {strides = array<i32>} : memref<200x128xf32, #tpu.memory_space<vmem>>, vector<1x16xf32>,
      %get3A_2506 = vector.shape_cast %get3A_2505 : vector<1x16xf32> to vector<16xf32>
      %mul3A_2507 = arith.mulf %get3A_2501, %get3A_2506 : vector<16xf32>
      %max3A_2508 = arith.maximumf %mul3A_2507, %mul3A_2496 : vector<16xf32>
      %get3A_2509 = arith.constant 199 : i32
      %get3A_2510 = arith.index_cast %get3A_2509 : i32 to index
      %get3A_2511 = arith.constant 112 : index
      %get3A_2512 = tpu.vector_load %arg12[%get3A_2510, %get3A_2511] {strides = array<i32>} : memref<200x128xf32, #tpu.memory_space<vmem>>, vector<1x16xf32>,
      %get3A_2513 = vector.shape_cast %get3A_2512 : vector<1x16xf32> to vector<16xf32>
      %get3A_2514 = arith.constant 198 : i32
      %get3A_2515 = arith.index_cast %get3A_2514 : i32 to index
      %get3A_2516 = arith.constant 16 : index
      %get3A_2517 = tpu.vector_load %arg12[%get3A_2515, %get3A_2516] {strides = array<i32>} : memref<200x128xf32, #tpu.memory_space<vmem>>, vector<1x16xf32>,
      %get3A_2518 = vector.shape_cast %get3A_2517 : vector<1x16xf32> to vector<16xf32>
      %mul3A_2519 = arith.mulf %get3A_2513, %get3A_2518 : vector<16xf32>
      %max3A_2520 = arith.maximumf %max3A_2508, %mul3A_2519 : vector<16xf32>
      %swap3A_2521 = arith.constant 197 : i32
      %swap3A_2522 = arith.index_cast %swap3A_2521 : i32 to index
      %swap3A_2523 = arith.constant 16 : index
      %swap3A_2524 = tpu.vector_load %arg14[%swap3A_2522, %swap3A_2523] {strides = array<i32>} : memref<198x32xf32, #tpu.memory_space<vmem>>, vector<1x16xf32>,
      %swap3A_2525 = vector.shape_cast %swap3A_2524 : vector<1x16xf32> to vector<16xf32>
      %swap3A_2526 = vector.shape_cast %max3A_2520 : vector<16xf32> to vector<1x16xf32>
      tpu.vector_store %arg14[%swap3A_2522, %swap3A_2523], %swap3A_2526 {strides = array<i32>} : memref<198x32xf32, #tpu.memory_space<vmem>>, vector<1x16xf32>,
      %add3A_2527 = arith.constant 1 : i32
      %add3A_2528 = arith.addi %add3A_1275, %add3A_2527 : i32
      %mul3A_2529 = arith.constant 32 : i32
      %mul3A_2530 = arith.muli %add3A, %mul3A_2529 : i32
      %add3A_2531 = arith.addi %mul3A_2530, %add3A_2528 : i32
      %dma_start3A_2532 = arith.constant 0 : i32
      %dma_start3A_2533 = arith.constant 0 : i32
      %dma_start3A_2534 = tpu.memref_slice %arg5[%add3A_2531, %dma_start3A_2532, %dma_start3A_2533] : memref<1024x198x32xf32, #tpu.memory_space<hbm>> -> memref<1x198x32xf32, #tpu.memory_space<hbm>>
      %dma_start3A_2535 = tpu.memref_squeeze %dma_start3A_2534 : memref<1x198x32xf32, #tpu.memory_space<hbm>> -> memref<198x32xf32, #tpu.memory_space<hbm>>
      %dma_start3A_2536 = arith.constant 0 : i32
      %dma_start3A_2537 = arith.constant 0 : i32
      %dma_start3A_2538 = tpu.memref_slice %arg5[%add3A_2531, %dma_start3A_2536, %dma_start3A_2537] : memref<1024x198x32xf32, #tpu.memory_space<hbm>> -> memref<1x198x32xf32, #tpu.memory_space<hbm>>
      %dma_start3A_2539 = tpu.memref_squeeze %dma_start3A_2538 : memref<1x198x32xf32, #tpu.memory_space<hbm>> -> memref<198x32xf32, #tpu.memory_space<hbm>>
      tpu.enqueue_dma source(%arg14 : memref<198x32xf32, #tpu.memory_space<vmem>>) target(%dma_start3A_2539 : memref<198x32xf32, #tpu.memory_space<hbm>>) target_semaphore(%arg18 : memref<!tpu.dma_semaphore, #tpu.memory_space<semaphore_mem>>)
      %dma_start3A_2540 = arith.constant 0 : i32
      %dma_start3A_2541 = arith.constant 0 : i32
      %dma_start3A_2542 = tpu.memref_slice %arg6[%add3A_2531, %dma_start3A_2540, %dma_start3A_2541] : memref<1024x196x32xf32, #tpu.memory_space<hbm>> -> memref<1x196x32xf32, #tpu.memory_space<hbm>>
      %dma_start3A_2543 = tpu.memref_squeeze %dma_start3A_2542 : memref<1x196x32xf32, #tpu.memory_space<hbm>> -> memref<196x32xf32, #tpu.memory_space<hbm>>
      %dma_start3A_2544 = arith.constant 0 : i32
      %dma_start3A_2545 = arith.constant 0 : i32
      %dma_start3A_2546 = tpu.memref_slice %arg6[%add3A_2531, %dma_start3A_2544, %dma_start3A_2545] : memref<1024x196x32xf32, #tpu.memory_space<hbm>> -> memref<1x196x32xf32, #tpu.memory_space<hbm>>
      %dma_start3A_2547 = tpu.memref_squeeze %dma_start3A_2546 : memref<1x196x32xf32, #tpu.memory_space<hbm>> -> memref<196x32xf32, #tpu.memory_space<hbm>>
      tpu.enqueue_dma source(%arg15 : memref<196x32xf32, #tpu.memory_space<vmem>>) target(%dma_start3A_2547 : memref<196x32xf32, #tpu.memory_space<hbm>>) target_semaphore(%arg18 : memref<!tpu.dma_semaphore, #tpu.memory_space<semaphore_mem>>)
      %dma_start3A_2548 = arith.constant 0 : i32
      %dma_start3A_2549 = arith.constant 0 : i32
      %dma_start3A_2550 = tpu.memref_slice %arg7[%add3A_2531, %dma_start3A_2548, %dma_start3A_2549] : memref<1024x194x32xf32, #tpu.memory_space<hbm>> -> memref<1x194x32xf32, #tpu.memory_space<hbm>>
      %dma_start3A_2551 = tpu.memref_squeeze %dma_start3A_2550 : memref<1x194x32xf32, #tpu.memory_space<hbm>> -> memref<194x32xf32, #tpu.memory_space<hbm>>
      %dma_start3A_2552 = arith.constant 0 : i32
      %dma_start3A_2553 = arith.constant 0 : i32
      %dma_start3A_2554 = tpu.memref_slice %arg7[%add3A_2531, %dma_start3A_2552, %dma_start3A_2553] : memref<1024x194x32xf32, #tpu.memory_space<hbm>> -> memref<1x194x32xf32, #tpu.memory_space<hbm>>
      %dma_start3A_2555 = tpu.memref_squeeze %dma_start3A_2554 : memref<1x194x32xf32, #tpu.memory_space<hbm>> -> memref<194x32xf32, #tpu.memory_space<hbm>>
      tpu.enqueue_dma source(%arg16 : memref<194x32xf32, #tpu.memory_space<vmem>>) target(%dma_start3A_2555 : memref<194x32xf32, #tpu.memory_space<hbm>>) target_semaphore(%arg18 : memref<!tpu.dma_semaphore, #tpu.memory_space<semaphore_mem>>)
    }
    %scan3A_642 = arith.constant 15 : i32
    %dma_wait3A_643 = arith.constant 0 : i32
    %dma_wait3A_644 = arith.constant 0 : i32
    %dma_wait3A_645 = tpu.memref_slice %arg11[%dma_wait3A_643, %dma_wait3A_644] : memref<200x128xf32, #tpu.memory_space<vmem>> -> memref<128x128xf32, #tpu.memory_space<vmem>>
    %dma_wait3A_646 = arith.constant 0 : i32
    %dma_wait3A_647 = tpu.memref_slice %arg9[%dma_wait3A_646] : memref<200xi32, #tpu.memory_space<vmem>> -> memref<128xi32, #tpu.memory_space<vmem>>
    %dma_wait3A_648 = arith.constant 0 : i32
    %dma_wait3A_649 = arith.constant 0 : i32
    %dma_wait3A_650 = tpu.memref_slice %arg3[%dma_wait3A_648, %dma_wait3A_649] : memref<100000x128xf32, #tpu.memory_space<hbm>> -> memref<100000x128xf32, #tpu.memory_space<hbm>>
    tpu.wait_indirect_dma semaphore(%arg17 : memref<!tpu.dma_semaphore, #tpu.memory_space<semaphore_mem>>) src(%dma_wait3A_650 : memref<100000x128xf32, #tpu.memory_space<hbm>>) dst(%dma_wait3A_645 : memref<128x128xf32, #tpu.memory_space<vmem>>)
    %dma_wait3A_651 = arith.constant 0 : i32
    %dma_wait3A_652 = arith.constant 0 : i32
    %dma_wait3A_653 = tpu.memref_slice %arg13[%dma_wait3A_651, %dma_wait3A_652] : memref<200x128xf32, #tpu.memory_space<vmem>> -> memref<128x128xf32, #tpu.memory_space<vmem>>
    %dma_wait3A_654 = arith.constant 0 : i32
    %dma_wait3A_655 = tpu.memref_slice %arg9[%dma_wait3A_654] : memref<200xi32, #tpu.memory_space<vmem>> -> memref<128xi32, #tpu.memory_space<vmem>>
    %dma_wait3A_656 = arith.constant 0 : i32
    %dma_wait3A_657 = arith.constant 0 : i32
    %dma_wait3A_658 = tpu.memref_slice %arg4[%dma_wait3A_656, %dma_wait3A_657] : memref<100000x128xf32, #tpu.memory_space<hbm>> -> memref<100000x128xf32, #tpu.memory_space<hbm>>
    tpu.wait_indirect_dma semaphore(%arg17 : memref<!tpu.dma_semaphore, #tpu.memory_space<semaphore_mem>>) src(%dma_wait3A_658 : memref<100000x128xf32, #tpu.memory_space<hbm>>) dst(%dma_wait3A_653 : memref<128x128xf32, #tpu.memory_space<vmem>>)
    %dma_wait3A_659 = arith.constant 128 : i32
    %dma_wait3A_660 = arith.constant 0 : i32
    %dma_wait3A_661 = tpu.memref_slice %arg11[%dma_wait3A_659, %dma_wait3A_660] : memref<200x128xf32, #tpu.memory_space<vmem>> -> memref<72x128xf32, #tpu.memory_space<vmem>>
    %dma_wait3A_662 = arith.constant 128 : i32
    %dma_wait3A_663 = tpu.memref_slice %arg9[%dma_wait3A_662] : memref<200xi32, #tpu.memory_space<vmem>> -> memref<72xi32, #tpu.memory_space<vmem>>
    %dma_wait3A_664 = arith.constant 0 : i32
    %dma_wait3A_665 = arith.constant 0 : i32
    %dma_wait3A_666 = tpu.memref_slice %arg3[%dma_wait3A_664, %dma_wait3A_665] : memref<100000x128xf32, #tpu.memory_space<hbm>> -> memref<100000x128xf32, #tpu.memory_space<hbm>>
    tpu.wait_indirect_dma semaphore(%arg17 : memref<!tpu.dma_semaphore, #tpu.memory_space<semaphore_mem>>) src(%dma_wait3A_666 : memref<100000x128xf32, #tpu.memory_space<hbm>>) dst(%dma_wait3A_661 : memref<72x128xf32, #tpu.memory_space<vmem>>)
    %dma_wait3A_667 = arith.constant 128 : i32
    %dma_wait3A_668 = arith.constant 0 : i32
    %dma_wait3A_669 = tpu.memref_slice %arg13[%dma_wait3A_667, %dma_wait3A_668] : memref<200x128xf32, #tpu.memory_space<vmem>> -> memref<72x128xf32, #tpu.memory_space<vmem>>
    %dma_wait3A_670 = arith.constant 128 : i32
    %dma_wait3A_671 = tpu.memref_slice %arg9[%dma_wait3A_670] : memref<200xi32, #tpu.memory_space<vmem>> -> memref<72xi32, #tpu.memory_space<vmem>>
    %dma_wait3A_672 = arith.constant 0 : i32
    %dma_wait3A_673 = arith.constant 0 : i32
    %dma_wait3A_674 = tpu.memref_slice %arg4[%dma_wait3A_672, %dma_wait3A_673] : memref<100000x128xf32, #tpu.memory_space<hbm>> -> memref<100000x128xf32, #tpu.memory_space<hbm>>
    tpu.wait_indirect_dma semaphore(%arg17 : memref<!tpu.dma_semaphore, #tpu.memory_space<semaphore_mem>>) src(%dma_wait3A_674 : memref<100000x128xf32, #tpu.memory_space<hbm>>) dst(%dma_wait3A_669 : memref<72x128xf32, #tpu.memory_space<vmem>>)
    %mul3A_675 = arith.constant 32 : i32
    %mul3A_676 = arith.muli %add3A, %mul3A_675 : i32
    %add3A_677 = arith.constant 0 : i32
    %add3A_678 = arith.addi %mul3A_676, %add3A_677 : i32
    %dma_wait3A_679 = arith.constant 0 : i32
    %dma_wait3A_680 = arith.constant 0 : i32
    %dma_wait3A_681 = tpu.memref_slice %arg5[%add3A_678, %dma_wait3A_679, %dma_wait3A_680] : memref<1024x198x32xf32, #tpu.memory_space<hbm>> -> memref<1x198x32xf32, #tpu.memory_space<hbm>>
    %dma_wait3A_682 = tpu.memref_squeeze %dma_wait3A_681 : memref<1x198x32xf32, #tpu.memory_space<hbm>> -> memref<198x32xf32, #tpu.memory_space<hbm>>
    %dma_wait3A_683 = arith.constant 0 : i32
    %dma_wait3A_684 = arith.constant 0 : i32
    %dma_wait3A_685 = tpu.memref_slice %arg5[%add3A_678, %dma_wait3A_683, %dma_wait3A_684] : memref<1024x198x32xf32, #tpu.memory_space<hbm>> -> memref<1x198x32xf32, #tpu.memory_space<hbm>>
    %dma_wait3A_686 = tpu.memref_squeeze %dma_wait3A_685 : memref<1x198x32xf32, #tpu.memory_space<hbm>> -> memref<198x32xf32, #tpu.memory_space<hbm>>
    tpu.wait_dma2 semaphore(%arg18 : memref<!tpu.dma_semaphore, #tpu.memory_space<semaphore_mem>>) src(%arg14 : memref<198x32xf32, #tpu.memory_space<vmem>>) dst(%dma_wait3A_686 : memref<198x32xf32, #tpu.memory_space<hbm>>)
    %dma_wait3A_687 = arith.constant 0 : i32
    %dma_wait3A_688 = arith.constant 0 : i32
    %dma_wait3A_689 = tpu.memref_slice %arg6[%add3A_678, %dma_wait3A_687, %dma_wait3A_688] : memref<1024x196x32xf32, #tpu.memory_space<hbm>> -> memref<1x196x32xf32, #tpu.memory_space<hbm>>
    %dma_wait3A_690 = tpu.memref_squeeze %dma_wait3A_689 : memref<1x196x32xf32, #tpu.memory_space<hbm>> -> memref<196x32xf32, #tpu.memory_space<hbm>>
    %dma_wait3A_691 = arith.constant 0 : i32
    %dma_wait3A_692 = arith.constant 0 : i32
    %dma_wait3A_693 = tpu.memref_slice %arg6[%add3A_678, %dma_wait3A_691, %dma_wait3A_692] : memref<1024x196x32xf32, #tpu.memory_space<hbm>> -> memref<1x196x32xf32, #tpu.memory_space<hbm>>
    %dma_wait3A_694 = tpu.memref_squeeze %dma_wait3A_693 : memref<1x196x32xf32, #tpu.memory_space<hbm>> -> memref<196x32xf32, #tpu.memory_space<hbm>>
    tpu.wait_dma2 semaphore(%arg18 : memref<!tpu.dma_semaphore, #tpu.memory_space<semaphore_mem>>) src(%arg15 : memref<196x32xf32, #tpu.memory_space<vmem>>) dst(%dma_wait3A_694 : memref<196x32xf32, #tpu.memory_space<hbm>>)
    %dma_wait3A_695 = arith.constant 0 : i32
    %dma_wait3A_696 = arith.constant 0 : i32
    %dma_wait3A_697 = tpu.memref_slice %arg7[%add3A_678, %dma_wait3A_695, %dma_wait3A_696] : memref<1024x194x32xf32, #tpu.memory_space<hbm>> -> memref<1x194x32xf32, #tpu.memory_space<hbm>>
    %dma_wait3A_698 = tpu.memref_squeeze %dma_wait3A_697 : memref<1x194x32xf32, #tpu.memory_space<hbm>> -> memref<194x32xf32, #tpu.memory_space<hbm>>
    %dma_wait3A_699 = arith.constant 0 : i32
    %dma_wait3A_700 = arith.constant 0 : i32
    %dma_wait3A_701 = tpu.memref_slice %arg7[%add3A_678, %dma_wait3A_699, %dma_wait3A_700] : memref<1024x194x32xf32, #tpu.memory_space<hbm>> -> memref<1x194x32xf32, #tpu.memory_space<hbm>>
    %dma_wait3A_702 = tpu.memref_squeeze %dma_wait3A_701 : memref<1x194x32xf32, #tpu.memory_space<hbm>> -> memref<194x32xf32, #tpu.memory_space<hbm>>
    tpu.wait_dma2 semaphore(%arg18 : memref<!tpu.dma_semaphore, #tpu.memory_space<semaphore_mem>>) src(%arg16 : memref<194x32xf32, #tpu.memory_space<vmem>>) dst(%dma_wait3A_702 : memref<194x32xf32, #tpu.memory_space<hbm>>)
    %get3A_703 = arith.constant 0 : i32
    %get3A_704 = arith.index_cast %get3A_703 : i32 to index
    %get3A_705 = arith.constant 96 : index
    %get3A_706 = tpu.vector_load %arg13[%get3A_704, %get3A_705] {strides = array<i32>} : memref<200x128xf32, #tpu.memory_space<vmem>>, vector<1x16xf32>,
    %get3A_707 = vector.shape_cast %get3A_706 : vector<1x16xf32> to vector<16xf32>
    %get3A_708 = arith.constant 0 : i32
    %get3A_709 = arith.index_cast %get3A_708 : i32 to index
    %get3A_710 = arith.constant 112 : index
    %get3A_711 = tpu.vector_load %arg13[%get3A_709, %get3A_710] {strides = array<i32>} : memref<200x128xf32, #tpu.memory_space<vmem>>, vector<1x16xf32>,
    %get3A_712 = vector.shape_cast %get3A_711 : vector<1x16xf32> to vector<16xf32>
    %get3A_713 = arith.constant 1 : i32
    %get3A_714 = arith.index_cast %get3A_713 : i32 to index
    %get3A_715 = arith.constant 96 : index
    %get3A_716 = tpu.vector_load %arg13[%get3A_714, %get3A_715] {strides = array<i32>} : memref<200x128xf32, #tpu.memory_space<vmem>>, vector<1x16xf32>,
    %get3A_717 = vector.shape_cast %get3A_716 : vector<1x16xf32> to vector<16xf32>
    %get3A_718 = arith.constant 1 : i32
    %get3A_719 = arith.index_cast %get3A_718 : i32 to index
    %get3A_720 = arith.constant 112 : index
    %get3A_721 = tpu.vector_load %arg13[%get3A_719, %get3A_720] {strides = array<i32>} : memref<200x128xf32, #tpu.memory_space<vmem>>, vector<1x16xf32>,
    %get3A_722 = vector.shape_cast %get3A_721 : vector<1x16xf32> to vector<16xf32>
    %get3A_723 = arith.constant 2 : i32
    %get3A_724 = arith.index_cast %get3A_723 : i32 to index
    %get3A_725 = arith.constant 96 : index
    %get3A_726 = tpu.vector_load %arg13[%get3A_724, %get3A_725] {strides = array<i32>} : memref<200x128xf32, #tpu.memory_space<vmem>>, vector<1x16xf32>,
    %get3A_727 = vector.shape_cast %get3A_726 : vector<1x16xf32> to vector<16xf32>
    %get3A_728 = arith.constant 2 : i32
    %get3A_729 = arith.index_cast %get3A_728 : i32 to index
    %get3A_730 = arith.constant 112 : index
    %get3A_731 = tpu.vector_load %arg13[%get3A_729, %get3A_730] {strides = array<i32>} : memref<200x128xf32, #tpu.memory_space<vmem>>, vector<1x16xf32>,
    %get3A_732 = vector.shape_cast %get3A_731 : vector<1x16xf32> to vector<16xf32>
    %get3A_733 = arith.constant 3 : i32
    %get3A_734 = arith.index_cast %get3A_733 : i32 to index
    %get3A_735 = arith.constant 96 : index
    %get3A_736 = tpu.vector_load %arg13[%get3A_734, %get3A_735] {strides = array<i32>} : memref<200x128xf32, #tpu.memory_space<vmem>>, vector<1x16xf32>,
    %get3A_737 = vector.shape_cast %get3A_736 : vector<1x16xf32> to vector<16xf32>
    %get3A_738 = arith.constant 3 : i32
    %get3A_739 = arith.index_cast %get3A_738 : i32 to index
    %get3A_740 = arith.constant 112 : index
    %get3A_741 = tpu.vector_load %arg13[%get3A_739, %get3A_740] {strides = array<i32>} : memref<200x128xf32, #tpu.memory_space<vmem>>, vector<1x16xf32>,
    %get3A_742 = vector.shape_cast %get3A_741 : vector<1x16xf32> to vector<16xf32>
    %get3A_743 = arith.constant 4 : i32
    %get3A_744 = arith.index_cast %get3A_743 : i32 to index
    %get3A_745 = arith.constant 96 : index
    %get3A_746 = tpu.vector_load %arg13[%get3A_744, %get3A_745] {strides = array<i32>} : memref<200x128xf32, #tpu.memory_space<vmem>>, vector<1x16xf32>,
    %get3A_747 = vector.shape_cast %get3A_746 : vector<1x16xf32> to vector<16xf32>
    %get3A_748 = arith.constant 4 : i32
    %get3A_749 = arith.index_cast %get3A_748 : i32 to index
    %get3A_750 = arith.constant 112 : index
    %get3A_751 = tpu.vector_load %arg13[%get3A_749, %get3A_750] {strides = array<i32>} : memref<200x128xf32, #tpu.memory_space<vmem>>, vector<1x16xf32>,
    %get3A_752 = vector.shape_cast %get3A_751 : vector<1x16xf32> to vector<16xf32>
    %get3A_753 = arith.constant 5 : i32
    %get3A_754 = arith.index_cast %get3A_753 : i32 to index
    %get3A_755 = arith.constant 96 : index
    %get3A_756 = tpu.vector_load %arg13[%get3A_754, %get3A_755] {strides = array<i32>} : memref<200x128xf32, #tpu.memory_space<vmem>>, vector<1x16xf32>,
    %get3A_757 = vector.shape_cast %get3A_756 : vector<1x16xf32> to vector<16xf32>
    %get3A_758 = arith.constant 5 : i32
    %get3A_759 = arith.index_cast %get3A_758 : i32 to index
    %get3A_760 = arith.constant 112 : index
    %get3A_761 = tpu.vector_load %arg13[%get3A_759, %get3A_760] {strides = array<i32>} : memref<200x128xf32, #tpu.memory_space<vmem>>, vector<1x16xf32>,
    %get3A_762 = vector.shape_cast %get3A_761 : vector<1x16xf32> to vector<16xf32>
    %parallel_loop3A_763 = arith.constant 3 : i32
    %parallel_loop3A_764 = arith.constant 197 : i32
    %parallel_loop3A_765 = arith.constant 1 : i32
    %parallel_loop3A_766:12 = scf.for %parallel_loop3A_1271 = %parallel_loop3A_763 to %parallel_loop3A_764 step %parallel_loop3A_765 iter_args(%parallel_loop3A_1272 = %get3A_707, %parallel_loop3A_1273 = %get3A_712, %parallel_loop3A_1274 = %get3A_717, %parallel_loop3A_1275 = %get3A_722, %parallel_loop3A_1276 = %get3A_727, %parallel_loop3A_1277 = %get3A_732, %parallel_loop3A_1278 = %get3A_737, %parallel_loop3A_1279 = %get3A_742, %parallel_loop3A_1280 = %get3A_747, %parallel_loop3A_1281 = %get3A_752, %parallel_loop3A_1282 = %get3A_757, %parallel_loop3A_1283 = %get3A_762) -> (vector<16xf32>, vector<16xf32>, vector<16xf32>, vector<16xf32>, vector<16xf32>, vector<16xf32>, vector<16xf32>, vector<16xf32>, vector<16xf32>, vector<16xf32>, vector<16xf32>, vector<16xf32>)  : i32 {
      %parallel_loop3A_1284 = arith.constant 3 : i32
      %parallel_loop3A_1285 = arith.addi %parallel_loop3A_1271, %parallel_loop3A_1284 : i32
      %parallel_loop3A_1286 = arith.index_cast %parallel_loop3A_1285 : i32 to index
      %parallel_loop3A_1287 = arith.constant 96 : index
      %parallel_loop3A_1288 = tpu.vector_load %arg13[%parallel_loop3A_1286, %parallel_loop3A_1287] {strides = array<i32>} : memref<200x128xf32, #tpu.memory_space<vmem>>, vector<1x16xf32>,
      %parallel_loop3A_1289 = vector.shape_cast %parallel_loop3A_1288 : vector<1x16xf32> to vector<16xf32>
      %parallel_loop3A_1290 = arith.constant 3 : i32
      %parallel_loop3A_1291 = arith.addi %parallel_loop3A_1271, %parallel_loop3A_1290 : i32
      %parallel_loop3A_1292 = arith.index_cast %parallel_loop3A_1291 : i32 to index
      %parallel_loop3A_1293 = arith.constant 112 : index
      %parallel_loop3A_1294 = tpu.vector_load %arg13[%parallel_loop3A_1292, %parallel_loop3A_1293] {strides = array<i32>} : memref<200x128xf32, #tpu.memory_space<vmem>>, vector<1x16xf32>,
      %parallel_loop3A_1295 = vector.shape_cast %parallel_loop3A_1294 : vector<1x16xf32> to vector<16xf32>
      %parallel_loop3A_1296 = arith.index_cast %parallel_loop3A_1271 : i32 to index
      %parallel_loop3A_1297 = arith.constant 0 : index
      %parallel_loop3A_1298 = tpu.vector_load %arg11[%parallel_loop3A_1296, %parallel_loop3A_1297] {strides = array<i32>} : memref<200x128xf32, #tpu.memory_space<vmem>>, vector<1x16xf32>,
      %parallel_loop3A_1299 = vector.shape_cast %parallel_loop3A_1298 : vector<1x16xf32> to vector<16xf32>
      %parallel_loop3A_1300 = arith.mulf %parallel_loop3A_1272, %parallel_loop3A_1299 : vector<16xf32>
      %parallel_loop3A_1301 = arith.index_cast %parallel_loop3A_1271 : i32 to index
      %parallel_loop3A_1302 = arith.constant 32 : index
      %parallel_loop3A_1303 = tpu.vector_load %arg11[%parallel_loop3A_1301, %parallel_loop3A_1302] {strides = array<i32>} : memref<200x128xf32, #tpu.memory_space<vmem>>, vector<1x16xf32>,
      %parallel_loop3A_1304 = vector.shape_cast %parallel_loop3A_1303 : vector<1x16xf32> to vector<16xf32>
      %parallel_loop3A_1305 = arith.mulf %parallel_loop3A_1274, %parallel_loop3A_1304 : vector<16xf32>
      %parallel_loop3A_1306 = arith.index_cast %parallel_loop3A_1271 : i32 to index
      %parallel_loop3A_1307 = arith.constant 64 : index
      %parallel_loop3A_1308 = tpu.vector_load %arg11[%parallel_loop3A_1306, %parallel_loop3A_1307] {strides = array<i32>} : memref<200x128xf32, #tpu.memory_space<vmem>>, vector<1x16xf32>,
      %parallel_loop3A_1309 = vector.shape_cast %parallel_loop3A_1308 : vector<1x16xf32> to vector<16xf32>
      %parallel_loop3A_1310 = arith.mulf %parallel_loop3A_1276, %parallel_loop3A_1309 : vector<16xf32>
      %parallel_loop3A_1311 = arith.index_cast %parallel_loop3A_1271 : i32 to index
      %parallel_loop3A_1312 = arith.constant 96 : index
      %parallel_loop3A_1313 = tpu.vector_load %arg11[%parallel_loop3A_1311, %parallel_loop3A_1312] {strides = array<i32>} : memref<200x128xf32, #tpu.memory_space<vmem>>, vector<1x16xf32>,
      %parallel_loop3A_1314 = vector.shape_cast %parallel_loop3A_1313 : vector<1x16xf32> to vector<16xf32>
      %parallel_loop3A_1315 = arith.mulf %parallel_loop3A_1278, %parallel_loop3A_1314 : vector<16xf32>
      %parallel_loop3A_1316 = arith.index_cast %parallel_loop3A_1271 : i32 to index
      %parallel_loop3A_1317 = arith.constant 0 : index
      %parallel_loop3A_1318 = tpu.vector_load %arg13[%parallel_loop3A_1316, %parallel_loop3A_1317] {strides = array<i32>} : memref<200x128xf32, #tpu.memory_space<vmem>>, vector<1x16xf32>,
      %parallel_loop3A_1319 = vector.shape_cast %parallel_loop3A_1318 : vector<1x16xf32> to vector<16xf32>
      %parallel_loop3A_1320 = arith.mulf %parallel_loop3A_1280, %parallel_loop3A_1319 : vector<16xf32>
      %parallel_loop3A_1321 = arith.index_cast %parallel_loop3A_1271 : i32 to index
      %parallel_loop3A_1322 = arith.constant 32 : index
      %parallel_loop3A_1323 = tpu.vector_load %arg13[%parallel_loop3A_1321, %parallel_loop3A_1322] {strides = array<i32>} : memref<200x128xf32, #tpu.memory_space<vmem>>, vector<1x16xf32>,
      %parallel_loop3A_1324 = vector.shape_cast %parallel_loop3A_1323 : vector<1x16xf32> to vector<16xf32>
      %parallel_loop3A_1325 = arith.mulf %parallel_loop3A_1282, %parallel_loop3A_1324 : vector<16xf32>
      %parallel_loop3A_1326 = arith.index_cast %parallel_loop3A_1271 : i32 to index
      %parallel_loop3A_1327 = arith.constant 64 : index
      %parallel_loop3A_1328 = tpu.vector_load %arg13[%parallel_loop3A_1326, %parallel_loop3A_1327] {strides = array<i32>} : memref<200x128xf32, #tpu.memory_space<vmem>>, vector<1x16xf32>,
      %parallel_loop3A_1329 = vector.shape_cast %parallel_loop3A_1328 : vector<1x16xf32> to vector<16xf32>
      %parallel_loop3A_1330 = arith.mulf %parallel_loop3A_1289, %parallel_loop3A_1329 : vector<16xf32>
      %parallel_loop3A_1331 = arith.maximumf %parallel_loop3A_1310, %parallel_loop3A_1315 : vector<16xf32>
      %parallel_loop3A_1332 = arith.maximumf %parallel_loop3A_1331, %parallel_loop3A_1320 : vector<16xf32>
      %parallel_loop3A_1333 = arith.maximumf %parallel_loop3A_1305, %parallel_loop3A_1325 : vector<16xf32>
      %parallel_loop3A_1334 = arith.maximumf %parallel_loop3A_1332, %parallel_loop3A_1333 : vector<16xf32>
      %parallel_loop3A_1335 = arith.maximumf %parallel_loop3A_1300, %parallel_loop3A_1330 : vector<16xf32>
      %parallel_loop3A_1336 = arith.maximumf %parallel_loop3A_1334, %parallel_loop3A_1335 : vector<16xf32>
      %parallel_loop3A_1337 = arith.constant 1 : i32
      %parallel_loop3A_1338 = arith.subi %parallel_loop3A_1271, %parallel_loop3A_1337 : i32
      %parallel_loop3A_1339 = arith.index_cast %parallel_loop3A_1338 : i32 to index
      %parallel_loop3A_1340 = arith.constant 0 : index
      %parallel_loop3A_1341 = tpu.vector_load %arg14[%parallel_loop3A_1339, %parallel_loop3A_1340] {strides = array<i32>} : memref<198x32xf32, #tpu.memory_space<vmem>>, vector<1x16xf32>,
      %parallel_loop3A_1342 = vector.shape_cast %parallel_loop3A_1341 : vector<1x16xf32> to vector<16xf32>
      %parallel_loop3A_1343 = vector.shape_cast %parallel_loop3A_1332 : vector<16xf32> to vector<1x16xf32>
      tpu.vector_store %arg14[%parallel_loop3A_1339, %parallel_loop3A_1340], %parallel_loop3A_1343 {strides = array<i32>} : memref<198x32xf32, #tpu.memory_space<vmem>>, vector<1x16xf32>,
      %parallel_loop3A_1344 = arith.constant 2 : i32
      %parallel_loop3A_1345 = arith.subi %parallel_loop3A_1271, %parallel_loop3A_1344 : i32
      %parallel_loop3A_1346 = arith.index_cast %parallel_loop3A_1345 : i32 to index
      %parallel_loop3A_1347 = arith.constant 0 : index
      %parallel_loop3A_1348 = tpu.vector_load %arg15[%parallel_loop3A_1346, %parallel_loop3A_1347] {strides = array<i32>} : memref<196x32xf32, #tpu.memory_space<vmem>>, vector<1x16xf32>,
      %parallel_loop3A_1349 = vector.shape_cast %parallel_loop3A_1348 : vector<1x16xf32> to vector<16xf32>
      %parallel_loop3A_1350 = vector.shape_cast %parallel_loop3A_1334 : vector<16xf32> to vector<1x16xf32>
      tpu.vector_store %arg15[%parallel_loop3A_1346, %parallel_loop3A_1347], %parallel_loop3A_1350 {strides = array<i32>} : memref<196x32xf32, #tpu.memory_space<vmem>>, vector<1x16xf32>,
      %parallel_loop3A_1351 = arith.constant 3 : i32
      %parallel_loop3A_1352 = arith.subi %parallel_loop3A_1271, %parallel_loop3A_1351 : i32
      %parallel_loop3A_1353 = arith.index_cast %parallel_loop3A_1352 : i32 to index
      %parallel_loop3A_1354 = arith.constant 0 : index
      %parallel_loop3A_1355 = tpu.vector_load %arg16[%parallel_loop3A_1353, %parallel_loop3A_1354] {strides = array<i32>} : memref<194x32xf32, #tpu.memory_space<vmem>>, vector<1x16xf32>,
      %parallel_loop3A_1356 = vector.shape_cast %parallel_loop3A_1355 : vector<1x16xf32> to vector<16xf32>
      %parallel_loop3A_1357 = vector.shape_cast %parallel_loop3A_1336 : vector<16xf32> to vector<1x16xf32>
      tpu.vector_store %arg16[%parallel_loop3A_1353, %parallel_loop3A_1354], %parallel_loop3A_1357 {strides = array<i32>} : memref<194x32xf32, #tpu.memory_space<vmem>>, vector<1x16xf32>,
      %parallel_loop3A_1358 = arith.index_cast %parallel_loop3A_1271 : i32 to index
      %parallel_loop3A_1359 = arith.constant 16 : index
      %parallel_loop3A_1360 = tpu.vector_load %arg11[%parallel_loop3A_1358, %parallel_loop3A_1359] {strides = array<i32>} : memref<200x128xf32, #tpu.memory_space<vmem>>, vector<1x16xf32>,
      %parallel_loop3A_1361 = vector.shape_cast %parallel_loop3A_1360 : vector<1x16xf32> to vector<16xf32>
      %parallel_loop3A_1362 = arith.mulf %parallel_loop3A_1273, %parallel_loop3A_1361 : vector<16xf32>
      %parallel_loop3A_1363 = arith.index_cast %parallel_loop3A_1271 : i32 to index
      %parallel_loop3A_1364 = arith.constant 48 : index
      %parallel_loop3A_1365 = tpu.vector_load %arg11[%parallel_loop3A_1363, %parallel_loop3A_1364] {strides = array<i32>} : memref<200x128xf32, #tpu.memory_space<vmem>>, vector<1x16xf32>,
      %parallel_loop3A_1366 = vector.shape_cast %parallel_loop3A_1365 : vector<1x16xf32> to vector<16xf32>
      %parallel_loop3A_1367 = arith.mulf %parallel_loop3A_1275, %parallel_loop3A_1366 : vector<16xf32>
      %parallel_loop3A_1368 = arith.index_cast %parallel_loop3A_1271 : i32 to index
      %parallel_loop3A_1369 = arith.constant 80 : index
      %parallel_loop3A_1370 = tpu.vector_load %arg11[%parallel_loop3A_1368, %parallel_loop3A_1369] {strides = array<i32>} : memref<200x128xf32, #tpu.memory_space<vmem>>, vector<1x16xf32>,
      %parallel_loop3A_1371 = vector.shape_cast %parallel_loop3A_1370 : vector<1x16xf32> to vector<16xf32>
      %parallel_loop3A_1372 = arith.mulf %parallel_loop3A_1277, %parallel_loop3A_1371 : vector<16xf32>
      %parallel_loop3A_1373 = arith.index_cast %parallel_loop3A_1271 : i32 to index
      %parallel_loop3A_1374 = arith.constant 112 : index
      %parallel_loop3A_1375 = tpu.vector_load %arg11[%parallel_loop3A_1373, %parallel_loop3A_1374] {strides = array<i32>} : memref<200x128xf32, #tpu.memory_space<vmem>>, vector<1x16xf32>,
      %parallel_loop3A_1376 = vector.shape_cast %parallel_loop3A_1375 : vector<1x16xf32> to vector<16xf32>
      %parallel_loop3A_1377 = arith.mulf %parallel_loop3A_1279, %parallel_loop3A_1376 : vector<16xf32>
      %parallel_loop3A_1378 = arith.index_cast %parallel_loop3A_1271 : i32 to index
      %parallel_loop3A_1379 = arith.constant 16 : index
      %parallel_loop3A_1380 = tpu.vector_load %arg13[%parallel_loop3A_1378, %parallel_loop3A_1379] {strides = array<i32>} : memref<200x128xf32, #tpu.memory_space<vmem>>, vector<1x16xf32>,
      %parallel_loop3A_1381 = vector.shape_cast %parallel_loop3A_1380 : vector<1x16xf32> to vector<16xf32>
      %parallel_loop3A_1382 = arith.mulf %parallel_loop3A_1281, %parallel_loop3A_1381 : vector<16xf32>
      %parallel_loop3A_1383 = arith.index_cast %parallel_loop3A_1271 : i32 to index
      %parallel_loop3A_1384 = arith.constant 48 : index
      %parallel_loop3A_1385 = tpu.vector_load %arg13[%parallel_loop3A_1383, %parallel_loop3A_1384] {strides = array<i32>} : memref<200x128xf32, #tpu.memory_space<vmem>>, vector<1x16xf32>,
      %parallel_loop3A_1386 = vector.shape_cast %parallel_loop3A_1385 : vector<1x16xf32> to vector<16xf32>
      %parallel_loop3A_1387 = arith.mulf %parallel_loop3A_1283, %parallel_loop3A_1386 : vector<16xf32>
      %parallel_loop3A_1388 = arith.index_cast %parallel_loop3A_1271 : i32 to index
      %parallel_loop3A_1389 = arith.constant 80 : index
      %parallel_loop3A_1390 = tpu.vector_load %arg13[%parallel_loop3A_1388, %parallel_loop3A_1389] {strides = array<i32>} : memref<200x128xf32, #tpu.memory_space<vmem>>, vector<1x16xf32>,
      %parallel_loop3A_1391 = vector.shape_cast %parallel_loop3A_1390 : vector<1x16xf32> to vector<16xf32>
      %parallel_loop3A_1392 = arith.mulf %parallel_loop3A_1295, %parallel_loop3A_1391 : vector<16xf32>
      %parallel_loop3A_1393 = arith.maximumf %parallel_loop3A_1372, %parallel_loop3A_1377 : vector<16xf32>
      %parallel_loop3A_1394 = arith.maximumf %parallel_loop3A_1393, %parallel_loop3A_1382 : vector<16xf32>
      %parallel_loop3A_1395 = arith.maximumf %parallel_loop3A_1367, %parallel_loop3A_1387 : vector<16xf32>
      %parallel_loop3A_1396 = arith.maximumf %parallel_loop3A_1394, %parallel_loop3A_1395 : vector<16xf32>
      %parallel_loop3A_1397 = arith.maximumf %parallel_loop3A_1362, %parallel_loop3A_1392 : vector<16xf32>
      %parallel_loop3A_1398 = arith.maximumf %parallel_loop3A_1396, %parallel_loop3A_1397 : vector<16xf32>
      %parallel_loop3A_1399 = arith.constant 1 : i32
      %parallel_loop3A_1400 = arith.subi %parallel_loop3A_1271, %parallel_loop3A_1399 : i32
      %parallel_loop3A_1401 = arith.index_cast %parallel_loop3A_1400 : i32 to index
      %parallel_loop3A_1402 = arith.constant 16 : index
      %parallel_loop3A_1403 = tpu.vector_load %arg14[%parallel_loop3A_1401, %parallel_loop3A_1402] {strides = array<i32>} : memref<198x32xf32, #tpu.memory_space<vmem>>, vector<1x16xf32>,
      %parallel_loop3A_1404 = vector.shape_cast %parallel_loop3A_1403 : vector<1x16xf32> to vector<16xf32>
      %parallel_loop3A_1405 = vector.shape_cast %parallel_loop3A_1394 : vector<16xf32> to vector<1x16xf32>
      tpu.vector_store %arg14[%parallel_loop3A_1401, %parallel_loop3A_1402], %parallel_loop3A_1405 {strides = array<i32>} : memref<198x32xf32, #tpu.memory_space<vmem>>, vector<1x16xf32>,
      %parallel_loop3A_1406 = arith.constant 2 : i32
      %parallel_loop3A_1407 = arith.subi %parallel_loop3A_1271, %parallel_loop3A_1406 : i32
      %parallel_loop3A_1408 = arith.index_cast %parallel_loop3A_1407 : i32 to index
      %parallel_loop3A_1409 = arith.constant 16 : index
      %parallel_loop3A_1410 = tpu.vector_load %arg15[%parallel_loop3A_1408, %parallel_loop3A_1409] {strides = array<i32>} : memref<196x32xf32, #tpu.memory_space<vmem>>, vector<1x16xf32>,
      %parallel_loop3A_1411 = vector.shape_cast %parallel_loop3A_1410 : vector<1x16xf32> to vector<16xf32>
      %parallel_loop3A_1412 = vector.shape_cast %parallel_loop3A_1396 : vector<16xf32> to vector<1x16xf32>
      tpu.vector_store %arg15[%parallel_loop3A_1408, %parallel_loop3A_1409], %parallel_loop3A_1412 {strides = array<i32>} : memref<196x32xf32, #tpu.memory_space<vmem>>, vector<1x16xf32>,
      %parallel_loop3A_1413 = arith.constant 3 : i32
      %parallel_loop3A_1414 = arith.subi %parallel_loop3A_1271, %parallel_loop3A_1413 : i32
      %parallel_loop3A_1415 = arith.index_cast %parallel_loop3A_1414 : i32 to index
      %parallel_loop3A_1416 = arith.constant 16 : index
      %parallel_loop3A_1417 = tpu.vector_load %arg16[%parallel_loop3A_1415, %parallel_loop3A_1416] {strides = array<i32>} : memref<194x32xf32, #tpu.memory_space<vmem>>, vector<1x16xf32>,
      %parallel_loop3A_1418 = vector.shape_cast %parallel_loop3A_1417 : vector<1x16xf32> to vector<16xf32>
      %parallel_loop3A_1419 = vector.shape_cast %parallel_loop3A_1398 : vector<16xf32> to vector<1x16xf32>
      tpu.vector_store %arg16[%parallel_loop3A_1415, %parallel_loop3A_1416], %parallel_loop3A_1419 {strides = array<i32>} : memref<194x32xf32, #tpu.memory_space<vmem>>, vector<1x16xf32>,
      scf.yield %parallel_loop3A_1274, %parallel_loop3A_1275, %parallel_loop3A_1276, %parallel_loop3A_1277, %parallel_loop3A_1278, %parallel_loop3A_1279, %parallel_loop3A_1280, %parallel_loop3A_1281, %parallel_loop3A_1282, %parallel_loop3A_1283, %parallel_loop3A_1289, %parallel_loop3A_1295 : vector<16xf32>, vector<16xf32>, vector<16xf32>, vector<16xf32>, vector<16xf32>, vector<16xf32>, vector<16xf32>, vector<16xf32>, vector<16xf32>, vector<16xf32>, vector<16xf32>, vector<16xf32>
    } {sc.loop_unroll_factor = 2 : i64, sc.parallel_access}
    %get3A_767 = arith.constant 1 : i32
    %get3A_768 = arith.index_cast %get3A_767 : i32 to index
    %get3A_769 = arith.constant 96 : index
    %get3A_770 = tpu.vector_load %arg13[%get3A_768, %get3A_769] {strides = array<i32>} : memref<200x128xf32, #tpu.memory_space<vmem>>, vector<1x16xf32>,
    %get3A_771 = vector.shape_cast %get3A_770 : vector<1x16xf32> to vector<16xf32>
    %get3A_772 = arith.constant 1 : i32
    %get3A_773 = arith.index_cast %get3A_772 : i32 to index
    %get3A_774 = arith.constant 96 : index
    %get3A_775 = tpu.vector_load %arg11[%get3A_773, %get3A_774] {strides = array<i32>} : memref<200x128xf32, #tpu.memory_space<vmem>>, vector<1x16xf32>,
    %get3A_776 = vector.shape_cast %get3A_775 : vector<1x16xf32> to vector<16xf32>
    %mul3A_777 = arith.mulf %get3A_771, %get3A_776 : vector<16xf32>
    %get3A_778 = arith.constant 0 : i32
    %get3A_779 = arith.index_cast %get3A_778 : i32 to index
    %get3A_780 = arith.constant 96 : index
    %get3A_781 = tpu.vector_load %arg13[%get3A_779, %get3A_780] {strides = array<i32>} : memref<200x128xf32, #tpu.memory_space<vmem>>, vector<1x16xf32>,
    %get3A_782 = vector.shape_cast %get3A_781 : vector<1x16xf32> to vector<16xf32>
    %get3A_783 = arith.constant 1 : i32
    %get3A_784 = arith.index_cast %get3A_783 : i32 to index
    %get3A_785 = arith.constant 64 : index
    %get3A_786 = tpu.vector_load %arg11[%get3A_784, %get3A_785] {strides = array<i32>} : memref<200x128xf32, #tpu.memory_space<vmem>>, vector<1x16xf32>,
    %get3A_787 = vector.shape_cast %get3A_786 : vector<1x16xf32> to vector<16xf32>
    %mul3A_788 = arith.mulf %get3A_782, %get3A_787 : vector<16xf32>
    %max3A_789 = arith.maximumf %mul3A_788, %mul3A_777 : vector<16xf32>
    %get3A_790 = arith.constant 2 : i32
    %get3A_791 = arith.index_cast %get3A_790 : i32 to index
    %get3A_792 = arith.constant 96 : index
    %get3A_793 = tpu.vector_load %arg13[%get3A_791, %get3A_792] {strides = array<i32>} : memref<200x128xf32, #tpu.memory_space<vmem>>, vector<1x16xf32>,
    %get3A_794 = vector.shape_cast %get3A_793 : vector<1x16xf32> to vector<16xf32>
    %get3A_795 = arith.constant 1 : i32
    %get3A_796 = arith.index_cast %get3A_795 : i32 to index
    %get3A_797 = arith.constant 0 : index
    %get3A_798 = tpu.vector_load %arg13[%get3A_796, %get3A_797] {strides = array<i32>} : memref<200x128xf32, #tpu.memory_space<vmem>>, vector<1x16xf32>,
    %get3A_799 = vector.shape_cast %get3A_798 : vector<1x16xf32> to vector<16xf32>
    %mul3A_800 = arith.mulf %get3A_794, %get3A_799 : vector<16xf32>
    %max3A_801 = arith.maximumf %max3A_789, %mul3A_800 : vector<16xf32>
    %swap3A_802 = arith.constant 0 : i32
    %swap3A_803 = arith.index_cast %swap3A_802 : i32 to index
    %swap3A_804 = arith.constant 0 : index
    %swap3A_805 = tpu.vector_load %arg14[%swap3A_803, %swap3A_804] {strides = array<i32>} : memref<198x32xf32, #tpu.memory_space<vmem>>, vector<1x16xf32>,
    %swap3A_806 = vector.shape_cast %swap3A_805 : vector<1x16xf32> to vector<16xf32>
    %swap3A_807 = vector.shape_cast %max3A_801 : vector<16xf32> to vector<1x16xf32>
    tpu.vector_store %arg14[%swap3A_803, %swap3A_804], %swap3A_807 {strides = array<i32>} : memref<198x32xf32, #tpu.memory_space<vmem>>, vector<1x16xf32>,
    %get3A_808 = arith.constant 1 : i32
    %get3A_809 = arith.index_cast %get3A_808 : i32 to index
    %get3A_810 = arith.constant 112 : index
    %get3A_811 = tpu.vector_load %arg13[%get3A_809, %get3A_810] {strides = array<i32>} : memref<200x128xf32, #tpu.memory_space<vmem>>, vector<1x16xf32>,
    %get3A_812 = vector.shape_cast %get3A_811 : vector<1x16xf32> to vector<16xf32>
    %get3A_813 = arith.constant 1 : i32
    %get3A_814 = arith.index_cast %get3A_813 : i32 to index
    %get3A_815 = arith.constant 112 : index
    %get3A_816 = tpu.vector_load %arg11[%get3A_814, %get3A_815] {strides = array<i32>} : memref<200x128xf32, #tpu.memory_space<vmem>>, vector<1x16xf32>,
    %get3A_817 = vector.shape_cast %get3A_816 : vector<1x16xf32> to vector<16xf32>
    %mul3A_818 = arith.mulf %get3A_812, %get3A_817 : vector<16xf32>
    %get3A_819 = arith.constant 0 : i32
    %get3A_820 = arith.index_cast %get3A_819 : i32 to index
    %get3A_821 = arith.constant 112 : index
    %get3A_822 = tpu.vector_load %arg13[%get3A_820, %get3A_821] {strides = array<i32>} : memref<200x128xf32, #tpu.memory_space<vmem>>, vector<1x16xf32>,
    %get3A_823 = vector.shape_cast %get3A_822 : vector<1x16xf32> to vector<16xf32>
    %get3A_824 = arith.constant 1 : i32
    %get3A_825 = arith.index_cast %get3A_824 : i32 to index
    %get3A_826 = arith.constant 80 : index
    %get3A_827 = tpu.vector_load %arg11[%get3A_825, %get3A_826] {strides = array<i32>} : memref<200x128xf32, #tpu.memory_space<vmem>>, vector<1x16xf32>,
    %get3A_828 = vector.shape_cast %get3A_827 : vector<1x16xf32> to vector<16xf32>
    %mul3A_829 = arith.mulf %get3A_823, %get3A_828 : vector<16xf32>
    %max3A_830 = arith.maximumf %mul3A_829, %mul3A_818 : vector<16xf32>
    %get3A_831 = arith.constant 2 : i32
    %get3A_832 = arith.index_cast %get3A_831 : i32 to index
    %get3A_833 = arith.constant 112 : index
    %get3A_834 = tpu.vector_load %arg13[%get3A_832, %get3A_833] {strides = array<i32>} : memref<200x128xf32, #tpu.memory_space<vmem>>, vector<1x16xf32>,
    %get3A_835 = vector.shape_cast %get3A_834 : vector<1x16xf32> to vector<16xf32>
    %get3A_836 = arith.constant 1 : i32
    %get3A_837 = arith.index_cast %get3A_836 : i32 to index
    %get3A_838 = arith.constant 16 : index
    %get3A_839 = tpu.vector_load %arg13[%get3A_837, %get3A_838] {strides = array<i32>} : memref<200x128xf32, #tpu.memory_space<vmem>>, vector<1x16xf32>,
    %get3A_840 = vector.shape_cast %get3A_839 : vector<1x16xf32> to vector<16xf32>
    %mul3A_841 = arith.mulf %get3A_835, %get3A_840 : vector<16xf32>
    %max3A_842 = arith.maximumf %max3A_830, %mul3A_841 : vector<16xf32>
    %swap3A_843 = arith.constant 0 : i32
    %swap3A_844 = arith.index_cast %swap3A_843 : i32 to index
    %swap3A_845 = arith.constant 16 : index
    %swap3A_846 = tpu.vector_load %arg14[%swap3A_844, %swap3A_845] {strides = array<i32>} : memref<198x32xf32, #tpu.memory_space<vmem>>, vector<1x16xf32>,
    %swap3A_847 = vector.shape_cast %swap3A_846 : vector<1x16xf32> to vector<16xf32>
    %swap3A_848 = vector.shape_cast %max3A_842 : vector<16xf32> to vector<1x16xf32>
    tpu.vector_store %arg14[%swap3A_844, %swap3A_845], %swap3A_848 {strides = array<i32>} : memref<198x32xf32, #tpu.memory_space<vmem>>, vector<1x16xf32>,
    %get3A_849 = arith.constant 2 : i32
    %get3A_850 = arith.index_cast %get3A_849 : i32 to index
    %get3A_851 = arith.constant 96 : index
    %get3A_852 = tpu.vector_load %arg13[%get3A_850, %get3A_851] {strides = array<i32>} : memref<200x128xf32, #tpu.memory_space<vmem>>, vector<1x16xf32>,
    %get3A_853 = vector.shape_cast %get3A_852 : vector<1x16xf32> to vector<16xf32>
    %get3A_854 = arith.constant 2 : i32
    %get3A_855 = arith.index_cast %get3A_854 : i32 to index
    %get3A_856 = arith.constant 96 : index
    %get3A_857 = tpu.vector_load %arg11[%get3A_855, %get3A_856] {strides = array<i32>} : memref<200x128xf32, #tpu.memory_space<vmem>>, vector<1x16xf32>,
    %get3A_858 = vector.shape_cast %get3A_857 : vector<1x16xf32> to vector<16xf32>
    %mul3A_859 = arith.mulf %get3A_853, %get3A_858 : vector<16xf32>
    %get3A_860 = arith.constant 1 : i32
    %get3A_861 = arith.index_cast %get3A_860 : i32 to index
    %get3A_862 = arith.constant 96 : index
    %get3A_863 = tpu.vector_load %arg13[%get3A_861, %get3A_862] {strides = array<i32>} : memref<200x128xf32, #tpu.memory_space<vmem>>, vector<1x16xf32>,
    %get3A_864 = vector.shape_cast %get3A_863 : vector<1x16xf32> to vector<16xf32>
    %get3A_865 = arith.constant 2 : i32
    %get3A_866 = arith.index_cast %get3A_865 : i32 to index
    %get3A_867 = arith.constant 64 : index
    %get3A_868 = tpu.vector_load %arg11[%get3A_866, %get3A_867] {strides = array<i32>} : memref<200x128xf32, #tpu.memory_space<vmem>>, vector<1x16xf32>,
    %get3A_869 = vector.shape_cast %get3A_868 : vector<1x16xf32> to vector<16xf32>
    %mul3A_870 = arith.mulf %get3A_864, %get3A_869 : vector<16xf32>
    %max3A_871 = arith.maximumf %mul3A_870, %mul3A_859 : vector<16xf32>
    %get3A_872 = arith.constant 3 : i32
    %get3A_873 = arith.index_cast %get3A_872 : i32 to index
    %get3A_874 = arith.constant 96 : index
    %get3A_875 = tpu.vector_load %arg13[%get3A_873, %get3A_874] {strides = array<i32>} : memref<200x128xf32, #tpu.memory_space<vmem>>, vector<1x16xf32>,
    %get3A_876 = vector.shape_cast %get3A_875 : vector<1x16xf32> to vector<16xf32>
    %get3A_877 = arith.constant 2 : i32
    %get3A_878 = arith.index_cast %get3A_877 : i32 to index
    %get3A_879 = arith.constant 0 : index
    %get3A_880 = tpu.vector_load %arg13[%get3A_878, %get3A_879] {strides = array<i32>} : memref<200x128xf32, #tpu.memory_space<vmem>>, vector<1x16xf32>,
    %get3A_881 = vector.shape_cast %get3A_880 : vector<1x16xf32> to vector<16xf32>
    %mul3A_882 = arith.mulf %get3A_876, %get3A_881 : vector<16xf32>
    %max3A_883 = arith.maximumf %max3A_871, %mul3A_882 : vector<16xf32>
    %swap3A_884 = arith.constant 1 : i32
    %swap3A_885 = arith.index_cast %swap3A_884 : i32 to index
    %swap3A_886 = arith.constant 0 : index
    %swap3A_887 = tpu.vector_load %arg14[%swap3A_885, %swap3A_886] {strides = array<i32>} : memref<198x32xf32, #tpu.memory_space<vmem>>, vector<1x16xf32>,
    %swap3A_888 = vector.shape_cast %swap3A_887 : vector<1x16xf32> to vector<16xf32>
    %swap3A_889 = vector.shape_cast %max3A_883 : vector<16xf32> to vector<1x16xf32>
    tpu.vector_store %arg14[%swap3A_885, %swap3A_886], %swap3A_889 {strides = array<i32>} : memref<198x32xf32, #tpu.memory_space<vmem>>, vector<1x16xf32>,
    %get3A_890 = arith.constant 0 : i32
    %get3A_891 = arith.index_cast %get3A_890 : i32 to index
    %get3A_892 = arith.constant 96 : index
    %get3A_893 = tpu.vector_load %arg13[%get3A_891, %get3A_892] {strides = array<i32>} : memref<200x128xf32, #tpu.memory_space<vmem>>, vector<1x16xf32>,
    %get3A_894 = vector.shape_cast %get3A_893 : vector<1x16xf32> to vector<16xf32>
    %get3A_895 = arith.constant 2 : i32
    %get3A_896 = arith.index_cast %get3A_895 : i32 to index
    %get3A_897 = arith.constant 32 : index
    %get3A_898 = tpu.vector_load %arg11[%get3A_896, %get3A_897] {strides = array<i32>} : memref<200x128xf32, #tpu.memory_space<vmem>>, vector<1x16xf32>,
    %get3A_899 = vector.shape_cast %get3A_898 : vector<1x16xf32> to vector<16xf32>
    %mul3A_900 = arith.mulf %get3A_894, %get3A_899 : vector<16xf32>
    %get3A_901 = arith.constant 4 : i32
    %get3A_902 = arith.index_cast %get3A_901 : i32 to index
    %get3A_903 = arith.constant 96 : index
    %get3A_904 = tpu.vector_load %arg13[%get3A_902, %get3A_903] {strides = array<i32>} : memref<200x128xf32, #tpu.memory_space<vmem>>, vector<1x16xf32>,
    %get3A_905 = vector.shape_cast %get3A_904 : vector<1x16xf32> to vector<16xf32>
    %get3A_906 = arith.constant 2 : i32
    %get3A_907 = arith.index_cast %get3A_906 : i32 to index
    %get3A_908 = arith.constant 32 : index
    %get3A_909 = tpu.vector_load %arg13[%get3A_907, %get3A_908] {strides = array<i32>} : memref<200x128xf32, #tpu.memory_space<vmem>>, vector<1x16xf32>,
    %get3A_910 = vector.shape_cast %get3A_909 : vector<1x16xf32> to vector<16xf32>
    %mul3A_911 = arith.mulf %get3A_905, %get3A_910 : vector<16xf32>
    %max3A_912 = arith.maximumf %mul3A_900, %mul3A_911 : vector<16xf32>
    %max3A_913 = arith.maximumf %max3A_883, %max3A_912 : vector<16xf32>
    %swap3A_914 = arith.constant 0 : i32
    %swap3A_915 = arith.index_cast %swap3A_914 : i32 to index
    %swap3A_916 = arith.constant 0 : index
    %swap3A_917 = tpu.vector_load %arg15[%swap3A_915, %swap3A_916] {strides = array<i32>} : memref<196x32xf32, #tpu.memory_space<vmem>>, vector<1x16xf32>,
    %swap3A_918 = vector.shape_cast %swap3A_917 : vector<1x16xf32> to vector<16xf32>
    %swap3A_919 = vector.shape_cast %max3A_913 : vector<16xf32> to vector<1x16xf32>
    tpu.vector_store %arg15[%swap3A_915, %swap3A_916], %swap3A_919 {strides = array<i32>} : memref<196x32xf32, #tpu.memory_space<vmem>>, vector<1x16xf32>,
    %get3A_920 = arith.constant 2 : i32
    %get3A_921 = arith.index_cast %get3A_920 : i32 to index
    %get3A_922 = arith.constant 112 : index
    %get3A_923 = tpu.vector_load %arg13[%get3A_921, %get3A_922] {strides = array<i32>} : memref<200x128xf32, #tpu.memory_space<vmem>>, vector<1x16xf32>,
    %get3A_924 = vector.shape_cast %get3A_923 : vector<1x16xf32> to vector<16xf32>
    %get3A_925 = arith.constant 2 : i32
    %get3A_926 = arith.index_cast %get3A_925 : i32 to index
    %get3A_927 = arith.constant 112 : index
    %get3A_928 = tpu.vector_load %arg11[%get3A_926, %get3A_927] {strides = array<i32>} : memref<200x128xf32, #tpu.memory_space<vmem>>, vector<1x16xf32>,
    %get3A_929 = vector.shape_cast %get3A_928 : vector<1x16xf32> to vector<16xf32>
    %mul3A_930 = arith.mulf %get3A_924, %get3A_929 : vector<16xf32>
    %get3A_931 = arith.constant 1 : i32
    %get3A_932 = arith.index_cast %get3A_931 : i32 to index
    %get3A_933 = arith.constant 112 : index
    %get3A_934 = tpu.vector_load %arg13[%get3A_932, %get3A_933] {strides = array<i32>} : memref<200x128xf32, #tpu.memory_space<vmem>>, vector<1x16xf32>,
    %get3A_935 = vector.shape_cast %get3A_934 : vector<1x16xf32> to vector<16xf32>
    %get3A_936 = arith.constant 2 : i32
    %get3A_937 = arith.index_cast %get3A_936 : i32 to index
    %get3A_938 = arith.constant 80 : index
    %get3A_939 = tpu.vector_load %arg11[%get3A_937, %get3A_938] {strides = array<i32>} : memref<200x128xf32, #tpu.memory_space<vmem>>, vector<1x16xf32>,
    %get3A_940 = vector.shape_cast %get3A_939 : vector<1x16xf32> to vector<16xf32>
    %mul3A_941 = arith.mulf %get3A_935, %get3A_940 : vector<16xf32>
    %max3A_942 = arith.maximumf %mul3A_941, %mul3A_930 : vector<16xf32>
    %get3A_943 = arith.constant 3 : i32
    %get3A_944 = arith.index_cast %get3A_943 : i32 to index
    %get3A_945 = arith.constant 112 : index
    %get3A_946 = tpu.vector_load %arg13[%get3A_944, %get3A_945] {strides = array<i32>} : memref<200x128xf32, #tpu.memory_space<vmem>>, vector<1x16xf32>,
    %get3A_947 = vector.shape_cast %get3A_946 : vector<1x16xf32> to vector<16xf32>
    %get3A_948 = arith.constant 2 : i32
    %get3A_949 = arith.index_cast %get3A_948 : i32 to index
    %get3A_950 = arith.constant 16 : index
    %get3A_951 = tpu.vector_load %arg13[%get3A_949, %get3A_950] {strides = array<i32>} : memref<200x128xf32, #tpu.memory_space<vmem>>, vector<1x16xf32>,
    %get3A_952 = vector.shape_cast %get3A_951 : vector<1x16xf32> to vector<16xf32>
    %mul3A_953 = arith.mulf %get3A_947, %get3A_952 : vector<16xf32>
    %max3A_954 = arith.maximumf %max3A_942, %mul3A_953 : vector<16xf32>
    %swap3A_955 = arith.constant 1 : i32
    %swap3A_956 = arith.index_cast %swap3A_955 : i32 to index
    %swap3A_957 = arith.constant 16 : index
    %swap3A_958 = tpu.vector_load %arg14[%swap3A_956, %swap3A_957] {strides = array<i32>} : memref<198x32xf32, #tpu.memory_space<vmem>>, vector<1x16xf32>,
    %swap3A_959 = vector.shape_cast %swap3A_958 : vector<1x16xf32> to vector<16xf32>
    %swap3A_960 = vector.shape_cast %max3A_954 : vector<16xf32> to vector<1x16xf32>
    tpu.vector_store %arg14[%swap3A_956, %swap3A_957], %swap3A_960 {strides = array<i32>} : memref<198x32xf32, #tpu.memory_space<vmem>>, vector<1x16xf32>,
    %get3A_961 = arith.constant 0 : i32
    %get3A_962 = arith.index_cast %get3A_961 : i32 to index
    %get3A_963 = arith.constant 112 : index
    %get3A_964 = tpu.vector_load %arg13[%get3A_962, %get3A_963] {strides = array<i32>} : memref<200x128xf32, #tpu.memory_space<vmem>>, vector<1x16xf32>,
    %get3A_965 = vector.shape_cast %get3A_964 : vector<1x16xf32> to vector<16xf32>
    %get3A_966 = arith.constant 2 : i32
    %get3A_967 = arith.index_cast %get3A_966 : i32 to index
    %get3A_968 = arith.constant 48 : index
    %get3A_969 = tpu.vector_load %arg11[%get3A_967, %get3A_968] {strides = array<i32>} : memref<200x128xf32, #tpu.memory_space<vmem>>, vector<1x16xf32>,
    %get3A_970 = vector.shape_cast %get3A_969 : vector<1x16xf32> to vector<16xf32>
    %mul3A_971 = arith.mulf %get3A_965, %get3A_970 : vector<16xf32>
    %get3A_972 = arith.constant 4 : i32
    %get3A_973 = arith.index_cast %get3A_972 : i32 to index
    %get3A_974 = arith.constant 112 : index
    %get3A_975 = tpu.vector_load %arg13[%get3A_973, %get3A_974] {strides = array<i32>} : memref<200x128xf32, #tpu.memory_space<vmem>>, vector<1x16xf32>,
    %get3A_976 = vector.shape_cast %get3A_975 : vector<1x16xf32> to vector<16xf32>
    %get3A_977 = arith.constant 2 : i32
    %get3A_978 = arith.index_cast %get3A_977 : i32 to index
    %get3A_979 = arith.constant 48 : index
    %get3A_980 = tpu.vector_load %arg13[%get3A_978, %get3A_979] {strides = array<i32>} : memref<200x128xf32, #tpu.memory_space<vmem>>, vector<1x16xf32>,
    %get3A_981 = vector.shape_cast %get3A_980 : vector<1x16xf32> to vector<16xf32>
    %mul3A_982 = arith.mulf %get3A_976, %get3A_981 : vector<16xf32>
    %max3A_983 = arith.maximumf %mul3A_971, %mul3A_982 : vector<16xf32>
    %max3A_984 = arith.maximumf %max3A_954, %max3A_983 : vector<16xf32>
    %swap3A_985 = arith.constant 0 : i32
    %swap3A_986 = arith.index_cast %swap3A_985 : i32 to index
    %swap3A_987 = arith.constant 16 : index
    %swap3A_988 = tpu.vector_load %arg15[%swap3A_986, %swap3A_987] {strides = array<i32>} : memref<196x32xf32, #tpu.memory_space<vmem>>, vector<1x16xf32>,
    %swap3A_989 = vector.shape_cast %swap3A_988 : vector<1x16xf32> to vector<16xf32>
    %swap3A_990 = vector.shape_cast %max3A_984 : vector<16xf32> to vector<1x16xf32>
    tpu.vector_store %arg15[%swap3A_986, %swap3A_987], %swap3A_990 {strides = array<i32>} : memref<196x32xf32, #tpu.memory_space<vmem>>, vector<1x16xf32>,
    %get3A_991 = arith.constant 197 : i32
    %get3A_992 = arith.index_cast %get3A_991 : i32 to index
    %get3A_993 = arith.constant 96 : index
    %get3A_994 = tpu.vector_load %arg13[%get3A_992, %get3A_993] {strides = array<i32>} : memref<200x128xf32, #tpu.memory_space<vmem>>, vector<1x16xf32>,
    %get3A_995 = vector.shape_cast %get3A_994 : vector<1x16xf32> to vector<16xf32>
    %get3A_996 = arith.constant 197 : i32
    %get3A_997 = arith.index_cast %get3A_996 : i32 to index
    %get3A_998 = arith.constant 96 : index
    %get3A_999 = tpu.vector_load %arg11[%get3A_997, %get3A_998] {strides = array<i32>} : memref<200x128xf32, #tpu.memory_space<vmem>>, vector<1x16xf32>,
    %get3A_1000 = vector.shape_cast %get3A_999 : vector<1x16xf32> to vector<16xf32>
    %mul3A_1001 = arith.mulf %get3A_995, %get3A_1000 : vector<16xf32>
    %get3A_1002 = arith.constant 196 : i32
    %get3A_1003 = arith.index_cast %get3A_1002 : i32 to index
    %get3A_1004 = arith.constant 96 : index
    %get3A_1005 = tpu.vector_load %arg13[%get3A_1003, %get3A_1004] {strides = array<i32>} : memref<200x128xf32, #tpu.memory_space<vmem>>, vector<1x16xf32>,
    %get3A_1006 = vector.shape_cast %get3A_1005 : vector<1x16xf32> to vector<16xf32>
    %get3A_1007 = arith.constant 197 : i32
    %get3A_1008 = arith.index_cast %get3A_1007 : i32 to index
    %get3A_1009 = arith.constant 64 : index
    %get3A_1010 = tpu.vector_load %arg11[%get3A_1008, %get3A_1009] {strides = array<i32>} : memref<200x128xf32, #tpu.memory_space<vmem>>, vector<1x16xf32>,
    %get3A_1011 = vector.shape_cast %get3A_1010 : vector<1x16xf32> to vector<16xf32>
    %mul3A_1012 = arith.mulf %get3A_1006, %get3A_1011 : vector<16xf32>
    %max3A_1013 = arith.maximumf %mul3A_1012, %mul3A_1001 : vector<16xf32>
    %get3A_1014 = arith.constant 198 : i32
    %get3A_1015 = arith.index_cast %get3A_1014 : i32 to index
    %get3A_1016 = arith.constant 96 : index
    %get3A_1017 = tpu.vector_load %arg13[%get3A_1015, %get3A_1016] {strides = array<i32>} : memref<200x128xf32, #tpu.memory_space<vmem>>, vector<1x16xf32>,
    %get3A_1018 = vector.shape_cast %get3A_1017 : vector<1x16xf32> to vector<16xf32>
    %get3A_1019 = arith.constant 197 : i32
    %get3A_1020 = arith.index_cast %get3A_1019 : i32 to index
    %get3A_1021 = arith.constant 0 : index
    %get3A_1022 = tpu.vector_load %arg13[%get3A_1020, %get3A_1021] {strides = array<i32>} : memref<200x128xf32, #tpu.memory_space<vmem>>, vector<1x16xf32>,
    %get3A_1023 = vector.shape_cast %get3A_1022 : vector<1x16xf32> to vector<16xf32>
    %mul3A_1024 = arith.mulf %get3A_1018, %get3A_1023 : vector<16xf32>
    %max3A_1025 = arith.maximumf %max3A_1013, %mul3A_1024 : vector<16xf32>
    %swap3A_1026 = arith.constant 196 : i32
    %swap3A_1027 = arith.index_cast %swap3A_1026 : i32 to index
    %swap3A_1028 = arith.constant 0 : index
    %swap3A_1029 = tpu.vector_load %arg14[%swap3A_1027, %swap3A_1028] {strides = array<i32>} : memref<198x32xf32, #tpu.memory_space<vmem>>, vector<1x16xf32>,
    %swap3A_1030 = vector.shape_cast %swap3A_1029 : vector<1x16xf32> to vector<16xf32>
    %swap3A_1031 = vector.shape_cast %max3A_1025 : vector<16xf32> to vector<1x16xf32>
    tpu.vector_store %arg14[%swap3A_1027, %swap3A_1028], %swap3A_1031 {strides = array<i32>} : memref<198x32xf32, #tpu.memory_space<vmem>>, vector<1x16xf32>,
    %get3A_1032 = arith.constant 195 : i32
    %get3A_1033 = arith.index_cast %get3A_1032 : i32 to index
    %get3A_1034 = arith.constant 96 : index
    %get3A_1035 = tpu.vector_load %arg13[%get3A_1033, %get3A_1034] {strides = array<i32>} : memref<200x128xf32, #tpu.memory_space<vmem>>, vector<1x16xf32>,
    %get3A_1036 = vector.shape_cast %get3A_1035 : vector<1x16xf32> to vector<16xf32>
    %get3A_1037 = arith.constant 197 : i32
    %get3A_1038 = arith.index_cast %get3A_1037 : i32 to index
    %get3A_1039 = arith.constant 32 : index
    %get3A_1040 = tpu.vector_load %arg11[%get3A_1038, %get3A_1039] {strides = array<i32>} : memref<200x128xf32, #tpu.memory_space<vmem>>, vector<1x16xf32>,
    %get3A_1041 = vector.shape_cast %get3A_1040 : vector<1x16xf32> to vector<16xf32>
    %mul3A_1042 = arith.mulf %get3A_1036, %get3A_1041 : vector<16xf32>
    %get3A_1043 = arith.constant 199 : i32
    %get3A_1044 = arith.index_cast %get3A_1043 : i32 to index
    %get3A_1045 = arith.constant 96 : index
    %get3A_1046 = tpu.vector_load %arg13[%get3A_1044, %get3A_1045] {strides = array<i32>} : memref<200x128xf32, #tpu.memory_space<vmem>>, vector<1x16xf32>,
    %get3A_1047 = vector.shape_cast %get3A_1046 : vector<1x16xf32> to vector<16xf32>
    %get3A_1048 = arith.constant 197 : i32
    %get3A_1049 = arith.index_cast %get3A_1048 : i32 to index
    %get3A_1050 = arith.constant 32 : index
    %get3A_1051 = tpu.vector_load %arg13[%get3A_1049, %get3A_1050] {strides = array<i32>} : memref<200x128xf32, #tpu.memory_space<vmem>>, vector<1x16xf32>,
    %get3A_1052 = vector.shape_cast %get3A_1051 : vector<1x16xf32> to vector<16xf32>
    %mul3A_1053 = arith.mulf %get3A_1047, %get3A_1052 : vector<16xf32>
    %max3A_1054 = arith.maximumf %mul3A_1042, %mul3A_1053 : vector<16xf32>
    %max3A_1055 = arith.maximumf %max3A_1025, %max3A_1054 : vector<16xf32>
    %swap3A_1056 = arith.constant 195 : i32
    %swap3A_1057 = arith.index_cast %swap3A_1056 : i32 to index
    %swap3A_1058 = arith.constant 0 : index
    %swap3A_1059 = tpu.vector_load %arg15[%swap3A_1057, %swap3A_1058] {strides = array<i32>} : memref<196x32xf32, #tpu.memory_space<vmem>>, vector<1x16xf32>,
    %swap3A_1060 = vector.shape_cast %swap3A_1059 : vector<1x16xf32> to vector<16xf32>
    %swap3A_1061 = vector.shape_cast %max3A_1055 : vector<16xf32> to vector<1x16xf32>
    tpu.vector_store %arg15[%swap3A_1057, %swap3A_1058], %swap3A_1061 {strides = array<i32>} : memref<196x32xf32, #tpu.memory_space<vmem>>, vector<1x16xf32>,
    %get3A_1062 = arith.constant 197 : i32
    %get3A_1063 = arith.index_cast %get3A_1062 : i32 to index
    %get3A_1064 = arith.constant 112 : index
    %get3A_1065 = tpu.vector_load %arg13[%get3A_1063, %get3A_1064] {strides = array<i32>} : memref<200x128xf32, #tpu.memory_space<vmem>>, vector<1x16xf32>,
    %get3A_1066 = vector.shape_cast %get3A_1065 : vector<1x16xf32> to vector<16xf32>
    %get3A_1067 = arith.constant 197 : i32
    %get3A_1068 = arith.index_cast %get3A_1067 : i32 to index
    %get3A_1069 = arith.constant 112 : index
    %get3A_1070 = tpu.vector_load %arg11[%get3A_1068, %get3A_1069] {strides = array<i32>} : memref<200x128xf32, #tpu.memory_space<vmem>>, vector<1x16xf32>,
    %get3A_1071 = vector.shape_cast %get3A_1070 : vector<1x16xf32> to vector<16xf32>
    %mul3A_1072 = arith.mulf %get3A_1066, %get3A_1071 : vector<16xf32>
    %get3A_1073 = arith.constant 196 : i32
    %get3A_1074 = arith.index_cast %get3A_1073 : i32 to index
    %get3A_1075 = arith.constant 112 : index
    %get3A_1076 = tpu.vector_load %arg13[%get3A_1074, %get3A_1075] {strides = array<i32>} : memref<200x128xf32, #tpu.memory_space<vmem>>, vector<1x16xf32>,
    %get3A_1077 = vector.shape_cast %get3A_1076 : vector<1x16xf32> to vector<16xf32>
    %get3A_1078 = arith.constant 197 : i32
    %get3A_1079 = arith.index_cast %get3A_1078 : i32 to index
    %get3A_1080 = arith.constant 80 : index
    %get3A_1081 = tpu.vector_load %arg11[%get3A_1079, %get3A_1080] {strides = array<i32>} : memref<200x128xf32, #tpu.memory_space<vmem>>, vector<1x16xf32>,
    %get3A_1082 = vector.shape_cast %get3A_1081 : vector<1x16xf32> to vector<16xf32>
    %mul3A_1083 = arith.mulf %get3A_1077, %get3A_1082 : vector<16xf32>
    %max3A_1084 = arith.maximumf %mul3A_1083, %mul3A_1072 : vector<16xf32>
    %get3A_1085 = arith.constant 198 : i32
    %get3A_1086 = arith.index_cast %get3A_1085 : i32 to index
    %get3A_1087 = arith.constant 112 : index
    %get3A_1088 = tpu.vector_load %arg13[%get3A_1086, %get3A_1087] {strides = array<i32>} : memref<200x128xf32, #tpu.memory_space<vmem>>, vector<1x16xf32>,
    %get3A_1089 = vector.shape_cast %get3A_1088 : vector<1x16xf32> to vector<16xf32>
    %get3A_1090 = arith.constant 197 : i32
    %get3A_1091 = arith.index_cast %get3A_1090 : i32 to index
    %get3A_1092 = arith.constant 16 : index
    %get3A_1093 = tpu.vector_load %arg13[%get3A_1091, %get3A_1092] {strides = array<i32>} : memref<200x128xf32, #tpu.memory_space<vmem>>, vector<1x16xf32>,
    %get3A_1094 = vector.shape_cast %get3A_1093 : vector<1x16xf32> to vector<16xf32>
    %mul3A_1095 = arith.mulf %get3A_1089, %get3A_1094 : vector<16xf32>
    %max3A_1096 = arith.maximumf %max3A_1084, %mul3A_1095 : vector<16xf32>
    %swap3A_1097 = arith.constant 196 : i32
    %swap3A_1098 = arith.index_cast %swap3A_1097 : i32 to index
    %swap3A_1099 = arith.constant 16 : index
    %swap3A_1100 = tpu.vector_load %arg14[%swap3A_1098, %swap3A_1099] {strides = array<i32>} : memref<198x32xf32, #tpu.memory_space<vmem>>, vector<1x16xf32>,
    %swap3A_1101 = vector.shape_cast %swap3A_1100 : vector<1x16xf32> to vector<16xf32>
    %swap3A_1102 = vector.shape_cast %max3A_1096 : vector<16xf32> to vector<1x16xf32>
    tpu.vector_store %arg14[%swap3A_1098, %swap3A_1099], %swap3A_1102 {strides = array<i32>} : memref<198x32xf32, #tpu.memory_space<vmem>>, vector<1x16xf32>,
    %get3A_1103 = arith.constant 195 : i32
    %get3A_1104 = arith.index_cast %get3A_1103 : i32 to index
    %get3A_1105 = arith.constant 112 : index
    %get3A_1106 = tpu.vector_load %arg13[%get3A_1104, %get3A_1105] {strides = array<i32>} : memref<200x128xf32, #tpu.memory_space<vmem>>, vector<1x16xf32>,
    %get3A_1107 = vector.shape_cast %get3A_1106 : vector<1x16xf32> to vector<16xf32>
    %get3A_1108 = arith.constant 197 : i32
    %get3A_1109 = arith.index_cast %get3A_1108 : i32 to index
    %get3A_1110 = arith.constant 48 : index
    %get3A_1111 = tpu.vector_load %arg11[%get3A_1109, %get3A_1110] {strides = array<i32>} : memref<200x128xf32, #tpu.memory_space<vmem>>, vector<1x16xf32>,
    %get3A_1112 = vector.shape_cast %get3A_1111 : vector<1x16xf32> to vector<16xf32>
    %mul3A_1113 = arith.mulf %get3A_1107, %get3A_1112 : vector<16xf32>
    %get3A_1114 = arith.constant 199 : i32
    %get3A_1115 = arith.index_cast %get3A_1114 : i32 to index
    %get3A_1116 = arith.constant 112 : index
    %get3A_1117 = tpu.vector_load %arg13[%get3A_1115, %get3A_1116] {strides = array<i32>} : memref<200x128xf32, #tpu.memory_space<vmem>>, vector<1x16xf32>,
    %get3A_1118 = vector.shape_cast %get3A_1117 : vector<1x16xf32> to vector<16xf32>
    %get3A_1119 = arith.constant 197 : i32
    %get3A_1120 = arith.index_cast %get3A_1119 : i32 to index
    %get3A_1121 = arith.constant 48 : index
    %get3A_1122 = tpu.vector_load %arg13[%get3A_1120, %get3A_1121] {strides = array<i32>} : memref<200x128xf32, #tpu.memory_space<vmem>>, vector<1x16xf32>,
    %get3A_1123 = vector.shape_cast %get3A_1122 : vector<1x16xf32> to vector<16xf32>
    %mul3A_1124 = arith.mulf %get3A_1118, %get3A_1123 : vector<16xf32>
    %max3A_1125 = arith.maximumf %mul3A_1113, %mul3A_1124 : vector<16xf32>
    %max3A_1126 = arith.maximumf %max3A_1096, %max3A_1125 : vector<16xf32>
    %swap3A_1127 = arith.constant 195 : i32
    %swap3A_1128 = arith.index_cast %swap3A_1127 : i32 to index
    %swap3A_1129 = arith.constant 16 : index
    %swap3A_1130 = tpu.vector_load %arg15[%swap3A_1128, %swap3A_1129] {strides = array<i32>} : memref<196x32xf32, #tpu.memory_space<vmem>>, vector<1x16xf32>,
    %swap3A_1131 = vector.shape_cast %swap3A_1130 : vector<1x16xf32> to vector<16xf32>
    %swap3A_1132 = vector.shape_cast %max3A_1126 : vector<16xf32> to vector<1x16xf32>
    tpu.vector_store %arg15[%swap3A_1128, %swap3A_1129], %swap3A_1132 {strides = array<i32>} : memref<196x32xf32, #tpu.memory_space<vmem>>, vector<1x16xf32>,
    %get3A_1133 = arith.constant 198 : i32
    %get3A_1134 = arith.index_cast %get3A_1133 : i32 to index
    %get3A_1135 = arith.constant 96 : index
    %get3A_1136 = tpu.vector_load %arg13[%get3A_1134, %get3A_1135] {strides = array<i32>} : memref<200x128xf32, #tpu.memory_space<vmem>>, vector<1x16xf32>,
    %get3A_1137 = vector.shape_cast %get3A_1136 : vector<1x16xf32> to vector<16xf32>
    %get3A_1138 = arith.constant 198 : i32
    %get3A_1139 = arith.index_cast %get3A_1138 : i32 to index
    %get3A_1140 = arith.constant 96 : index
    %get3A_1141 = tpu.vector_load %arg11[%get3A_1139, %get3A_1140] {strides = array<i32>} : memref<200x128xf32, #tpu.memory_space<vmem>>, vector<1x16xf32>,
    %get3A_1142 = vector.shape_cast %get3A_1141 : vector<1x16xf32> to vector<16xf32>
    %mul3A_1143 = arith.mulf %get3A_1137, %get3A_1142 : vector<16xf32>
    %get3A_1144 = arith.constant 197 : i32
    %get3A_1145 = arith.index_cast %get3A_1144 : i32 to index
    %get3A_1146 = arith.constant 96 : index
    %get3A_1147 = tpu.vector_load %arg13[%get3A_1145, %get3A_1146] {strides = array<i32>} : memref<200x128xf32, #tpu.memory_space<vmem>>, vector<1x16xf32>,
    %get3A_1148 = vector.shape_cast %get3A_1147 : vector<1x16xf32> to vector<16xf32>
    %get3A_1149 = arith.constant 198 : i32
    %get3A_1150 = arith.index_cast %get3A_1149 : i32 to index
    %get3A_1151 = arith.constant 64 : index
    %get3A_1152 = tpu.vector_load %arg11[%get3A_1150, %get3A_1151] {strides = array<i32>} : memref<200x128xf32, #tpu.memory_space<vmem>>, vector<1x16xf32>,
    %get3A_1153 = vector.shape_cast %get3A_1152 : vector<1x16xf32> to vector<16xf32>
    %mul3A_1154 = arith.mulf %get3A_1148, %get3A_1153 : vector<16xf32>
    %max3A_1155 = arith.maximumf %mul3A_1154, %mul3A_1143 : vector<16xf32>
    %get3A_1156 = arith.constant 199 : i32
    %get3A_1157 = arith.index_cast %get3A_1156 : i32 to index
    %get3A_1158 = arith.constant 96 : index
    %get3A_1159 = tpu.vector_load %arg13[%get3A_1157, %get3A_1158] {strides = array<i32>} : memref<200x128xf32, #tpu.memory_space<vmem>>, vector<1x16xf32>,
    %get3A_1160 = vector.shape_cast %get3A_1159 : vector<1x16xf32> to vector<16xf32>
    %get3A_1161 = arith.constant 198 : i32
    %get3A_1162 = arith.index_cast %get3A_1161 : i32 to index
    %get3A_1163 = arith.constant 0 : index
    %get3A_1164 = tpu.vector_load %arg13[%get3A_1162, %get3A_1163] {strides = array<i32>} : memref<200x128xf32, #tpu.memory_space<vmem>>, vector<1x16xf32>,
    %get3A_1165 = vector.shape_cast %get3A_1164 : vector<1x16xf32> to vector<16xf32>
    %mul3A_1166 = arith.mulf %get3A_1160, %get3A_1165 : vector<16xf32>
    %max3A_1167 = arith.maximumf %max3A_1155, %mul3A_1166 : vector<16xf32>
    %swap3A_1168 = arith.constant 197 : i32
    %swap3A_1169 = arith.index_cast %swap3A_1168 : i32 to index
    %swap3A_1170 = arith.constant 0 : index
    %swap3A_1171 = tpu.vector_load %arg14[%swap3A_1169, %swap3A_1170] {strides = array<i32>} : memref<198x32xf32, #tpu.memory_space<vmem>>, vector<1x16xf32>,
    %swap3A_1172 = vector.shape_cast %swap3A_1171 : vector<1x16xf32> to vector<16xf32>
    %swap3A_1173 = vector.shape_cast %max3A_1167 : vector<16xf32> to vector<1x16xf32>
    tpu.vector_store %arg14[%swap3A_1169, %swap3A_1170], %swap3A_1173 {strides = array<i32>} : memref<198x32xf32, #tpu.memory_space<vmem>>, vector<1x16xf32>,
    %get3A_1174 = arith.constant 198 : i32
    %get3A_1175 = arith.index_cast %get3A_1174 : i32 to index
    %get3A_1176 = arith.constant 112 : index
    %get3A_1177 = tpu.vector_load %arg13[%get3A_1175, %get3A_1176] {strides = array<i32>} : memref<200x128xf32, #tpu.memory_space<vmem>>, vector<1x16xf32>,
    %get3A_1178 = vector.shape_cast %get3A_1177 : vector<1x16xf32> to vector<16xf32>
    %get3A_1179 = arith.constant 198 : i32
    %get3A_1180 = arith.index_cast %get3A_1179 : i32 to index
    %get3A_1181 = arith.constant 112 : index
    %get3A_1182 = tpu.vector_load %arg11[%get3A_1180, %get3A_1181] {strides = array<i32>} : memref<200x128xf32, #tpu.memory_space<vmem>>, vector<1x16xf32>,
    %get3A_1183 = vector.shape_cast %get3A_1182 : vector<1x16xf32> to vector<16xf32>
    %mul3A_1184 = arith.mulf %get3A_1178, %get3A_1183 : vector<16xf32>
    %get3A_1185 = arith.constant 197 : i32
    %get3A_1186 = arith.index_cast %get3A_1185 : i32 to index
    %get3A_1187 = arith.constant 112 : index
    %get3A_1188 = tpu.vector_load %arg13[%get3A_1186, %get3A_1187] {strides = array<i32>} : memref<200x128xf32, #tpu.memory_space<vmem>>, vector<1x16xf32>,
    %get3A_1189 = vector.shape_cast %get3A_1188 : vector<1x16xf32> to vector<16xf32>
    %get3A_1190 = arith.constant 198 : i32
    %get3A_1191 = arith.index_cast %get3A_1190 : i32 to index
    %get3A_1192 = arith.constant 80 : index
    %get3A_1193 = tpu.vector_load %arg11[%get3A_1191, %get3A_1192] {strides = array<i32>} : memref<200x128xf32, #tpu.memory_space<vmem>>, vector<1x16xf32>,
    %get3A_1194 = vector.shape_cast %get3A_1193 : vector<1x16xf32> to vector<16xf32>
    %mul3A_1195 = arith.mulf %get3A_1189, %get3A_1194 : vector<16xf32>
    %max3A_1196 = arith.maximumf %mul3A_1195, %mul3A_1184 : vector<16xf32>
    %get3A_1197 = arith.constant 199 : i32
    %get3A_1198 = arith.index_cast %get3A_1197 : i32 to index
    %get3A_1199 = arith.constant 112 : index
    %get3A_1200 = tpu.vector_load %arg13[%get3A_1198, %get3A_1199] {strides = array<i32>} : memref<200x128xf32, #tpu.memory_space<vmem>>, vector<1x16xf32>,
    %get3A_1201 = vector.shape_cast %get3A_1200 : vector<1x16xf32> to vector<16xf32>
    %get3A_1202 = arith.constant 198 : i32
    %get3A_1203 = arith.index_cast %get3A_1202 : i32 to index
    %get3A_1204 = arith.constant 16 : index
    %get3A_1205 = tpu.vector_load %arg13[%get3A_1203, %get3A_1204] {strides = array<i32>} : memref<200x128xf32, #tpu.memory_space<vmem>>, vector<1x16xf32>,
    %get3A_1206 = vector.shape_cast %get3A_1205 : vector<1x16xf32> to vector<16xf32>
    %mul3A_1207 = arith.mulf %get3A_1201, %get3A_1206 : vector<16xf32>
    %max3A_1208 = arith.maximumf %max3A_1196, %mul3A_1207 : vector<16xf32>
    %swap3A_1209 = arith.constant 197 : i32
    %swap3A_1210 = arith.index_cast %swap3A_1209 : i32 to index
    %swap3A_1211 = arith.constant 16 : index
    %swap3A_1212 = tpu.vector_load %arg14[%swap3A_1210, %swap3A_1211] {strides = array<i32>} : memref<198x32xf32, #tpu.memory_space<vmem>>, vector<1x16xf32>,
    %swap3A_1213 = vector.shape_cast %swap3A_1212 : vector<1x16xf32> to vector<16xf32>
    %swap3A_1214 = vector.shape_cast %max3A_1208 : vector<16xf32> to vector<1x16xf32>
    tpu.vector_store %arg14[%swap3A_1210, %swap3A_1211], %swap3A_1214 {strides = array<i32>} : memref<198x32xf32, #tpu.memory_space<vmem>>, vector<1x16xf32>,
    %mul3A_1215 = arith.constant 32 : i32
    %mul3A_1216 = arith.muli %add3A, %mul3A_1215 : i32
    %add3A_1217 = arith.constant 31 : i32
    %add3A_1218 = arith.addi %mul3A_1216, %add3A_1217 : i32
    %dma_start3A_1219 = arith.constant 0 : i32
    %dma_start3A_1220 = arith.constant 0 : i32
    %dma_start3A_1221 = tpu.memref_slice %arg5[%add3A_1218, %dma_start3A_1219, %dma_start3A_1220] : memref<1024x198x32xf32, #tpu.memory_space<hbm>> -> memref<1x198x32xf32, #tpu.memory_space<hbm>>
    %dma_start3A_1222 = tpu.memref_squeeze %dma_start3A_1221 : memref<1x198x32xf32, #tpu.memory_space<hbm>> -> memref<198x32xf32, #tpu.memory_space<hbm>>
    %dma_start3A_1223 = arith.constant 0 : i32
    %dma_start3A_1224 = arith.constant 0 : i32
    %dma_start3A_1225 = tpu.memref_slice %arg5[%add3A_1218, %dma_start3A_1223, %dma_start3A_1224] : memref<1024x198x32xf32, #tpu.memory_space<hbm>> -> memref<1x198x32xf32, #tpu.memory_space<hbm>>
    %dma_start3A_1226 = tpu.memref_squeeze %dma_start3A_1225 : memref<1x198x32xf32, #tpu.memory_space<hbm>> -> memref<198x32xf32, #tpu.memory_space<hbm>>
    tpu.enqueue_dma source(%arg14 : memref<198x32xf32, #tpu.memory_space<vmem>>) target(%dma_start3A_1226 : memref<198x32xf32, #tpu.memory_space<hbm>>) target_semaphore(%arg18 : memref<!tpu.dma_semaphore, #tpu.memory_space<semaphore_mem>>)
    %dma_start3A_1227 = arith.constant 0 : i32
    %dma_start3A_1228 = arith.constant 0 : i32
    %dma_start3A_1229 = tpu.memref_slice %arg6[%add3A_1218, %dma_start3A_1227, %dma_start3A_1228] : memref<1024x196x32xf32, #tpu.memory_space<hbm>> -> memref<1x196x32xf32, #tpu.memory_space<hbm>>
    %dma_start3A_1230 = tpu.memref_squeeze %dma_start3A_1229 : memref<1x196x32xf32, #tpu.memory_space<hbm>> -> memref<196x32xf32, #tpu.memory_space<hbm>>
    %dma_start3A_1231 = arith.constant 0 : i32
    %dma_start3A_1232 = arith.constant 0 : i32
    %dma_start3A_1233 = tpu.memref_slice %arg6[%add3A_1218, %dma_start3A_1231, %dma_start3A_1232] : memref<1024x196x32xf32, #tpu.memory_space<hbm>> -> memref<1x196x32xf32, #tpu.memory_space<hbm>>
    %dma_start3A_1234 = tpu.memref_squeeze %dma_start3A_1233 : memref<1x196x32xf32, #tpu.memory_space<hbm>> -> memref<196x32xf32, #tpu.memory_space<hbm>>
    tpu.enqueue_dma source(%arg15 : memref<196x32xf32, #tpu.memory_space<vmem>>) target(%dma_start3A_1234 : memref<196x32xf32, #tpu.memory_space<hbm>>) target_semaphore(%arg18 : memref<!tpu.dma_semaphore, #tpu.memory_space<semaphore_mem>>)
    %dma_start3A_1235 = arith.constant 0 : i32
    %dma_start3A_1236 = arith.constant 0 : i32
    %dma_start3A_1237 = tpu.memref_slice %arg7[%add3A_1218, %dma_start3A_1235, %dma_start3A_1236] : memref<1024x194x32xf32, #tpu.memory_space<hbm>> -> memref<1x194x32xf32, #tpu.memory_space<hbm>>
    %dma_start3A_1238 = tpu.memref_squeeze %dma_start3A_1237 : memref<1x194x32xf32, #tpu.memory_space<hbm>> -> memref<194x32xf32, #tpu.memory_space<hbm>>
    %dma_start3A_1239 = arith.constant 0 : i32
    %dma_start3A_1240 = arith.constant 0 : i32
    %dma_start3A_1241 = tpu.memref_slice %arg7[%add3A_1218, %dma_start3A_1239, %dma_start3A_1240] : memref<1024x194x32xf32, #tpu.memory_space<hbm>> -> memref<1x194x32xf32, #tpu.memory_space<hbm>>
    %dma_start3A_1242 = tpu.memref_squeeze %dma_start3A_1241 : memref<1x194x32xf32, #tpu.memory_space<hbm>> -> memref<194x32xf32, #tpu.memory_space<hbm>>
    tpu.enqueue_dma source(%arg16 : memref<194x32xf32, #tpu.memory_space<vmem>>) target(%dma_start3A_1242 : memref<194x32xf32, #tpu.memory_space<hbm>>) target_semaphore(%arg18 : memref<!tpu.dma_semaphore, #tpu.memory_space<semaphore_mem>>)
    %mul3A_1243 = arith.constant 32 : i32
    %mul3A_1244 = arith.muli %add3A, %mul3A_1243 : i32
    %add3A_1245 = arith.constant 0 : i32
    %add3A_1246 = arith.addi %mul3A_1244, %add3A_1245 : i32
    %dma_wait3A_1247 = arith.constant 0 : i32
    %dma_wait3A_1248 = arith.constant 0 : i32
    %dma_wait3A_1249 = tpu.memref_slice %arg5[%add3A_1246, %dma_wait3A_1247, %dma_wait3A_1248] : memref<1024x198x32xf32, #tpu.memory_space<hbm>> -> memref<1x198x32xf32, #tpu.memory_space<hbm>>
    %dma_wait3A_1250 = tpu.memref_squeeze %dma_wait3A_1249 : memref<1x198x32xf32, #tpu.memory_space<hbm>> -> memref<198x32xf32, #tpu.memory_space<hbm>>
    %dma_wait3A_1251 = arith.constant 0 : i32
    %dma_wait3A_1252 = arith.constant 0 : i32
    %dma_wait3A_1253 = tpu.memref_slice %arg5[%add3A_1246, %dma_wait3A_1251, %dma_wait3A_1252] : memref<1024x198x32xf32, #tpu.memory_space<hbm>> -> memref<1x198x32xf32, #tpu.memory_space<hbm>>
    %dma_wait3A_1254 = tpu.memref_squeeze %dma_wait3A_1253 : memref<1x198x32xf32, #tpu.memory_space<hbm>> -> memref<198x32xf32, #tpu.memory_space<hbm>>
    tpu.wait_dma2 semaphore(%arg18 : memref<!tpu.dma_semaphore, #tpu.memory_space<semaphore_mem>>) src(%arg14 : memref<198x32xf32, #tpu.memory_space<vmem>>) dst(%dma_wait3A_1254 : memref<198x32xf32, #tpu.memory_space<hbm>>)
    %dma_wait3A_1255 = arith.constant 0 : i32
    %dma_wait3A_1256 = arith.constant 0 : i32
    %dma_wait3A_1257 = tpu.memref_slice %arg6[%add3A_1246, %dma_wait3A_1255, %dma_wait3A_1256] : memref<1024x196x32xf32, #tpu.memory_space<hbm>> -> memref<1x196x32xf32, #tpu.memory_space<hbm>>
    %dma_wait3A_1258 = tpu.memref_squeeze %dma_wait3A_1257 : memref<1x196x32xf32, #tpu.memory_space<hbm>> -> memref<196x32xf32, #tpu.memory_space<hbm>>
    %dma_wait3A_1259 = arith.constant 0 : i32
    %dma_wait3A_1260 = arith.constant 0 : i32
    %dma_wait3A_1261 = tpu.memref_slice %arg6[%add3A_1246, %dma_wait3A_1259, %dma_wait3A_1260] : memref<1024x196x32xf32, #tpu.memory_space<hbm>> -> memref<1x196x32xf32, #tpu.memory_space<hbm>>
    %dma_wait3A_1262 = tpu.memref_squeeze %dma_wait3A_1261 : memref<1x196x32xf32, #tpu.memory_space<hbm>> -> memref<196x32xf32, #tpu.memory_space<hbm>>
    tpu.wait_dma2 semaphore(%arg18 : memref<!tpu.dma_semaphore, #tpu.memory_space<semaphore_mem>>) src(%arg15 : memref<196x32xf32, #tpu.memory_space<vmem>>) dst(%dma_wait3A_1262 : memref<196x32xf32, #tpu.memory_space<hbm>>)
    %dma_wait3A_1263 = arith.constant 0 : i32
    %dma_wait3A_1264 = arith.constant 0 : i32
    %dma_wait3A_1265 = tpu.memref_slice %arg7[%add3A_1246, %dma_wait3A_1263, %dma_wait3A_1264] : memref<1024x194x32xf32, #tpu.memory_space<hbm>> -> memref<1x194x32xf32, #tpu.memory_space<hbm>>
    %dma_wait3A_1266 = tpu.memref_squeeze %dma_wait3A_1265 : memref<1x194x32xf32, #tpu.memory_space<hbm>> -> memref<194x32xf32, #tpu.memory_space<hbm>>
    %dma_wait3A_1267 = arith.constant 0 : i32
    %dma_wait3A_1268 = arith.constant 0 : i32
    %dma_wait3A_1269 = tpu.memref_slice %arg7[%add3A_1246, %dma_wait3A_1267, %dma_wait3A_1268] : memref<1024x194x32xf32, #tpu.memory_space<hbm>> -> memref<1x194x32xf32, #tpu.memory_space<hbm>>
    %dma_wait3A_1270 = tpu.memref_squeeze %dma_wait3A_1269 : memref<1x194x32xf32, #tpu.memory_space<hbm>> -> memref<194x32xf32, #tpu.memory_space<hbm>>
    tpu.wait_dma2 semaphore(%arg18 : memref<!tpu.dma_semaphore, #tpu.memory_space<semaphore_mem>>) src(%arg16 : memref<194x32xf32, #tpu.memory_space<vmem>>) dst(%dma_wait3A_1270 : memref<194x32xf32, #tpu.memory_space<hbm>>)
    return
  }
}

module attributes {stable_mosaic.version = 14 : i64} {
  func.func @_pack_body(%arg0: i32, %arg1: memref<224x6400xf32, #tpu.memory_space<vmem>>, %arg2: memref<32x6400xf32, #tpu.memory_space<vmem>>, %arg3: memref<6400x128xf32, #tpu.memory_space<vmem>>, %arg4: memref<6400x128xf32, #tpu.memory_space<vmem>>) attributes {dimension_semantics = [#tpu.dimension_semantics<arbitrary>], iteration_bounds = array<i64: 16>, scalar_prefetch = 0 : i64, scratch_operands = 0 : i64, tpu.core_type = #tpu.core_type<tc>, window_params = [{transform_indices = @transform_0, window_bounds = array<i64: 224, 6400>}, {transform_indices = @transform_1, window_bounds = array<i64: 32, 6400>}, {transform_indices = @transform_2, window_bounds = array<i64: 6400, 128>}, {transform_indices = @transform_3, window_bounds = array<i64: 6400, 128>}]} {
    %get3A = arith.constant 0 : index
    %get3A_0 = arith.constant 0 : index
    %get3A_1 = vector.load %arg1[%get3A, %get3A_0] : memref<224x6400xf32, #tpu.memory_space<vmem>>, vector<224x6400xf32>
    %transpose3A = tpu.transpose %get3A_1, [1, 0] : vector<224x6400xf32> -> vector<6400x224xf32>
    %get3A_2 = arith.constant 0 : index
    %get3A_3 = arith.constant 0 : index
    %get3A_4 = vector.load %arg2[%get3A_2, %get3A_3] : memref<32x6400xf32, #tpu.memory_space<vmem>>, vector<32x6400xf32>
    %transpose3A_5 = tpu.transpose %get3A_4, [1, 0] : vector<32x6400xf32> -> vector<6400x32xf32>
    %slice3A = vector.extract_strided_slice %transpose3A {offsets = [0, 0], sizes = [6400, 128], strides = [1, 1]} : vector<6400x224xf32> to vector<6400x128xf32>
    %swap3A = arith.constant 0 : index
    %swap3A_6 = arith.constant 0 : index
    %swap3A_7 = vector.load %arg3[%swap3A, %swap3A_6] : memref<6400x128xf32, #tpu.memory_space<vmem>>, vector<6400x128xf32>
    tpu.vector_store %arg3[%swap3A, %swap3A_6], %slice3A {strides = array<i32>} : memref<6400x128xf32, #tpu.memory_space<vmem>>, vector<6400x128xf32>,
    %slice3A_8 = vector.extract_strided_slice %transpose3A {offsets = [0, 128], sizes = [6400, 96], strides = [1, 1]} : vector<6400x224xf32> to vector<6400x96xf32>
    %concatenate3A = tpu.concatenate %slice3A_8, %transpose3A_5 in 1 : vector<6400x96xf32>, vector<6400x32xf32> -> vector<6400x128xf32>
    %swap3A_9 = arith.constant 0 : index
    %swap3A_10 = arith.constant 0 : index
    %swap3A_11 = vector.load %arg4[%swap3A_9, %swap3A_10] : memref<6400x128xf32, #tpu.memory_space<vmem>>, vector<6400x128xf32>
    tpu.vector_store %arg4[%swap3A_9, %swap3A_10], %concatenate3A {strides = array<i32>} : memref<6400x128xf32, #tpu.memory_space<vmem>>, vector<6400x128xf32>,
    return
  }
  func.func @transform_0(%arg0: i32) -> (i32, i32) {
    %c0_i32 = arith.constant 0 : i32
    %c0_i32_0 = arith.constant 0 : i32
    return %c0_i32, %arg0 : i32, i32
  }
  func.func @transform_1(%arg0: i32) -> (i32, i32) {
    %c0_i32 = arith.constant 0 : i32
    %c0_i32_0 = arith.constant 0 : i32
    return %c0_i32, %arg0 : i32, i32
  }
  func.func @transform_2(%arg0: i32) -> (i32, i32) {
    %c0_i32 = arith.constant 0 : i32
    %c0_i32_0 = arith.constant 0 : i32
    return %arg0, %c0_i32 : i32, i32
  }
  func.func @transform_3(%arg0: i32) -> (i32, i32) {
    %c0_i32 = arith.constant 0 : i32
    %c0_i32_0 = arith.constant 0 : i32
    return %arg0, %c0_i32 : i32, i32
  }
}

</mosaic_0001>

<sc_bundles>
// kernel: _impl.4.cloned.1.call-start
scs
__scs_entry_jumppad:
0x0: {  	(pc) =	sbr.rel $0x88, $3  }
0x1: {  	(tag) =	ssettag $0x0;
	lr =	simm.s32 $0x1  }
0x2: {  	[smem:$0x3F9E] =	sst lr;
	_ =	strace $0xD0000000  }
0x3: {  	_ = 	snop  }
0x4: {  	_ = 	snop  }
0x5: {  	_ = 	snop  }
0x6: {  	_ = 	snop  }
0x7: {  	_ = 	snop  }
__scs_overlays_trampoline_lowered:
0x8: {  	[smem:$0x3FAD] =	sst s0  }
0x9: {  	[smem:$0x3FAE] =	sst s1  }
0xa: {  	[smem:$0x3FAF] =	sst s2  }
0xb: {  	[smem:$0x3FB0] =	sst s3  }
0xc: {  	[smem:$0x3FB1] =	sst s4  }
0xd: {  	[smem:$0x3FB2] =	sst s5  }
0xe: {  	[smem:$0x3FB3] =	sst s6  }
0xf: {  	[smem:$0x3FB4] =	sst s7  }
0x10: {  	[smem:$0x3FB5] =	sst s8  }
0x11: {  	[smem:$0x3FB6] =	sst s9;
	s0 =	simm.s32 @!p0 $0x0  }
0x12: {  	s1 =	sld [smem:$0x3F9C];
	s0 =	simm.s32 @p0 $0x1  }
0x13: {  	[smem:$0x3FB7] =	sst s0;
	s0 =	simm.s32 @!p1 $0x0  }
0x14: {  	s2 =	sld [smem:$0x3F9B];
	s0 =	simm.s32 @p1 $0x1  }
0x15: {  	[smem:$0x3FB8] =	sst s0;
	s0 =	simm.s32 @!p2 $0x0  }
0x16: {  	s3 =	sld [smem:$0x3FDB];
	s0 =	simm.s32 @p2 $0x1  }
0x17: {  	s4 =	simm.s32 $0x1BF5;
	[smem:$0x3FBA] =	sst s0  }
0x18: {  	s0 =	sld [smem:$0x3F9D];
	_ =	swait.ge [sflag:s4], $0x0  }
0x19: {  	s7 =	sld [smem:$0x3F9E]  }
0x1a: {  	s8 =	sadd.s32 $0xFFFFE003, lr  }
0x1b: {  	s9 =	sadd.s32 $0xFFFFFEF7, lr;
	s5 =	simm.s32 $0xFFFFFFFF;
	p2 =	slt.u32 s8, $0xFFFFF086  }
0x1c: {  	p1 =	slt.u32 s9, $0xF7A;
	s5 =	simm.s32 @!p2 $0x0  }
0x1d: {  	s5 =	simm.s32 @p1 $0x1;
	p0 =	seq.s32 s7, s2  }
0x1e: {  	s7 =	smul.u32 @!p0 $0xF7A, s2;
	p2 =	seq.s32 @!p0 s5, $0x0  }
0x1f: {  	s9 =	smul.u32 $0xF7A, s1;
	s8 =	simm.s32 @!p0 $0x1BF5;
	p2 =	por !p2, p0  }
0x20: {  	[sflag:s8] =	ssyncset.s32 @!p0 $0xFFFFF086;
	s6 =	sadd.s32 @!p0 s3, s7;
	s7 =	simm.s32 @!p0 $0x108  }
0x21: {  	s3 =	sadd.s32 s3, s9;
	s6 =	sadd.s32 @!p0 $0x88, s6;
	s7 =	simm.s32 @p2 $0x1082  }
0x22: {  	[simem:s7], [sflag:s8] =	dma.local @!p0 [hbm:s6], $0xF7A  }
0x23: {  	s9 =	sor.u32 $0xD0000000, s2;
	s6 =	simm.s32 $0x108;
	_ =	swait.ge @!p0 [sflag:s8], $0x0  }
0x24: {  	s3 =	sadd.s32 $0x88, s3;
	s6 =	simm.s32 @!p1 $0x1082;
	[sflag:s4] =	ssyncset.s32 $0xFFFFF086  }
0x25: {  	[simem:s6], [sflag:s4] =	dma.local [hbm:s3], $0xF7A  }
0x26: {  	[smem:$0x3F9E] =	sst s1;
	(tag) =	ssettag s2;
	_ =	strace s9  }
0x27: {  	s1 =	sld [smem:$0x3FAE]  }
0x28: {  	s2 =	sld [smem:$0x3FAF]  }
0x29: {  	s4 =	sld [smem:$0x3FB1]  }
0x2a: {  	p0 =	seq.s32 s5, $0x0;
	s5 =	sld [smem:$0x3FB2]  }
0x2b: {  	s6 =	sld [smem:$0x3FB3]  }
0x2c: {  	s7 =	sld [smem:$0x3FB4]  }
0x2d: {  	s3 =	simm.s32 $0x108;
	s8 =	sld [smem:$0x3FB5]  }
0x2e: {  	s3 =	simm.s32 @!p0 $0x1082;
	s9 =	sld [smem:$0x3FB6]  }
0x2f: {  	lr =	sadd.s32 s0, s3;
	s0 =	sld [smem:$0x3FAD]  }
0x30: {  	s3 =	sld [smem:$0x3FB0]  }
0x31: {  	[smem:$0x3FB9] =	sst s10  }
0x32: {  	s10 =	sld [smem:$0x3FB7];
	_ =	sdelay $0x3  }
0x33: {  	p0 =	seq.s32 s10, $0x1;
	s10 =	sld [smem:$0x3FB9];
	_ =	sdelay $0x3  }
0x34: {  	[smem:$0x3FB9] =	sst s10  }
0x35: {  	s10 =	sld [smem:$0x3FB8];
	_ =	sdelay $0x3  }
0x36: {  	p1 =	seq.s32 s10, $0x1;
	s10 =	sld [smem:$0x3FB9];
	_ =	sdelay $0x3  }
0x37: {  	[smem:$0x3FB9] =	sst s10  }
0x38: {  	s10 =	sld [smem:$0x3FBA]  }
0x39: {  	_ = 	snop;
	(pc) =	sbr.ind lr, $3  }
0x3a: {  	_ = 	snop  }
0x3b: {  	_ = 	snop  }
0x3c: {  	p2 =	seq.s32 s10, $0x1;
	s10 =	sld [smem:$0x3FB9]  }
0x3d: {  	_ =	shalt  }
0x3e: {  	_ =	shalt  }
0x3f: {  	_ =	shalt  }
0x40: {  	_ =	shalt  }
0x41: {  	_ =	shalt  }
0x42: {  	_ =	shalt  }
0x43: {  	_ =	shalt  }
0x44: {  	_ =	shalt  }
0x45: {  	_ =	shalt  }
0x46: {  	_ =	shalt  }
0x47: {  	_ =	shalt  }
0x48: {  	_ =	shalt  }
0x49: {  	_ =	shalt  }
0x4a: {  	_ =	shalt  }
0x4b: {  	_ =	shalt  }
0x4c: {  	_ =	shalt  }
0x4d: {  	_ =	shalt  }
0x4e: {  	_ =	shalt  }
0x4f: {  	_ =	shalt  }
0x50: {  	_ =	shalt  }
0x51: {  	_ =	shalt  }
0x52: {  	_ =	shalt  }
0x53: {  	_ =	shalt  }
0x54: {  	_ =	shalt  }
0x55: {  	_ =	shalt  }
0x56: {  	_ =	shalt  }
0x57: {  	_ =	shalt  }
0x58: {  	_ =	shalt  }
0x59: {  	_ =	shalt  }
0x5a: {  	_ =	shalt  }
0x5b: {  	_ =	shalt  }
0x5c: {  	_ =	shalt  }
0x5d: {  	_ =	shalt  }
0x5e: {  	_ =	shalt  }
0x5f: {  	_ =	shalt  }
0x60: {  	_ =	shalt  }
0x61: {  	_ =	shalt  }
0x62: {  	_ =	shalt  }
0x63: {  	_ =	shalt  }
0x64: {  	_ =	shalt  }
0x65: {  	_ =	shalt  }
0x66: {  	_ =	shalt  }
0x67: {  	_ =	shalt  }
0x68: {  	_ =	shalt  }
0x69: {  	_ =	shalt  }
0x6a: {  	_ =	shalt  }
0x6b: {  	_ =	shalt  }
0x6c: {  	_ =	shalt  }
0x6d: {  	_ =	shalt  }
0x6e: {  	_ =	shalt  }
0x6f: {  	_ =	shalt  }
0x70: {  	_ =	shalt  }
0x71: {  	_ =	shalt  }
0x72: {  	_ =	shalt  }
0x73: {  	_ =	shalt  }
0x74: {  	_ =	shalt  }
0x75: {  	_ =	shalt  }
0x76: {  	_ =	shalt  }
0x77: {  	_ =	shalt  }
0x78: {  	_ =	shalt  }
0x79: {  	_ =	shalt  }
0x7a: {  	_ =	shalt  }
0x7b: {  	_ =	shalt  }
0x7c: {  	_ =	shalt  }
0x7d: {  	_ =	shalt  }
0x7e: {  	_ =	shalt  }
0x7f: {  	_ =	shalt  }
0x80: {  	_ =	shalt  }
0x81: {  	_ =	shalt  }
0x82: {  	_ =	shalt  }
0x83: {  	_ =	shalt  }
0x84: {  	_ =	shalt  }
0x85: {  	_ =	shalt  }
0x86: {  	_ =	shalt  }
0x87: {  	_ =	shalt  }
.Lfunc_end0:
.L_simem_size_0:
called_computation_lowered:
.L_overlay_start_0:
0x88: {  	s2 =	sld [smem:$0x3FD9]  }
0x89: {  	s3 =	sld [smem:$0x3FFE];
	_ =	sdelay $0x1  }
0x8a: {  	s1 =	srdreg.scid  }
0x8b: {  	s0 =	sand.u32 $0x1, s1  }
0x8c: {  	s14 =	sshll.u32 s0, $0xA;
	s2 =	sadd.s32 s3, s2  }
0x8d: {  	s2 =	sadd.s32 s2, s14  }
0x8e: {  	[smem:$0x3FC5] =	sst s2  }
0x8f: {  	_ = 	snop  }
0x90: {  	s2 =	sld [smem:$0x3FD0];
	_ =	sdelay $0x2  }
0x91: {  	s15 =	simm.s32 $0xA;
	s4 =	simm.s32 $0x10  }
0x92: {  	[smem:s4], [sflag:s15] =	dma.local [hbm:s2], $0x1  }
0x93: {  	_ =	swait.eq [sflag:s15], $0x1  }
0x94: {  	s16 =	sld [smem:$0x10];
	[sflag:s15] =	ssyncset.done $0x0  }
0x95: {  	s17 =	sld [smem:$0x11];
	[sflag:s15] =	ssyncadd.s32 $0xFFFFFFFF  }
0x96: {  	s18 =	sld [smem:$0x12];
	(tm) =	ssettm $0x1  }
0x97: {  	s5 =	sld [smem:$0x3FFB];
	_ =	sdelay $0x3  }
0x98: {  	_ =	strace s5  }
0x99: {  	s5 =	sld [smem:$0x3FFC];
	_ =	sdelay $0x3  }
0x9a: {  	_ =	strace s5  }
0x9b: {  	s5 =	sld [smem:$0x3FFD];
	_ =	sdelay $0x3  }
0x9c: {  	_ =	strace s5  }
0x9d: {  	_ =	strace $0x8FFFFFFF  }
0x9e: {  	s19 =	sld [smem:$0x3FDB];
	_ =	sdelay $0x1  }
0x9f: {  	s6 =	simm.s32 $_scs_section_size  }
0xa0: {  	s7 =	simm.s32 $_size__tile_overlayer_lowered;
	s8 =	simm.s32 $_tile_overlayer_lowered  }
0xa1: {  	s22 =	simm.s32 $0x1BFF;
	s21 =	sshll.u32 s8, $0x1;
	s5 =	sadd.s32 s6, s19  }
0xa2: {  	s9 =	simm.s32 $0x0;
	s20 =	sshll.u32 s7, $0x1;
	s7 =	sadd.s32 s21, s5  }
0xa3: {  	[timem:s9], [sflag:s22] =	dma.local [hbm:s7], s20  }
0xa4: {  	_ =	swait.ge [sflag:s22], s20  }
0xa5: {  	s6 =	ssub.s32 $0x0, s20;
	[sflag:s22] =	ssyncset.done $0x0  }
0xa6: {  	[sflag:s22] =	ssyncadd.s32 s6;
	_ =	sdelay $0x1  }
0xa7: {  	s23 =	simm.s32 $0x1B8B  }
0xa8: {  	_ =	swait.ge [sflag:s23], $0x1  }
0xa9: {  	[sflag:s23] =	ssyncset.done $0x0  }
0xaa: {  	s25 =	simm.s32 $0x1B8E;
	s24 =	sld [smem:$0x3FFE];
	[sflag:s23] =	ssyncadd.s32 $0xFFFFFFFF  }
0xab: {  	s26 =	simm.s32 $execute0_lowered;
	[smem:$0x3FD2] =	sst s25  }
0xac: {  	s7 =	sshll.u32 s26, $0x1;
	_ =	strace $0x80000046;
	[dreg:$0x1] =	wrdreg $0xFFFFFFFF  }
0xad: {  	s28 =	simm.s32 $_size_execute0_lowered;
	s5 =	sadd.s32 s5, s7;
	[dreg:$0x0] =	wrdreg $0x0  }
0xae: {  	s7 =	sshll.u32 s28, $0x1;
	[dreg:$0x2] =	wrdreg s5  }
0xaf: {  	[dreg:$0x3] =	wrdreg s7  }
0xb0: {  	[dreg:$0x4] =	wrdreg $0xC0  }
0xb1: {  	_ =	task [dreg:s9], $0x5FFFF  }
0xb2: {  	[dreg:$0x1] =	wrdreg $0xFFFFFFFF  }
0xb3: {  	[dreg:$0x0] =	wrdreg $0x60  }
0xb4: {  	[dreg:$0x2] =	wrdreg s24  }
0xb5: {  	[dreg:$0x3] =	wrdreg s16  }
0xb6: {  	[dreg:$0x4] =	wrdreg s17  }
0xb7: {  	[dreg:$0x5] =	wrdreg s18  }
0xb8: {  	[dreg:$0x6] =	wrdreg $0x9  }
0xb9: {  	_ =	task.clear_ibuf [dreg:s9], $0x7FFFF;
	_ =	strace $0x90000046  }
0xba: {  	s29 =	simm.s32 $0x9;
	_ =	strace $0x80000048  }
0xbb: {  	_ =	swait.ge [sflag:s29], $0x1  }
0xbc: {  	[sflag:s29] =	ssyncadd.s32 $0xFFFFFFFF  }
0xbd: {  	_ =	strace $0x90000048  }
0xbe: {  	_ =	sfence  }
0xbf: {  	s30 =	sld [smem:$0x0];
	_ =	sdelay $0x2  }
0xc0: {  	s31 =	sshll.u32 s1, $0xD;
	s1 =	sshrl.u32 s1, $0x2  }
0xc1: {  	s3 =	sand.u32 $0x4000, s31;
	s1 =	sadd.s32 s1, s30  }
0xc2: {  	s0 =	sor.u32 s3, s0;
	s1 =	sshll.u32 s1, $0x11  }
0xc3: {  	s0 =	sor.u32 s1, s0  }
0xc4: {  	s0 =	sadd.s32 $0x8F2B, s0  }
0xc5: {  	[sflag:s0] =	ssyncadd.remote.s32 $0x1  }
0xc6: {  	_ =	sfence.sel $0xFFFF  }
0xc7: {  	[dreg:$0x0] =	wrdreg $0xFFFFFFFF;
	(pc) =	sbr.abs _section_cstart, $3  }
0xc8: {  	[dreg:$0x1] =	wrdreg $0xFFFFFFFF  }
0xc9: {  	_ =	task.clear_ibuf [dreg:s9], $0x2FFFF;
	_ =	strace $0x9FFFFFFF  }
0xca: {  	(tm) =	ssettm $0x7FFFFFFF  }
0xcb: {  	_ =	shalt  }
tec
execute0_lowered:
.L_overlay_start_1:
0x0: {  	(tag) =	ssettag $0x1  }
0x1: {  	s0 =	rddreg [dreg:$0x0]  }
0x2: {  	s1 =	rddreg [dreg:$0x1];
	s2 =	srdreg.scid  }
0x3: {  	s3 =	rddreg [dreg:$0x2];
	s5 =	stileid.u32  }
0x4: {  	s4 =	rddreg [dreg:$0x3];
	s21 =	simm.s32 $0x3;
	s2 =	sand.u32 $0x1, s2  }
0x5: {  	s29 =	simm.s32 $0x1;
	s6 =	sshll.u32 s5, $0x6;
	s7 =	sshll.u32 s2, $0x5  }
0x6: {  	s30 =	simm.s32 $0xC8;
	s17 =	simm.s32 $0x2;
	s9 =	sor.u32 s7, s6  }
0x7: {  	s18 =	simm.s32 $0x0;
	s5 =	simm.s32 $0x0;
	s10 =	smul.u32 $0x19, s9  }
0x8: {  	s8 =	sadd.s32 $0x18DE00, s0;
	[smem:$0x7FF] =	sst s5;
	s11 =	smul.u32 $0x318, s9  }
0x9: {  	s2 =	ssub.s32 $0x2, s2;
	_ =	strace $0x80000047;
	s22 =	smul.u32 $0x310, s9  }
0xa: {  	s6 =	sadd.s32 $0x1000, s0;
	s12 =	smul.u32 $0x308, s9;
	s13 =	sor.u32 $0x1F, s9  }
0xb: {  	s7 =	sadd.s32 $0x7400, s0;
	s14 =	sshrl.u32 s2, $0x1;
	s23 =	smul.u32 $0x318, s13  }
0xc: {  	s2 =	ssub.s32 s2, s14;
	s14 =	sor.u32 $0x2, s9;
	s16 =	smul.u32 $0x310, s13  }
0xd: {  	s20 =	sor.u32 $0x1, s9;
	s25 =	smul.u32 $0x308, s13;
	s31 =	smax.u32 s2, $0x1  }
0xe: {  	s2 =	simm.s32 $0x12D90;
	s15 =	sadd.s32 s6, s10;
	[dreg:$0xd] =	wrdreg s31  }
0xf: {  	s13 =	simm.s32 $0x1AA50;
	s11 =	sadd.s32 s1, s11;
	[dreg:$0x5] =	wrdreg s15  }
0x10: {  	s0 =	sadd.s32 s3, s22;
	s26 =	sadd.s32 s4, s12;
	[dreg:$0x7] =	wrdreg s11  }
0x11: {  	s22 =	simm.s32 $0x80;
	s12 =	simm.s32 $0x19190;
	[dreg:$0x8] =	wrdreg s0  }
0x12: {  	s24 =	sadd.s32 $0x19, s15;
	[dreg:$0x9] =	wrdreg s26;
	s15 =	sor.u32 $0x3, s9  }
0x13: {  	s10 =	sadd.s32 s1, s23;
	s28 =	sadd.s32 s3, s16;
	[dreg:$0x6] =	wrdreg s24  }
0x14: {  	s0 =	sadd.s32 s4, s25;
	s25 =	simm.s32 $0x48;
	[dreg:$0xa] =	wrdreg s10  }
0x15: {  	s11 =	simm.s32 $0x16D90;
	s16 =	simm.s32 $0x1C2D0;
	[dreg:$0xb] =	wrdreg s28  }
0x16: {  	[dreg:$0xc] =	wrdreg s0;
	s0 =	simm.s32 $0x148;
	s10 =	simm.s32 $0xA590  }
.LBB2_1:
0x17: {  	[dreg:$0xe] =	wrdreg s18  }
0x18: {  	s9 =	rddreg [dreg:$0x5]  }
0x19: {  	[tilespmem:s5], [sflag:$0x3] =	stream.linear.gather [hbm4b:s9+s5], $0xC8, $0x38;
	[tilespmem:$0x1DB10] =	vst v63  }
0x1a: {  	_ =	swait.ge [sflag:s21], $0xC8  }
0x1b: {  	[sflag:s21] =	ssyncset.done $0x0  }
0x1c: {  	s19 =	simm.s32 $0x190;
	[sflag:s21] =	ssyncadd.s32 $0xFFFFFF38  }
0x1d: {  	[tilespmem:s19], [sflag:$0x1] =	stream.indirect.gather [hbm4b:s7+s22], $0x80, s5, s22, $0xb8;
	[tilespmem:$0x1DB10] =	vst v63  }
0x1e: {  	s23 =	simm.s32 $0xC990  }
0x1f: {  	[tilespmem:s23], [sflag:$0x1] =	stream.indirect.gather [hbm4b:s8+s22], $0x80, s5, s22, $0xb8;
	[tilespmem:$0x1DB10] =	vst v63  }
0x20: {  	s24 =	simm.s32 $0x4190  }
0x21: {  	[tilespmem:s24], [sflag:$0x1] =	stream.indirect.gather [hbm4b:s7+s25], $0x80, s22, s25, $0xb8;
	[tilespmem:$0x1DB10] =	vst v63  }
0x22: {  	s26 =	simm.s32 $0x10990  }
0x23: {  	[tilespmem:s26], [sflag:$0x1] =	stream.indirect.gather [hbm4b:s8+s25], $0x80, s22, s25, $0xb8;
	[tilespmem:$0x1DB10] =	vst v63  }
0x24: {  	_ =	swait.ge [sflag:s29], $0x4000  }
0x25: {  	[sflag:s29] =	ssyncset.done $0x0  }
0x26: {  	[sflag:s29] =	ssyncadd.s32 $0xFFFFC000  }
0x27: {  	_ =	swait.ge [sflag:s29], $0x4000  }
0x28: {  	[sflag:s29] =	ssyncset.done $0x0  }
0x29: {  	[sflag:s29] =	ssyncadd.s32 $0xFFFFC000  }
0x2a: {  	_ =	swait.ge [sflag:s29], $0x2400  }
0x2b: {  	[sflag:s29] =	ssyncset.done $0x0  }
0x2c: {  	[sflag:s29] =	ssyncadd.s32 $0xFFFFDC00  }
0x2d: {  	_ =	swait.ge [sflag:s29], $0x2400  }
0x2e: {  	[sflag:s29] =	ssyncset.done $0x0  }
0x2f: {  	s28 =	rddreg [dreg:$0x6];
	[sflag:s29] =	ssyncadd.s32 $0xFFFFDC00  }
0x30: {  	[tilespmem:s30], [sflag:$0x3] =	stream.linear.gather [hbm4b:s28+s5], $0xC8, $0x38;
	[tilespmem:$0x1DB10] =	vst v63  }
0x31: {  	_ =	swait.ge [sflag:s21], $0xC8  }
0x32: {  	[sflag:s21] =	ssyncset.done $0x0  }
0x33: {  	s31 =	simm.s32 $0x6590;
	[sflag:s21] =	ssyncadd.s32 $0xFFFFFF38  }
0x34: {  	[tilespmem:s31], [sflag:$0x1] =	stream.indirect.gather [hbm4b:s7+s22], $0x80, s30, s22, $0xb8;
	[tilespmem:$0x1DB10] =	vst v63  }
0x35: {  	_ = 	snop  }
0x36: {  	[tilespmem:s2], [sflag:$0x1] =	stream.indirect.gather [hbm4b:s8+s22], $0x80, s30, s22, $0xb8;
	[tilespmem:$0x1DB10] =	vst v63  }
0x37: {  	_ = 	snop  }
0x38: {  	[tilespmem:s10], [sflag:$0x1] =	stream.indirect.gather [hbm4b:s7+s25], $0x80, s0, s25, $0xb8;
	[tilespmem:$0x1DB10] =	vst v63  }
0x39: {  	_ = 	snop  }
0x3a: {  	[tilespmem:s11], [sflag:$0x1] =	stream.indirect.gather [hbm4b:s8+s25], $0x80, s0, s25, $0xb8;
	[tilespmem:$0x1DB10] =	vst v63  }
0x3b: {  	v0 =	vld [tilespmem:$0xC9F0]  }
0x3c: {  	v2 =	vld [tilespmem:$0xCA00]  }
0x3d: {  	v1 =	vld [tilespmem:$0xCA70]  }
0x3e: {  	v3 =	vld [tilespmem:$0xCA80]  }
0x3f: {  	v4 =	vld [tilespmem:$0xCAF0]  }
0x40: {  	v6 =	vld [tilespmem:$0xCB00]  }
0x41: {  	v5 =	vld [tilespmem:$0xCB70]  }
0x42: {  	v7 =	vld [tilespmem:$0xCBF0]  }
0x43: {  	v9 =	vld [tilespmem:$0xCC70]  }
0x44: {  	v8 =	vld [tilespmem:$0xCB80]  }
0x45: {  	v10 =	vld [tilespmem:$0xCC00]  }
0x46: {  	s18 =	simm.s32 $0x380;
	s9 =	simm.s32 $0xCB50;
	s19 =	simm.s32 $0x0;
	v11 =	vld [tilespmem:$0xCC80]  }
.LBB2_2:
0x47: {  	v12 =	vmov v0  }
0x48: {  	v0 =	vmovc v1;
	v1 =	vmovc v4;
	v4 =	vmov v5;
	v5 =	vmov v7;
	v7 =	vmov v9;
	v9 =	vld [tilespmem:s9+$0x1A0]  }
0x49: {  	v13 =	vld [tilespmem:s18+$0xFFFFFF90]  }
0x4a: {  	v14 =	vld [tilespmem:s18+$0xFFFFFFB0]  }
0x4b: {  	v15 =	vld [tilespmem:s18+$0xFFFFFFD0]  }
0x4c: {  	v16 =	vld [tilespmem:s18+$0xFFFFFFF0]  }
0x4d: {  	v17 =	vld [tilespmem:s9+$0xFFFFFFC0]  }
0x4e: {  	v18 =	vld [tilespmem:s9+$0xFFFFFFE0]  }
0x4f: {  	v20 =	vld [tilespmem:s9+$0x0];
	_ =	sdelay $0x1  }
0x50: {  	v14 =	vmul.f32 v14, v0  }
0x51: {  	v15 =	vmul.f32 v15, v1;
	v16 =	vmul.f32 v16, v4  }
0x52: {  	v17 =	vmul.f32 v17, v5;
	v18 =	vmul.f32 v18, v7  }
0x53: {  	v19 =	vmovc v2;
	v12 =	vmul.f32 v13, v12;
	v59 =	vmul.f32 v20, v9;
	v15 =	vmax.f32 v15, v16  }
0x54: {  	v2 =	vmovc v3;
	v3 =	vmovc v6;
	v6 =	vmov v8;
	s23 =	sshra.s32 s19, $0x2;
	v14 =	vmax.f32 v14, v18;
	v15 =	vmax.f32 v15, v17  }
0x55: {  	v8 =	vmovc v10;
	v10 =	vmov v11;
	v11 =	vld [tilespmem:s9+$0x1B0];
	v12 =	vmax.f32 v12, v59;
	v14 =	vmax.f32 v15, v14;
	[tilespmem:s23+$0x191D0] =	vst v15  }
0x56: {  	v12 =	vmax.f32 v14, v12;
	[tilespmem:s23+$0x1AA70] =	vst v14  }
0x57: {  	[tilespmem:s23+$0x1C2D0] =	vst v12  }
0x58: {  	v12 =	vld [tilespmem:s18+$0xFFFFFFA0]  }
0x59: {  	v60 =	vld [tilespmem:s18+$0xFFFFFFC0]  }
0x5a: {  	v14 =	vld [tilespmem:s18+$0xFFFFFFE0]  }
0x5b: {  	v15 =	vld [tilespmem:s18+$0x0]  }
0x5c: {  	v61 =	vld [tilespmem:s9+$0xFFFFFFD0]  }
0x5d: {  	v62 =	vld [tilespmem:s9+$0xFFFFFFF0]  }
0x5e: {  	v63 =	vld [tilespmem:s9+$0x10];
	_ =	sdelay $0x1  }
0x5f: {  	v13 =	vmul.f32 v60, v2  }
0x60: {  	v14 =	vmul.f32 v14, v3;
	v15 =	vmul.f32 v15, v6  }
0x61: {  	p0 =	sne.s32 s19, $0x6080;
	v16 =	vmul.f32 v61, v8;
	v17 =	vmul.f32 v62, v10  }
.Ltmp0:
0x62: {  	v12 =	vmul.f32 v12, v19;
	v18 =	vmul.f32 v63, v11;
	v14 =	vmax.f32 v14, v15;
	(pc) =	sbr.rel @p0 .LBB2_2-.Ltmp0, $4  }
0x63: {  	v13 =	vmax.f32 v13, v17;
	v14 =	vmax.f32 v14, v16  }
0x64: {  	v12 =	vmax.f32 v12, v18;
	v13 =	vmax.f32 v14, v13;
	[tilespmem:s23+$0x191E0] =	vst v14  }
0x65: {  	v12 =	vmax.f32 v13, v12;
	[tilespmem:s23+$0x1AA80] =	vst v13  }
0x66: {  	s19 =	sadd.s32 $0x80, s19;
	s9 =	sadd.s32 $0x80, s9;
	s18 =	sadd.s32 $0x80, s18;
	[tilespmem:s23+$0x1C2E0] =	vst v12  }
0x67: {  	v0 =	vld [tilespmem:$0xCA70]  }
0x68: {  	v1 =	vld [tilespmem:$0x270]  }
0x69: {  	v2 =	vld [tilespmem:$0xC9F0]  }
0x6a: {  	v3 =	vld [tilespmem:$0x250]  }
0x6b: {  	v4 =	vld [tilespmem:$0xCAF0]  }
0x6c: {  	v5 =	vld [tilespmem:$0xCA10]  }
0x6d: {  	v6 =	vld [tilespmem:$0xCA80]  }
0x6e: {  	v7 =	vld [tilespmem:$0x280]  }
0x6f: {  	v8 =	vld [tilespmem:$0xCA00]  }
0x70: {  	v9 =	vld [tilespmem:$0x260]  }
0x71: {  	v10 =	vld [tilespmem:$0xCB00]  }
0x72: {  	v11 =	vld [tilespmem:$0xCA20]  }
0x73: {  	v12 =	vld [tilespmem:$0xCAF0]  }
0x74: {  	v13 =	vld [tilespmem:$0x2F0]  }
0x75: {  	v14 =	vld [tilespmem:$0xCA70]  }
0x76: {  	v15 =	vld [tilespmem:$0x2D0]  }
0x77: {  	v16 =	vld [tilespmem:$0xCB70]  }
0x78: {  	v17 =	vld [tilespmem:$0xCA90]  }
0x79: {  	v18 =	vld [tilespmem:$0xC9F0]  }
0x7a: {  	v19 =	vld [tilespmem:$0x2B0]  }
0x7b: {  	v20 =	vld [tilespmem:$0xCBF0]  }
0x7c: {  	v21 =	vld [tilespmem:$0xCAB0]  }
0x7d: {  	v22 =	vld [tilespmem:$0xCB00]  }
0x7e: {  	v23 =	vld [tilespmem:$0x300]  }
0x7f: {  	v24 =	vld [tilespmem:$0xCA80]  }
0x80: {  	v25 =	vld [tilespmem:$0x2E0]  }
0x81: {  	v26 =	vld [tilespmem:$0xCB80]  }
0x82: {  	v27 =	vld [tilespmem:$0xCAA0]  }
0x83: {  	v28 =	vld [tilespmem:$0xCA00]  }
0x84: {  	v29 =	vld [tilespmem:$0x2C0]  }
0x85: {  	v30 =	vld [tilespmem:$0xCC00]  }
0x86: {  	v31 =	vld [tilespmem:$0xCAC0]  }
0x87: {  	v32 =	vld [tilespmem:$0x12C70]  }
0x88: {  	v33 =	vld [tilespmem:$0x6470]  }
0x89: {  	v34 =	vld [tilespmem:$0x12BF0]  }
0x8a: {  	v35 =	vld [tilespmem:$0x6450]  }
0x8b: {  	v36 =	vld [tilespmem:$0x12CF0]  }
0x8c: {  	v37 =	vld [tilespmem:$0x12C10]  }
0x8d: {  	v38 =	vld [tilespmem:$0x12B70]  }
0x8e: {  	v39 =	vld [tilespmem:$0x6430]  }
0x8f: {  	v40 =	vld [tilespmem:$0x12D70]  }
0x90: {  	v41 =	vld [tilespmem:$0x12C30]  }
0x91: {  	v42 =	vld [tilespmem:$0x12C80]  }
0x92: {  	v43 =	vld [tilespmem:$0x6480]  }
0x93: {  	v44 =	vld [tilespmem:$0x12C00]  }
0x94: {  	v45 =	vld [tilespmem:$0x6460]  }
0x95: {  	v46 =	vld [tilespmem:$0x12D00]  }
0x96: {  	v47 =	vld [tilespmem:$0x12C20]  }
0x97: {  	v48 =	vld [tilespmem:$0x12B80];
	v0 =	vmul.f32 v1, v0;
	v51 =	vmul.f32 v3, v2  }
0x98: {  	v49 =	vld [tilespmem:$0x6440];
	v52 =	vmul.f32 v5, v4;
	v53 =	vmul.f32 v7, v6  }
0x99: {  	v55 =	vld [tilespmem:$0x12CF0];
	v54 =	vmul.f32 v9, v8;
	v56 =	vmul.f32 v11, v10  }
0x9a: {  	v57 =	vld [tilespmem:$0x64F0];
	v58 =	vmul.f32 v13, v12;
	v59 =	vmul.f32 v15, v14  }
0x9b: {  	v60 =	vld [tilespmem:$0x12C70];
	v61 =	vmul.f32 v17, v16;
	v62 =	vmul.f32 v19, v18  }
0x9c: {  	v63 =	vld [tilespmem:$0x64D0];
	v22 =	vmul.f32 v23, v22;
	v23 =	vmul.f32 v25, v24  }
0x9d: {  	v50 =	vld [tilespmem:$0x12CA0];
	v25 =	vmul.f32 v21, v20;
	v26 =	vmul.f32 v27, v26  }
0x9e: {  	v2 =	vld [tilespmem:$0x12D80];
	v28 =	vmul.f32 v29, v28;
	v29 =	vmul.f32 v31, v30  }
0x9f: {  	v4 =	vld [tilespmem:$0x12C40];
	v31 =	vmul.f32 v33, v32;
	v35 =	vmul.f32 v35, v34  }
0xa0: {  	v24 =	vld [tilespmem:$0x12D70];
	v36 =	vmul.f32 v37, v36;
	v38 =	vmul.f32 v39, v38  }
0xa1: {  	v27 =	vld [tilespmem:$0x12C90];
	v39 =	vmul.f32 v41, v40;
	v43 =	vmul.f32 v43, v42;
	v0 =	vmax.f32 v51, v0  }
0xa2: {  	v30 =	vld [tilespmem:$0x12D00];
	v44 =	vmul.f32 v45, v44;
	v1 =	vmax.f32 v54, v53;
	v0 =	vmax.f32 v0, v52  }
0xa3: {  	v32 =	vld [tilespmem:$0x6500];
	v55 =	vmul.f32 v57, v55;
	v5 =	vmax.f32 v59, v58;
	v1 =	vmax.f32 v1, v56;
	[tilespmem:$0x19190] =	vst v0  }
0xa4: {  	v37 =	vld [tilespmem:$0x12C80];
	v57 =	vmul.f32 v63, v60;
	v8 =	vmax.f32 v23, v22;
	v3 =	vmax.f32 v5, v61;
	[tilespmem:$0x191A0] =	vst v1  }
0xa5: {  	v40 =	vld [tilespmem:$0x64E0];
	v33 =	vmax.f32 v28, v29;
	v5 =	vmax.f32 v62, v25;
	v8 =	vmax.f32 v8, v26;
	[tilespmem:$0x191B0] =	vst v3  }
0xa6: {  	v45 =	vld [tilespmem:$0x12D80];
	v41 =	vmax.f32 v35, v31;
	v51 =	vmax.f32 v44, v43;
	v5 =	vmax.f32 v3, v5;
	[tilespmem:$0x191C0] =	vst v8  }
0xa7: {  	v53 =	vmul.f32 v49, v48;
	v52 =	vmul.f32 v47, v46;
	v0 =	vmax.f32 v8, v33;
	[tilespmem:$0x1AA50] =	vst v5  }
0xa8: {  	v3 =	vmax.f32 v41, v36;
	v1 =	vmax.f32 v38, v39;
	[tilespmem:$0x1AA60] =	vst v0;
	v54 =	vmul.f32 v4, v2  }
0xa9: {  	v1 =	vmax.f32 v3, v1;
	[tilespmem:$0x1AA10] =	vst v3;
	v56 =	vmax.f32 v51, v52;
	v58 =	vmul.f32 v27, v24  }
0xaa: {  	v59 =	vmul.f32 v32, v30;
	v60 =	vmul.f32 v40, v37;
	v2 =	vmax.f32 v57, v55;
	[tilespmem:$0x1C2B0] =	vst v1  }
0xab: {  	v61 =	vmul.f32 v50, v45;
	[tilespmem:$0x1AA20] =	vst v56;
	v0 =	vmax.f32 v53, v54;
	v62 =	vmax.f32 v2, v58  }
0xac: {  	v1 =	vmax.f32 v60, v59;
	v0 =	vmax.f32 v56, v0;
	[tilespmem:$0x1AA30] =	vst v62  }
0xad: {  	v63 =	vmax.f32 v1, v61;
	[tilespmem:$0x1C2C0] =	vst v0  }
0xae: {  	s19 =	simm.s32 $0x0;
	s9 =	rddreg [dreg:$0x7];
	[tilespmem:$0x1AA40] =	vst v63  }
0xaf: {  	[hbm4b:s9+s19] =	stream.linear.scatter [tilespmem:s12], [sflag:$0x2], $0x18C0, $0x38;
	[tilespmem:$0x1DB10] =	vst v63  }
0xb0: {  	s28 =	rddreg [dreg:$0x8]  }
0xb1: {  	[hbm4b:s28+s19] =	stream.linear.scatter [tilespmem:s13], [sflag:$0x2], $0x1880, $0x38;
	[tilespmem:$0x1DB10] =	vst v63  }
0xb2: {  	s31 =	rddreg [dreg:$0x9];
	s9 =	simm.s32 $0x0  }
0xb3: {  	[hbm4b:s31+s19] =	stream.linear.scatter [tilespmem:s16], [sflag:$0x2], $0x1840, $0x38;
	[tilespmem:$0x1DB10] =	vst v63  }
.LBB2_4:
0xb4: {  	_ =	swait.ge [sflag:s29], $0x4000  }
0xb5: {  	[sflag:s29] =	ssyncset.done $0x0  }
0xb6: {  	[sflag:s29] =	ssyncadd.s32 $0xFFFFC000  }
0xb7: {  	_ =	swait.ge [sflag:s29], $0x4000  }
0xb8: {  	[sflag:s29] =	ssyncset.done $0x0  }
0xb9: {  	[sflag:s29] =	ssyncadd.s32 $0xFFFFC000  }
0xba: {  	_ =	swait.ge [sflag:s29], $0x2400  }
0xbb: {  	s23 =	sshll.u32 s9, $0x1;
	[sflag:s29] =	ssyncset.done $0x0  }
0xbc: {  	s18 =	sadd.s32 s23, s14;
	[sflag:s29] =	ssyncadd.s32 $0xFFFFDC00  }
0xbd: {  	s24 =	smul.u32 $0x19, s18;
	_ =	swait.ge [sflag:s29], $0x2400  }
0xbe: {  	[sflag:s29] =	ssyncset.done $0x0  }
0xbf: {  	s24 =	sadd.s32 s6, s24;
	[sflag:s29] =	ssyncadd.s32 $0xFFFFDC00  }
0xc0: {  	[tilespmem:s19], [sflag:$0x3] =	stream.linear.gather [hbm4b:s24+s19], $0xC8, $0x38;
	[tilespmem:$0x1DB10] =	vst v63  }
0xc1: {  	_ =	swait.ge [sflag:s21], $0xC8  }
0xc2: {  	[sflag:s21] =	ssyncset.done $0x0  }
0xc3: {  	s26 =	simm.s32 $0x190;
	[sflag:s21] =	ssyncadd.s32 $0xFFFFFF38  }
0xc4: {  	[tilespmem:s26], [sflag:$0x1] =	stream.indirect.gather [hbm4b:s7+s22], $0x80, s19, s22, $0xb8;
	[tilespmem:$0x1DB10] =	vst v63  }
0xc5: {  	s31 =	simm.s32 $0xC990  }
0xc6: {  	[tilespmem:s31], [sflag:$0x1] =	stream.indirect.gather [hbm4b:s8+s22], $0x80, s19, s22, $0xb8;
	[tilespmem:$0x1DB10] =	vst v63  }
0xc7: {  	s26 =	simm.s32 $0x4190  }
0xc8: {  	[tilespmem:s26], [sflag:$0x1] =	stream.indirect.gather [hbm4b:s7+s25], $0x80, s22, s25, $0xb8;
	[tilespmem:$0x1DB10] =	vst v63  }
0xc9: {  	s31 =	simm.s32 $0x10990  }
0xca: {  	[tilespmem:s31], [sflag:$0x1] =	stream.indirect.gather [hbm4b:s8+s25], $0x80, s22, s25, $0xb8;
	[tilespmem:$0x1DB10] =	vst v63  }
0xcb: {  	_ =	swait.ge [sflag:s17], $0x18C0  }
0xcc: {  	[sflag:s17] =	ssyncset.done $0x0  }
0xcd: {  	[sflag:s17] =	ssyncadd.s32 $0xFFFFE740  }
0xce: {  	_ =	swait.ge [sflag:s17], $0x1880  }
0xcf: {  	[sflag:s17] =	ssyncset.done $0x0  }
0xd0: {  	[sflag:s17] =	ssyncadd.s32 $0xFFFFE780  }
0xd1: {  	_ =	swait.ge [sflag:s17], $0x1840  }
0xd2: {  	[sflag:s17] =	ssyncset.done $0x0  }
0xd3: {  	[sflag:s17] =	ssyncadd.s32 $0xFFFFE7C0  }
0xd4: {  	v0 =	vld [tilespmem:$0x12DF0]  }
0xd5: {  	v2 =	vld [tilespmem:$0x12E00]  }
0xd6: {  	v1 =	vld [tilespmem:$0x12E70]  }
0xd7: {  	v3 =	vld [tilespmem:$0x12E80]  }
0xd8: {  	v4 =	vld [tilespmem:$0x12EF0]  }
0xd9: {  	v6 =	vld [tilespmem:$0x12F00]  }
0xda: {  	v5 =	vld [tilespmem:$0x12F70]  }
0xdb: {  	v7 =	vld [tilespmem:$0x12FF0]  }
0xdc: {  	v9 =	vld [tilespmem:$0x13070]  }
0xdd: {  	v8 =	vld [tilespmem:$0x12F80]  }
0xde: {  	v10 =	vld [tilespmem:$0x13000]  }
0xdf: {  	s28 =	simm.s32 $0x0;
	s24 =	simm.s32 $0x12F50;
	s26 =	simm.s32 $0x6780;
	v11 =	vld [tilespmem:$0x13080]  }
.LBB2_5:
0xe0: {  	v12 =	vmov v0  }
0xe1: {  	v0 =	vmovc v1;
	v1 =	vmovc v4;
	v4 =	vmov v5;
	v5 =	vmov v7;
	v7 =	vmov v9;
	v9 =	vld [tilespmem:s24+$0x1A0]  }
0xe2: {  	v13 =	vld [tilespmem:s26+$0xFFFFFF90]  }
0xe3: {  	v14 =	vld [tilespmem:s26+$0xFFFFFFB0]  }
0xe4: {  	v15 =	vld [tilespmem:s26+$0xFFFFFFD0]  }
0xe5: {  	v16 =	vld [tilespmem:s26+$0xFFFFFFF0]  }
0xe6: {  	v17 =	vld [tilespmem:s24+$0xFFFFFFC0]  }
0xe7: {  	v18 =	vld [tilespmem:s24+$0xFFFFFFE0]  }
0xe8: {  	v20 =	vld [tilespmem:s24+$0x0];
	_ =	sdelay $0x1  }
0xe9: {  	v14 =	vmul.f32 v14, v0  }
0xea: {  	v15 =	vmul.f32 v15, v1;
	v16 =	vmul.f32 v16, v4  }
0xeb: {  	v17 =	vmul.f32 v17, v5;
	v18 =	vmul.f32 v18, v7  }
0xec: {  	v19 =	vmovc v2;
	v12 =	vmul.f32 v13, v12;
	v59 =	vmul.f32 v20, v9;
	v15 =	vmax.f32 v15, v16  }
0xed: {  	v2 =	vmovc v3;
	v3 =	vmovc v6;
	v6 =	vmov v8;
	s31 =	sshra.s32 s28, $0x2;
	v14 =	vmax.f32 v14, v18;
	v15 =	vmax.f32 v15, v17  }
0xee: {  	v8 =	vmovc v10;
	v10 =	vmov v11;
	v11 =	vld [tilespmem:s24+$0x1B0];
	v12 =	vmax.f32 v12, v59;
	v14 =	vmax.f32 v15, v14;
	[tilespmem:s31+$0x191D0] =	vst v15  }
0xef: {  	v12 =	vmax.f32 v14, v12;
	[tilespmem:s31+$0x1AA70] =	vst v14  }
0xf0: {  	[tilespmem:s31+$0x1C2D0] =	vst v12  }
0xf1: {  	v12 =	vld [tilespmem:s26+$0xFFFFFFA0]  }
0xf2: {  	v60 =	vld [tilespmem:s26+$0xFFFFFFC0]  }
0xf3: {  	v14 =	vld [tilespmem:s26+$0xFFFFFFE0]  }
0xf4: {  	v15 =	vld [tilespmem:s26+$0x0]  }
0xf5: {  	v61 =	vld [tilespmem:s24+$0xFFFFFFD0]  }
0xf6: {  	v62 =	vld [tilespmem:s24+$0xFFFFFFF0]  }
0xf7: {  	v63 =	vld [tilespmem:s24+$0x10];
	_ =	sdelay $0x1  }
0xf8: {  	v13 =	vmul.f32 v60, v2  }
0xf9: {  	v14 =	vmul.f32 v14, v3;
	v15 =	vmul.f32 v15, v6  }
0xfa: {  	p0 =	sne.s32 s28, $0x6080;
	v16 =	vmul.f32 v61, v8;
	v17 =	vmul.f32 v62, v10  }
.Ltmp1:
0xfb: {  	v12 =	vmul.f32 v12, v19;
	v18 =	vmul.f32 v63, v11;
	v14 =	vmax.f32 v14, v15;
	(pc) =	sbr.rel @p0 .LBB2_5-.Ltmp1, $4  }
0xfc: {  	v13 =	vmax.f32 v13, v17;
	v14 =	vmax.f32 v14, v16  }
0xfd: {  	v12 =	vmax.f32 v12, v18;
	v13 =	vmax.f32 v14, v13;
	[tilespmem:s31+$0x191E0] =	vst v14  }
0xfe: {  	v12 =	vmax.f32 v13, v12;
	[tilespmem:s31+$0x1AA80] =	vst v13  }
0xff: {  	s28 =	sadd.s32 $0x80, s28;
	s24 =	sadd.s32 $0x80, s24;
	s26 =	sadd.s32 $0x80, s26;
	[tilespmem:s31+$0x1C2E0] =	vst v12  }
0x100: {  	v0 =	vld [tilespmem:$0x12E70]  }
0x101: {  	v1 =	vld [tilespmem:$0x6670]  }
0x102: {  	v2 =	vld [tilespmem:$0x12DF0]  }
0x103: {  	v3 =	vld [tilespmem:$0x6650]  }
0x104: {  	v4 =	vld [tilespmem:$0x12EF0]  }
0x105: {  	v5 =	vld [tilespmem:$0x12E10]  }
0x106: {  	v6 =	vld [tilespmem:$0x12E80]  }
0x107: {  	v7 =	vld [tilespmem:$0x6680]  }
0x108: {  	v8 =	vld [tilespmem:$0x12E00]  }
0x109: {  	v9 =	vld [tilespmem:$0x6660]  }
0x10a: {  	v10 =	vld [tilespmem:$0x12F00]  }
0x10b: {  	v11 =	vld [tilespmem:$0x12E20]  }
0x10c: {  	v12 =	vld [tilespmem:$0x12EF0]  }
0x10d: {  	v13 =	vld [tilespmem:$0x66F0]  }
0x10e: {  	v14 =	vld [tilespmem:$0x12E70]  }
0x10f: {  	v15 =	vld [tilespmem:$0x66D0]  }
0x110: {  	v16 =	vld [tilespmem:$0x12F70]  }
0x111: {  	v17 =	vld [tilespmem:$0x12E90]  }
0x112: {  	v18 =	vld [tilespmem:$0x12DF0]  }
0x113: {  	v19 =	vld [tilespmem:$0x66B0]  }
0x114: {  	v20 =	vld [tilespmem:$0x12FF0]  }
0x115: {  	v21 =	vld [tilespmem:$0x12EB0]  }
0x116: {  	v22 =	vld [tilespmem:$0x12F00]  }
0x117: {  	v23 =	vld [tilespmem:$0x6700]  }
0x118: {  	v24 =	vld [tilespmem:$0x12E80]  }
0x119: {  	v25 =	vld [tilespmem:$0x66E0]  }
0x11a: {  	v26 =	vld [tilespmem:$0x12F80]  }
0x11b: {  	v27 =	vld [tilespmem:$0x12EA0]  }
0x11c: {  	v28 =	vld [tilespmem:$0x12E00]  }
0x11d: {  	v29 =	vld [tilespmem:$0x66C0]  }
0x11e: {  	v30 =	vld [tilespmem:$0x13000]  }
0x11f: {  	v31 =	vld [tilespmem:$0x12EC0]  }
0x120: {  	v32 =	vld [tilespmem:$0x19070]  }
0x121: {  	v33 =	vld [tilespmem:$0xC870]  }
0x122: {  	v34 =	vld [tilespmem:$0x18FF0]  }
0x123: {  	v35 =	vld [tilespmem:$0xC850]  }
0x124: {  	v36 =	vld [tilespmem:$0x190F0]  }
0x125: {  	v37 =	vld [tilespmem:$0x19010]  }
0x126: {  	v38 =	vld [tilespmem:$0x18F70]  }
0x127: {  	v39 =	vld [tilespmem:$0xC830]  }
0x128: {  	v40 =	vld [tilespmem:$0x19170]  }
0x129: {  	v41 =	vld [tilespmem:$0x19030]  }
0x12a: {  	v42 =	vld [tilespmem:$0x19080]  }
0x12b: {  	v43 =	vld [tilespmem:$0xC880]  }
0x12c: {  	v44 =	vld [tilespmem:$0x19000]  }
0x12d: {  	v45 =	vld [tilespmem:$0xC860]  }
0x12e: {  	v46 =	vld [tilespmem:$0x19100]  }
0x12f: {  	v47 =	vld [tilespmem:$0x19020]  }
0x130: {  	v48 =	vld [tilespmem:$0x18F80]  }
0x131: {  	v49 =	vld [tilespmem:$0xC840]  }
0x132: {  	v51 =	vld [tilespmem:$0x19090];
	v0 =	vmul.f32 v1, v0;
	v1 =	vmul.f32 v3, v2  }
0x133: {  	v54 =	vld [tilespmem:$0x19100];
	v3 =	vmul.f32 v5, v4;
	v5 =	vmul.f32 v9, v8  }
0x134: {  	v55 =	vld [tilespmem:$0xC900];
	v8 =	vmul.f32 v15, v14;
	v24 =	vmul.f32 v25, v24  }
0x135: {  	v58 =	vld [tilespmem:$0x19080];
	v50 =	vmul.f32 v27, v26;
	v0 =	vmax.f32 v1, v0;
	v1 =	vmul.f32 v7, v6  }
0x136: {  	v2 =	vld [tilespmem:$0x19180];
	v52 =	vmul.f32 v29, v28;
	v0 =	vmax.f32 v0, v3;
	v3 =	vmul.f32 v11, v10  }
0x137: {  	v4 =	vld [tilespmem:$0x19040];
	v53 =	vmul.f32 v31, v30;
	v1 =	vmax.f32 v5, v1;
	v5 =	vmul.f32 v13, v12  }
0x138: {  	v9 =	vld [tilespmem:$0x19070];
	v56 =	vmul.f32 v35, v34;
	v1 =	vmax.f32 v1, v3;
	v3 =	vmul.f32 v17, v16  }
0x139: {  	v57 =	vmul.f32 v37, v36;
	v6 =	vld [tilespmem:$0x190F0];
	v10 =	vmul.f32 v19, v18;
	v5 =	vmax.f32 v8, v5  }
0x13a: {  	v7 =	vld [tilespmem:$0xC8F0];
	v8 =	vmul.f32 v23, v22;
	v3 =	vmax.f32 v5, v3;
	v5 =	vmul.f32 v21, v20  }
0x13b: {  	v59 =	vmul.f32 v41, v40;
	v61 =	vmul.f32 v45, v44;
	v11 =	vld [tilespmem:$0xC8D0];
	[tilespmem:$0x19190] =	vst v0  }
0x13c: {  	v60 =	vld [tilespmem:$0xC8E0];
	v0 =	vmax.f32 v52, v53;
	[tilespmem:$0x191A0] =	vst v1;
	v8 =	vmax.f32 v24, v8;
	v5 =	vmax.f32 v10, v5  }
0x13d: {  	v25 =	vld [tilespmem:$0x19170];
	[tilespmem:$0x191B0] =	vst v3;
	v8 =	vmax.f32 v8, v50;
	v10 =	vmul.f32 v33, v32;
	v5 =	vmax.f32 v3, v5  }
0x13e: {  	v62 =	vld [tilespmem:$0x19180];
	v63 =	vmul.f32 v49, v48;
	v1 =	vmul.f32 v39, v38;
	v0 =	vmax.f32 v8, v0;
	[tilespmem:$0x1AA50] =	vst v5  }
0x13f: {  	v3 =	vmax.f32 v56, v10;
	v10 =	vmul.f32 v43, v42;
	v5 =	vld [tilespmem:$0x190A0];
	[tilespmem:$0x1AA60] =	vst v0;
	v0 =	vmul.f32 v4, v2  }
0x140: {  	v1 =	vmax.f32 v1, v59;
	v2 =	vmul.f32 v7, v6;
	v4 =	vmul.f32 v11, v9  }
0x141: {  	[tilespmem:$0x191C0] =	vst v8;
	v3 =	vmax.f32 v3, v57;
	v8 =	vmax.f32 v61, v10;
	v10 =	vmul.f32 v47, v46  }
0x142: {  	v6 =	vmul.f32 v51, v25;
	v7 =	vmul.f32 v60, v58;
	v1 =	vmax.f32 v3, v1;
	[tilespmem:$0x1AA10] =	vst v3  }
0x143: {  	v0 =	vmax.f32 v63, v0;
	[tilespmem:$0x1C2B0] =	vst v1;
	v1 =	vmul.f32 v55, v54;
	v3 =	vmax.f32 v8, v10  }
0x144: {  	s26 =	sor.u32 s20, s23;
	v2 =	vmax.f32 v4, v2;
	[tilespmem:$0x1AA20] =	vst v3;
	v0 =	vmax.f32 v3, v0;
	v3 =	vmul.f32 v5, v62  }
0x145: {  	s24 =	smul.u32 $0x318, s26;
	v1 =	vmax.f32 v7, v1;
	[tilespmem:$0x1C2C0] =	vst v0;
	v0 =	vmax.f32 v2, v6  }
0x146: {  	[tilespmem:$0x1AA30] =	vst v0;
	v0 =	vmax.f32 v1, v3  }
0x147: {  	s31 =	smul.u32 $0x310, s26;
	s28 =	sadd.s32 s1, s24;
	s24 =	simm.s32 $0x0;
	[tilespmem:$0x1AA40] =	vst v0  }
0x148: {  	[hbm4b:s28+s24] =	stream.linear.scatter [tilespmem:s12], [sflag:$0x2], $0x18C0, $0x38;
	[tilespmem:$0x1DB10] =	vst v63  }
0x149: {  	s26 =	smul.u32 $0x308, s26;
	s31 =	sadd.s32 s3, s31  }
0x14a: {  	[hbm4b:s31+s24] =	stream.linear.scatter [tilespmem:s13], [sflag:$0x2], $0x1880, $0x38;
	[tilespmem:$0x1DB10] =	vst v63  }
0x14b: {  	s26 =	sadd.s32 s4, s26  }
0x14c: {  	[hbm4b:s26+s24] =	stream.linear.scatter [tilespmem:s16], [sflag:$0x2], $0x1840, $0x38;
	[tilespmem:$0x1DB10] =	vst v63  }
0x14d: {  	_ =	swait.ge [sflag:s29], $0x4000  }
0x14e: {  	[sflag:s29] =	ssyncset.done $0x0  }
0x14f: {  	[sflag:s29] =	ssyncadd.s32 $0xFFFFC000  }
0x150: {  	_ =	swait.ge [sflag:s29], $0x4000  }
0x151: {  	[sflag:s29] =	ssyncset.done $0x0  }
0x152: {  	[sflag:s29] =	ssyncadd.s32 $0xFFFFC000  }
0x153: {  	_ =	swait.ge [sflag:s29], $0x2400  }
0x154: {  	[sflag:s29] =	ssyncset.done $0x0  }
0x155: {  	s28 =	sadd.s32 s23, s15;
	[sflag:s29] =	ssyncadd.s32 $0xFFFFDC00  }
0x156: {  	s23 =	smul.u32 $0x19, s28;
	_ =	swait.ge [sflag:s29], $0x2400  }
0x157: {  	[sflag:s29] =	ssyncset.done $0x0  }
0x158: {  	s23 =	sadd.s32 s6, s23;
	[sflag:s29] =	ssyncadd.s32 $0xFFFFDC00  }
0x159: {  	[tilespmem:s30], [sflag:$0x3] =	stream.linear.gather [hbm4b:s23+s24], $0xC8, $0x38;
	[tilespmem:$0x1DB10] =	vst v63  }
0x15a: {  	_ =	swait.ge [sflag:s21], $0xC8  }
0x15b: {  	[sflag:s21] =	ssyncset.done $0x0  }
0x15c: {  	s31 =	simm.s32 $0x6590;
	[sflag:s21] =	ssyncadd.s32 $0xFFFFFF38  }
0x15d: {  	[tilespmem:s31], [sflag:$0x1] =	stream.indirect.gather [hbm4b:s7+s22], $0x80, s30, s22, $0xb8;
	[tilespmem:$0x1DB10] =	vst v63  }
0x15e: {  	_ = 	snop  }
0x15f: {  	[tilespmem:s2], [sflag:$0x1] =	stream.indirect.gather [hbm4b:s8+s22], $0x80, s30, s22, $0xb8;
	[tilespmem:$0x1DB10] =	vst v63  }
0x160: {  	_ = 	snop  }
0x161: {  	[tilespmem:s10], [sflag:$0x1] =	stream.indirect.gather [hbm4b:s7+s25], $0x80, s0, s25, $0xb8;
	[tilespmem:$0x1DB10] =	vst v63  }
0x162: {  	_ = 	snop  }
0x163: {  	[tilespmem:s11], [sflag:$0x1] =	stream.indirect.gather [hbm4b:s8+s25], $0x80, s0, s25, $0xb8;
	[tilespmem:$0x1DB10] =	vst v63  }
0x164: {  	_ =	swait.ge [sflag:s17], $0x18C0  }
0x165: {  	[sflag:s17] =	ssyncset.done $0x0  }
0x166: {  	[sflag:s17] =	ssyncadd.s32 $0xFFFFE740  }
0x167: {  	_ =	swait.ge [sflag:s17], $0x1880  }
0x168: {  	[sflag:s17] =	ssyncset.done $0x0  }
0x169: {  	[sflag:s17] =	ssyncadd.s32 $0xFFFFE780  }
0x16a: {  	_ =	swait.ge [sflag:s17], $0x1840  }
0x16b: {  	[sflag:s17] =	ssyncset.done $0x0  }
0x16c: {  	[sflag:s17] =	ssyncadd.s32 $0xFFFFE7C0  }
0x16d: {  	v0 =	vld [tilespmem:$0xC9F0]  }
0x16e: {  	v2 =	vld [tilespmem:$0xCA00]  }
0x16f: {  	v1 =	vld [tilespmem:$0xCA70]  }
0x170: {  	v3 =	vld [tilespmem:$0xCA80]  }
0x171: {  	v4 =	vld [tilespmem:$0xCAF0]  }
0x172: {  	v6 =	vld [tilespmem:$0xCB00]  }
0x173: {  	v5 =	vld [tilespmem:$0xCB70]  }
0x174: {  	v7 =	vld [tilespmem:$0xCBF0]  }
0x175: {  	v9 =	vld [tilespmem:$0xCC70]  }
0x176: {  	v8 =	vld [tilespmem:$0xCB80]  }
0x177: {  	v10 =	vld [tilespmem:$0xCC00]  }
0x178: {  	s26 =	simm.s32 $0x380;
	s23 =	simm.s32 $0xCB50;
	v11 =	vld [tilespmem:$0xCC80]  }
.LBB2_7:
0x179: {  	v12 =	vmov v0  }
0x17a: {  	v0 =	vmovc v1;
	v1 =	vmovc v4;
	v4 =	vmov v5;
	v5 =	vmov v7;
	v7 =	vmov v9;
	v9 =	vld [tilespmem:s23+$0x1A0]  }
0x17b: {  	v13 =	vld [tilespmem:s26+$0xFFFFFF90]  }
0x17c: {  	v14 =	vld [tilespmem:s26+$0xFFFFFFB0]  }
0x17d: {  	v15 =	vld [tilespmem:s26+$0xFFFFFFD0]  }
0x17e: {  	v16 =	vld [tilespmem:s26+$0xFFFFFFF0]  }
0x17f: {  	v17 =	vld [tilespmem:s23+$0xFFFFFFC0]  }
0x180: {  	v18 =	vld [tilespmem:s23+$0xFFFFFFE0]  }
0x181: {  	v20 =	vld [tilespmem:s23+$0x0];
	_ =	sdelay $0x1  }
0x182: {  	v14 =	vmul.f32 v14, v0  }
0x183: {  	v15 =	vmul.f32 v15, v1;
	v16 =	vmul.f32 v16, v4  }
0x184: {  	v17 =	vmul.f32 v17, v5;
	v18 =	vmul.f32 v18, v7  }
0x185: {  	v19 =	vmovc v2;
	v12 =	vmul.f32 v13, v12;
	v59 =	vmul.f32 v20, v9;
	v15 =	vmax.f32 v15, v16  }
0x186: {  	v2 =	vmovc v3;
	v3 =	vmovc v6;
	v6 =	vmov v8;
	s28 =	sshra.s32 s24, $0x2;
	v14 =	vmax.f32 v14, v18;
	v15 =	vmax.f32 v15, v17  }
0x187: {  	v8 =	vmovc v10;
	v10 =	vmov v11;
	v11 =	vld [tilespmem:s23+$0x1B0];
	v12 =	vmax.f32 v12, v59;
	v14 =	vmax.f32 v15, v14;
	[tilespmem:s28+$0x191D0] =	vst v15  }
0x188: {  	v12 =	vmax.f32 v14, v12;
	[tilespmem:s28+$0x1AA70] =	vst v14  }
0x189: {  	[tilespmem:s28+$0x1C2D0] =	vst v12  }
0x18a: {  	v12 =	vld [tilespmem:s26+$0xFFFFFFA0]  }
0x18b: {  	v60 =	vld [tilespmem:s26+$0xFFFFFFC0]  }
0x18c: {  	v14 =	vld [tilespmem:s26+$0xFFFFFFE0]  }
0x18d: {  	v15 =	vld [tilespmem:s26+$0x0]  }
0x18e: {  	v61 =	vld [tilespmem:s23+$0xFFFFFFD0]  }
0x18f: {  	v62 =	vld [tilespmem:s23+$0xFFFFFFF0]  }
0x190: {  	v63 =	vld [tilespmem:s23+$0x10];
	_ =	sdelay $0x1  }
0x191: {  	v13 =	vmul.f32 v60, v2  }
0x192: {  	v14 =	vmul.f32 v14, v3;
	v15 =	vmul.f32 v15, v6  }
0x193: {  	p0 =	sne.s32 s24, $0x6080;
	v16 =	vmul.f32 v61, v8;
	v17 =	vmul.f32 v62, v10  }
.Ltmp2:
0x194: {  	v12 =	vmul.f32 v12, v19;
	v18 =	vmul.f32 v63, v11;
	v14 =	vmax.f32 v14, v15;
	(pc) =	sbr.rel @p0 .LBB2_7-.Ltmp2, $4  }
0x195: {  	v13 =	vmax.f32 v13, v17;
	v14 =	vmax.f32 v14, v16  }
0x196: {  	v12 =	vmax.f32 v12, v18;
	v13 =	vmax.f32 v14, v13;
	[tilespmem:s28+$0x191E0] =	vst v14  }
0x197: {  	v12 =	vmax.f32 v13, v12;
	[tilespmem:s28+$0x1AA80] =	vst v13  }
0x198: {  	s24 =	sadd.s32 $0x80, s24;
	s23 =	sadd.s32 $0x80, s23;
	s26 =	sadd.s32 $0x80, s26;
	[tilespmem:s28+$0x1C2E0] =	vst v12  }
0x199: {  	v0 =	vld [tilespmem:$0xCA70]  }
0x19a: {  	v1 =	vld [tilespmem:$0x270]  }
0x19b: {  	v2 =	vld [tilespmem:$0xC9F0]  }
0x19c: {  	v3 =	vld [tilespmem:$0x250]  }
0x19d: {  	v4 =	vld [tilespmem:$0xCAF0]  }
0x19e: {  	v5 =	vld [tilespmem:$0xCA10]  }
0x19f: {  	v6 =	vld [tilespmem:$0xCA80]  }
0x1a0: {  	v7 =	vld [tilespmem:$0x280]  }
0x1a1: {  	v8 =	vld [tilespmem:$0xCA00]  }
0x1a2: {  	v9 =	vld [tilespmem:$0x260]  }
0x1a3: {  	v10 =	vld [tilespmem:$0xCB00]  }
0x1a4: {  	v11 =	vld [tilespmem:$0xCA20]  }
0x1a5: {  	v12 =	vld [tilespmem:$0xCAF0]  }
0x1a6: {  	v13 =	vld [tilespmem:$0x2F0]  }
0x1a7: {  	v14 =	vld [tilespmem:$0xCA70]  }
0x1a8: {  	v15 =	vld [tilespmem:$0x2D0]  }
0x1a9: {  	v16 =	vld [tilespmem:$0xCB70]  }
0x1aa: {  	v17 =	vld [tilespmem:$0xCA90]  }
0x1ab: {  	v18 =	vld [tilespmem:$0xC9F0]  }
0x1ac: {  	v19 =	vld [tilespmem:$0x2B0]  }
0x1ad: {  	v20 =	vld [tilespmem:$0xCBF0]  }
0x1ae: {  	v21 =	vld [tilespmem:$0xCAB0]  }
0x1af: {  	v22 =	vld [tilespmem:$0xCB00]  }
0x1b0: {  	v23 =	vld [tilespmem:$0x300]  }
0x1b1: {  	v24 =	vld [tilespmem:$0xCA80]  }
0x1b2: {  	v25 =	vld [tilespmem:$0x2E0]  }
0x1b3: {  	v26 =	vld [tilespmem:$0xCB80]  }
0x1b4: {  	v27 =	vld [tilespmem:$0xCAA0]  }
0x1b5: {  	v28 =	vld [tilespmem:$0xCA00]  }
0x1b6: {  	v29 =	vld [tilespmem:$0x2C0]  }
0x1b7: {  	v30 =	vld [tilespmem:$0xCC00]  }
0x1b8: {  	v31 =	vld [tilespmem:$0xCAC0]  }
0x1b9: {  	v32 =	vld [tilespmem:$0x12C70]  }
0x1ba: {  	v33 =	vld [tilespmem:$0x6470]  }
0x1bb: {  	v34 =	vld [tilespmem:$0x12BF0]  }
0x1bc: {  	v35 =	vld [tilespmem:$0x6450]  }
0x1bd: {  	v36 =	vld [tilespmem:$0x12CF0]  }
0x1be: {  	v37 =	vld [tilespmem:$0x12C10]  }
0x1bf: {  	v38 =	vld [tilespmem:$0x12B70]  }
0x1c0: {  	v39 =	vld [tilespmem:$0x6430]  }
0x1c1: {  	v40 =	vld [tilespmem:$0x12D70]  }
0x1c2: {  	v41 =	vld [tilespmem:$0x12C30]  }
0x1c3: {  	v42 =	vld [tilespmem:$0x12C80]  }
0x1c4: {  	v43 =	vld [tilespmem:$0x6480]  }
0x1c5: {  	v44 =	vld [tilespmem:$0x12C00]  }
0x1c6: {  	v45 =	vld [tilespmem:$0x6460]  }
0x1c7: {  	v46 =	vld [tilespmem:$0x12D00]  }
0x1c8: {  	v47 =	vld [tilespmem:$0x12C20]  }
0x1c9: {  	v48 =	vld [tilespmem:$0x12B80];
	v0 =	vmul.f32 v1, v0;
	v51 =	vmul.f32 v3, v2  }
0x1ca: {  	v49 =	vld [tilespmem:$0x6440];
	v52 =	vmul.f32 v5, v4;
	v53 =	vmul.f32 v7, v6  }
0x1cb: {  	v55 =	vld [tilespmem:$0x12CF0];
	v54 =	vmul.f32 v9, v8;
	v56 =	vmul.f32 v11, v10  }
0x1cc: {  	v57 =	vld [tilespmem:$0x64F0];
	v58 =	vmul.f32 v13, v12;
	v59 =	vmul.f32 v15, v14  }
0x1cd: {  	v60 =	vld [tilespmem:$0x12C70];
	v61 =	vmul.f32 v17, v16;
	v62 =	vmul.f32 v19, v18  }
0x1ce: {  	v63 =	vld [tilespmem:$0x64D0];
	v22 =	vmul.f32 v23, v22;
	v23 =	vmul.f32 v25, v24  }
0x1cf: {  	v50 =	vld [tilespmem:$0x12CA0];
	v25 =	vmul.f32 v21, v20;
	v26 =	vmul.f32 v27, v26  }
0x1d0: {  	v2 =	vld [tilespmem:$0x12D80];
	v28 =	vmul.f32 v29, v28;
	v29 =	vmul.f32 v31, v30  }
0x1d1: {  	v4 =	vld [tilespmem:$0x12C40];
	v31 =	vmul.f32 v33, v32;
	v35 =	vmul.f32 v35, v34  }
0x1d2: {  	v24 =	vld [tilespmem:$0x12D70];
	v36 =	vmul.f32 v37, v36;
	v38 =	vmul.f32 v39, v38  }
0x1d3: {  	v27 =	vld [tilespmem:$0x12C90];
	v39 =	vmul.f32 v41, v40;
	v43 =	vmul.f32 v43, v42;
	v0 =	vmax.f32 v51, v0  }
0x1d4: {  	v30 =	vld [tilespmem:$0x12D00];
	v44 =	vmul.f32 v45, v44;
	v1 =	vmax.f32 v54, v53;
	v0 =	vmax.f32 v0, v52  }
0x1d5: {  	v32 =	vld [tilespmem:$0x6500];
	v55 =	vmul.f32 v57, v55;
	v5 =	vmax.f32 v59, v58;
	v1 =	vmax.f32 v1, v56;
	[tilespmem:$0x19190] =	vst v0  }
0x1d6: {  	v37 =	vld [tilespmem:$0x12C80];
	v57 =	vmul.f32 v63, v60;
	v8 =	vmax.f32 v23, v22;
	v3 =	vmax.f32 v5, v61;
	[tilespmem:$0x191A0] =	vst v1  }
0x1d7: {  	v40 =	vld [tilespmem:$0x64E0];
	v33 =	vmax.f32 v28, v29;
	v5 =	vmax.f32 v62, v25;
	v8 =	vmax.f32 v8, v26;
	[tilespmem:$0x191B0] =	vst v3  }
0x1d8: {  	v45 =	vld [tilespmem:$0x12D80];
	v41 =	vmax.f32 v35, v31;
	v51 =	vmax.f32 v44, v43;
	v5 =	vmax.f32 v3, v5;
	[tilespmem:$0x191C0] =	vst v8  }
0x1d9: {  	v53 =	vmul.f32 v49, v48;
	v52 =	vmul.f32 v47, v46;
	v0 =	vmax.f32 v8, v33;
	[tilespmem:$0x1AA50] =	vst v5  }
0x1da: {  	v3 =	vmax.f32 v41, v36;
	v1 =	vmax.f32 v38, v39;
	[tilespmem:$0x1AA60] =	vst v0;
	v54 =	vmul.f32 v4, v2  }
0x1db: {  	v1 =	vmax.f32 v3, v1;
	[tilespmem:$0x1AA10] =	vst v3;
	v56 =	vmax.f32 v51, v52;
	v58 =	vmul.f32 v27, v24  }
0x1dc: {  	v59 =	vmul.f32 v32, v30;
	v60 =	vmul.f32 v40, v37;
	v2 =	vmax.f32 v57, v55;
	[tilespmem:$0x1C2B0] =	vst v1  }
0x1dd: {  	v61 =	vmul.f32 v50, v45;
	[tilespmem:$0x1AA20] =	vst v56;
	v0 =	vmax.f32 v53, v54;
	v62 =	vmax.f32 v2, v58  }
0x1de: {  	s23 =	smul.u32 $0x318, s18;
	v1 =	vmax.f32 v60, v59;
	v0 =	vmax.f32 v56, v0;
	[tilespmem:$0x1AA30] =	vst v62  }
0x1df: {  	s9 =	sadd.s32 $0x1, s9;
	v63 =	vmax.f32 v1, v61;
	[tilespmem:$0x1C2C0] =	vst v0  }
0x1e0: {  	s24 =	smul.u32 $0x310, s18;
	p0 =	sne.s32 s9, $0xF;
	s23 =	sadd.s32 s1, s23;
	[tilespmem:$0x1AA40] =	vst v63  }
0x1e1: {  	[hbm4b:s23+s5] =	stream.linear.scatter [tilespmem:s12], [sflag:$0x2], $0x18C0, $0x38;
	[tilespmem:$0x1DB10] =	vst v63  }
.Ltmp3:
0x1e2: {  	_ = 	snop;
	(pc) =	sbr.rel @p0 .LBB2_4-.Ltmp3, $4  }
0x1e3: {  	s31 =	smul.u32 $0x308, s18;
	s28 =	sadd.s32 s3, s24  }
0x1e4: {  	[hbm4b:s28+s5] =	stream.linear.scatter [tilespmem:s13], [sflag:$0x2], $0x1880, $0x38;
	[tilespmem:$0x1DB10] =	vst v63  }
0x1e5: {  	s18 =	sadd.s32 s4, s31  }
0x1e6: {  	[hbm4b:s18+s5] =	stream.linear.scatter [tilespmem:s16], [sflag:$0x2], $0x1840, $0x38;
	[tilespmem:$0x1DB10] =	vst v63  }
0x1e7: {  	_ =	swait.ge [sflag:s29], $0x4000  }
0x1e8: {  	[sflag:s29] =	ssyncset.done $0x0  }
0x1e9: {  	[sflag:s29] =	ssyncadd.s32 $0xFFFFC000  }
0x1ea: {  	_ =	swait.ge [sflag:s29], $0x4000  }
0x1eb: {  	[sflag:s29] =	ssyncset.done $0x0  }
0x1ec: {  	[sflag:s29] =	ssyncadd.s32 $0xFFFFC000  }
0x1ed: {  	_ =	swait.ge [sflag:s29], $0x2400  }
0x1ee: {  	[sflag:s29] =	ssyncset.done $0x0  }
0x1ef: {  	[sflag:s29] =	ssyncadd.s32 $0xFFFFDC00  }
0x1f0: {  	_ =	swait.ge [sflag:s29], $0x2400  }
0x1f1: {  	[sflag:s29] =	ssyncset.done $0x0  }
0x1f2: {  	[sflag:s29] =	ssyncadd.s32 $0xFFFFDC00  }
0x1f3: {  	_ =	swait.ge [sflag:s17], $0x18C0  }
0x1f4: {  	[sflag:s17] =	ssyncset.done $0x0  }
0x1f5: {  	[sflag:s17] =	ssyncadd.s32 $0xFFFFE740  }
0x1f6: {  	_ =	swait.ge [sflag:s17], $0x1880  }
0x1f7: {  	[sflag:s17] =	ssyncset.done $0x0  }
0x1f8: {  	[sflag:s17] =	ssyncadd.s32 $0xFFFFE780  }
0x1f9: {  	_ =	swait.ge [sflag:s17], $0x1840  }
0x1fa: {  	[sflag:s17] =	ssyncset.done $0x0  }
0x1fb: {  	[sflag:s17] =	ssyncadd.s32 $0xFFFFE7C0  }
0x1fc: {  	v0 =	vld [tilespmem:$0x12DF0]  }
0x1fd: {  	v2 =	vld [tilespmem:$0x12E00]  }
0x1fe: {  	v1 =	vld [tilespmem:$0x12E70]  }
0x1ff: {  	v3 =	vld [tilespmem:$0x12E80]  }
0x200: {  	v4 =	vld [tilespmem:$0x12EF0]  }
0x201: {  	v6 =	vld [tilespmem:$0x12F00]  }
0x202: {  	v5 =	vld [tilespmem:$0x12F70]  }
0x203: {  	v7 =	vld [tilespmem:$0x12FF0]  }
0x204: {  	v9 =	vld [tilespmem:$0x13070]  }
0x205: {  	v8 =	vld [tilespmem:$0x12F80]  }
0x206: {  	v10 =	vld [tilespmem:$0x13000]  }
0x207: {  	s9 =	simm.s32 $0x0;
	s18 =	simm.s32 $0x12F50;
	s19 =	simm.s32 $0x6780;
	v11 =	vld [tilespmem:$0x13080]  }
.LBB2_10:
0x208: {  	v12 =	vmov v0  }
0x209: {  	v0 =	vmovc v1;
	v1 =	vmovc v4;
	v4 =	vmov v5;
	v5 =	vmov v7;
	v7 =	vmov v9;
	v9 =	vld [tilespmem:s18+$0x1A0]  }
0x20a: {  	v13 =	vld [tilespmem:s19+$0xFFFFFF90]  }
0x20b: {  	v14 =	vld [tilespmem:s19+$0xFFFFFFB0]  }
0x20c: {  	v15 =	vld [tilespmem:s19+$0xFFFFFFD0]  }
0x20d: {  	v16 =	vld [tilespmem:s19+$0xFFFFFFF0]  }
0x20e: {  	v17 =	vld [tilespmem:s18+$0xFFFFFFC0]  }
0x20f: {  	v18 =	vld [tilespmem:s18+$0xFFFFFFE0]  }
0x210: {  	v20 =	vld [tilespmem:s18+$0x0];
	_ =	sdelay $0x1  }
0x211: {  	v14 =	vmul.f32 v14, v0  }
0x212: {  	v15 =	vmul.f32 v15, v1;
	v16 =	vmul.f32 v16, v4  }
0x213: {  	v17 =	vmul.f32 v17, v5;
	v18 =	vmul.f32 v18, v7  }
0x214: {  	v19 =	vmovc v2;
	v12 =	vmul.f32 v13, v12;
	v59 =	vmul.f32 v20, v9;
	v15 =	vmax.f32 v15, v16  }
0x215: {  	v2 =	vmovc v3;
	v3 =	vmovc v6;
	v6 =	vmov v8;
	s23 =	sshra.s32 s9, $0x2;
	v14 =	vmax.f32 v14, v18;
	v15 =	vmax.f32 v15, v17  }
0x216: {  	v8 =	vmovc v10;
	v10 =	vmov v11;
	v11 =	vld [tilespmem:s18+$0x1B0];
	v12 =	vmax.f32 v12, v59;
	v14 =	vmax.f32 v15, v14;
	[tilespmem:s23+$0x191D0] =	vst v15  }
0x217: {  	v12 =	vmax.f32 v14, v12;
	[tilespmem:s23+$0x1AA70] =	vst v14  }
0x218: {  	[tilespmem:s23+$0x1C2D0] =	vst v12  }
0x219: {  	v12 =	vld [tilespmem:s19+$0xFFFFFFA0]  }
0x21a: {  	v60 =	vld [tilespmem:s19+$0xFFFFFFC0]  }
0x21b: {  	v14 =	vld [tilespmem:s19+$0xFFFFFFE0]  }
0x21c: {  	v15 =	vld [tilespmem:s19+$0x0]  }
0x21d: {  	v61 =	vld [tilespmem:s18+$0xFFFFFFD0]  }
0x21e: {  	v62 =	vld [tilespmem:s18+$0xFFFFFFF0]  }
0x21f: {  	v63 =	vld [tilespmem:s18+$0x10];
	_ =	sdelay $0x1  }
0x220: {  	v13 =	vmul.f32 v60, v2  }
0x221: {  	v14 =	vmul.f32 v14, v3;
	v15 =	vmul.f32 v15, v6  }
0x222: {  	p0 =	sne.s32 s9, $0x6080;
	v16 =	vmul.f32 v61, v8;
	v17 =	vmul.f32 v62, v10  }
.Ltmp4:
0x223: {  	v12 =	vmul.f32 v12, v19;
	v18 =	vmul.f32 v63, v11;
	v14 =	vmax.f32 v14, v15;
	(pc) =	sbr.rel @p0 .LBB2_10-.Ltmp4, $4  }
0x224: {  	v13 =	vmax.f32 v13, v17;
	v14 =	vmax.f32 v14, v16  }
0x225: {  	v12 =	vmax.f32 v12, v18;
	v13 =	vmax.f32 v14, v13;
	[tilespmem:s23+$0x191E0] =	vst v14  }
0x226: {  	v12 =	vmax.f32 v13, v12;
	[tilespmem:s23+$0x1AA80] =	vst v13  }
0x227: {  	s9 =	sadd.s32 $0x80, s9;
	s18 =	sadd.s32 $0x80, s18;
	s19 =	sadd.s32 $0x80, s19;
	[tilespmem:s23+$0x1C2E0] =	vst v12  }
0x228: {  	v0 =	vld [tilespmem:$0x12E70]  }
0x229: {  	v1 =	vld [tilespmem:$0x6670]  }
0x22a: {  	v2 =	vld [tilespmem:$0x12DF0]  }
0x22b: {  	v3 =	vld [tilespmem:$0x6650]  }
0x22c: {  	v4 =	vld [tilespmem:$0x12EF0]  }
0x22d: {  	v5 =	vld [tilespmem:$0x12E10]  }
0x22e: {  	v6 =	vld [tilespmem:$0x12E80]  }
0x22f: {  	v7 =	vld [tilespmem:$0x6680]  }
0x230: {  	v8 =	vld [tilespmem:$0x12E00]  }
0x231: {  	v9 =	vld [tilespmem:$0x6660]  }
0x232: {  	v10 =	vld [tilespmem:$0x12F00]  }
0x233: {  	v11 =	vld [tilespmem:$0x12E20]  }
0x234: {  	v12 =	vld [tilespmem:$0x12EF0]  }
0x235: {  	v13 =	vld [tilespmem:$0x66F0]  }
0x236: {  	v14 =	vld [tilespmem:$0x12E70]  }
0x237: {  	v15 =	vld [tilespmem:$0x66D0]  }
0x238: {  	v16 =	vld [tilespmem:$0x12F70]  }
0x239: {  	v17 =	vld [tilespmem:$0x12E90]  }
0x23a: {  	v18 =	vld [tilespmem:$0x12DF0]  }
0x23b: {  	v19 =	vld [tilespmem:$0x66B0]  }
0x23c: {  	v20 =	vld [tilespmem:$0x12FF0]  }
0x23d: {  	v21 =	vld [tilespmem:$0x12EB0]  }
0x23e: {  	v22 =	vld [tilespmem:$0x12F00]  }
0x23f: {  	v23 =	vld [tilespmem:$0x6700]  }
0x240: {  	v24 =	vld [tilespmem:$0x12E80]  }
0x241: {  	v25 =	vld [tilespmem:$0x66E0]  }
0x242: {  	v26 =	vld [tilespmem:$0x12F80]  }
0x243: {  	v27 =	vld [tilespmem:$0x12EA0]  }
0x244: {  	v28 =	vld [tilespmem:$0x12E00]  }
0x245: {  	v29 =	vld [tilespmem:$0x66C0]  }
0x246: {  	v30 =	vld [tilespmem:$0x13000]  }
0x247: {  	v31 =	vld [tilespmem:$0x12EC0]  }
0x248: {  	v32 =	vld [tilespmem:$0x19070]  }
0x249: {  	v33 =	vld [tilespmem:$0xC870]  }
0x24a: {  	v34 =	vld [tilespmem:$0x18FF0]  }
0x24b: {  	v35 =	vld [tilespmem:$0xC850]  }
0x24c: {  	v36 =	vld [tilespmem:$0x190F0]  }
0x24d: {  	v37 =	vld [tilespmem:$0x19010]  }
0x24e: {  	v38 =	vld [tilespmem:$0x18F70]  }
0x24f: {  	v39 =	vld [tilespmem:$0xC830]  }
0x250: {  	v40 =	vld [tilespmem:$0x19170]  }
0x251: {  	v41 =	vld [tilespmem:$0x19030]  }
0x252: {  	v42 =	vld [tilespmem:$0x19080]  }
0x253: {  	v43 =	vld [tilespmem:$0xC880]  }
0x254: {  	v44 =	vld [tilespmem:$0x19000]  }
0x255: {  	v45 =	vld [tilespmem:$0xC860]  }
0x256: {  	v46 =	vld [tilespmem:$0x19100]  }
0x257: {  	v47 =	vld [tilespmem:$0x19020]  }
0x258: {  	v48 =	vld [tilespmem:$0x18F80];
	v0 =	vmul.f32 v1, v0;
	v51 =	vmul.f32 v3, v2  }
0x259: {  	v49 =	vld [tilespmem:$0xC840];
	v52 =	vmul.f32 v5, v4;
	v53 =	vmul.f32 v7, v6  }
0x25a: {  	v55 =	vld [tilespmem:$0x190F0];
	v54 =	vmul.f32 v9, v8;
	v56 =	vmul.f32 v11, v10  }
0x25b: {  	v57 =	vld [tilespmem:$0xC8F0];
	v58 =	vmul.f32 v13, v12;
	v59 =	vmul.f32 v15, v14  }
0x25c: {  	v60 =	vld [tilespmem:$0x19070];
	v61 =	vmul.f32 v17, v16;
	v62 =	vmul.f32 v19, v18  }
0x25d: {  	v63 =	vld [tilespmem:$0xC8D0];
	v22 =	vmul.f32 v23, v22;
	v23 =	vmul.f32 v25, v24  }
0x25e: {  	v50 =	vld [tilespmem:$0x190A0];
	v25 =	vmul.f32 v21, v20;
	v26 =	vmul.f32 v27, v26  }
0x25f: {  	v2 =	vld [tilespmem:$0x19180];
	v28 =	vmul.f32 v29, v28;
	v29 =	vmul.f32 v31, v30  }
0x260: {  	v4 =	vld [tilespmem:$0x19040];
	v31 =	vmul.f32 v33, v32;
	v35 =	vmul.f32 v35, v34  }
0x261: {  	v24 =	vld [tilespmem:$0x19170];
	v36 =	vmul.f32 v37, v36;
	v38 =	vmul.f32 v39, v38  }
0x262: {  	v27 =	vld [tilespmem:$0x19090];
	v39 =	vmul.f32 v41, v40;
	v43 =	vmul.f32 v43, v42;
	v0 =	vmax.f32 v51, v0  }
0x263: {  	v30 =	vld [tilespmem:$0x19100];
	v44 =	vmul.f32 v45, v44;
	v1 =	vmax.f32 v54, v53;
	v0 =	vmax.f32 v0, v52  }
0x264: {  	v32 =	vld [tilespmem:$0xC900];
	v55 =	vmul.f32 v57, v55;
	v5 =	vmax.f32 v59, v58;
	v1 =	vmax.f32 v1, v56;
	[tilespmem:$0x19190] =	vst v0  }
0x265: {  	v37 =	vld [tilespmem:$0x19080];
	v57 =	vmul.f32 v63, v60;
	v8 =	vmax.f32 v23, v22;
	v3 =	vmax.f32 v5, v61;
	[tilespmem:$0x191A0] =	vst v1  }
0x266: {  	v40 =	vld [tilespmem:$0xC8E0];
	v33 =	vmax.f32 v28, v29;
	v5 =	vmax.f32 v62, v25;
	v8 =	vmax.f32 v8, v26;
	[tilespmem:$0x191B0] =	vst v3  }
0x267: {  	v45 =	vld [tilespmem:$0x19180];
	v41 =	vmax.f32 v35, v31;
	v51 =	vmax.f32 v44, v43;
	v5 =	vmax.f32 v3, v5;
	[tilespmem:$0x191C0] =	vst v8  }
0x268: {  	v53 =	vmul.f32 v49, v48;
	v52 =	vmul.f32 v47, v46;
	v0 =	vmax.f32 v8, v33;
	[tilespmem:$0x1AA50] =	vst v5  }
0x269: {  	v3 =	vmax.f32 v41, v36;
	v1 =	vmax.f32 v38, v39;
	[tilespmem:$0x1AA60] =	vst v0;
	v54 =	vmul.f32 v4, v2  }
0x26a: {  	v1 =	vmax.f32 v3, v1;
	[tilespmem:$0x1AA10] =	vst v3;
	v56 =	vmax.f32 v51, v52;
	v58 =	vmul.f32 v27, v24  }
0x26b: {  	v59 =	vmul.f32 v32, v30;
	v60 =	vmul.f32 v40, v37;
	v2 =	vmax.f32 v57, v55;
	[tilespmem:$0x1C2B0] =	vst v1  }
0x26c: {  	v61 =	vmul.f32 v50, v45;
	[tilespmem:$0x1AA20] =	vst v56;
	v0 =	vmax.f32 v53, v54;
	v62 =	vmax.f32 v2, v58  }
0x26d: {  	v1 =	vmax.f32 v60, v59;
	v0 =	vmax.f32 v56, v0;
	[tilespmem:$0x1AA30] =	vst v62  }
0x26e: {  	v63 =	vmax.f32 v1, v61;
	[tilespmem:$0x1C2C0] =	vst v0  }
0x26f: {  	s9 =	rddreg [dreg:$0xa];
	[tilespmem:$0x1AA40] =	vst v63  }
0x270: {  	[hbm4b:s9+s5] =	stream.linear.scatter [tilespmem:s12], [sflag:$0x2], $0x18C0, $0x38;
	[tilespmem:$0x1DB10] =	vst v63  }
0x271: {  	s26 =	rddreg [dreg:$0xb]  }
0x272: {  	[hbm4b:s26+s5] =	stream.linear.scatter [tilespmem:s13], [sflag:$0x2], $0x1880, $0x38;
	[tilespmem:$0x1DB10] =	vst v63  }
0x273: {  	s28 =	rddreg [dreg:$0xc]  }
0x274: {  	[hbm4b:s28+s5] =	stream.linear.scatter [tilespmem:s16], [sflag:$0x2], $0x1840, $0x38;
	[tilespmem:$0x1DB10] =	vst v63  }
0x275: {  	_ =	swait.ge [sflag:s17], $0x18C0  }
0x276: {  	[sflag:s17] =	ssyncset.done $0x0  }
0x277: {  	[sflag:s17] =	ssyncadd.s32 $0xFFFFE740  }
0x278: {  	_ =	swait.ge [sflag:s17], $0x1880  }
0x279: {  	[sflag:s17] =	ssyncset.done $0x0  }
0x27a: {  	[sflag:s17] =	ssyncadd.s32 $0xFFFFE780  }
0x27b: {  	_ =	swait.ge [sflag:s17], $0x1840  }
0x27c: {  	s18 =	rddreg [dreg:$0xe]  }
0x27d: {  	s31 =	rddreg [dreg:$0xd];
	s18 =	sadd.s32 $0x1, s18  }
0x27e: {  	p0 =	sne.s32 s18, s31  }
.Ltmp5:
0x27f: {  	_ = 	snop;
	(pc) =	sbr.rel @p0 .LBB2_1-.Ltmp5, $3  }
0x280: {  	_ =	sdelay $0x1  }
0x281: {  	[sflag:s17] =	ssyncset.done $0x0  }
0x282: {  	[sflag:s17] =	ssyncadd.s32 $0xFFFFE7C0  }
0x283: {  	_ =	sfence.sel $0x180000  }
0x284: {  	[bflag:$0x0] =	sbarrier.arrive $0xFFFF  }
0x285: {  	_ =	strace $0x90000047  }
0x286: {  	s0 =	stileid.u32;
	[bflag:$0x2] =	sbarrier.arrive $0xFFFF  }
0x287: {  	p0 =	sne.s32 s0, $0x0;
	s0 =	rddreg [dreg:$0x4]  }
0x288: {  	s0 =	sadd.s32 @!p0 $0x100000, s0  }
0x289: {  	[sflag:s0] =	ssyncadd.tile.s32 @!p0 $0x1;
	_ =	shalt  }
.Lfunc_end2:
_tile_overlayer_lowered:
.L_overlay_start_2:
0x28a: {  	(tag) =	ssettag $0x2  }
0x28b: {  	s0 =	rddreg [dreg:$0x0];
	s2 =	stileid.u32  }
0x28c: {  	s1 =	rddreg [dreg:$0x1];
	p0 =	sne.s32 s2, $0x0  }
0x28d: {  	s3 =	rddreg [dreg:$0x2];
	[bflag:$0x3] =	sbarrier.arrive $0xFFFF;
	s2 =	simm.s32 @!p0 $0x1C03  }
0x28e: {  	[timem:s3], [sflag:s2] =	dma.local @!p0 [hbm:s0], s1  }
0x28f: {  	s0 =	simm.s32 @!p0 $0x3  }
0x290: {  	_ =	swait.ge @!p0 [sflag:s0], s1  }
0x291: {  	s1 =	ssub.s32 @!p0 $0x0, s1;
	[sflag:s0] =	ssyncset.done @!p0 $0x0  }
0x292: {  	[sflag:s0] =	ssyncadd.s32 @!p0 s1  }
0x293: {  	[bflag:$0x3] =	sbarrier.arrive $0xFFFF  }
0x294: {  	_ =	shalt  }

</sc_bundles>
